<compile_context>
chip_gen: v7x
topology: tpu7x:2x2x1
jax: 0.10.2.dev20260603
libtpu: 0.0.44.dev20260713+nightly
codegen_flags: <defaults>
</compile_context>

<pallas_src>
import functools

import jax
import jax.numpy as jnp
from jax import lax
from jax.experimental import pallas as pl
from jax.experimental.pallas import tpu as pltpu
from jax.experimental.pallas import tpu_sc as plsc

_PATCH = 200
_STRIDE = 150
_MAXP = 1000
_T = 150050
_NC, _NS = 2, 16
_NW = _NC * _NS
_K = 40
_NCHUNK = _MAXP // _K
_INLEN = _K * _STRIDE + 56
_OUTLEN = _K * _PATCH
_VOFF = tuple(16 * j for j in range(12)) + (184,)


def _sc_body(x_hbm, out_hbm, in_v, out_v, sem):
    w = lax.axis_index("s") * _NC + lax.axis_index("c")
    out_base = w * _MAXP * _PATCH

    def chunk(ci, _):
        p0 = ci * _K
        pltpu.sync_copy(x_hbm.at[w, pl.ds(_STRIDE * p0, _INLEN)], in_v)
        for k in range(_K):
            src = _STRIDE * k
            dst = _PATCH * k
            for off in _VOFF:
                out_v[pl.ds(dst + off, 16)] = in_v[pl.ds(src + off, 16)]
        o = pl.multiple_of(out_base + _PATCH * p0, 8)
        pltpu.sync_copy(out_v, out_hbm.at[pl.ds(o, _OUTLEN)])
        return 0

    lax.fori_loop(0, _NCHUNK, chunk, 0)


@jax.jit
def _extract_patches(x2):
    mesh = plsc.VectorSubcoreMesh(core_axis_name="c", subcore_axis_name="s")
    return pl.kernel(
        _sc_body,
        out_type=jax.ShapeDtypeStruct((_NW * _MAXP * _PATCH,), jnp.float32),
        mesh=mesh,
        scratch_types=[
            pltpu.VMEM((_INLEN,), jnp.float32),
            pltpu.VMEM((_OUTLEN,), jnp.float32),
            pltpu.SemaphoreType.DMA,
        ],
        compiler_params=pltpu.CompilerParams(use_tc_tiling_on_sc=False),
    )(x2)


def kernel(x):
    B, C, T = x.shape
    assert (B * C, T) == (_NW, _T)
    x2 = x.reshape(_NW, _T)
    out = _extract_patches(x2)
    patches = out.reshape(B, C, _MAXP, _PATCH)
    masks = jnp.ones((B, C, _MAXP), jnp.float32)
    return (patches, masks)

# --- scband reference (transcript-rebuilt; emitter-appended) ---
"""Pipeline reference for scband-to-patches-3513283248782 (READ-ONLY COPY).

The authoritative reference and input builder live on the scoring server;
editing this copy changes nothing except your own understanding.
"""

import jax, jax.numpy as jnp
import numpy as np

PATCH_SIZE = 200
STRIDE = 150
MAX_PATCHES = 1000


def setup_inputs(seed: int = 0) -> dict:
    key = jax.random.key(seed)
    x = jax.random.normal(key, (4, 8, 150050), dtype=jnp.float32)
    return {"x": x}


def reference(x):
    B, C, T = x.shape
    P = min((T - PATCH_SIZE) // STRIDE + 1, MAX_PATCHES)
    starts = jnp.arange(P) * STRIDE
    idx = starts[:, None] + jnp.arange(PATCH_SIZE)  # [P, patch_size]
    patches = jnp.take(x, idx, axis=2)  # [B, C, P, patch_size]
    if P < MAX_PATCHES:
        patches = jnp.pad(patches, ((0, 0), (0, 0), (0, MAX_PATCHES - P), (0, 0)))
    masks = jnp.concatenate(
        [jnp.ones((B, C, P), dtype=jnp.float32),
         jnp.zeros((B, C, MAX_PATCHES - P), dtype=jnp.float32)], axis=2)
    return (patches, masks)

if __name__ == "__main__":
    import jax
    _d = setup_inputs()
    print(jax.jit(kernel)(*tuple(_d.values())))

</pallas_src>

<mosaic_0001>
#map = affine_map<(d0, d1) -> (0, 0)>
#map1 = affine_map<(d0, d1) -> (0)>
module attributes {stable_mosaic.version = 14 : i64} {
  func.func @_sc_body(%arg0: i32, %arg1: i32, %arg2: memref<32x150050xf32, #tpu.memory_space<hbm>>, %arg3: memref<6400000xf32, #tpu.memory_space<hbm>>, %arg4: memref<6056xf32, #tpu.memory_space<vmem>>, %arg5: memref<8000xf32, #tpu.memory_space<vmem>>, %arg6: memref<!tpu.dma_semaphore, #tpu.memory_space<semaphore_mem>>) attributes {dimension_semantics = [#tpu.dimension_semantics<core_parallel>, #tpu.dimension_semantics<subcore_parallel>], iteration_bounds = array<i64: 2, 16>, scalar_prefetch = 0 : i64, scratch_operands = 3 : i64, tpu.core_type = #tpu.core_type<sc_vector_subcore>, window_params = [{transform_indices = #map}, {transform_indices = #map1}]} {
    %mul3A = arith.constant 2 : i32
    %mul3A_0 = arith.muli %arg1, %mul3A : i32
    %add3A = arith.addi %mul3A_0, %arg0 : i32
    %mul3A_1 = arith.constant 1000 : i32
    %mul3A_2 = arith.muli %add3A, %mul3A_1 : i32
    %mul3A_3 = arith.constant 200 : i32
    %mul3A_4 = arith.muli %mul3A_2, %mul3A_3 : i32
    %scan3A = arith.constant 0 : i32
    %scan3A_5 = arith.constant 0 : i32
    %scan3A_6 = arith.constant 25 : i32
    %scan3A_7 = arith.addi %scan3A_5, %scan3A_6 : i32
    %scan3A_8 = arith.constant 1 : i32
    %scan3A_9 = scf.for %scan3A_11 = %scan3A_5 to %scan3A_7 step %scan3A_8 iter_args(%scan3A_12 = %scan3A) -> (i32)  : i32 {
      %mul3A_13 = arith.constant 40 : i32
      %mul3A_14 = arith.muli %scan3A_11, %mul3A_13 : i32
      %mul3A_15 = arith.constant 150 : i32
      %mul3A_16 = arith.muli %mul3A_15, %mul3A_14 : i32
      "tpu.region"() ({
        %run_scoped3A = tpu.sem_alloc : memref<!tpu.dma_semaphore, #tpu.memory_space<semaphore_mem>>
        %dma_start3A = tpu.memref_slice %arg2[%add3A, %mul3A_16] : memref<32x150050xf32, #tpu.memory_space<hbm>> -> memref<1x6056xf32, #tpu.memory_space<hbm>>
        %dma_start3A_3659 = tpu.memref_squeeze %dma_start3A : memref<1x6056xf32, #tpu.memory_space<hbm>> -> memref<6056xf32, #tpu.memory_space<hbm>>
        %dma_start3A_3660 = tpu.memref_slice %arg2[%add3A, %mul3A_16] : memref<32x150050xf32, #tpu.memory_space<hbm>> -> memref<1x6056xf32, #tpu.memory_space<hbm>>
        %dma_start3A_3661 = tpu.memref_squeeze %dma_start3A_3660 : memref<1x6056xf32, #tpu.memory_space<hbm>> -> memref<6056xf32, #tpu.memory_space<hbm>>
        tpu.enqueue_dma source(%dma_start3A_3661 : memref<6056xf32, #tpu.memory_space<hbm>>) target(%arg4 : memref<6056xf32, #tpu.memory_space<vmem>>) target_semaphore(%run_scoped3A : memref<!tpu.dma_semaphore, #tpu.memory_space<semaphore_mem>>)
        %dma_wait3A = tpu.memref_slice %arg2[%add3A, %mul3A_16] : memref<32x150050xf32, #tpu.memory_space<hbm>> -> memref<1x6056xf32, #tpu.memory_space<hbm>>
        %dma_wait3A_3662 = tpu.memref_squeeze %dma_wait3A : memref<1x6056xf32, #tpu.memory_space<hbm>> -> memref<6056xf32, #tpu.memory_space<hbm>>
        %dma_wait3A_3663 = tpu.memref_slice %arg2[%add3A, %mul3A_16] : memref<32x150050xf32, #tpu.memory_space<hbm>> -> memref<1x6056xf32, #tpu.memory_space<hbm>>
        %dma_wait3A_3664 = tpu.memref_squeeze %dma_wait3A_3663 : memref<1x6056xf32, #tpu.memory_space<hbm>> -> memref<6056xf32, #tpu.memory_space<hbm>>
        tpu.wait_dma2 semaphore(%run_scoped3A : memref<!tpu.dma_semaphore, #tpu.memory_space<semaphore_mem>>) src(%dma_wait3A_3664 : memref<6056xf32, #tpu.memory_space<hbm>>) dst(%arg4 : memref<6056xf32, #tpu.memory_space<vmem>>)
        tpu.yield
      }) : () -> ()
      %get3A = arith.constant 0 : index
      %get3A_17 = tpu.vector_load %arg4[%get3A] {strides = array<i32>} : memref<6056xf32, #tpu.memory_space<vmem>>, vector<16xf32>,
      %get3A_18 = vector.shape_cast %get3A_17 : vector<16xf32> to vector<16xf32>
      %swap3A = arith.constant 0 : index
      %swap3A_19 = tpu.vector_load %arg5[%swap3A] {strides = array<i32>} : memref<8000xf32, #tpu.memory_space<vmem>>, vector<16xf32>,
      %swap3A_20 = vector.shape_cast %swap3A_19 : vector<16xf32> to vector<16xf32>
      %swap3A_21 = vector.shape_cast %get3A_18 : vector<16xf32> to vector<16xf32>
      tpu.vector_store %arg5[%swap3A], %swap3A_21 {strides = array<i32>} : memref<8000xf32, #tpu.memory_space<vmem>>, vector<16xf32>,
      %get3A_22 = arith.constant 16 : index
      %get3A_23 = tpu.vector_load %arg4[%get3A_22] {strides = array<i32>} : memref<6056xf32, #tpu.memory_space<vmem>>, vector<16xf32>,
      %get3A_24 = vector.shape_cast %get3A_23 : vector<16xf32> to vector<16xf32>
      %swap3A_25 = arith.constant 16 : index
      %swap3A_26 = tpu.vector_load %arg5[%swap3A_25] {strides = array<i32>} : memref<8000xf32, #tpu.memory_space<vmem>>, vector<16xf32>,
      %swap3A_27 = vector.shape_cast %swap3A_26 : vector<16xf32> to vector<16xf32>
      %swap3A_28 = vector.shape_cast %get3A_24 : vector<16xf32> to vector<16xf32>
      tpu.vector_store %arg5[%swap3A_25], %swap3A_28 {strides = array<i32>} : memref<8000xf32, #tpu.memory_space<vmem>>, vector<16xf32>,
      %get3A_29 = arith.constant 32 : index
      %get3A_30 = tpu.vector_load %arg4[%get3A_29] {strides = array<i32>} : memref<6056xf32, #tpu.memory_space<vmem>>, vector<16xf32>,
      %get3A_31 = vector.shape_cast %get3A_30 : vector<16xf32> to vector<16xf32>
      %swap3A_32 = arith.constant 32 : index
      %swap3A_33 = tpu.vector_load %arg5[%swap3A_32] {strides = array<i32>} : memref<8000xf32, #tpu.memory_space<vmem>>, vector<16xf32>,
      %swap3A_34 = vector.shape_cast %swap3A_33 : vector<16xf32> to vector<16xf32>
      %swap3A_35 = vector.shape_cast %get3A_31 : vector<16xf32> to vector<16xf32>
      tpu.vector_store %arg5[%swap3A_32], %swap3A_35 {strides = array<i32>} : memref<8000xf32, #tpu.memory_space<vmem>>, vector<16xf32>,
      %get3A_36 = arith.constant 48 : index
      %get3A_37 = tpu.vector_load %arg4[%get3A_36] {strides = array<i32>} : memref<6056xf32, #tpu.memory_space<vmem>>, vector<16xf32>,
      %get3A_38 = vector.shape_cast %get3A_37 : vector<16xf32> to vector<16xf32>
      %swap3A_39 = arith.constant 48 : index
      %swap3A_40 = tpu.vector_load %arg5[%swap3A_39] {strides = array<i32>} : memref<8000xf32, #tpu.memory_space<vmem>>, vector<16xf32>,
      %swap3A_41 = vector.shape_cast %swap3A_40 : vector<16xf32> to vector<16xf32>
      %swap3A_42 = vector.shape_cast %get3A_38 : vector<16xf32> to vector<16xf32>
      tpu.vector_store %arg5[%swap3A_39], %swap3A_42 {strides = array<i32>} : memref<8000xf32, #tpu.memory_space<vmem>>, vector<16xf32>,
      %get3A_43 = arith.constant 64 : index
      %get3A_44 = tpu.vector_load %arg4[%get3A_43] {strides = array<i32>} : memref<6056xf32, #tpu.memory_space<vmem>>, vector<16xf32>,
      %get3A_45 = vector.shape_cast %get3A_44 : vector<16xf32> to vector<16xf32>
      %swap3A_46 = arith.constant 64 : index
      %swap3A_47 = tpu.vector_load %arg5[%swap3A_46] {strides = array<i32>} : memref<8000xf32, #tpu.memory_space<vmem>>, vector<16xf32>,
      %swap3A_48 = vector.shape_cast %swap3A_47 : vector<16xf32> to vector<16xf32>
      %swap3A_49 = vector.shape_cast %get3A_45 : vector<16xf32> to vector<16xf32>
      tpu.vector_store %arg5[%swap3A_46], %swap3A_49 {strides = array<i32>} : memref<8000xf32, #tpu.memory_space<vmem>>, vector<16xf32>,
      %get3A_50 = arith.constant 80 : index
      %get3A_51 = tpu.vector_load %arg4[%get3A_50] {strides = array<i32>} : memref<6056xf32, #tpu.memory_space<vmem>>, vector<16xf32>,
      %get3A_52 = vector.shape_cast %get3A_51 : vector<16xf32> to vector<16xf32>
      %swap3A_53 = arith.constant 80 : index
      %swap3A_54 = tpu.vector_load %arg5[%swap3A_53] {strides = array<i32>} : memref<8000xf32, #tpu.memory_space<vmem>>, vector<16xf32>,
      %swap3A_55 = vector.shape_cast %swap3A_54 : vector<16xf32> to vector<16xf32>
      %swap3A_56 = vector.shape_cast %get3A_52 : vector<16xf32> to vector<16xf32>
      tpu.vector_store %arg5[%swap3A_53], %swap3A_56 {strides = array<i32>} : memref<8000xf32, #tpu.memory_space<vmem>>, vector<16xf32>,
      %get3A_57 = arith.constant 96 : index
      %get3A_58 = tpu.vector_load %arg4[%get3A_57] {strides = array<i32>} : memref<6056xf32, #tpu.memory_space<vmem>>, vector<16xf32>,
      %get3A_59 = vector.shape_cast %get3A_58 : vector<16xf32> to vector<16xf32>
      %swap3A_60 = arith.constant 96 : index
      %swap3A_61 = tpu.vector_load %arg5[%swap3A_60] {strides = array<i32>} : memref<8000xf32, #tpu.memory_space<vmem>>, vector<16xf32>,
      %swap3A_62 = vector.shape_cast %swap3A_61 : vector<16xf32> to vector<16xf32>
      %swap3A_63 = vector.shape_cast %get3A_59 : vector<16xf32> to vector<16xf32>
      tpu.vector_store %arg5[%swap3A_60], %swap3A_63 {strides = array<i32>} : memref<8000xf32, #tpu.memory_space<vmem>>, vector<16xf32>,
      %get3A_64 = arith.constant 112 : index
      %get3A_65 = tpu.vector_load %arg4[%get3A_64] {strides = array<i32>} : memref<6056xf32, #tpu.memory_space<vmem>>, vector<16xf32>,
      %get3A_66 = vector.shape_cast %get3A_65 : vector<16xf32> to vector<16xf32>
      %swap3A_67 = arith.constant 112 : index
      %swap3A_68 = tpu.vector_load %arg5[%swap3A_67] {strides = array<i32>} : memref<8000xf32, #tpu.memory_space<vmem>>, vector<16xf32>,
      %swap3A_69 = vector.shape_cast %swap3A_68 : vector<16xf32> to vector<16xf32>
      %swap3A_70 = vector.shape_cast %get3A_66 : vector<16xf32> to vector<16xf32>
      tpu.vector_store %arg5[%swap3A_67], %swap3A_70 {strides = array<i32>} : memref<8000xf32, #tpu.memory_space<vmem>>, vector<16xf32>,
      %get3A_71 = arith.constant 128 : index
      %get3A_72 = tpu.vector_load %arg4[%get3A_71] {strides = array<i32>} : memref<6056xf32, #tpu.memory_space<vmem>>, vector<16xf32>,
      %get3A_73 = vector.shape_cast %get3A_72 : vector<16xf32> to vector<16xf32>
      %swap3A_74 = arith.constant 128 : index
      %swap3A_75 = tpu.vector_load %arg5[%swap3A_74] {strides = array<i32>} : memref<8000xf32, #tpu.memory_space<vmem>>, vector<16xf32>,
      %swap3A_76 = vector.shape_cast %swap3A_75 : vector<16xf32> to vector<16xf32>
      %swap3A_77 = vector.shape_cast %get3A_73 : vector<16xf32> to vector<16xf32>
      tpu.vector_store %arg5[%swap3A_74], %swap3A_77 {strides = array<i32>} : memref<8000xf32, #tpu.memory_space<vmem>>, vector<16xf32>,
      %get3A_78 = arith.constant 144 : index
      %get3A_79 = tpu.vector_load %arg4[%get3A_78] {strides = array<i32>} : memref<6056xf32, #tpu.memory_space<vmem>>, vector<16xf32>,
      %get3A_80 = vector.shape_cast %get3A_79 : vector<16xf32> to vector<16xf32>
      %swap3A_81 = arith.constant 144 : index
      %swap3A_82 = tpu.vector_load %arg5[%swap3A_81] {strides = array<i32>} : memref<8000xf32, #tpu.memory_space<vmem>>, vector<16xf32>,
      %swap3A_83 = vector.shape_cast %swap3A_82 : vector<16xf32> to vector<16xf32>
      %swap3A_84 = vector.shape_cast %get3A_80 : vector<16xf32> to vector<16xf32>
      tpu.vector_store %arg5[%swap3A_81], %swap3A_84 {strides = array<i32>} : memref<8000xf32, #tpu.memory_space<vmem>>, vector<16xf32>,
      %get3A_85 = arith.constant 160 : index
      %get3A_86 = tpu.vector_load %arg4[%get3A_85] {strides = array<i32>} : memref<6056xf32, #tpu.memory_space<vmem>>, vector<16xf32>,
      %get3A_87 = vector.shape_cast %get3A_86 : vector<16xf32> to vector<16xf32>
      %swap3A_88 = arith.constant 160 : index
      %swap3A_89 = tpu.vector_load %arg5[%swap3A_88] {strides = array<i32>} : memref<8000xf32, #tpu.memory_space<vmem>>, vector<16xf32>,
      %swap3A_90 = vector.shape_cast %swap3A_89 : vector<16xf32> to vector<16xf32>
      %swap3A_91 = vector.shape_cast %get3A_87 : vector<16xf32> to vector<16xf32>
      tpu.vector_store %arg5[%swap3A_88], %swap3A_91 {strides = array<i32>} : memref<8000xf32, #tpu.memory_space<vmem>>, vector<16xf32>,
      %get3A_92 = arith.constant 176 : index
      %get3A_93 = tpu.vector_load %arg4[%get3A_92] {strides = array<i32>} : memref<6056xf32, #tpu.memory_space<vmem>>, vector<16xf32>,
      %get3A_94 = vector.shape_cast %get3A_93 : vector<16xf32> to vector<16xf32>
      %swap3A_95 = arith.constant 176 : index
      %swap3A_96 = tpu.vector_load %arg5[%swap3A_95] {strides = array<i32>} : memref<8000xf32, #tpu.memory_space<vmem>>, vector<16xf32>,
      %swap3A_97 = vector.shape_cast %swap3A_96 : vector<16xf32> to vector<16xf32>
      %swap3A_98 = vector.shape_cast %get3A_94 : vector<16xf32> to vector<16xf32>
      tpu.vector_store %arg5[%swap3A_95], %swap3A_98 {strides = array<i32>} : memref<8000xf32, #tpu.memory_space<vmem>>, vector<16xf32>,
      %get3A_99 = arith.constant 184 : index
      %get3A_100 = tpu.vector_load %arg4[%get3A_99] {strides = array<i32>} : memref<6056xf32, #tpu.memory_space<vmem>>, vector<16xf32>,
      %get3A_101 = vector.shape_cast %get3A_100 : vector<16xf32> to vector<16xf32>
      %swap3A_102 = arith.constant 184 : index
      %swap3A_103 = tpu.vector_load %arg5[%swap3A_102] {strides = array<i32>} : memref<8000xf32, #tpu.memory_space<vmem>>, vector<16xf32>,
      %swap3A_104 = vector.shape_cast %swap3A_103 : vector<16xf32> to vector<16xf32>
      %swap3A_105 = vector.shape_cast %get3A_101 : vector<16xf32> to vector<16xf32>
      tpu.vector_store %arg5[%swap3A_102], %swap3A_105 {strides = array<i32>} : memref<8000xf32, #tpu.memory_space<vmem>>, vector<16xf32>,
      %get3A_106 = arith.constant 150 : index
      %get3A_107 = tpu.vector_load %arg4[%get3A_106] {strides = array<i32>} : memref<6056xf32, #tpu.memory_space<vmem>>, vector<16xf32>,
      %get3A_108 = vector.shape_cast %get3A_107 : vector<16xf32> to vector<16xf32>
      %swap3A_109 = arith.constant 200 : index
      %swap3A_110 = tpu.vector_load %arg5[%swap3A_109] {strides = array<i32>} : memref<8000xf32, #tpu.memory_space<vmem>>, vector<16xf32>,
      %swap3A_111 = vector.shape_cast %swap3A_110 : vector<16xf32> to vector<16xf32>
      %swap3A_112 = vector.shape_cast %get3A_108 : vector<16xf32> to vector<16xf32>
      tpu.vector_store %arg5[%swap3A_109], %swap3A_112 {strides = array<i32>} : memref<8000xf32, #tpu.memory_space<vmem>>, vector<16xf32>,
      %get3A_113 = arith.constant 166 : index
      %get3A_114 = tpu.vector_load %arg4[%get3A_113] {strides = array<i32>} : memref<6056xf32, #tpu.memory_space<vmem>>, vector<16xf32>,
      %get3A_115 = vector.shape_cast %get3A_114 : vector<16xf32> to vector<16xf32>
      %swap3A_116 = arith.constant 216 : index
      %swap3A_117 = tpu.vector_load %arg5[%swap3A_116] {strides = array<i32>} : memref<8000xf32, #tpu.memory_space<vmem>>, vector<16xf32>,
      %swap3A_118 = vector.shape_cast %swap3A_117 : vector<16xf32> to vector<16xf32>
      %swap3A_119 = vector.shape_cast %get3A_115 : vector<16xf32> to vector<16xf32>
      tpu.vector_store %arg5[%swap3A_116], %swap3A_119 {strides = array<i32>} : memref<8000xf32, #tpu.memory_space<vmem>>, vector<16xf32>,
      %get3A_120 = arith.constant 182 : index
      %get3A_121 = tpu.vector_load %arg4[%get3A_120] {strides = array<i32>} : memref<6056xf32, #tpu.memory_space<vmem>>, vector<16xf32>,
      %get3A_122 = vector.shape_cast %get3A_121 : vector<16xf32> to vector<16xf32>
      %swap3A_123 = arith.constant 232 : index
      %swap3A_124 = tpu.vector_load %arg5[%swap3A_123] {strides = array<i32>} : memref<8000xf32, #tpu.memory_space<vmem>>, vector<16xf32>,
      %swap3A_125 = vector.shape_cast %swap3A_124 : vector<16xf32> to vector<16xf32>
      %swap3A_126 = vector.shape_cast %get3A_122 : vector<16xf32> to vector<16xf32>
      tpu.vector_store %arg5[%swap3A_123], %swap3A_126 {strides = array<i32>} : memref<8000xf32, #tpu.memory_space<vmem>>, vector<16xf32>,
      %get3A_127 = arith.constant 198 : index
      %get3A_128 = tpu.vector_load %arg4[%get3A_127] {strides = array<i32>} : memref<6056xf32, #tpu.memory_space<vmem>>, vector<16xf32>,
      %get3A_129 = vector.shape_cast %get3A_128 : vector<16xf32> to vector<16xf32>
      %swap3A_130 = arith.constant 248 : index
      %swap3A_131 = tpu.vector_load %arg5[%swap3A_130] {strides = array<i32>} : memref<8000xf32, #tpu.memory_space<vmem>>, vector<16xf32>,
      %swap3A_132 = vector.shape_cast %swap3A_131 : vector<16xf32> to vector<16xf32>
      %swap3A_133 = vector.shape_cast %get3A_129 : vector<16xf32> to vector<16xf32>
      tpu.vector_store %arg5[%swap3A_130], %swap3A_133 {strides = array<i32>} : memref<8000xf32, #tpu.memory_space<vmem>>, vector<16xf32>,
      %get3A_134 = arith.constant 214 : index
      %get3A_135 = tpu.vector_load %arg4[%get3A_134] {strides = array<i32>} : memref<6056xf32, #tpu.memory_space<vmem>>, vector<16xf32>,
      %get3A_136 = vector.shape_cast %get3A_135 : vector<16xf32> to vector<16xf32>
      %swap3A_137 = arith.constant 264 : index
      %swap3A_138 = tpu.vector_load %arg5[%swap3A_137] {strides = array<i32>} : memref<8000xf32, #tpu.memory_space<vmem>>, vector<16xf32>,
      %swap3A_139 = vector.shape_cast %swap3A_138 : vector<16xf32> to vector<16xf32>
      %swap3A_140 = vector.shape_cast %get3A_136 : vector<16xf32> to vector<16xf32>
      tpu.vector_store %arg5[%swap3A_137], %swap3A_140 {strides = array<i32>} : memref<8000xf32, #tpu.memory_space<vmem>>, vector<16xf32>,
      %get3A_141 = arith.constant 230 : index
      %get3A_142 = tpu.vector_load %arg4[%get3A_141] {strides = array<i32>} : memref<6056xf32, #tpu.memory_space<vmem>>, vector<16xf32>,
      %get3A_143 = vector.shape_cast %get3A_142 : vector<16xf32> to vector<16xf32>
      %swap3A_144 = arith.constant 280 : index
      %swap3A_145 = tpu.vector_load %arg5[%swap3A_144] {strides = array<i32>} : memref<8000xf32, #tpu.memory_space<vmem>>, vector<16xf32>,
      %swap3A_146 = vector.shape_cast %swap3A_145 : vector<16xf32> to vector<16xf32>
      %swap3A_147 = vector.shape_cast %get3A_143 : vector<16xf32> to vector<16xf32>
      tpu.vector_store %arg5[%swap3A_144], %swap3A_147 {strides = array<i32>} : memref<8000xf32, #tpu.memory_space<vmem>>, vector<16xf32>,
      %get3A_148 = arith.constant 246 : index
      %get3A_149 = tpu.vector_load %arg4[%get3A_148] {strides = array<i32>} : memref<6056xf32, #tpu.memory_space<vmem>>, vector<16xf32>,
      %get3A_150 = vector.shape_cast %get3A_149 : vector<16xf32> to vector<16xf32>
      %swap3A_151 = arith.constant 296 : index
      %swap3A_152 = tpu.vector_load %arg5[%swap3A_151] {strides = array<i32>} : memref<8000xf32, #tpu.memory_space<vmem>>, vector<16xf32>,
      %swap3A_153 = vector.shape_cast %swap3A_152 : vector<16xf32> to vector<16xf32>
      %swap3A_154 = vector.shape_cast %get3A_150 : vector<16xf32> to vector<16xf32>
      tpu.vector_store %arg5[%swap3A_151], %swap3A_154 {strides = array<i32>} : memref<8000xf32, #tpu.memory_space<vmem>>, vector<16xf32>,
      %get3A_155 = arith.constant 262 : index
      %get3A_156 = tpu.vector_load %arg4[%get3A_155] {strides = array<i32>} : memref<6056xf32, #tpu.memory_space<vmem>>, vector<16xf32>,
      %get3A_157 = vector.shape_cast %get3A_156 : vector<16xf32> to vector<16xf32>
      %swap3A_158 = arith.constant 312 : index
      %swap3A_159 = tpu.vector_load %arg5[%swap3A_158] {strides = array<i32>} : memref<8000xf32, #tpu.memory_space<vmem>>, vector<16xf32>,
      %swap3A_160 = vector.shape_cast %swap3A_159 : vector<16xf32> to vector<16xf32>
      %swap3A_161 = vector.shape_cast %get3A_157 : vector<16xf32> to vector<16xf32>
      tpu.vector_store %arg5[%swap3A_158], %swap3A_161 {strides = array<i32>} : memref<8000xf32, #tpu.memory_space<vmem>>, vector<16xf32>,
      %get3A_162 = arith.constant 278 : index
      %get3A_163 = tpu.vector_load %arg4[%get3A_162] {strides = array<i32>} : memref<6056xf32, #tpu.memory_space<vmem>>, vector<16xf32>,
      %get3A_164 = vector.shape_cast %get3A_163 : vector<16xf32> to vector<16xf32>
      %swap3A_165 = arith.constant 328 : index
      %swap3A_166 = tpu.vector_load %arg5[%swap3A_165] {strides = array<i32>} : memref<8000xf32, #tpu.memory_space<vmem>>, vector<16xf32>,
      %swap3A_167 = vector.shape_cast %swap3A_166 : vector<16xf32> to vector<16xf32>
      %swap3A_168 = vector.shape_cast %get3A_164 : vector<16xf32> to vector<16xf32>
      tpu.vector_store %arg5[%swap3A_165], %swap3A_168 {strides = array<i32>} : memref<8000xf32, #tpu.memory_space<vmem>>, vector<16xf32>,
      %get3A_169 = arith.constant 294 : index
      %get3A_170 = tpu.vector_load %arg4[%get3A_169] {strides = array<i32>} : memref<6056xf32, #tpu.memory_space<vmem>>, vector<16xf32>,
      %get3A_171 = vector.shape_cast %get3A_170 : vector<16xf32> to vector<16xf32>
      %swap3A_172 = arith.constant 344 : index
      %swap3A_173 = tpu.vector_load %arg5[%swap3A_172] {strides = array<i32>} : memref<8000xf32, #tpu.memory_space<vmem>>, vector<16xf32>,
      %swap3A_174 = vector.shape_cast %swap3A_173 : vector<16xf32> to vector<16xf32>
      %swap3A_175 = vector.shape_cast %get3A_171 : vector<16xf32> to vector<16xf32>
      tpu.vector_store %arg5[%swap3A_172], %swap3A_175 {strides = array<i32>} : memref<8000xf32, #tpu.memory_space<vmem>>, vector<16xf32>,
      %get3A_176 = arith.constant 310 : index
      %get3A_177 = tpu.vector_load %arg4[%get3A_176] {strides = array<i32>} : memref<6056xf32, #tpu.memory_space<vmem>>, vector<16xf32>,
      %get3A_178 = vector.shape_cast %get3A_177 : vector<16xf32> to vector<16xf32>
      %swap3A_179 = arith.constant 360 : index
      %swap3A_180 = tpu.vector_load %arg5[%swap3A_179] {strides = array<i32>} : memref<8000xf32, #tpu.memory_space<vmem>>, vector<16xf32>,
      %swap3A_181 = vector.shape_cast %swap3A_180 : vector<16xf32> to vector<16xf32>
      %swap3A_182 = vector.shape_cast %get3A_178 : vector<16xf32> to vector<16xf32>
      tpu.vector_store %arg5[%swap3A_179], %swap3A_182 {strides = array<i32>} : memref<8000xf32, #tpu.memory_space<vmem>>, vector<16xf32>,
      %get3A_183 = arith.constant 326 : index
      %get3A_184 = tpu.vector_load %arg4[%get3A_183] {strides = array<i32>} : memref<6056xf32, #tpu.memory_space<vmem>>, vector<16xf32>,
      %get3A_185 = vector.shape_cast %get3A_184 : vector<16xf32> to vector<16xf32>
      %swap3A_186 = arith.constant 376 : index
      %swap3A_187 = tpu.vector_load %arg5[%swap3A_186] {strides = array<i32>} : memref<8000xf32, #tpu.memory_space<vmem>>, vector<16xf32>,
      %swap3A_188 = vector.shape_cast %swap3A_187 : vector<16xf32> to vector<16xf32>
      %swap3A_189 = vector.shape_cast %get3A_185 : vector<16xf32> to vector<16xf32>
      tpu.vector_store %arg5[%swap3A_186], %swap3A_189 {strides = array<i32>} : memref<8000xf32, #tpu.memory_space<vmem>>, vector<16xf32>,
      %get3A_190 = arith.constant 334 : index
      %get3A_191 = tpu.vector_load %arg4[%get3A_190] {strides = array<i32>} : memref<6056xf32, #tpu.memory_space<vmem>>, vector<16xf32>,
      %get3A_192 = vector.shape_cast %get3A_191 : vector<16xf32> to vector<16xf32>
      %swap3A_193 = arith.constant 384 : index
      %swap3A_194 = tpu.vector_load %arg5[%swap3A_193] {strides = array<i32>} : memref<8000xf32, #tpu.memory_space<vmem>>, vector<16xf32>,
      %swap3A_195 = vector.shape_cast %swap3A_194 : vector<16xf32> to vector<16xf32>
      %swap3A_196 = vector.shape_cast %get3A_192 : vector<16xf32> to vector<16xf32>
      tpu.vector_store %arg5[%swap3A_193], %swap3A_196 {strides = array<i32>} : memref<8000xf32, #tpu.memory_space<vmem>>, vector<16xf32>,
      %get3A_197 = arith.constant 300 : index
      %get3A_198 = tpu.vector_load %arg4[%get3A_197] {strides = array<i32>} : memref<6056xf32, #tpu.memory_space<vmem>>, vector<16xf32>,
      %get3A_199 = vector.shape_cast %get3A_198 : vector<16xf32> to vector<16xf32>
      %swap3A_200 = arith.constant 400 : index
      %swap3A_201 = tpu.vector_load %arg5[%swap3A_200] {strides = array<i32>} : memref<8000xf32, #tpu.memory_space<vmem>>, vector<16xf32>,
      %swap3A_202 = vector.shape_cast %swap3A_201 : vector<16xf32> to vector<16xf32>
      %swap3A_203 = vector.shape_cast %get3A_199 : vector<16xf32> to vector<16xf32>
      tpu.vector_store %arg5[%swap3A_200], %swap3A_203 {strides = array<i32>} : memref<8000xf32, #tpu.memory_space<vmem>>, vector<16xf32>,
      %get3A_204 = arith.constant 316 : index
      %get3A_205 = tpu.vector_load %arg4[%get3A_204] {strides = array<i32>} : memref<6056xf32, #tpu.memory_space<vmem>>, vector<16xf32>,
      %get3A_206 = vector.shape_cast %get3A_205 : vector<16xf32> to vector<16xf32>
      %swap3A_207 = arith.constant 416 : index
      %swap3A_208 = tpu.vector_load %arg5[%swap3A_207] {strides = array<i32>} : memref<8000xf32, #tpu.memory_space<vmem>>, vector<16xf32>,
      %swap3A_209 = vector.shape_cast %swap3A_208 : vector<16xf32> to vector<16xf32>
      %swap3A_210 = vector.shape_cast %get3A_206 : vector<16xf32> to vector<16xf32>
      tpu.vector_store %arg5[%swap3A_207], %swap3A_210 {strides = array<i32>} : memref<8000xf32, #tpu.memory_space<vmem>>, vector<16xf32>,
      %get3A_211 = arith.constant 332 : index
      %get3A_212 = tpu.vector_load %arg4[%get3A_211] {strides = array<i32>} : memref<6056xf32, #tpu.memory_space<vmem>>, vector<16xf32>,
      %get3A_213 = vector.shape_cast %get3A_212 : vector<16xf32> to vector<16xf32>
      %swap3A_214 = arith.constant 432 : index
      %swap3A_215 = tpu.vector_load %arg5[%swap3A_214] {strides = array<i32>} : memref<8000xf32, #tpu.memory_space<vmem>>, vector<16xf32>,
      %swap3A_216 = vector.shape_cast %swap3A_215 : vector<16xf32> to vector<16xf32>
      %swap3A_217 = vector.shape_cast %get3A_213 : vector<16xf32> to vector<16xf32>
      tpu.vector_store %arg5[%swap3A_214], %swap3A_217 {strides = array<i32>} : memref<8000xf32, #tpu.memory_space<vmem>>, vector<16xf32>,
      %get3A_218 = arith.constant 348 : index
      %get3A_219 = tpu.vector_load %arg4[%get3A_218] {strides = array<i32>} : memref<6056xf32, #tpu.memory_space<vmem>>, vector<16xf32>,
      %get3A_220 = vector.shape_cast %get3A_219 : vector<16xf32> to vector<16xf32>
      %swap3A_221 = arith.constant 448 : index
      %swap3A_222 = tpu.vector_load %arg5[%swap3A_221] {strides = array<i32>} : memref<8000xf32, #tpu.memory_space<vmem>>, vector<16xf32>,
      %swap3A_223 = vector.shape_cast %swap3A_222 : vector<16xf32> to vector<16xf32>
      %swap3A_224 = vector.shape_cast %get3A_220 : vector<16xf32> to vector<16xf32>
      tpu.vector_store %arg5[%swap3A_221], %swap3A_224 {strides = array<i32>} : memref<8000xf32, #tpu.memory_space<vmem>>, vector<16xf32>,
      %get3A_225 = arith.constant 364 : index
      %get3A_226 = tpu.vector_load %arg4[%get3A_225] {strides = array<i32>} : memref<6056xf32, #tpu.memory_space<vmem>>, vector<16xf32>,
      %get3A_227 = vector.shape_cast %get3A_226 : vector<16xf32> to vector<16xf32>
      %swap3A_228 = arith.constant 464 : index
      %swap3A_229 = tpu.vector_load %arg5[%swap3A_228] {strides = array<i32>} : memref<8000xf32, #tpu.memory_space<vmem>>, vector<16xf32>,
      %swap3A_230 = vector.shape_cast %swap3A_229 : vector<16xf32> to vector<16xf32>
      %swap3A_231 = vector.shape_cast %get3A_227 : vector<16xf32> to vector<16xf32>
      tpu.vector_store %arg5[%swap3A_228], %swap3A_231 {strides = array<i32>} : memref<8000xf32, #tpu.memory_space<vmem>>, vector<16xf32>,
      %get3A_232 = arith.constant 380 : index
      %get3A_233 = tpu.vector_load %arg4[%get3A_232] {strides = array<i32>} : memref<6056xf32, #tpu.memory_space<vmem>>, vector<16xf32>,
      %get3A_234 = vector.shape_cast %get3A_233 : vector<16xf32> to vector<16xf32>
      %swap3A_235 = arith.constant 480 : index
      %swap3A_236 = tpu.vector_load %arg5[%swap3A_235] {strides = array<i32>} : memref<8000xf32, #tpu.memory_space<vmem>>, vector<16xf32>,
      %swap3A_237 = vector.shape_cast %swap3A_236 : vector<16xf32> to vector<16xf32>
      %swap3A_238 = vector.shape_cast %get3A_234 : vector<16xf32> to vector<16xf32>
      tpu.vector_store %arg5[%swap3A_235], %swap3A_238 {strides = array<i32>} : memref<8000xf32, #tpu.memory_space<vmem>>, vector<16xf32>,
      %get3A_239 = arith.constant 396 : index
      %get3A_240 = tpu.vector_load %arg4[%get3A_239] {strides = array<i32>} : memref<6056xf32, #tpu.memory_space<vmem>>, vector<16xf32>,
      %get3A_241 = vector.shape_cast %get3A_240 : vector<16xf32> to vector<16xf32>
      %swap3A_242 = arith.constant 496 : index
      %swap3A_243 = tpu.vector_load %arg5[%swap3A_242] {strides = array<i32>} : memref<8000xf32, #tpu.memory_space<vmem>>, vector<16xf32>,
      %swap3A_244 = vector.shape_cast %swap3A_243 : vector<16xf32> to vector<16xf32>
      %swap3A_245 = vector.shape_cast %get3A_241 : vector<16xf32> to vector<16xf32>
      tpu.vector_store %arg5[%swap3A_242], %swap3A_245 {strides = array<i32>} : memref<8000xf32, #tpu.memory_space<vmem>>, vector<16xf32>,
      %get3A_246 = arith.constant 412 : index
      %get3A_247 = tpu.vector_load %arg4[%get3A_246] {strides = array<i32>} : memref<6056xf32, #tpu.memory_space<vmem>>, vector<16xf32>,
      %get3A_248 = vector.shape_cast %get3A_247 : vector<16xf32> to vector<16xf32>
      %swap3A_249 = arith.constant 512 : index
      %swap3A_250 = tpu.vector_load %arg5[%swap3A_249] {strides = array<i32>} : memref<8000xf32, #tpu.memory_space<vmem>>, vector<16xf32>,
      %swap3A_251 = vector.shape_cast %swap3A_250 : vector<16xf32> to vector<16xf32>
      %swap3A_252 = vector.shape_cast %get3A_248 : vector<16xf32> to vector<16xf32>
      tpu.vector_store %arg5[%swap3A_249], %swap3A_252 {strides = array<i32>} : memref<8000xf32, #tpu.memory_space<vmem>>, vector<16xf32>,
      %get3A_253 = arith.constant 428 : index
      %get3A_254 = tpu.vector_load %arg4[%get3A_253] {strides = array<i32>} : memref<6056xf32, #tpu.memory_space<vmem>>, vector<16xf32>,
      %get3A_255 = vector.shape_cast %get3A_254 : vector<16xf32> to vector<16xf32>
      %swap3A_256 = arith.constant 528 : index
      %swap3A_257 = tpu.vector_load %arg5[%swap3A_256] {strides = array<i32>} : memref<8000xf32, #tpu.memory_space<vmem>>, vector<16xf32>,
      %swap3A_258 = vector.shape_cast %swap3A_257 : vector<16xf32> to vector<16xf32>
      %swap3A_259 = vector.shape_cast %get3A_255 : vector<16xf32> to vector<16xf32>
      tpu.vector_store %arg5[%swap3A_256], %swap3A_259 {strides = array<i32>} : memref<8000xf32, #tpu.memory_space<vmem>>, vector<16xf32>,
      %get3A_260 = arith.constant 444 : index
      %get3A_261 = tpu.vector_load %arg4[%get3A_260] {strides = array<i32>} : memref<6056xf32, #tpu.memory_space<vmem>>, vector<16xf32>,
      %get3A_262 = vector.shape_cast %get3A_261 : vector<16xf32> to vector<16xf32>
      %swap3A_263 = arith.constant 544 : index
      %swap3A_264 = tpu.vector_load %arg5[%swap3A_263] {strides = array<i32>} : memref<8000xf32, #tpu.memory_space<vmem>>, vector<16xf32>,
      %swap3A_265 = vector.shape_cast %swap3A_264 : vector<16xf32> to vector<16xf32>
      %swap3A_266 = vector.shape_cast %get3A_262 : vector<16xf32> to vector<16xf32>
      tpu.vector_store %arg5[%swap3A_263], %swap3A_266 {strides = array<i32>} : memref<8000xf32, #tpu.memory_space<vmem>>, vector<16xf32>,
      %get3A_267 = arith.constant 460 : index
      %get3A_268 = tpu.vector_load %arg4[%get3A_267] {strides = array<i32>} : memref<6056xf32, #tpu.memory_space<vmem>>, vector<16xf32>,
      %get3A_269 = vector.shape_cast %get3A_268 : vector<16xf32> to vector<16xf32>
      %swap3A_270 = arith.constant 560 : index
      %swap3A_271 = tpu.vector_load %arg5[%swap3A_270] {strides = array<i32>} : memref<8000xf32, #tpu.memory_space<vmem>>, vector<16xf32>,
      %swap3A_272 = vector.shape_cast %swap3A_271 : vector<16xf32> to vector<16xf32>
      %swap3A_273 = vector.shape_cast %get3A_269 : vector<16xf32> to vector<16xf32>
      tpu.vector_store %arg5[%swap3A_270], %swap3A_273 {strides = array<i32>} : memref<8000xf32, #tpu.memory_space<vmem>>, vector<16xf32>,
      %get3A_274 = arith.constant 476 : index
      %get3A_275 = tpu.vector_load %arg4[%get3A_274] {strides = array<i32>} : memref<6056xf32, #tpu.memory_space<vmem>>, vector<16xf32>,
      %get3A_276 = vector.shape_cast %get3A_275 : vector<16xf32> to vector<16xf32>
      %swap3A_277 = arith.constant 576 : index
      %swap3A_278 = tpu.vector_load %arg5[%swap3A_277] {strides = array<i32>} : memref<8000xf32, #tpu.memory_space<vmem>>, vector<16xf32>,
      %swap3A_279 = vector.shape_cast %swap3A_278 : vector<16xf32> to vector<16xf32>
      %swap3A_280 = vector.shape_cast %get3A_276 : vector<16xf32> to vector<16xf32>
      tpu.vector_store %arg5[%swap3A_277], %swap3A_280 {strides = array<i32>} : memref<8000xf32, #tpu.memory_space<vmem>>, vector<16xf32>,
      %get3A_281 = arith.constant 484 : index
      %get3A_282 = tpu.vector_load %arg4[%get3A_281] {strides = array<i32>} : memref<6056xf32, #tpu.memory_space<vmem>>, vector<16xf32>,
      %get3A_283 = vector.shape_cast %get3A_282 : vector<16xf32> to vector<16xf32>
      %swap3A_284 = arith.constant 584 : index
      %swap3A_285 = tpu.vector_load %arg5[%swap3A_284] {strides = array<i32>} : memref<8000xf32, #tpu.memory_space<vmem>>, vector<16xf32>,
      %swap3A_286 = vector.shape_cast %swap3A_285 : vector<16xf32> to vector<16xf32>
      %swap3A_287 = vector.shape_cast %get3A_283 : vector<16xf32> to vector<16xf32>
      tpu.vector_store %arg5[%swap3A_284], %swap3A_287 {strides = array<i32>} : memref<8000xf32, #tpu.memory_space<vmem>>, vector<16xf32>,
      %get3A_288 = arith.constant 450 : index
      %get3A_289 = tpu.vector_load %arg4[%get3A_288] {strides = array<i32>} : memref<6056xf32, #tpu.memory_space<vmem>>, vector<16xf32>,
      %get3A_290 = vector.shape_cast %get3A_289 : vector<16xf32> to vector<16xf32>
      %swap3A_291 = arith.constant 600 : index
      %swap3A_292 = tpu.vector_load %arg5[%swap3A_291] {strides = array<i32>} : memref<8000xf32, #tpu.memory_space<vmem>>, vector<16xf32>,
      %swap3A_293 = vector.shape_cast %swap3A_292 : vector<16xf32> to vector<16xf32>
      %swap3A_294 = vector.shape_cast %get3A_290 : vector<16xf32> to vector<16xf32>
      tpu.vector_store %arg5[%swap3A_291], %swap3A_294 {strides = array<i32>} : memref<8000xf32, #tpu.memory_space<vmem>>, vector<16xf32>,
      %get3A_295 = arith.constant 466 : index
      %get3A_296 = tpu.vector_load %arg4[%get3A_295] {strides = array<i32>} : memref<6056xf32, #tpu.memory_space<vmem>>, vector<16xf32>,
      %get3A_297 = vector.shape_cast %get3A_296 : vector<16xf32> to vector<16xf32>
      %swap3A_298 = arith.constant 616 : index
      %swap3A_299 = tpu.vector_load %arg5[%swap3A_298] {strides = array<i32>} : memref<8000xf32, #tpu.memory_space<vmem>>, vector<16xf32>,
      %swap3A_300 = vector.shape_cast %swap3A_299 : vector<16xf32> to vector<16xf32>
      %swap3A_301 = vector.shape_cast %get3A_297 : vector<16xf32> to vector<16xf32>
      tpu.vector_store %arg5[%swap3A_298], %swap3A_301 {strides = array<i32>} : memref<8000xf32, #tpu.memory_space<vmem>>, vector<16xf32>,
      %get3A_302 = arith.constant 482 : index
      %get3A_303 = tpu.vector_load %arg4[%get3A_302] {strides = array<i32>} : memref<6056xf32, #tpu.memory_space<vmem>>, vector<16xf32>,
      %get3A_304 = vector.shape_cast %get3A_303 : vector<16xf32> to vector<16xf32>
      %swap3A_305 = arith.constant 632 : index
      %swap3A_306 = tpu.vector_load %arg5[%swap3A_305] {strides = array<i32>} : memref<8000xf32, #tpu.memory_space<vmem>>, vector<16xf32>,
      %swap3A_307 = vector.shape_cast %swap3A_306 : vector<16xf32> to vector<16xf32>
      %swap3A_308 = vector.shape_cast %get3A_304 : vector<16xf32> to vector<16xf32>
      tpu.vector_store %arg5[%swap3A_305], %swap3A_308 {strides = array<i32>} : memref<8000xf32, #tpu.memory_space<vmem>>, vector<16xf32>,
      %get3A_309 = arith.constant 498 : index
      %get3A_310 = tpu.vector_load %arg4[%get3A_309] {strides = array<i32>} : memref<6056xf32, #tpu.memory_space<vmem>>, vector<16xf32>,
      %get3A_311 = vector.shape_cast %get3A_310 : vector<16xf32> to vector<16xf32>
      %swap3A_312 = arith.constant 648 : index
      %swap3A_313 = tpu.vector_load %arg5[%swap3A_312] {strides = array<i32>} : memref<8000xf32, #tpu.memory_space<vmem>>, vector<16xf32>,
      %swap3A_314 = vector.shape_cast %swap3A_313 : vector<16xf32> to vector<16xf32>
      %swap3A_315 = vector.shape_cast %get3A_311 : vector<16xf32> to vector<16xf32>
      tpu.vector_store %arg5[%swap3A_312], %swap3A_315 {strides = array<i32>} : memref<8000xf32, #tpu.memory_space<vmem>>, vector<16xf32>,
      %get3A_316 = arith.constant 514 : index
      %get3A_317 = tpu.vector_load %arg4[%get3A_316] {strides = array<i32>} : memref<6056xf32, #tpu.memory_space<vmem>>, vector<16xf32>,
      %get3A_318 = vector.shape_cast %get3A_317 : vector<16xf32> to vector<16xf32>
      %swap3A_319 = arith.constant 664 : index
      %swap3A_320 = tpu.vector_load %arg5[%swap3A_319] {strides = array<i32>} : memref<8000xf32, #tpu.memory_space<vmem>>, vector<16xf32>,
      %swap3A_321 = vector.shape_cast %swap3A_320 : vector<16xf32> to vector<16xf32>
      %swap3A_322 = vector.shape_cast %get3A_318 : vector<16xf32> to vector<16xf32>
      tpu.vector_store %arg5[%swap3A_319], %swap3A_322 {strides = array<i32>} : memref<8000xf32, #tpu.memory_space<vmem>>, vector<16xf32>,
      %get3A_323 = arith.constant 530 : index
      %get3A_324 = tpu.vector_load %arg4[%get3A_323] {strides = array<i32>} : memref<6056xf32, #tpu.memory_space<vmem>>, vector<16xf32>,
      %get3A_325 = vector.shape_cast %get3A_324 : vector<16xf32> to vector<16xf32>
      %swap3A_326 = arith.constant 680 : index
      %swap3A_327 = tpu.vector_load %arg5[%swap3A_326] {strides = array<i32>} : memref<8000xf32, #tpu.memory_space<vmem>>, vector<16xf32>,
      %swap3A_328 = vector.shape_cast %swap3A_327 : vector<16xf32> to vector<16xf32>
      %swap3A_329 = vector.shape_cast %get3A_325 : vector<16xf32> to vector<16xf32>
      tpu.vector_store %arg5[%swap3A_326], %swap3A_329 {strides = array<i32>} : memref<8000xf32, #tpu.memory_space<vmem>>, vector<16xf32>,
      %get3A_330 = arith.constant 546 : index
      %get3A_331 = tpu.vector_load %arg4[%get3A_330] {strides = array<i32>} : memref<6056xf32, #tpu.memory_space<vmem>>, vector<16xf32>,
      %get3A_332 = vector.shape_cast %get3A_331 : vector<16xf32> to vector<16xf32>
      %swap3A_333 = arith.constant 696 : index
      %swap3A_334 = tpu.vector_load %arg5[%swap3A_333] {strides = array<i32>} : memref<8000xf32, #tpu.memory_space<vmem>>, vector<16xf32>,
      %swap3A_335 = vector.shape_cast %swap3A_334 : vector<16xf32> to vector<16xf32>
      %swap3A_336 = vector.shape_cast %get3A_332 : vector<16xf32> to vector<16xf32>
      tpu.vector_store %arg5[%swap3A_333], %swap3A_336 {strides = array<i32>} : memref<8000xf32, #tpu.memory_space<vmem>>, vector<16xf32>,
      %get3A_337 = arith.constant 562 : index
      %get3A_338 = tpu.vector_load %arg4[%get3A_337] {strides = array<i32>} : memref<6056xf32, #tpu.memory_space<vmem>>, vector<16xf32>,
      %get3A_339 = vector.shape_cast %get3A_338 : vector<16xf32> to vector<16xf32>
      %swap3A_340 = arith.constant 712 : index
      %swap3A_341 = tpu.vector_load %arg5[%swap3A_340] {strides = array<i32>} : memref<8000xf32, #tpu.memory_space<vmem>>, vector<16xf32>,
      %swap3A_342 = vector.shape_cast %swap3A_341 : vector<16xf32> to vector<16xf32>
      %swap3A_343 = vector.shape_cast %get3A_339 : vector<16xf32> to vector<16xf32>
      tpu.vector_store %arg5[%swap3A_340], %swap3A_343 {strides = array<i32>} : memref<8000xf32, #tpu.memory_space<vmem>>, vector<16xf32>,
      %get3A_344 = arith.constant 578 : index
      %get3A_345 = tpu.vector_load %arg4[%get3A_344] {strides = array<i32>} : memref<6056xf32, #tpu.memory_space<vmem>>, vector<16xf32>,
      %get3A_346 = vector.shape_cast %get3A_345 : vector<16xf32> to vector<16xf32>
      %swap3A_347 = arith.constant 728 : index
      %swap3A_348 = tpu.vector_load %arg5[%swap3A_347] {strides = array<i32>} : memref<8000xf32, #tpu.memory_space<vmem>>, vector<16xf32>,
      %swap3A_349 = vector.shape_cast %swap3A_348 : vector<16xf32> to vector<16xf32>
      %swap3A_350 = vector.shape_cast %get3A_346 : vector<16xf32> to vector<16xf32>
      tpu.vector_store %arg5[%swap3A_347], %swap3A_350 {strides = array<i32>} : memref<8000xf32, #tpu.memory_space<vmem>>, vector<16xf32>,
      %get3A_351 = arith.constant 594 : index
      %get3A_352 = tpu.vector_load %arg4[%get3A_351] {strides = array<i32>} : memref<6056xf32, #tpu.memory_space<vmem>>, vector<16xf32>,
      %get3A_353 = vector.shape_cast %get3A_352 : vector<16xf32> to vector<16xf32>
      %swap3A_354 = arith.constant 744 : index
      %swap3A_355 = tpu.vector_load %arg5[%swap3A_354] {strides = array<i32>} : memref<8000xf32, #tpu.memory_space<vmem>>, vector<16xf32>,
      %swap3A_356 = vector.shape_cast %swap3A_355 : vector<16xf32> to vector<16xf32>
      %swap3A_357 = vector.shape_cast %get3A_353 : vector<16xf32> to vector<16xf32>
      tpu.vector_store %arg5[%swap3A_354], %swap3A_357 {strides = array<i32>} : memref<8000xf32, #tpu.memory_space<vmem>>, vector<16xf32>,
      %get3A_358 = arith.constant 610 : index
      %get3A_359 = tpu.vector_load %arg4[%get3A_358] {strides = array<i32>} : memref<6056xf32, #tpu.memory_space<vmem>>, vector<16xf32>,
      %get3A_360 = vector.shape_cast %get3A_359 : vector<16xf32> to vector<16xf32>
      %swap3A_361 = arith.constant 760 : index
      %swap3A_362 = tpu.vector_load %arg5[%swap3A_361] {strides = array<i32>} : memref<8000xf32, #tpu.memory_space<vmem>>, vector<16xf32>,
      %swap3A_363 = vector.shape_cast %swap3A_362 : vector<16xf32> to vector<16xf32>
      %swap3A_364 = vector.shape_cast %get3A_360 : vector<16xf32> to vector<16xf32>
      tpu.vector_store %arg5[%swap3A_361], %swap3A_364 {strides = array<i32>} : memref<8000xf32, #tpu.memory_space<vmem>>, vector<16xf32>,
      %get3A_365 = arith.constant 626 : index
      %get3A_366 = tpu.vector_load %arg4[%get3A_365] {strides = array<i32>} : memref<6056xf32, #tpu.memory_space<vmem>>, vector<16xf32>,
      %get3A_367 = vector.shape_cast %get3A_366 : vector<16xf32> to vector<16xf32>
      %swap3A_368 = arith.constant 776 : index
      %swap3A_369 = tpu.vector_load %arg5[%swap3A_368] {strides = array<i32>} : memref<8000xf32, #tpu.memory_space<vmem>>, vector<16xf32>,
      %swap3A_370 = vector.shape_cast %swap3A_369 : vector<16xf32> to vector<16xf32>
      %swap3A_371 = vector.shape_cast %get3A_367 : vector<16xf32> to vector<16xf32>
      tpu.vector_store %arg5[%swap3A_368], %swap3A_371 {strides = array<i32>} : memref<8000xf32, #tpu.memory_space<vmem>>, vector<16xf32>,
      %get3A_372 = arith.constant 634 : index
      %get3A_373 = tpu.vector_load %arg4[%get3A_372] {strides = array<i32>} : memref<6056xf32, #tpu.memory_space<vmem>>, vector<16xf32>,
      %get3A_374 = vector.shape_cast %get3A_373 : vector<16xf32> to vector<16xf32>
      %swap3A_375 = arith.constant 784 : index
      %swap3A_376 = tpu.vector_load %arg5[%swap3A_375] {strides = array<i32>} : memref<8000xf32, #tpu.memory_space<vmem>>, vector<16xf32>,
      %swap3A_377 = vector.shape_cast %swap3A_376 : vector<16xf32> to vector<16xf32>
      %swap3A_378 = vector.shape_cast %get3A_374 : vector<16xf32> to vector<16xf32>
      tpu.vector_store %arg5[%swap3A_375], %swap3A_378 {strides = array<i32>} : memref<8000xf32, #tpu.memory_space<vmem>>, vector<16xf32>,
      %get3A_379 = arith.constant 600 : index
      %get3A_380 = tpu.vector_load %arg4[%get3A_379] {strides = array<i32>} : memref<6056xf32, #tpu.memory_space<vmem>>, vector<16xf32>,
      %get3A_381 = vector.shape_cast %get3A_380 : vector<16xf32> to vector<16xf32>
      %swap3A_382 = arith.constant 800 : index
      %swap3A_383 = tpu.vector_load %arg5[%swap3A_382] {strides = array<i32>} : memref<8000xf32, #tpu.memory_space<vmem>>, vector<16xf32>,
      %swap3A_384 = vector.shape_cast %swap3A_383 : vector<16xf32> to vector<16xf32>
      %swap3A_385 = vector.shape_cast %get3A_381 : vector<16xf32> to vector<16xf32>
      tpu.vector_store %arg5[%swap3A_382], %swap3A_385 {strides = array<i32>} : memref<8000xf32, #tpu.memory_space<vmem>>, vector<16xf32>,
      %get3A_386 = arith.constant 616 : index
      %get3A_387 = tpu.vector_load %arg4[%get3A_386] {strides = array<i32>} : memref<6056xf32, #tpu.memory_space<vmem>>, vector<16xf32>,
      %get3A_388 = vector.shape_cast %get3A_387 : vector<16xf32> to vector<16xf32>
      %swap3A_389 = arith.constant 816 : index
      %swap3A_390 = tpu.vector_load %arg5[%swap3A_389] {strides = array<i32>} : memref<8000xf32, #tpu.memory_space<vmem>>, vector<16xf32>,
      %swap3A_391 = vector.shape_cast %swap3A_390 : vector<16xf32> to vector<16xf32>
      %swap3A_392 = vector.shape_cast %get3A_388 : vector<16xf32> to vector<16xf32>
      tpu.vector_store %arg5[%swap3A_389], %swap3A_392 {strides = array<i32>} : memref<8000xf32, #tpu.memory_space<vmem>>, vector<16xf32>,
      %get3A_393 = arith.constant 632 : index
      %get3A_394 = tpu.vector_load %arg4[%get3A_393] {strides = array<i32>} : memref<6056xf32, #tpu.memory_space<vmem>>, vector<16xf32>,
      %get3A_395 = vector.shape_cast %get3A_394 : vector<16xf32> to vector<16xf32>
      %swap3A_396 = arith.constant 832 : index
      %swap3A_397 = tpu.vector_load %arg5[%swap3A_396] {strides = array<i32>} : memref<8000xf32, #tpu.memory_space<vmem>>, vector<16xf32>,
      %swap3A_398 = vector.shape_cast %swap3A_397 : vector<16xf32> to vector<16xf32>
      %swap3A_399 = vector.shape_cast %get3A_395 : vector<16xf32> to vector<16xf32>
      tpu.vector_store %arg5[%swap3A_396], %swap3A_399 {strides = array<i32>} : memref<8000xf32, #tpu.memory_space<vmem>>, vector<16xf32>,
      %get3A_400 = arith.constant 648 : index
      %get3A_401 = tpu.vector_load %arg4[%get3A_400] {strides = array<i32>} : memref<6056xf32, #tpu.memory_space<vmem>>, vector<16xf32>,
      %get3A_402 = vector.shape_cast %get3A_401 : vector<16xf32> to vector<16xf32>
      %swap3A_403 = arith.constant 848 : index
      %swap3A_404 = tpu.vector_load %arg5[%swap3A_403] {strides = array<i32>} : memref<8000xf32, #tpu.memory_space<vmem>>, vector<16xf32>,
      %swap3A_405 = vector.shape_cast %swap3A_404 : vector<16xf32> to vector<16xf32>
      %swap3A_406 = vector.shape_cast %get3A_402 : vector<16xf32> to vector<16xf32>
      tpu.vector_store %arg5[%swap3A_403], %swap3A_406 {strides = array<i32>} : memref<8000xf32, #tpu.memory_space<vmem>>, vector<16xf32>,
      %get3A_407 = arith.constant 664 : index
      %get3A_408 = tpu.vector_load %arg4[%get3A_407] {strides = array<i32>} : memref<6056xf32, #tpu.memory_space<vmem>>, vector<16xf32>,
      %get3A_409 = vector.shape_cast %get3A_408 : vector<16xf32> to vector<16xf32>
      %swap3A_410 = arith.constant 864 : index
      %swap3A_411 = tpu.vector_load %arg5[%swap3A_410] {strides = array<i32>} : memref<8000xf32, #tpu.memory_space<vmem>>, vector<16xf32>,
      %swap3A_412 = vector.shape_cast %swap3A_411 : vector<16xf32> to vector<16xf32>
      %swap3A_413 = vector.shape_cast %get3A_409 : vector<16xf32> to vector<16xf32>
      tpu.vector_store %arg5[%swap3A_410], %swap3A_413 {strides = array<i32>} : memref<8000xf32, #tpu.memory_space<vmem>>, vector<16xf32>,
      %get3A_414 = arith.constant 680 : index
      %get3A_415 = tpu.vector_load %arg4[%get3A_414] {strides = array<i32>} : memref<6056xf32, #tpu.memory_space<vmem>>, vector<16xf32>,
      %get3A_416 = vector.shape_cast %get3A_415 : vector<16xf32> to vector<16xf32>
      %swap3A_417 = arith.constant 880 : index
      %swap3A_418 = tpu.vector_load %arg5[%swap3A_417] {strides = array<i32>} : memref<8000xf32, #tpu.memory_space<vmem>>, vector<16xf32>,
      %swap3A_419 = vector.shape_cast %swap3A_418 : vector<16xf32> to vector<16xf32>
      %swap3A_420 = vector.shape_cast %get3A_416 : vector<16xf32> to vector<16xf32>
      tpu.vector_store %arg5[%swap3A_417], %swap3A_420 {strides = array<i32>} : memref<8000xf32, #tpu.memory_space<vmem>>, vector<16xf32>,
      %get3A_421 = arith.constant 696 : index
      %get3A_422 = tpu.vector_load %arg4[%get3A_421] {strides = array<i32>} : memref<6056xf32, #tpu.memory_space<vmem>>, vector<16xf32>,
      %get3A_423 = vector.shape_cast %get3A_422 : vector<16xf32> to vector<16xf32>
      %swap3A_424 = arith.constant 896 : index
      %swap3A_425 = tpu.vector_load %arg5[%swap3A_424] {strides = array<i32>} : memref<8000xf32, #tpu.memory_space<vmem>>, vector<16xf32>,
      %swap3A_426 = vector.shape_cast %swap3A_425 : vector<16xf32> to vector<16xf32>
      %swap3A_427 = vector.shape_cast %get3A_423 : vector<16xf32> to vector<16xf32>
      tpu.vector_store %arg5[%swap3A_424], %swap3A_427 {strides = array<i32>} : memref<8000xf32, #tpu.memory_space<vmem>>, vector<16xf32>,
      %get3A_428 = arith.constant 712 : index
      %get3A_429 = tpu.vector_load %arg4[%get3A_428] {strides = array<i32>} : memref<6056xf32, #tpu.memory_space<vmem>>, vector<16xf32>,
      %get3A_430 = vector.shape_cast %get3A_429 : vector<16xf32> to vector<16xf32>
      %swap3A_431 = arith.constant 912 : index
      %swap3A_432 = tpu.vector_load %arg5[%swap3A_431] {strides = array<i32>} : memref<8000xf32, #tpu.memory_space<vmem>>, vector<16xf32>,
      %swap3A_433 = vector.shape_cast %swap3A_432 : vector<16xf32> to vector<16xf32>
      %swap3A_434 = vector.shape_cast %get3A_430 : vector<16xf32> to vector<16xf32>
      tpu.vector_store %arg5[%swap3A_431], %swap3A_434 {strides = array<i32>} : memref<8000xf32, #tpu.memory_space<vmem>>, vector<16xf32>,
      %get3A_435 = arith.constant 728 : index
      %get3A_436 = tpu.vector_load %arg4[%get3A_435] {strides = array<i32>} : memref<6056xf32, #tpu.memory_space<vmem>>, vector<16xf32>,
      %get3A_437 = vector.shape_cast %get3A_436 : vector<16xf32> to vector<16xf32>
      %swap3A_438 = arith.constant 928 : index
      %swap3A_439 = tpu.vector_load %arg5[%swap3A_438] {strides = array<i32>} : memref<8000xf32, #tpu.memory_space<vmem>>, vector<16xf32>,
      %swap3A_440 = vector.shape_cast %swap3A_439 : vector<16xf32> to vector<16xf32>
      %swap3A_441 = vector.shape_cast %get3A_437 : vector<16xf32> to vector<16xf32>
      tpu.vector_store %arg5[%swap3A_438], %swap3A_441 {strides = array<i32>} : memref<8000xf32, #tpu.memory_space<vmem>>, vector<16xf32>,
      %get3A_442 = arith.constant 744 : index
      %get3A_443 = tpu.vector_load %arg4[%get3A_442] {strides = array<i32>} : memref<6056xf32, #tpu.memory_space<vmem>>, vector<16xf32>,
      %get3A_444 = vector.shape_cast %get3A_443 : vector<16xf32> to vector<16xf32>
      %swap3A_445 = arith.constant 944 : index
      %swap3A_446 = tpu.vector_load %arg5[%swap3A_445] {strides = array<i32>} : memref<8000xf32, #tpu.memory_space<vmem>>, vector<16xf32>,
      %swap3A_447 = vector.shape_cast %swap3A_446 : vector<16xf32> to vector<16xf32>
      %swap3A_448 = vector.shape_cast %get3A_444 : vector<16xf32> to vector<16xf32>
      tpu.vector_store %arg5[%swap3A_445], %swap3A_448 {strides = array<i32>} : memref<8000xf32, #tpu.memory_space<vmem>>, vector<16xf32>,
      %get3A_449 = arith.constant 760 : index
      %get3A_450 = tpu.vector_load %arg4[%get3A_449] {strides = array<i32>} : memref<6056xf32, #tpu.memory_space<vmem>>, vector<16xf32>,
      %get3A_451 = vector.shape_cast %get3A_450 : vector<16xf32> to vector<16xf32>
      %swap3A_452 = arith.constant 960 : index
      %swap3A_453 = tpu.vector_load %arg5[%swap3A_452] {strides = array<i32>} : memref<8000xf32, #tpu.memory_space<vmem>>, vector<16xf32>,
      %swap3A_454 = vector.shape_cast %swap3A_453 : vector<16xf32> to vector<16xf32>
      %swap3A_455 = vector.shape_cast %get3A_451 : vector<16xf32> to vector<16xf32>
      tpu.vector_store %arg5[%swap3A_452], %swap3A_455 {strides = array<i32>} : memref<8000xf32, #tpu.memory_space<vmem>>, vector<16xf32>,
      %get3A_456 = arith.constant 776 : index
      %get3A_457 = tpu.vector_load %arg4[%get3A_456] {strides = array<i32>} : memref<6056xf32, #tpu.memory_space<vmem>>, vector<16xf32>,
      %get3A_458 = vector.shape_cast %get3A_457 : vector<16xf32> to vector<16xf32>
      %swap3A_459 = arith.constant 976 : index
      %swap3A_460 = tpu.vector_load %arg5[%swap3A_459] {strides = array<i32>} : memref<8000xf32, #tpu.memory_space<vmem>>, vector<16xf32>,
      %swap3A_461 = vector.shape_cast %swap3A_460 : vector<16xf32> to vector<16xf32>
      %swap3A_462 = vector.shape_cast %get3A_458 : vector<16xf32> to vector<16xf32>
      tpu.vector_store %arg5[%swap3A_459], %swap3A_462 {strides = array<i32>} : memref<8000xf32, #tpu.memory_space<vmem>>, vector<16xf32>,
      %get3A_463 = arith.constant 784 : index
      %get3A_464 = tpu.vector_load %arg4[%get3A_463] {strides = array<i32>} : memref<6056xf32, #tpu.memory_space<vmem>>, vector<16xf32>,
      %get3A_465 = vector.shape_cast %get3A_464 : vector<16xf32> to vector<16xf32>
      %swap3A_466 = arith.constant 984 : index
      %swap3A_467 = tpu.vector_load %arg5[%swap3A_466] {strides = array<i32>} : memref<8000xf32, #tpu.memory_space<vmem>>, vector<16xf32>,
      %swap3A_468 = vector.shape_cast %swap3A_467 : vector<16xf32> to vector<16xf32>
      %swap3A_469 = vector.shape_cast %get3A_465 : vector<16xf32> to vector<16xf32>
      tpu.vector_store %arg5[%swap3A_466], %swap3A_469 {strides = array<i32>} : memref<8000xf32, #tpu.memory_space<vmem>>, vector<16xf32>,
      %get3A_470 = arith.constant 750 : index
      %get3A_471 = tpu.vector_load %arg4[%get3A_470] {strides = array<i32>} : memref<6056xf32, #tpu.memory_space<vmem>>, vector<16xf32>,
      %get3A_472 = vector.shape_cast %get3A_471 : vector<16xf32> to vector<16xf32>
      %swap3A_473 = arith.constant 1000 : index
      %swap3A_474 = tpu.vector_load %arg5[%swap3A_473] {strides = array<i32>} : memref<8000xf32, #tpu.memory_space<vmem>>, vector<16xf32>,
      %swap3A_475 = vector.shape_cast %swap3A_474 : vector<16xf32> to vector<16xf32>
      %swap3A_476 = vector.shape_cast %get3A_472 : vector<16xf32> to vector<16xf32>
      tpu.vector_store %arg5[%swap3A_473], %swap3A_476 {strides = array<i32>} : memref<8000xf32, #tpu.memory_space<vmem>>, vector<16xf32>,
      %get3A_477 = arith.constant 766 : index
      %get3A_478 = tpu.vector_load %arg4[%get3A_477] {strides = array<i32>} : memref<6056xf32, #tpu.memory_space<vmem>>, vector<16xf32>,
      %get3A_479 = vector.shape_cast %get3A_478 : vector<16xf32> to vector<16xf32>
      %swap3A_480 = arith.constant 1016 : index
      %swap3A_481 = tpu.vector_load %arg5[%swap3A_480] {strides = array<i32>} : memref<8000xf32, #tpu.memory_space<vmem>>, vector<16xf32>,
      %swap3A_482 = vector.shape_cast %swap3A_481 : vector<16xf32> to vector<16xf32>
      %swap3A_483 = vector.shape_cast %get3A_479 : vector<16xf32> to vector<16xf32>
      tpu.vector_store %arg5[%swap3A_480], %swap3A_483 {strides = array<i32>} : memref<8000xf32, #tpu.memory_space<vmem>>, vector<16xf32>,
      %get3A_484 = arith.constant 782 : index
      %get3A_485 = tpu.vector_load %arg4[%get3A_484] {strides = array<i32>} : memref<6056xf32, #tpu.memory_space<vmem>>, vector<16xf32>,
      %get3A_486 = vector.shape_cast %get3A_485 : vector<16xf32> to vector<16xf32>
      %swap3A_487 = arith.constant 1032 : index
      %swap3A_488 = tpu.vector_load %arg5[%swap3A_487] {strides = array<i32>} : memref<8000xf32, #tpu.memory_space<vmem>>, vector<16xf32>,
      %swap3A_489 = vector.shape_cast %swap3A_488 : vector<16xf32> to vector<16xf32>
      %swap3A_490 = vector.shape_cast %get3A_486 : vector<16xf32> to vector<16xf32>
      tpu.vector_store %arg5[%swap3A_487], %swap3A_490 {strides = array<i32>} : memref<8000xf32, #tpu.memory_space<vmem>>, vector<16xf32>,
      %get3A_491 = arith.constant 798 : index
      %get3A_492 = tpu.vector_load %arg4[%get3A_491] {strides = array<i32>} : memref<6056xf32, #tpu.memory_space<vmem>>, vector<16xf32>,
      %get3A_493 = vector.shape_cast %get3A_492 : vector<16xf32> to vector<16xf32>
      %swap3A_494 = arith.constant 1048 : index
      %swap3A_495 = tpu.vector_load %arg5[%swap3A_494] {strides = array<i32>} : memref<8000xf32, #tpu.memory_space<vmem>>, vector<16xf32>,
      %swap3A_496 = vector.shape_cast %swap3A_495 : vector<16xf32> to vector<16xf32>
      %swap3A_497 = vector.shape_cast %get3A_493 : vector<16xf32> to vector<16xf32>
      tpu.vector_store %arg5[%swap3A_494], %swap3A_497 {strides = array<i32>} : memref<8000xf32, #tpu.memory_space<vmem>>, vector<16xf32>,
      %get3A_498 = arith.constant 814 : index
      %get3A_499 = tpu.vector_load %arg4[%get3A_498] {strides = array<i32>} : memref<6056xf32, #tpu.memory_space<vmem>>, vector<16xf32>,
      %get3A_500 = vector.shape_cast %get3A_499 : vector<16xf32> to vector<16xf32>
      %swap3A_501 = arith.constant 1064 : index
      %swap3A_502 = tpu.vector_load %arg5[%swap3A_501] {strides = array<i32>} : memref<8000xf32, #tpu.memory_space<vmem>>, vector<16xf32>,
      %swap3A_503 = vector.shape_cast %swap3A_502 : vector<16xf32> to vector<16xf32>
      %swap3A_504 = vector.shape_cast %get3A_500 : vector<16xf32> to vector<16xf32>
      tpu.vector_store %arg5[%swap3A_501], %swap3A_504 {strides = array<i32>} : memref<8000xf32, #tpu.memory_space<vmem>>, vector<16xf32>,
      %get3A_505 = arith.constant 830 : index
      %get3A_506 = tpu.vector_load %arg4[%get3A_505] {strides = array<i32>} : memref<6056xf32, #tpu.memory_space<vmem>>, vector<16xf32>,
      %get3A_507 = vector.shape_cast %get3A_506 : vector<16xf32> to vector<16xf32>
      %swap3A_508 = arith.constant 1080 : index
      %swap3A_509 = tpu.vector_load %arg5[%swap3A_508] {strides = array<i32>} : memref<8000xf32, #tpu.memory_space<vmem>>, vector<16xf32>,
      %swap3A_510 = vector.shape_cast %swap3A_509 : vector<16xf32> to vector<16xf32>
      %swap3A_511 = vector.shape_cast %get3A_507 : vector<16xf32> to vector<16xf32>
      tpu.vector_store %arg5[%swap3A_508], %swap3A_511 {strides = array<i32>} : memref<8000xf32, #tpu.memory_space<vmem>>, vector<16xf32>,
      %get3A_512 = arith.constant 846 : index
      %get3A_513 = tpu.vector_load %arg4[%get3A_512] {strides = array<i32>} : memref<6056xf32, #tpu.memory_space<vmem>>, vector<16xf32>,
      %get3A_514 = vector.shape_cast %get3A_513 : vector<16xf32> to vector<16xf32>
      %swap3A_515 = arith.constant 1096 : index
      %swap3A_516 = tpu.vector_load %arg5[%swap3A_515] {strides = array<i32>} : memref<8000xf32, #tpu.memory_space<vmem>>, vector<16xf32>,
      %swap3A_517 = vector.shape_cast %swap3A_516 : vector<16xf32> to vector<16xf32>
      %swap3A_518 = vector.shape_cast %get3A_514 : vector<16xf32> to vector<16xf32>
      tpu.vector_store %arg5[%swap3A_515], %swap3A_518 {strides = array<i32>} : memref<8000xf32, #tpu.memory_space<vmem>>, vector<16xf32>,
      %get3A_519 = arith.constant 862 : index
      %get3A_520 = tpu.vector_load %arg4[%get3A_519] {strides = array<i32>} : memref<6056xf32, #tpu.memory_space<vmem>>, vector<16xf32>,
      %get3A_521 = vector.shape_cast %get3A_520 : vector<16xf32> to vector<16xf32>
      %swap3A_522 = arith.constant 1112 : index
      %swap3A_523 = tpu.vector_load %arg5[%swap3A_522] {strides = array<i32>} : memref<8000xf32, #tpu.memory_space<vmem>>, vector<16xf32>,
      %swap3A_524 = vector.shape_cast %swap3A_523 : vector<16xf32> to vector<16xf32>
      %swap3A_525 = vector.shape_cast %get3A_521 : vector<16xf32> to vector<16xf32>
      tpu.vector_store %arg5[%swap3A_522], %swap3A_525 {strides = array<i32>} : memref<8000xf32, #tpu.memory_space<vmem>>, vector<16xf32>,
      %get3A_526 = arith.constant 878 : index
      %get3A_527 = tpu.vector_load %arg4[%get3A_526] {strides = array<i32>} : memref<6056xf32, #tpu.memory_space<vmem>>, vector<16xf32>,
      %get3A_528 = vector.shape_cast %get3A_527 : vector<16xf32> to vector<16xf32>
      %swap3A_529 = arith.constant 1128 : index
      %swap3A_530 = tpu.vector_load %arg5[%swap3A_529] {strides = array<i32>} : memref<8000xf32, #tpu.memory_space<vmem>>, vector<16xf32>,
      %swap3A_531 = vector.shape_cast %swap3A_530 : vector<16xf32> to vector<16xf32>
      %swap3A_532 = vector.shape_cast %get3A_528 : vector<16xf32> to vector<16xf32>
      tpu.vector_store %arg5[%swap3A_529], %swap3A_532 {strides = array<i32>} : memref<8000xf32, #tpu.memory_space<vmem>>, vector<16xf32>,
      %get3A_533 = arith.constant 894 : index
      %get3A_534 = tpu.vector_load %arg4[%get3A_533] {strides = array<i32>} : memref<6056xf32, #tpu.memory_space<vmem>>, vector<16xf32>,
      %get3A_535 = vector.shape_cast %get3A_534 : vector<16xf32> to vector<16xf32>
      %swap3A_536 = arith.constant 1144 : index
      %swap3A_537 = tpu.vector_load %arg5[%swap3A_536] {strides = array<i32>} : memref<8000xf32, #tpu.memory_space<vmem>>, vector<16xf32>,
      %swap3A_538 = vector.shape_cast %swap3A_537 : vector<16xf32> to vector<16xf32>
      %swap3A_539 = vector.shape_cast %get3A_535 : vector<16xf32> to vector<16xf32>
      tpu.vector_store %arg5[%swap3A_536], %swap3A_539 {strides = array<i32>} : memref<8000xf32, #tpu.memory_space<vmem>>, vector<16xf32>,
      %get3A_540 = arith.constant 910 : index
      %get3A_541 = tpu.vector_load %arg4[%get3A_540] {strides = array<i32>} : memref<6056xf32, #tpu.memory_space<vmem>>, vector<16xf32>,
      %get3A_542 = vector.shape_cast %get3A_541 : vector<16xf32> to vector<16xf32>
      %swap3A_543 = arith.constant 1160 : index
      %swap3A_544 = tpu.vector_load %arg5[%swap3A_543] {strides = array<i32>} : memref<8000xf32, #tpu.memory_space<vmem>>, vector<16xf32>,
      %swap3A_545 = vector.shape_cast %swap3A_544 : vector<16xf32> to vector<16xf32>
      %swap3A_546 = vector.shape_cast %get3A_542 : vector<16xf32> to vector<16xf32>
      tpu.vector_store %arg5[%swap3A_543], %swap3A_546 {strides = array<i32>} : memref<8000xf32, #tpu.memory_space<vmem>>, vector<16xf32>,
      %get3A_547 = arith.constant 926 : index
      %get3A_548 = tpu.vector_load %arg4[%get3A_547] {strides = array<i32>} : memref<6056xf32, #tpu.memory_space<vmem>>, vector<16xf32>,
      %get3A_549 = vector.shape_cast %get3A_548 : vector<16xf32> to vector<16xf32>
      %swap3A_550 = arith.constant 1176 : index
      %swap3A_551 = tpu.vector_load %arg5[%swap3A_550] {strides = array<i32>} : memref<8000xf32, #tpu.memory_space<vmem>>, vector<16xf32>,
      %swap3A_552 = vector.shape_cast %swap3A_551 : vector<16xf32> to vector<16xf32>
      %swap3A_553 = vector.shape_cast %get3A_549 : vector<16xf32> to vector<16xf32>
      tpu.vector_store %arg5[%swap3A_550], %swap3A_553 {strides = array<i32>} : memref<8000xf32, #tpu.memory_space<vmem>>, vector<16xf32>,
      %get3A_554 = arith.constant 934 : index
      %get3A_555 = tpu.vector_load %arg4[%get3A_554] {strides = array<i32>} : memref<6056xf32, #tpu.memory_space<vmem>>, vector<16xf32>,
      %get3A_556 = vector.shape_cast %get3A_555 : vector<16xf32> to vector<16xf32>
      %swap3A_557 = arith.constant 1184 : index
      %swap3A_558 = tpu.vector_load %arg5[%swap3A_557] {strides = array<i32>} : memref<8000xf32, #tpu.memory_space<vmem>>, vector<16xf32>,
      %swap3A_559 = vector.shape_cast %swap3A_558 : vector<16xf32> to vector<16xf32>
      %swap3A_560 = vector.shape_cast %get3A_556 : vector<16xf32> to vector<16xf32>
      tpu.vector_store %arg5[%swap3A_557], %swap3A_560 {strides = array<i32>} : memref<8000xf32, #tpu.memory_space<vmem>>, vector<16xf32>,
      %get3A_561 = arith.constant 900 : index
      %get3A_562 = tpu.vector_load %arg4[%get3A_561] {strides = array<i32>} : memref<6056xf32, #tpu.memory_space<vmem>>, vector<16xf32>,
      %get3A_563 = vector.shape_cast %get3A_562 : vector<16xf32> to vector<16xf32>
      %swap3A_564 = arith.constant 1200 : index
      %swap3A_565 = tpu.vector_load %arg5[%swap3A_564] {strides = array<i32>} : memref<8000xf32, #tpu.memory_space<vmem>>, vector<16xf32>,
      %swap3A_566 = vector.shape_cast %swap3A_565 : vector<16xf32> to vector<16xf32>
      %swap3A_567 = vector.shape_cast %get3A_563 : vector<16xf32> to vector<16xf32>
      tpu.vector_store %arg5[%swap3A_564], %swap3A_567 {strides = array<i32>} : memref<8000xf32, #tpu.memory_space<vmem>>, vector<16xf32>,
      %get3A_568 = arith.constant 916 : index
      %get3A_569 = tpu.vector_load %arg4[%get3A_568] {strides = array<i32>} : memref<6056xf32, #tpu.memory_space<vmem>>, vector<16xf32>,
      %get3A_570 = vector.shape_cast %get3A_569 : vector<16xf32> to vector<16xf32>
      %swap3A_571 = arith.constant 1216 : index
      %swap3A_572 = tpu.vector_load %arg5[%swap3A_571] {strides = array<i32>} : memref<8000xf32, #tpu.memory_space<vmem>>, vector<16xf32>,
      %swap3A_573 = vector.shape_cast %swap3A_572 : vector<16xf32> to vector<16xf32>
      %swap3A_574 = vector.shape_cast %get3A_570 : vector<16xf32> to vector<16xf32>
      tpu.vector_store %arg5[%swap3A_571], %swap3A_574 {strides = array<i32>} : memref<8000xf32, #tpu.memory_space<vmem>>, vector<16xf32>,
      %get3A_575 = arith.constant 932 : index
      %get3A_576 = tpu.vector_load %arg4[%get3A_575] {strides = array<i32>} : memref<6056xf32, #tpu.memory_space<vmem>>, vector<16xf32>,
      %get3A_577 = vector.shape_cast %get3A_576 : vector<16xf32> to vector<16xf32>
      %swap3A_578 = arith.constant 1232 : index
      %swap3A_579 = tpu.vector_load %arg5[%swap3A_578] {strides = array<i32>} : memref<8000xf32, #tpu.memory_space<vmem>>, vector<16xf32>,
      %swap3A_580 = vector.shape_cast %swap3A_579 : vector<16xf32> to vector<16xf32>
      %swap3A_581 = vector.shape_cast %get3A_577 : vector<16xf32> to vector<16xf32>
      tpu.vector_store %arg5[%swap3A_578], %swap3A_581 {strides = array<i32>} : memref<8000xf32, #tpu.memory_space<vmem>>, vector<16xf32>,
      %get3A_582 = arith.constant 948 : index
      %get3A_583 = tpu.vector_load %arg4[%get3A_582] {strides = array<i32>} : memref<6056xf32, #tpu.memory_space<vmem>>, vector<16xf32>,
      %get3A_584 = vector.shape_cast %get3A_583 : vector<16xf32> to vector<16xf32>
      %swap3A_585 = arith.constant 1248 : index
      %swap3A_586 = tpu.vector_load %arg5[%swap3A_585] {strides = array<i32>} : memref<8000xf32, #tpu.memory_space<vmem>>, vector<16xf32>,
      %swap3A_587 = vector.shape_cast %swap3A_586 : vector<16xf32> to vector<16xf32>
      %swap3A_588 = vector.shape_cast %get3A_584 : vector<16xf32> to vector<16xf32>
      tpu.vector_store %arg5[%swap3A_585], %swap3A_588 {strides = array<i32>} : memref<8000xf32, #tpu.memory_space<vmem>>, vector<16xf32>,
      %get3A_589 = arith.constant 964 : index
      %get3A_590 = tpu.vector_load %arg4[%get3A_589] {strides = array<i32>} : memref<6056xf32, #tpu.memory_space<vmem>>, vector<16xf32>,
      %get3A_591 = vector.shape_cast %get3A_590 : vector<16xf32> to vector<16xf32>
      %swap3A_592 = arith.constant 1264 : index
      %swap3A_593 = tpu.vector_load %arg5[%swap3A_592] {strides = array<i32>} : memref<8000xf32, #tpu.memory_space<vmem>>, vector<16xf32>,
      %swap3A_594 = vector.shape_cast %swap3A_593 : vector<16xf32> to vector<16xf32>
      %swap3A_595 = vector.shape_cast %get3A_591 : vector<16xf32> to vector<16xf32>
      tpu.vector_store %arg5[%swap3A_592], %swap3A_595 {strides = array<i32>} : memref<8000xf32, #tpu.memory_space<vmem>>, vector<16xf32>,
      %get3A_596 = arith.constant 980 : index
      %get3A_597 = tpu.vector_load %arg4[%get3A_596] {strides = array<i32>} : memref<6056xf32, #tpu.memory_space<vmem>>, vector<16xf32>,
      %get3A_598 = vector.shape_cast %get3A_597 : vector<16xf32> to vector<16xf32>
      %swap3A_599 = arith.constant 1280 : index
      %swap3A_600 = tpu.vector_load %arg5[%swap3A_599] {strides = array<i32>} : memref<8000xf32, #tpu.memory_space<vmem>>, vector<16xf32>,
      %swap3A_601 = vector.shape_cast %swap3A_600 : vector<16xf32> to vector<16xf32>
      %swap3A_602 = vector.shape_cast %get3A_598 : vector<16xf32> to vector<16xf32>
      tpu.vector_store %arg5[%swap3A_599], %swap3A_602 {strides = array<i32>} : memref<8000xf32, #tpu.memory_space<vmem>>, vector<16xf32>,
      %get3A_603 = arith.constant 996 : index
      %get3A_604 = tpu.vector_load %arg4[%get3A_603] {strides = array<i32>} : memref<6056xf32, #tpu.memory_space<vmem>>, vector<16xf32>,
      %get3A_605 = vector.shape_cast %get3A_604 : vector<16xf32> to vector<16xf32>
      %swap3A_606 = arith.constant 1296 : index
      %swap3A_607 = tpu.vector_load %arg5[%swap3A_606] {strides = array<i32>} : memref<8000xf32, #tpu.memory_space<vmem>>, vector<16xf32>,
      %swap3A_608 = vector.shape_cast %swap3A_607 : vector<16xf32> to vector<16xf32>
      %swap3A_609 = vector.shape_cast %get3A_605 : vector<16xf32> to vector<16xf32>
      tpu.vector_store %arg5[%swap3A_606], %swap3A_609 {strides = array<i32>} : memref<8000xf32, #tpu.memory_space<vmem>>, vector<16xf32>,
      %get3A_610 = arith.constant 1012 : index
      %get3A_611 = tpu.vector_load %arg4[%get3A_610] {strides = array<i32>} : memref<6056xf32, #tpu.memory_space<vmem>>, vector<16xf32>,
      %get3A_612 = vector.shape_cast %get3A_611 : vector<16xf32> to vector<16xf32>
      %swap3A_613 = arith.constant 1312 : index
      %swap3A_614 = tpu.vector_load %arg5[%swap3A_613] {strides = array<i32>} : memref<8000xf32, #tpu.memory_space<vmem>>, vector<16xf32>,
      %swap3A_615 = vector.shape_cast %swap3A_614 : vector<16xf32> to vector<16xf32>
      %swap3A_616 = vector.shape_cast %get3A_612 : vector<16xf32> to vector<16xf32>
      tpu.vector_store %arg5[%swap3A_613], %swap3A_616 {strides = array<i32>} : memref<8000xf32, #tpu.memory_space<vmem>>, vector<16xf32>,
      %get3A_617 = arith.constant 1028 : index
      %get3A_618 = tpu.vector_load %arg4[%get3A_617] {strides = array<i32>} : memref<6056xf32, #tpu.memory_space<vmem>>, vector<16xf32>,
      %get3A_619 = vector.shape_cast %get3A_618 : vector<16xf32> to vector<16xf32>
      %swap3A_620 = arith.constant 1328 : index
      %swap3A_621 = tpu.vector_load %arg5[%swap3A_620] {strides = array<i32>} : memref<8000xf32, #tpu.memory_space<vmem>>, vector<16xf32>,
      %swap3A_622 = vector.shape_cast %swap3A_621 : vector<16xf32> to vector<16xf32>
      %swap3A_623 = vector.shape_cast %get3A_619 : vector<16xf32> to vector<16xf32>
      tpu.vector_store %arg5[%swap3A_620], %swap3A_623 {strides = array<i32>} : memref<8000xf32, #tpu.memory_space<vmem>>, vector<16xf32>,
      %get3A_624 = arith.constant 1044 : index
      %get3A_625 = tpu.vector_load %arg4[%get3A_624] {strides = array<i32>} : memref<6056xf32, #tpu.memory_space<vmem>>, vector<16xf32>,
      %get3A_626 = vector.shape_cast %get3A_625 : vector<16xf32> to vector<16xf32>
      %swap3A_627 = arith.constant 1344 : index
      %swap3A_628 = tpu.vector_load %arg5[%swap3A_627] {strides = array<i32>} : memref<8000xf32, #tpu.memory_space<vmem>>, vector<16xf32>,
      %swap3A_629 = vector.shape_cast %swap3A_628 : vector<16xf32> to vector<16xf32>
      %swap3A_630 = vector.shape_cast %get3A_626 : vector<16xf32> to vector<16xf32>
      tpu.vector_store %arg5[%swap3A_627], %swap3A_630 {strides = array<i32>} : memref<8000xf32, #tpu.memory_space<vmem>>, vector<16xf32>,
      %get3A_631 = arith.constant 1060 : index
      %get3A_632 = tpu.vector_load %arg4[%get3A_631] {strides = array<i32>} : memref<6056xf32, #tpu.memory_space<vmem>>, vector<16xf32>,
      %get3A_633 = vector.shape_cast %get3A_632 : vector<16xf32> to vector<16xf32>
      %swap3A_634 = arith.constant 1360 : index
      %swap3A_635 = tpu.vector_load %arg5[%swap3A_634] {strides = array<i32>} : memref<8000xf32, #tpu.memory_space<vmem>>, vector<16xf32>,
      %swap3A_636 = vector.shape_cast %swap3A_635 : vector<16xf32> to vector<16xf32>
      %swap3A_637 = vector.shape_cast %get3A_633 : vector<16xf32> to vector<16xf32>
      tpu.vector_store %arg5[%swap3A_634], %swap3A_637 {strides = array<i32>} : memref<8000xf32, #tpu.memory_space<vmem>>, vector<16xf32>,
      %get3A_638 = arith.constant 1076 : index
      %get3A_639 = tpu.vector_load %arg4[%get3A_638] {strides = array<i32>} : memref<6056xf32, #tpu.memory_space<vmem>>, vector<16xf32>,
      %get3A_640 = vector.shape_cast %get3A_639 : vector<16xf32> to vector<16xf32>
      %swap3A_641 = arith.constant 1376 : index
      %swap3A_642 = tpu.vector_load %arg5[%swap3A_641] {strides = array<i32>} : memref<8000xf32, #tpu.memory_space<vmem>>, vector<16xf32>,
      %swap3A_643 = vector.shape_cast %swap3A_642 : vector<16xf32> to vector<16xf32>
      %swap3A_644 = vector.shape_cast %get3A_640 : vector<16xf32> to vector<16xf32>
      tpu.vector_store %arg5[%swap3A_641], %swap3A_644 {strides = array<i32>} : memref<8000xf32, #tpu.memory_space<vmem>>, vector<16xf32>,
      %get3A_645 = arith.constant 1084 : index
      %get3A_646 = tpu.vector_load %arg4[%get3A_645] {strides = array<i32>} : memref<6056xf32, #tpu.memory_space<vmem>>, vector<16xf32>,
      %get3A_647 = vector.shape_cast %get3A_646 : vector<16xf32> to vector<16xf32>
      %swap3A_648 = arith.constant 1384 : index
      %swap3A_649 = tpu.vector_load %arg5[%swap3A_648] {strides = array<i32>} : memref<8000xf32, #tpu.memory_space<vmem>>, vector<16xf32>,
      %swap3A_650 = vector.shape_cast %swap3A_649 : vector<16xf32> to vector<16xf32>
      %swap3A_651 = vector.shape_cast %get3A_647 : vector<16xf32> to vector<16xf32>
      tpu.vector_store %arg5[%swap3A_648], %swap3A_651 {strides = array<i32>} : memref<8000xf32, #tpu.memory_space<vmem>>, vector<16xf32>,
      %get3A_652 = arith.constant 1050 : index
      %get3A_653 = tpu.vector_load %arg4[%get3A_652] {strides = array<i32>} : memref<6056xf32, #tpu.memory_space<vmem>>, vector<16xf32>,
      %get3A_654 = vector.shape_cast %get3A_653 : vector<16xf32> to vector<16xf32>
      %swap3A_655 = arith.constant 1400 : index
      %swap3A_656 = tpu.vector_load %arg5[%swap3A_655] {strides = array<i32>} : memref<8000xf32, #tpu.memory_space<vmem>>, vector<16xf32>,
      %swap3A_657 = vector.shape_cast %swap3A_656 : vector<16xf32> to vector<16xf32>
      %swap3A_658 = vector.shape_cast %get3A_654 : vector<16xf32> to vector<16xf32>
      tpu.vector_store %arg5[%swap3A_655], %swap3A_658 {strides = array<i32>} : memref<8000xf32, #tpu.memory_space<vmem>>, vector<16xf32>,
      %get3A_659 = arith.constant 1066 : index
      %get3A_660 = tpu.vector_load %arg4[%get3A_659] {strides = array<i32>} : memref<6056xf32, #tpu.memory_space<vmem>>, vector<16xf32>,
      %get3A_661 = vector.shape_cast %get3A_660 : vector<16xf32> to vector<16xf32>
      %swap3A_662 = arith.constant 1416 : index
      %swap3A_663 = tpu.vector_load %arg5[%swap3A_662] {strides = array<i32>} : memref<8000xf32, #tpu.memory_space<vmem>>, vector<16xf32>,
      %swap3A_664 = vector.shape_cast %swap3A_663 : vector<16xf32> to vector<16xf32>
      %swap3A_665 = vector.shape_cast %get3A_661 : vector<16xf32> to vector<16xf32>
      tpu.vector_store %arg5[%swap3A_662], %swap3A_665 {strides = array<i32>} : memref<8000xf32, #tpu.memory_space<vmem>>, vector<16xf32>,
      %get3A_666 = arith.constant 1082 : index
      %get3A_667 = tpu.vector_load %arg4[%get3A_666] {strides = array<i32>} : memref<6056xf32, #tpu.memory_space<vmem>>, vector<16xf32>,
      %get3A_668 = vector.shape_cast %get3A_667 : vector<16xf32> to vector<16xf32>
      %swap3A_669 = arith.constant 1432 : index
      %swap3A_670 = tpu.vector_load %arg5[%swap3A_669] {strides = array<i32>} : memref<8000xf32, #tpu.memory_space<vmem>>, vector<16xf32>,
      %swap3A_671 = vector.shape_cast %swap3A_670 : vector<16xf32> to vector<16xf32>
      %swap3A_672 = vector.shape_cast %get3A_668 : vector<16xf32> to vector<16xf32>
      tpu.vector_store %arg5[%swap3A_669], %swap3A_672 {strides = array<i32>} : memref<8000xf32, #tpu.memory_space<vmem>>, vector<16xf32>,
      %get3A_673 = arith.constant 1098 : index
      %get3A_674 = tpu.vector_load %arg4[%get3A_673] {strides = array<i32>} : memref<6056xf32, #tpu.memory_space<vmem>>, vector<16xf32>,
      %get3A_675 = vector.shape_cast %get3A_674 : vector<16xf32> to vector<16xf32>
      %swap3A_676 = arith.constant 1448 : index
      %swap3A_677 = tpu.vector_load %arg5[%swap3A_676] {strides = array<i32>} : memref<8000xf32, #tpu.memory_space<vmem>>, vector<16xf32>,
      %swap3A_678 = vector.shape_cast %swap3A_677 : vector<16xf32> to vector<16xf32>
      %swap3A_679 = vector.shape_cast %get3A_675 : vector<16xf32> to vector<16xf32>
      tpu.vector_store %arg5[%swap3A_676], %swap3A_679 {strides = array<i32>} : memref<8000xf32, #tpu.memory_space<vmem>>, vector<16xf32>,
      %get3A_680 = arith.constant 1114 : index
      %get3A_681 = tpu.vector_load %arg4[%get3A_680] {strides = array<i32>} : memref<6056xf32, #tpu.memory_space<vmem>>, vector<16xf32>,
      %get3A_682 = vector.shape_cast %get3A_681 : vector<16xf32> to vector<16xf32>
      %swap3A_683 = arith.constant 1464 : index
      %swap3A_684 = tpu.vector_load %arg5[%swap3A_683] {strides = array<i32>} : memref<8000xf32, #tpu.memory_space<vmem>>, vector<16xf32>,
      %swap3A_685 = vector.shape_cast %swap3A_684 : vector<16xf32> to vector<16xf32>
      %swap3A_686 = vector.shape_cast %get3A_682 : vector<16xf32> to vector<16xf32>
      tpu.vector_store %arg5[%swap3A_683], %swap3A_686 {strides = array<i32>} : memref<8000xf32, #tpu.memory_space<vmem>>, vector<16xf32>,
      %get3A_687 = arith.constant 1130 : index
      %get3A_688 = tpu.vector_load %arg4[%get3A_687] {strides = array<i32>} : memref<6056xf32, #tpu.memory_space<vmem>>, vector<16xf32>,
      %get3A_689 = vector.shape_cast %get3A_688 : vector<16xf32> to vector<16xf32>
      %swap3A_690 = arith.constant 1480 : index
      %swap3A_691 = tpu.vector_load %arg5[%swap3A_690] {strides = array<i32>} : memref<8000xf32, #tpu.memory_space<vmem>>, vector<16xf32>,
      %swap3A_692 = vector.shape_cast %swap3A_691 : vector<16xf32> to vector<16xf32>
      %swap3A_693 = vector.shape_cast %get3A_689 : vector<16xf32> to vector<16xf32>
      tpu.vector_store %arg5[%swap3A_690], %swap3A_693 {strides = array<i32>} : memref<8000xf32, #tpu.memory_space<vmem>>, vector<16xf32>,
      %get3A_694 = arith.constant 1146 : index
      %get3A_695 = tpu.vector_load %arg4[%get3A_694] {strides = array<i32>} : memref<6056xf32, #tpu.memory_space<vmem>>, vector<16xf32>,
      %get3A_696 = vector.shape_cast %get3A_695 : vector<16xf32> to vector<16xf32>
      %swap3A_697 = arith.constant 1496 : index
      %swap3A_698 = tpu.vector_load %arg5[%swap3A_697] {strides = array<i32>} : memref<8000xf32, #tpu.memory_space<vmem>>, vector<16xf32>,
      %swap3A_699 = vector.shape_cast %swap3A_698 : vector<16xf32> to vector<16xf32>
      %swap3A_700 = vector.shape_cast %get3A_696 : vector<16xf32> to vector<16xf32>
      tpu.vector_store %arg5[%swap3A_697], %swap3A_700 {strides = array<i32>} : memref<8000xf32, #tpu.memory_space<vmem>>, vector<16xf32>,
      %get3A_701 = arith.constant 1162 : index
      %get3A_702 = tpu.vector_load %arg4[%get3A_701] {strides = array<i32>} : memref<6056xf32, #tpu.memory_space<vmem>>, vector<16xf32>,
      %get3A_703 = vector.shape_cast %get3A_702 : vector<16xf32> to vector<16xf32>
      %swap3A_704 = arith.constant 1512 : index
      %swap3A_705 = tpu.vector_load %arg5[%swap3A_704] {strides = array<i32>} : memref<8000xf32, #tpu.memory_space<vmem>>, vector<16xf32>,
      %swap3A_706 = vector.shape_cast %swap3A_705 : vector<16xf32> to vector<16xf32>
      %swap3A_707 = vector.shape_cast %get3A_703 : vector<16xf32> to vector<16xf32>
      tpu.vector_store %arg5[%swap3A_704], %swap3A_707 {strides = array<i32>} : memref<8000xf32, #tpu.memory_space<vmem>>, vector<16xf32>,
      %get3A_708 = arith.constant 1178 : index
      %get3A_709 = tpu.vector_load %arg4[%get3A_708] {strides = array<i32>} : memref<6056xf32, #tpu.memory_space<vmem>>, vector<16xf32>,
      %get3A_710 = vector.shape_cast %get3A_709 : vector<16xf32> to vector<16xf32>
      %swap3A_711 = arith.constant 1528 : index
      %swap3A_712 = tpu.vector_load %arg5[%swap3A_711] {strides = array<i32>} : memref<8000xf32, #tpu.memory_space<vmem>>, vector<16xf32>,
      %swap3A_713 = vector.shape_cast %swap3A_712 : vector<16xf32> to vector<16xf32>
      %swap3A_714 = vector.shape_cast %get3A_710 : vector<16xf32> to vector<16xf32>
      tpu.vector_store %arg5[%swap3A_711], %swap3A_714 {strides = array<i32>} : memref<8000xf32, #tpu.memory_space<vmem>>, vector<16xf32>,
      %get3A_715 = arith.constant 1194 : index
      %get3A_716 = tpu.vector_load %arg4[%get3A_715] {strides = array<i32>} : memref<6056xf32, #tpu.memory_space<vmem>>, vector<16xf32>,
      %get3A_717 = vector.shape_cast %get3A_716 : vector<16xf32> to vector<16xf32>
      %swap3A_718 = arith.constant 1544 : index
      %swap3A_719 = tpu.vector_load %arg5[%swap3A_718] {strides = array<i32>} : memref<8000xf32, #tpu.memory_space<vmem>>, vector<16xf32>,
      %swap3A_720 = vector.shape_cast %swap3A_719 : vector<16xf32> to vector<16xf32>
      %swap3A_721 = vector.shape_cast %get3A_717 : vector<16xf32> to vector<16xf32>
      tpu.vector_store %arg5[%swap3A_718], %swap3A_721 {strides = array<i32>} : memref<8000xf32, #tpu.memory_space<vmem>>, vector<16xf32>,
      %get3A_722 = arith.constant 1210 : index
      %get3A_723 = tpu.vector_load %arg4[%get3A_722] {strides = array<i32>} : memref<6056xf32, #tpu.memory_space<vmem>>, vector<16xf32>,
      %get3A_724 = vector.shape_cast %get3A_723 : vector<16xf32> to vector<16xf32>
      %swap3A_725 = arith.constant 1560 : index
      %swap3A_726 = tpu.vector_load %arg5[%swap3A_725] {strides = array<i32>} : memref<8000xf32, #tpu.memory_space<vmem>>, vector<16xf32>,
      %swap3A_727 = vector.shape_cast %swap3A_726 : vector<16xf32> to vector<16xf32>
      %swap3A_728 = vector.shape_cast %get3A_724 : vector<16xf32> to vector<16xf32>
      tpu.vector_store %arg5[%swap3A_725], %swap3A_728 {strides = array<i32>} : memref<8000xf32, #tpu.memory_space<vmem>>, vector<16xf32>,
      %get3A_729 = arith.constant 1226 : index
      %get3A_730 = tpu.vector_load %arg4[%get3A_729] {strides = array<i32>} : memref<6056xf32, #tpu.memory_space<vmem>>, vector<16xf32>,
      %get3A_731 = vector.shape_cast %get3A_730 : vector<16xf32> to vector<16xf32>
      %swap3A_732 = arith.constant 1576 : index
      %swap3A_733 = tpu.vector_load %arg5[%swap3A_732] {strides = array<i32>} : memref<8000xf32, #tpu.memory_space<vmem>>, vector<16xf32>,
      %swap3A_734 = vector.shape_cast %swap3A_733 : vector<16xf32> to vector<16xf32>
      %swap3A_735 = vector.shape_cast %get3A_731 : vector<16xf32> to vector<16xf32>
      tpu.vector_store %arg5[%swap3A_732], %swap3A_735 {strides = array<i32>} : memref<8000xf32, #tpu.memory_space<vmem>>, vector<16xf32>,
      %get3A_736 = arith.constant 1234 : index
      %get3A_737 = tpu.vector_load %arg4[%get3A_736] {strides = array<i32>} : memref<6056xf32, #tpu.memory_space<vmem>>, vector<16xf32>,
      %get3A_738 = vector.shape_cast %get3A_737 : vector<16xf32> to vector<16xf32>
      %swap3A_739 = arith.constant 1584 : index
      %swap3A_740 = tpu.vector_load %arg5[%swap3A_739] {strides = array<i32>} : memref<8000xf32, #tpu.memory_space<vmem>>, vector<16xf32>,
      %swap3A_741 = vector.shape_cast %swap3A_740 : vector<16xf32> to vector<16xf32>
      %swap3A_742 = vector.shape_cast %get3A_738 : vector<16xf32> to vector<16xf32>
      tpu.vector_store %arg5[%swap3A_739], %swap3A_742 {strides = array<i32>} : memref<8000xf32, #tpu.memory_space<vmem>>, vector<16xf32>,
      %get3A_743 = arith.constant 1200 : index
      %get3A_744 = tpu.vector_load %arg4[%get3A_743] {strides = array<i32>} : memref<6056xf32, #tpu.memory_space<vmem>>, vector<16xf32>,
      %get3A_745 = vector.shape_cast %get3A_744 : vector<16xf32> to vector<16xf32>
      %swap3A_746 = arith.constant 1600 : index
      %swap3A_747 = tpu.vector_load %arg5[%swap3A_746] {strides = array<i32>} : memref<8000xf32, #tpu.memory_space<vmem>>, vector<16xf32>,
      %swap3A_748 = vector.shape_cast %swap3A_747 : vector<16xf32> to vector<16xf32>
      %swap3A_749 = vector.shape_cast %get3A_745 : vector<16xf32> to vector<16xf32>
      tpu.vector_store %arg5[%swap3A_746], %swap3A_749 {strides = array<i32>} : memref<8000xf32, #tpu.memory_space<vmem>>, vector<16xf32>,
      %get3A_750 = arith.constant 1216 : index
      %get3A_751 = tpu.vector_load %arg4[%get3A_750] {strides = array<i32>} : memref<6056xf32, #tpu.memory_space<vmem>>, vector<16xf32>,
      %get3A_752 = vector.shape_cast %get3A_751 : vector<16xf32> to vector<16xf32>
      %swap3A_753 = arith.constant 1616 : index
      %swap3A_754 = tpu.vector_load %arg5[%swap3A_753] {strides = array<i32>} : memref<8000xf32, #tpu.memory_space<vmem>>, vector<16xf32>,
      %swap3A_755 = vector.shape_cast %swap3A_754 : vector<16xf32> to vector<16xf32>
      %swap3A_756 = vector.shape_cast %get3A_752 : vector<16xf32> to vector<16xf32>
      tpu.vector_store %arg5[%swap3A_753], %swap3A_756 {strides = array<i32>} : memref<8000xf32, #tpu.memory_space<vmem>>, vector<16xf32>,
      %get3A_757 = arith.constant 1232 : index
      %get3A_758 = tpu.vector_load %arg4[%get3A_757] {strides = array<i32>} : memref<6056xf32, #tpu.memory_space<vmem>>, vector<16xf32>,
      %get3A_759 = vector.shape_cast %get3A_758 : vector<16xf32> to vector<16xf32>
      %swap3A_760 = arith.constant 1632 : index
      %swap3A_761 = tpu.vector_load %arg5[%swap3A_760] {strides = array<i32>} : memref<8000xf32, #tpu.memory_space<vmem>>, vector<16xf32>,
      %swap3A_762 = vector.shape_cast %swap3A_761 : vector<16xf32> to vector<16xf32>
      %swap3A_763 = vector.shape_cast %get3A_759 : vector<16xf32> to vector<16xf32>
      tpu.vector_store %arg5[%swap3A_760], %swap3A_763 {strides = array<i32>} : memref<8000xf32, #tpu.memory_space<vmem>>, vector<16xf32>,
      %get3A_764 = arith.constant 1248 : index
      %get3A_765 = tpu.vector_load %arg4[%get3A_764] {strides = array<i32>} : memref<6056xf32, #tpu.memory_space<vmem>>, vector<16xf32>,
      %get3A_766 = vector.shape_cast %get3A_765 : vector<16xf32> to vector<16xf32>
      %swap3A_767 = arith.constant 1648 : index
      %swap3A_768 = tpu.vector_load %arg5[%swap3A_767] {strides = array<i32>} : memref<8000xf32, #tpu.memory_space<vmem>>, vector<16xf32>,
      %swap3A_769 = vector.shape_cast %swap3A_768 : vector<16xf32> to vector<16xf32>
      %swap3A_770 = vector.shape_cast %get3A_766 : vector<16xf32> to vector<16xf32>
      tpu.vector_store %arg5[%swap3A_767], %swap3A_770 {strides = array<i32>} : memref<8000xf32, #tpu.memory_space<vmem>>, vector<16xf32>,
      %get3A_771 = arith.constant 1264 : index
      %get3A_772 = tpu.vector_load %arg4[%get3A_771] {strides = array<i32>} : memref<6056xf32, #tpu.memory_space<vmem>>, vector<16xf32>,
      %get3A_773 = vector.shape_cast %get3A_772 : vector<16xf32> to vector<16xf32>
      %swap3A_774 = arith.constant 1664 : index
      %swap3A_775 = tpu.vector_load %arg5[%swap3A_774] {strides = array<i32>} : memref<8000xf32, #tpu.memory_space<vmem>>, vector<16xf32>,
      %swap3A_776 = vector.shape_cast %swap3A_775 : vector<16xf32> to vector<16xf32>
      %swap3A_777 = vector.shape_cast %get3A_773 : vector<16xf32> to vector<16xf32>
      tpu.vector_store %arg5[%swap3A_774], %swap3A_777 {strides = array<i32>} : memref<8000xf32, #tpu.memory_space<vmem>>, vector<16xf32>,
      %get3A_778 = arith.constant 1280 : index
      %get3A_779 = tpu.vector_load %arg4[%get3A_778] {strides = array<i32>} : memref<6056xf32, #tpu.memory_space<vmem>>, vector<16xf32>,
      %get3A_780 = vector.shape_cast %get3A_779 : vector<16xf32> to vector<16xf32>
      %swap3A_781 = arith.constant 1680 : index
      %swap3A_782 = tpu.vector_load %arg5[%swap3A_781] {strides = array<i32>} : memref<8000xf32, #tpu.memory_space<vmem>>, vector<16xf32>,
      %swap3A_783 = vector.shape_cast %swap3A_782 : vector<16xf32> to vector<16xf32>
      %swap3A_784 = vector.shape_cast %get3A_780 : vector<16xf32> to vector<16xf32>
      tpu.vector_store %arg5[%swap3A_781], %swap3A_784 {strides = array<i32>} : memref<8000xf32, #tpu.memory_space<vmem>>, vector<16xf32>,
      %get3A_785 = arith.constant 1296 : index
      %get3A_786 = tpu.vector_load %arg4[%get3A_785] {strides = array<i32>} : memref<6056xf32, #tpu.memory_space<vmem>>, vector<16xf32>,
      %get3A_787 = vector.shape_cast %get3A_786 : vector<16xf32> to vector<16xf32>
      %swap3A_788 = arith.constant 1696 : index
      %swap3A_789 = tpu.vector_load %arg5[%swap3A_788] {strides = array<i32>} : memref<8000xf32, #tpu.memory_space<vmem>>, vector<16xf32>,
      %swap3A_790 = vector.shape_cast %swap3A_789 : vector<16xf32> to vector<16xf32>
      %swap3A_791 = vector.shape_cast %get3A_787 : vector<16xf32> to vector<16xf32>
      tpu.vector_store %arg5[%swap3A_788], %swap3A_791 {strides = array<i32>} : memref<8000xf32, #tpu.memory_space<vmem>>, vector<16xf32>,
      %get3A_792 = arith.constant 1312 : index
      %get3A_793 = tpu.vector_load %arg4[%get3A_792] {strides = array<i32>} : memref<6056xf32, #tpu.memory_space<vmem>>, vector<16xf32>,
      %get3A_794 = vector.shape_cast %get3A_793 : vector<16xf32> to vector<16xf32>
      %swap3A_795 = arith.constant 1712 : index
      %swap3A_796 = tpu.vector_load %arg5[%swap3A_795] {strides = array<i32>} : memref<8000xf32, #tpu.memory_space<vmem>>, vector<16xf32>,
      %swap3A_797 = vector.shape_cast %swap3A_796 : vector<16xf32> to vector<16xf32>
      %swap3A_798 = vector.shape_cast %get3A_794 : vector<16xf32> to vector<16xf32>
      tpu.vector_store %arg5[%swap3A_795], %swap3A_798 {strides = array<i32>} : memref<8000xf32, #tpu.memory_space<vmem>>, vector<16xf32>,
      %get3A_799 = arith.constant 1328 : index
      %get3A_800 = tpu.vector_load %arg4[%get3A_799] {strides = array<i32>} : memref<6056xf32, #tpu.memory_space<vmem>>, vector<16xf32>,
      %get3A_801 = vector.shape_cast %get3A_800 : vector<16xf32> to vector<16xf32>
      %swap3A_802 = arith.constant 1728 : index
      %swap3A_803 = tpu.vector_load %arg5[%swap3A_802] {strides = array<i32>} : memref<8000xf32, #tpu.memory_space<vmem>>, vector<16xf32>,
      %swap3A_804 = vector.shape_cast %swap3A_803 : vector<16xf32> to vector<16xf32>
      %swap3A_805 = vector.shape_cast %get3A_801 : vector<16xf32> to vector<16xf32>
      tpu.vector_store %arg5[%swap3A_802], %swap3A_805 {strides = array<i32>} : memref<8000xf32, #tpu.memory_space<vmem>>, vector<16xf32>,
      %get3A_806 = arith.constant 1344 : index
      %get3A_807 = tpu.vector_load %arg4[%get3A_806] {strides = array<i32>} : memref<6056xf32, #tpu.memory_space<vmem>>, vector<16xf32>,
      %get3A_808 = vector.shape_cast %get3A_807 : vector<16xf32> to vector<16xf32>
      %swap3A_809 = arith.constant 1744 : index
      %swap3A_810 = tpu.vector_load %arg5[%swap3A_809] {strides = array<i32>} : memref<8000xf32, #tpu.memory_space<vmem>>, vector<16xf32>,
      %swap3A_811 = vector.shape_cast %swap3A_810 : vector<16xf32> to vector<16xf32>
      %swap3A_812 = vector.shape_cast %get3A_808 : vector<16xf32> to vector<16xf32>
      tpu.vector_store %arg5[%swap3A_809], %swap3A_812 {strides = array<i32>} : memref<8000xf32, #tpu.memory_space<vmem>>, vector<16xf32>,
      %get3A_813 = arith.constant 1360 : index
      %get3A_814 = tpu.vector_load %arg4[%get3A_813] {strides = array<i32>} : memref<6056xf32, #tpu.memory_space<vmem>>, vector<16xf32>,
      %get3A_815 = vector.shape_cast %get3A_814 : vector<16xf32> to vector<16xf32>
      %swap3A_816 = arith.constant 1760 : index
      %swap3A_817 = tpu.vector_load %arg5[%swap3A_816] {strides = array<i32>} : memref<8000xf32, #tpu.memory_space<vmem>>, vector<16xf32>,
      %swap3A_818 = vector.shape_cast %swap3A_817 : vector<16xf32> to vector<16xf32>
      %swap3A_819 = vector.shape_cast %get3A_815 : vector<16xf32> to vector<16xf32>
      tpu.vector_store %arg5[%swap3A_816], %swap3A_819 {strides = array<i32>} : memref<8000xf32, #tpu.memory_space<vmem>>, vector<16xf32>,
      %get3A_820 = arith.constant 1376 : index
      %get3A_821 = tpu.vector_load %arg4[%get3A_820] {strides = array<i32>} : memref<6056xf32, #tpu.memory_space<vmem>>, vector<16xf32>,
      %get3A_822 = vector.shape_cast %get3A_821 : vector<16xf32> to vector<16xf32>
      %swap3A_823 = arith.constant 1776 : index
      %swap3A_824 = tpu.vector_load %arg5[%swap3A_823] {strides = array<i32>} : memref<8000xf32, #tpu.memory_space<vmem>>, vector<16xf32>,
      %swap3A_825 = vector.shape_cast %swap3A_824 : vector<16xf32> to vector<16xf32>
      %swap3A_826 = vector.shape_cast %get3A_822 : vector<16xf32> to vector<16xf32>
      tpu.vector_store %arg5[%swap3A_823], %swap3A_826 {strides = array<i32>} : memref<8000xf32, #tpu.memory_space<vmem>>, vector<16xf32>,
      %get3A_827 = arith.constant 1384 : index
      %get3A_828 = tpu.vector_load %arg4[%get3A_827] {strides = array<i32>} : memref<6056xf32, #tpu.memory_space<vmem>>, vector<16xf32>,
      %get3A_829 = vector.shape_cast %get3A_828 : vector<16xf32> to vector<16xf32>
      %swap3A_830 = arith.constant 1784 : index
      %swap3A_831 = tpu.vector_load %arg5[%swap3A_830] {strides = array<i32>} : memref<8000xf32, #tpu.memory_space<vmem>>, vector<16xf32>,
      %swap3A_832 = vector.shape_cast %swap3A_831 : vector<16xf32> to vector<16xf32>
      %swap3A_833 = vector.shape_cast %get3A_829 : vector<16xf32> to vector<16xf32>
      tpu.vector_store %arg5[%swap3A_830], %swap3A_833 {strides = array<i32>} : memref<8000xf32, #tpu.memory_space<vmem>>, vector<16xf32>,
      %get3A_834 = arith.constant 1350 : index
      %get3A_835 = tpu.vector_load %arg4[%get3A_834] {strides = array<i32>} : memref<6056xf32, #tpu.memory_space<vmem>>, vector<16xf32>,
      %get3A_836 = vector.shape_cast %get3A_835 : vector<16xf32> to vector<16xf32>
      %swap3A_837 = arith.constant 1800 : index
      %swap3A_838 = tpu.vector_load %arg5[%swap3A_837] {strides = array<i32>} : memref<8000xf32, #tpu.memory_space<vmem>>, vector<16xf32>,
      %swap3A_839 = vector.shape_cast %swap3A_838 : vector<16xf32> to vector<16xf32>
      %swap3A_840 = vector.shape_cast %get3A_836 : vector<16xf32> to vector<16xf32>
      tpu.vector_store %arg5[%swap3A_837], %swap3A_840 {strides = array<i32>} : memref<8000xf32, #tpu.memory_space<vmem>>, vector<16xf32>,
      %get3A_841 = arith.constant 1366 : index
      %get3A_842 = tpu.vector_load %arg4[%get3A_841] {strides = array<i32>} : memref<6056xf32, #tpu.memory_space<vmem>>, vector<16xf32>,
      %get3A_843 = vector.shape_cast %get3A_842 : vector<16xf32> to vector<16xf32>
      %swap3A_844 = arith.constant 1816 : index
      %swap3A_845 = tpu.vector_load %arg5[%swap3A_844] {strides = array<i32>} : memref<8000xf32, #tpu.memory_space<vmem>>, vector<16xf32>,
      %swap3A_846 = vector.shape_cast %swap3A_845 : vector<16xf32> to vector<16xf32>
      %swap3A_847 = vector.shape_cast %get3A_843 : vector<16xf32> to vector<16xf32>
      tpu.vector_store %arg5[%swap3A_844], %swap3A_847 {strides = array<i32>} : memref<8000xf32, #tpu.memory_space<vmem>>, vector<16xf32>,
      %get3A_848 = arith.constant 1382 : index
      %get3A_849 = tpu.vector_load %arg4[%get3A_848] {strides = array<i32>} : memref<6056xf32, #tpu.memory_space<vmem>>, vector<16xf32>,
      %get3A_850 = vector.shape_cast %get3A_849 : vector<16xf32> to vector<16xf32>
      %swap3A_851 = arith.constant 1832 : index
      %swap3A_852 = tpu.vector_load %arg5[%swap3A_851] {strides = array<i32>} : memref<8000xf32, #tpu.memory_space<vmem>>, vector<16xf32>,
      %swap3A_853 = vector.shape_cast %swap3A_852 : vector<16xf32> to vector<16xf32>
      %swap3A_854 = vector.shape_cast %get3A_850 : vector<16xf32> to vector<16xf32>
      tpu.vector_store %arg5[%swap3A_851], %swap3A_854 {strides = array<i32>} : memref<8000xf32, #tpu.memory_space<vmem>>, vector<16xf32>,
      %get3A_855 = arith.constant 1398 : index
      %get3A_856 = tpu.vector_load %arg4[%get3A_855] {strides = array<i32>} : memref<6056xf32, #tpu.memory_space<vmem>>, vector<16xf32>,
      %get3A_857 = vector.shape_cast %get3A_856 : vector<16xf32> to vector<16xf32>
      %swap3A_858 = arith.constant 1848 : index
      %swap3A_859 = tpu.vector_load %arg5[%swap3A_858] {strides = array<i32>} : memref<8000xf32, #tpu.memory_space<vmem>>, vector<16xf32>,
      %swap3A_860 = vector.shape_cast %swap3A_859 : vector<16xf32> to vector<16xf32>
      %swap3A_861 = vector.shape_cast %get3A_857 : vector<16xf32> to vector<16xf32>
      tpu.vector_store %arg5[%swap3A_858], %swap3A_861 {strides = array<i32>} : memref<8000xf32, #tpu.memory_space<vmem>>, vector<16xf32>,
      %get3A_862 = arith.constant 1414 : index
      %get3A_863 = tpu.vector_load %arg4[%get3A_862] {strides = array<i32>} : memref<6056xf32, #tpu.memory_space<vmem>>, vector<16xf32>,
      %get3A_864 = vector.shape_cast %get3A_863 : vector<16xf32> to vector<16xf32>
      %swap3A_865 = arith.constant 1864 : index
      %swap3A_866 = tpu.vector_load %arg5[%swap3A_865] {strides = array<i32>} : memref<8000xf32, #tpu.memory_space<vmem>>, vector<16xf32>,
      %swap3A_867 = vector.shape_cast %swap3A_866 : vector<16xf32> to vector<16xf32>
      %swap3A_868 = vector.shape_cast %get3A_864 : vector<16xf32> to vector<16xf32>
      tpu.vector_store %arg5[%swap3A_865], %swap3A_868 {strides = array<i32>} : memref<8000xf32, #tpu.memory_space<vmem>>, vector<16xf32>,
      %get3A_869 = arith.constant 1430 : index
      %get3A_870 = tpu.vector_load %arg4[%get3A_869] {strides = array<i32>} : memref<6056xf32, #tpu.memory_space<vmem>>, vector<16xf32>,
      %get3A_871 = vector.shape_cast %get3A_870 : vector<16xf32> to vector<16xf32>
      %swap3A_872 = arith.constant 1880 : index
      %swap3A_873 = tpu.vector_load %arg5[%swap3A_872] {strides = array<i32>} : memref<8000xf32, #tpu.memory_space<vmem>>, vector<16xf32>,
      %swap3A_874 = vector.shape_cast %swap3A_873 : vector<16xf32> to vector<16xf32>
      %swap3A_875 = vector.shape_cast %get3A_871 : vector<16xf32> to vector<16xf32>
      tpu.vector_store %arg5[%swap3A_872], %swap3A_875 {strides = array<i32>} : memref<8000xf32, #tpu.memory_space<vmem>>, vector<16xf32>,
      %get3A_876 = arith.constant 1446 : index
      %get3A_877 = tpu.vector_load %arg4[%get3A_876] {strides = array<i32>} : memref<6056xf32, #tpu.memory_space<vmem>>, vector<16xf32>,
      %get3A_878 = vector.shape_cast %get3A_877 : vector<16xf32> to vector<16xf32>
      %swap3A_879 = arith.constant 1896 : index
      %swap3A_880 = tpu.vector_load %arg5[%swap3A_879] {strides = array<i32>} : memref<8000xf32, #tpu.memory_space<vmem>>, vector<16xf32>,
      %swap3A_881 = vector.shape_cast %swap3A_880 : vector<16xf32> to vector<16xf32>
      %swap3A_882 = vector.shape_cast %get3A_878 : vector<16xf32> to vector<16xf32>
      tpu.vector_store %arg5[%swap3A_879], %swap3A_882 {strides = array<i32>} : memref<8000xf32, #tpu.memory_space<vmem>>, vector<16xf32>,
      %get3A_883 = arith.constant 1462 : index
      %get3A_884 = tpu.vector_load %arg4[%get3A_883] {strides = array<i32>} : memref<6056xf32, #tpu.memory_space<vmem>>, vector<16xf32>,
      %get3A_885 = vector.shape_cast %get3A_884 : vector<16xf32> to vector<16xf32>
      %swap3A_886 = arith.constant 1912 : index
      %swap3A_887 = tpu.vector_load %arg5[%swap3A_886] {strides = array<i32>} : memref<8000xf32, #tpu.memory_space<vmem>>, vector<16xf32>,
      %swap3A_888 = vector.shape_cast %swap3A_887 : vector<16xf32> to vector<16xf32>
      %swap3A_889 = vector.shape_cast %get3A_885 : vector<16xf32> to vector<16xf32>
      tpu.vector_store %arg5[%swap3A_886], %swap3A_889 {strides = array<i32>} : memref<8000xf32, #tpu.memory_space<vmem>>, vector<16xf32>,
      %get3A_890 = arith.constant 1478 : index
      %get3A_891 = tpu.vector_load %arg4[%get3A_890] {strides = array<i32>} : memref<6056xf32, #tpu.memory_space<vmem>>, vector<16xf32>,
      %get3A_892 = vector.shape_cast %get3A_891 : vector<16xf32> to vector<16xf32>
      %swap3A_893 = arith.constant 1928 : index
      %swap3A_894 = tpu.vector_load %arg5[%swap3A_893] {strides = array<i32>} : memref<8000xf32, #tpu.memory_space<vmem>>, vector<16xf32>,
      %swap3A_895 = vector.shape_cast %swap3A_894 : vector<16xf32> to vector<16xf32>
      %swap3A_896 = vector.shape_cast %get3A_892 : vector<16xf32> to vector<16xf32>
      tpu.vector_store %arg5[%swap3A_893], %swap3A_896 {strides = array<i32>} : memref<8000xf32, #tpu.memory_space<vmem>>, vector<16xf32>,
      %get3A_897 = arith.constant 1494 : index
      %get3A_898 = tpu.vector_load %arg4[%get3A_897] {strides = array<i32>} : memref<6056xf32, #tpu.memory_space<vmem>>, vector<16xf32>,
      %get3A_899 = vector.shape_cast %get3A_898 : vector<16xf32> to vector<16xf32>
      %swap3A_900 = arith.constant 1944 : index
      %swap3A_901 = tpu.vector_load %arg5[%swap3A_900] {strides = array<i32>} : memref<8000xf32, #tpu.memory_space<vmem>>, vector<16xf32>,
      %swap3A_902 = vector.shape_cast %swap3A_901 : vector<16xf32> to vector<16xf32>
      %swap3A_903 = vector.shape_cast %get3A_899 : vector<16xf32> to vector<16xf32>
      tpu.vector_store %arg5[%swap3A_900], %swap3A_903 {strides = array<i32>} : memref<8000xf32, #tpu.memory_space<vmem>>, vector<16xf32>,
      %get3A_904 = arith.constant 1510 : index
      %get3A_905 = tpu.vector_load %arg4[%get3A_904] {strides = array<i32>} : memref<6056xf32, #tpu.memory_space<vmem>>, vector<16xf32>,
      %get3A_906 = vector.shape_cast %get3A_905 : vector<16xf32> to vector<16xf32>
      %swap3A_907 = arith.constant 1960 : index
      %swap3A_908 = tpu.vector_load %arg5[%swap3A_907] {strides = array<i32>} : memref<8000xf32, #tpu.memory_space<vmem>>, vector<16xf32>,
      %swap3A_909 = vector.shape_cast %swap3A_908 : vector<16xf32> to vector<16xf32>
      %swap3A_910 = vector.shape_cast %get3A_906 : vector<16xf32> to vector<16xf32>
      tpu.vector_store %arg5[%swap3A_907], %swap3A_910 {strides = array<i32>} : memref<8000xf32, #tpu.memory_space<vmem>>, vector<16xf32>,
      %get3A_911 = arith.constant 1526 : index
      %get3A_912 = tpu.vector_load %arg4[%get3A_911] {strides = array<i32>} : memref<6056xf32, #tpu.memory_space<vmem>>, vector<16xf32>,
      %get3A_913 = vector.shape_cast %get3A_912 : vector<16xf32> to vector<16xf32>
      %swap3A_914 = arith.constant 1976 : index
      %swap3A_915 = tpu.vector_load %arg5[%swap3A_914] {strides = array<i32>} : memref<8000xf32, #tpu.memory_space<vmem>>, vector<16xf32>,
      %swap3A_916 = vector.shape_cast %swap3A_915 : vector<16xf32> to vector<16xf32>
      %swap3A_917 = vector.shape_cast %get3A_913 : vector<16xf32> to vector<16xf32>
      tpu.vector_store %arg5[%swap3A_914], %swap3A_917 {strides = array<i32>} : memref<8000xf32, #tpu.memory_space<vmem>>, vector<16xf32>,
      %get3A_918 = arith.constant 1534 : index
      %get3A_919 = tpu.vector_load %arg4[%get3A_918] {strides = array<i32>} : memref<6056xf32, #tpu.memory_space<vmem>>, vector<16xf32>,
      %get3A_920 = vector.shape_cast %get3A_919 : vector<16xf32> to vector<16xf32>
      %swap3A_921 = arith.constant 1984 : index
      %swap3A_922 = tpu.vector_load %arg5[%swap3A_921] {strides = array<i32>} : memref<8000xf32, #tpu.memory_space<vmem>>, vector<16xf32>,
      %swap3A_923 = vector.shape_cast %swap3A_922 : vector<16xf32> to vector<16xf32>
      %swap3A_924 = vector.shape_cast %get3A_920 : vector<16xf32> to vector<16xf32>
      tpu.vector_store %arg5[%swap3A_921], %swap3A_924 {strides = array<i32>} : memref<8000xf32, #tpu.memory_space<vmem>>, vector<16xf32>,
      %get3A_925 = arith.constant 1500 : index
      %get3A_926 = tpu.vector_load %arg4[%get3A_925] {strides = array<i32>} : memref<6056xf32, #tpu.memory_space<vmem>>, vector<16xf32>,
      %get3A_927 = vector.shape_cast %get3A_926 : vector<16xf32> to vector<16xf32>
      %swap3A_928 = arith.constant 2000 : index
      %swap3A_929 = tpu.vector_load %arg5[%swap3A_928] {strides = array<i32>} : memref<8000xf32, #tpu.memory_space<vmem>>, vector<16xf32>,
      %swap3A_930 = vector.shape_cast %swap3A_929 : vector<16xf32> to vector<16xf32>
      %swap3A_931 = vector.shape_cast %get3A_927 : vector<16xf32> to vector<16xf32>
      tpu.vector_store %arg5[%swap3A_928], %swap3A_931 {strides = array<i32>} : memref<8000xf32, #tpu.memory_space<vmem>>, vector<16xf32>,
      %get3A_932 = arith.constant 1516 : index
      %get3A_933 = tpu.vector_load %arg4[%get3A_932] {strides = array<i32>} : memref<6056xf32, #tpu.memory_space<vmem>>, vector<16xf32>,
      %get3A_934 = vector.shape_cast %get3A_933 : vector<16xf32> to vector<16xf32>
      %swap3A_935 = arith.constant 2016 : index
      %swap3A_936 = tpu.vector_load %arg5[%swap3A_935] {strides = array<i32>} : memref<8000xf32, #tpu.memory_space<vmem>>, vector<16xf32>,
      %swap3A_937 = vector.shape_cast %swap3A_936 : vector<16xf32> to vector<16xf32>
      %swap3A_938 = vector.shape_cast %get3A_934 : vector<16xf32> to vector<16xf32>
      tpu.vector_store %arg5[%swap3A_935], %swap3A_938 {strides = array<i32>} : memref<8000xf32, #tpu.memory_space<vmem>>, vector<16xf32>,
      %get3A_939 = arith.constant 1532 : index
      %get3A_940 = tpu.vector_load %arg4[%get3A_939] {strides = array<i32>} : memref<6056xf32, #tpu.memory_space<vmem>>, vector<16xf32>,
      %get3A_941 = vector.shape_cast %get3A_940 : vector<16xf32> to vector<16xf32>
      %swap3A_942 = arith.constant 2032 : index
      %swap3A_943 = tpu.vector_load %arg5[%swap3A_942] {strides = array<i32>} : memref<8000xf32, #tpu.memory_space<vmem>>, vector<16xf32>,
      %swap3A_944 = vector.shape_cast %swap3A_943 : vector<16xf32> to vector<16xf32>
      %swap3A_945 = vector.shape_cast %get3A_941 : vector<16xf32> to vector<16xf32>
      tpu.vector_store %arg5[%swap3A_942], %swap3A_945 {strides = array<i32>} : memref<8000xf32, #tpu.memory_space<vmem>>, vector<16xf32>,
      %get3A_946 = arith.constant 1548 : index
      %get3A_947 = tpu.vector_load %arg4[%get3A_946] {strides = array<i32>} : memref<6056xf32, #tpu.memory_space<vmem>>, vector<16xf32>,
      %get3A_948 = vector.shape_cast %get3A_947 : vector<16xf32> to vector<16xf32>
      %swap3A_949 = arith.constant 2048 : index
      %swap3A_950 = tpu.vector_load %arg5[%swap3A_949] {strides = array<i32>} : memref<8000xf32, #tpu.memory_space<vmem>>, vector<16xf32>,
      %swap3A_951 = vector.shape_cast %swap3A_950 : vector<16xf32> to vector<16xf32>
      %swap3A_952 = vector.shape_cast %get3A_948 : vector<16xf32> to vector<16xf32>
      tpu.vector_store %arg5[%swap3A_949], %swap3A_952 {strides = array<i32>} : memref<8000xf32, #tpu.memory_space<vmem>>, vector<16xf32>,
      %get3A_953 = arith.constant 1564 : index
      %get3A_954 = tpu.vector_load %arg4[%get3A_953] {strides = array<i32>} : memref<6056xf32, #tpu.memory_space<vmem>>, vector<16xf32>,
      %get3A_955 = vector.shape_cast %get3A_954 : vector<16xf32> to vector<16xf32>
      %swap3A_956 = arith.constant 2064 : index
      %swap3A_957 = tpu.vector_load %arg5[%swap3A_956] {strides = array<i32>} : memref<8000xf32, #tpu.memory_space<vmem>>, vector<16xf32>,
      %swap3A_958 = vector.shape_cast %swap3A_957 : vector<16xf32> to vector<16xf32>
      %swap3A_959 = vector.shape_cast %get3A_955 : vector<16xf32> to vector<16xf32>
      tpu.vector_store %arg5[%swap3A_956], %swap3A_959 {strides = array<i32>} : memref<8000xf32, #tpu.memory_space<vmem>>, vector<16xf32>,
      %get3A_960 = arith.constant 1580 : index
      %get3A_961 = tpu.vector_load %arg4[%get3A_960] {strides = array<i32>} : memref<6056xf32, #tpu.memory_space<vmem>>, vector<16xf32>,
      %get3A_962 = vector.shape_cast %get3A_961 : vector<16xf32> to vector<16xf32>
      %swap3A_963 = arith.constant 2080 : index
      %swap3A_964 = tpu.vector_load %arg5[%swap3A_963] {strides = array<i32>} : memref<8000xf32, #tpu.memory_space<vmem>>, vector<16xf32>,
      %swap3A_965 = vector.shape_cast %swap3A_964 : vector<16xf32> to vector<16xf32>
      %swap3A_966 = vector.shape_cast %get3A_962 : vector<16xf32> to vector<16xf32>
      tpu.vector_store %arg5[%swap3A_963], %swap3A_966 {strides = array<i32>} : memref<8000xf32, #tpu.memory_space<vmem>>, vector<16xf32>,
      %get3A_967 = arith.constant 1596 : index
      %get3A_968 = tpu.vector_load %arg4[%get3A_967] {strides = array<i32>} : memref<6056xf32, #tpu.memory_space<vmem>>, vector<16xf32>,
      %get3A_969 = vector.shape_cast %get3A_968 : vector<16xf32> to vector<16xf32>
      %swap3A_970 = arith.constant 2096 : index
      %swap3A_971 = tpu.vector_load %arg5[%swap3A_970] {strides = array<i32>} : memref<8000xf32, #tpu.memory_space<vmem>>, vector<16xf32>,
      %swap3A_972 = vector.shape_cast %swap3A_971 : vector<16xf32> to vector<16xf32>
      %swap3A_973 = vector.shape_cast %get3A_969 : vector<16xf32> to vector<16xf32>
      tpu.vector_store %arg5[%swap3A_970], %swap3A_973 {strides = array<i32>} : memref<8000xf32, #tpu.memory_space<vmem>>, vector<16xf32>,
      %get3A_974 = arith.constant 1612 : index
      %get3A_975 = tpu.vector_load %arg4[%get3A_974] {strides = array<i32>} : memref<6056xf32, #tpu.memory_space<vmem>>, vector<16xf32>,
      %get3A_976 = vector.shape_cast %get3A_975 : vector<16xf32> to vector<16xf32>
      %swap3A_977 = arith.constant 2112 : index
      %swap3A_978 = tpu.vector_load %arg5[%swap3A_977] {strides = array<i32>} : memref<8000xf32, #tpu.memory_space<vmem>>, vector<16xf32>,
      %swap3A_979 = vector.shape_cast %swap3A_978 : vector<16xf32> to vector<16xf32>
      %swap3A_980 = vector.shape_cast %get3A_976 : vector<16xf32> to vector<16xf32>
      tpu.vector_store %arg5[%swap3A_977], %swap3A_980 {strides = array<i32>} : memref<8000xf32, #tpu.memory_space<vmem>>, vector<16xf32>,
      %get3A_981 = arith.constant 1628 : index
      %get3A_982 = tpu.vector_load %arg4[%get3A_981] {strides = array<i32>} : memref<6056xf32, #tpu.memory_space<vmem>>, vector<16xf32>,
      %get3A_983 = vector.shape_cast %get3A_982 : vector<16xf32> to vector<16xf32>
      %swap3A_984 = arith.constant 2128 : index
      %swap3A_985 = tpu.vector_load %arg5[%swap3A_984] {strides = array<i32>} : memref<8000xf32, #tpu.memory_space<vmem>>, vector<16xf32>,
      %swap3A_986 = vector.shape_cast %swap3A_985 : vector<16xf32> to vector<16xf32>
      %swap3A_987 = vector.shape_cast %get3A_983 : vector<16xf32> to vector<16xf32>
      tpu.vector_store %arg5[%swap3A_984], %swap3A_987 {strides = array<i32>} : memref<8000xf32, #tpu.memory_space<vmem>>, vector<16xf32>,
      %get3A_988 = arith.constant 1644 : index
      %get3A_989 = tpu.vector_load %arg4[%get3A_988] {strides = array<i32>} : memref<6056xf32, #tpu.memory_space<vmem>>, vector<16xf32>,
      %get3A_990 = vector.shape_cast %get3A_989 : vector<16xf32> to vector<16xf32>
      %swap3A_991 = arith.constant 2144 : index
      %swap3A_992 = tpu.vector_load %arg5[%swap3A_991] {strides = array<i32>} : memref<8000xf32, #tpu.memory_space<vmem>>, vector<16xf32>,
      %swap3A_993 = vector.shape_cast %swap3A_992 : vector<16xf32> to vector<16xf32>
      %swap3A_994 = vector.shape_cast %get3A_990 : vector<16xf32> to vector<16xf32>
      tpu.vector_store %arg5[%swap3A_991], %swap3A_994 {strides = array<i32>} : memref<8000xf32, #tpu.memory_space<vmem>>, vector<16xf32>,
      %get3A_995 = arith.constant 1660 : index
      %get3A_996 = tpu.vector_load %arg4[%get3A_995] {strides = array<i32>} : memref<6056xf32, #tpu.memory_space<vmem>>, vector<16xf32>,
      %get3A_997 = vector.shape_cast %get3A_996 : vector<16xf32> to vector<16xf32>
      %swap3A_998 = arith.constant 2160 : index
      %swap3A_999 = tpu.vector_load %arg5[%swap3A_998] {strides = array<i32>} : memref<8000xf32, #tpu.memory_space<vmem>>, vector<16xf32>,
      %swap3A_1000 = vector.shape_cast %swap3A_999 : vector<16xf32> to vector<16xf32>
      %swap3A_1001 = vector.shape_cast %get3A_997 : vector<16xf32> to vector<16xf32>
      tpu.vector_store %arg5[%swap3A_998], %swap3A_1001 {strides = array<i32>} : memref<8000xf32, #tpu.memory_space<vmem>>, vector<16xf32>,
      %get3A_1002 = arith.constant 1676 : index
      %get3A_1003 = tpu.vector_load %arg4[%get3A_1002] {strides = array<i32>} : memref<6056xf32, #tpu.memory_space<vmem>>, vector<16xf32>,
      %get3A_1004 = vector.shape_cast %get3A_1003 : vector<16xf32> to vector<16xf32>
      %swap3A_1005 = arith.constant 2176 : index
      %swap3A_1006 = tpu.vector_load %arg5[%swap3A_1005] {strides = array<i32>} : memref<8000xf32, #tpu.memory_space<vmem>>, vector<16xf32>,
      %swap3A_1007 = vector.shape_cast %swap3A_1006 : vector<16xf32> to vector<16xf32>
      %swap3A_1008 = vector.shape_cast %get3A_1004 : vector<16xf32> to vector<16xf32>
      tpu.vector_store %arg5[%swap3A_1005], %swap3A_1008 {strides = array<i32>} : memref<8000xf32, #tpu.memory_space<vmem>>, vector<16xf32>,
      %get3A_1009 = arith.constant 1684 : index
      %get3A_1010 = tpu.vector_load %arg4[%get3A_1009] {strides = array<i32>} : memref<6056xf32, #tpu.memory_space<vmem>>, vector<16xf32>,
      %get3A_1011 = vector.shape_cast %get3A_1010 : vector<16xf32> to vector<16xf32>
      %swap3A_1012 = arith.constant 2184 : index
      %swap3A_1013 = tpu.vector_load %arg5[%swap3A_1012] {strides = array<i32>} : memref<8000xf32, #tpu.memory_space<vmem>>, vector<16xf32>,
      %swap3A_1014 = vector.shape_cast %swap3A_1013 : vector<16xf32> to vector<16xf32>
      %swap3A_1015 = vector.shape_cast %get3A_1011 : vector<16xf32> to vector<16xf32>
      tpu.vector_store %arg5[%swap3A_1012], %swap3A_1015 {strides = array<i32>} : memref<8000xf32, #tpu.memory_space<vmem>>, vector<16xf32>,
      %get3A_1016 = arith.constant 1650 : index
      %get3A_1017 = tpu.vector_load %arg4[%get3A_1016] {strides = array<i32>} : memref<6056xf32, #tpu.memory_space<vmem>>, vector<16xf32>,
      %get3A_1018 = vector.shape_cast %get3A_1017 : vector<16xf32> to vector<16xf32>
      %swap3A_1019 = arith.constant 2200 : index
      %swap3A_1020 = tpu.vector_load %arg5[%swap3A_1019] {strides = array<i32>} : memref<8000xf32, #tpu.memory_space<vmem>>, vector<16xf32>,
      %swap3A_1021 = vector.shape_cast %swap3A_1020 : vector<16xf32> to vector<16xf32>
      %swap3A_1022 = vector.shape_cast %get3A_1018 : vector<16xf32> to vector<16xf32>
      tpu.vector_store %arg5[%swap3A_1019], %swap3A_1022 {strides = array<i32>} : memref<8000xf32, #tpu.memory_space<vmem>>, vector<16xf32>,
      %get3A_1023 = arith.constant 1666 : index
      %get3A_1024 = tpu.vector_load %arg4[%get3A_1023] {strides = array<i32>} : memref<6056xf32, #tpu.memory_space<vmem>>, vector<16xf32>,
      %get3A_1025 = vector.shape_cast %get3A_1024 : vector<16xf32> to vector<16xf32>
      %swap3A_1026 = arith.constant 2216 : index
      %swap3A_1027 = tpu.vector_load %arg5[%swap3A_1026] {strides = array<i32>} : memref<8000xf32, #tpu.memory_space<vmem>>, vector<16xf32>,
      %swap3A_1028 = vector.shape_cast %swap3A_1027 : vector<16xf32> to vector<16xf32>
      %swap3A_1029 = vector.shape_cast %get3A_1025 : vector<16xf32> to vector<16xf32>
      tpu.vector_store %arg5[%swap3A_1026], %swap3A_1029 {strides = array<i32>} : memref<8000xf32, #tpu.memory_space<vmem>>, vector<16xf32>,
      %get3A_1030 = arith.constant 1682 : index
      %get3A_1031 = tpu.vector_load %arg4[%get3A_1030] {strides = array<i32>} : memref<6056xf32, #tpu.memory_space<vmem>>, vector<16xf32>,
      %get3A_1032 = vector.shape_cast %get3A_1031 : vector<16xf32> to vector<16xf32>
      %swap3A_1033 = arith.constant 2232 : index
      %swap3A_1034 = tpu.vector_load %arg5[%swap3A_1033] {strides = array<i32>} : memref<8000xf32, #tpu.memory_space<vmem>>, vector<16xf32>,
      %swap3A_1035 = vector.shape_cast %swap3A_1034 : vector<16xf32> to vector<16xf32>
      %swap3A_1036 = vector.shape_cast %get3A_1032 : vector<16xf32> to vector<16xf32>
      tpu.vector_store %arg5[%swap3A_1033], %swap3A_1036 {strides = array<i32>} : memref<8000xf32, #tpu.memory_space<vmem>>, vector<16xf32>,
      %get3A_1037 = arith.constant 1698 : index
      %get3A_1038 = tpu.vector_load %arg4[%get3A_1037] {strides = array<i32>} : memref<6056xf32, #tpu.memory_space<vmem>>, vector<16xf32>,
      %get3A_1039 = vector.shape_cast %get3A_1038 : vector<16xf32> to vector<16xf32>
      %swap3A_1040 = arith.constant 2248 : index
      %swap3A_1041 = tpu.vector_load %arg5[%swap3A_1040] {strides = array<i32>} : memref<8000xf32, #tpu.memory_space<vmem>>, vector<16xf32>,
      %swap3A_1042 = vector.shape_cast %swap3A_1041 : vector<16xf32> to vector<16xf32>
      %swap3A_1043 = vector.shape_cast %get3A_1039 : vector<16xf32> to vector<16xf32>
      tpu.vector_store %arg5[%swap3A_1040], %swap3A_1043 {strides = array<i32>} : memref<8000xf32, #tpu.memory_space<vmem>>, vector<16xf32>,
      %get3A_1044 = arith.constant 1714 : index
      %get3A_1045 = tpu.vector_load %arg4[%get3A_1044] {strides = array<i32>} : memref<6056xf32, #tpu.memory_space<vmem>>, vector<16xf32>,
      %get3A_1046 = vector.shape_cast %get3A_1045 : vector<16xf32> to vector<16xf32>
      %swap3A_1047 = arith.constant 2264 : index
      %swap3A_1048 = tpu.vector_load %arg5[%swap3A_1047] {strides = array<i32>} : memref<8000xf32, #tpu.memory_space<vmem>>, vector<16xf32>,
      %swap3A_1049 = vector.shape_cast %swap3A_1048 : vector<16xf32> to vector<16xf32>
      %swap3A_1050 = vector.shape_cast %get3A_1046 : vector<16xf32> to vector<16xf32>
      tpu.vector_store %arg5[%swap3A_1047], %swap3A_1050 {strides = array<i32>} : memref<8000xf32, #tpu.memory_space<vmem>>, vector<16xf32>,
      %get3A_1051 = arith.constant 1730 : index
      %get3A_1052 = tpu.vector_load %arg4[%get3A_1051] {strides = array<i32>} : memref<6056xf32, #tpu.memory_space<vmem>>, vector<16xf32>,
      %get3A_1053 = vector.shape_cast %get3A_1052 : vector<16xf32> to vector<16xf32>
      %swap3A_1054 = arith.constant 2280 : index
      %swap3A_1055 = tpu.vector_load %arg5[%swap3A_1054] {strides = array<i32>} : memref<8000xf32, #tpu.memory_space<vmem>>, vector<16xf32>,
      %swap3A_1056 = vector.shape_cast %swap3A_1055 : vector<16xf32> to vector<16xf32>
      %swap3A_1057 = vector.shape_cast %get3A_1053 : vector<16xf32> to vector<16xf32>
      tpu.vector_store %arg5[%swap3A_1054], %swap3A_1057 {strides = array<i32>} : memref<8000xf32, #tpu.memory_space<vmem>>, vector<16xf32>,
      %get3A_1058 = arith.constant 1746 : index
      %get3A_1059 = tpu.vector_load %arg4[%get3A_1058] {strides = array<i32>} : memref<6056xf32, #tpu.memory_space<vmem>>, vector<16xf32>,
      %get3A_1060 = vector.shape_cast %get3A_1059 : vector<16xf32> to vector<16xf32>
      %swap3A_1061 = arith.constant 2296 : index
      %swap3A_1062 = tpu.vector_load %arg5[%swap3A_1061] {strides = array<i32>} : memref<8000xf32, #tpu.memory_space<vmem>>, vector<16xf32>,
      %swap3A_1063 = vector.shape_cast %swap3A_1062 : vector<16xf32> to vector<16xf32>
      %swap3A_1064 = vector.shape_cast %get3A_1060 : vector<16xf32> to vector<16xf32>
      tpu.vector_store %arg5[%swap3A_1061], %swap3A_1064 {strides = array<i32>} : memref<8000xf32, #tpu.memory_space<vmem>>, vector<16xf32>,
      %get3A_1065 = arith.constant 1762 : index
      %get3A_1066 = tpu.vector_load %arg4[%get3A_1065] {strides = array<i32>} : memref<6056xf32, #tpu.memory_space<vmem>>, vector<16xf32>,
      %get3A_1067 = vector.shape_cast %get3A_1066 : vector<16xf32> to vector<16xf32>
      %swap3A_1068 = arith.constant 2312 : index
      %swap3A_1069 = tpu.vector_load %arg5[%swap3A_1068] {strides = array<i32>} : memref<8000xf32, #tpu.memory_space<vmem>>, vector<16xf32>,
      %swap3A_1070 = vector.shape_cast %swap3A_1069 : vector<16xf32> to vector<16xf32>
      %swap3A_1071 = vector.shape_cast %get3A_1067 : vector<16xf32> to vector<16xf32>
      tpu.vector_store %arg5[%swap3A_1068], %swap3A_1071 {strides = array<i32>} : memref<8000xf32, #tpu.memory_space<vmem>>, vector<16xf32>,
      %get3A_1072 = arith.constant 1778 : index
      %get3A_1073 = tpu.vector_load %arg4[%get3A_1072] {strides = array<i32>} : memref<6056xf32, #tpu.memory_space<vmem>>, vector<16xf32>,
      %get3A_1074 = vector.shape_cast %get3A_1073 : vector<16xf32> to vector<16xf32>
      %swap3A_1075 = arith.constant 2328 : index
      %swap3A_1076 = tpu.vector_load %arg5[%swap3A_1075] {strides = array<i32>} : memref<8000xf32, #tpu.memory_space<vmem>>, vector<16xf32>,
      %swap3A_1077 = vector.shape_cast %swap3A_1076 : vector<16xf32> to vector<16xf32>
      %swap3A_1078 = vector.shape_cast %get3A_1074 : vector<16xf32> to vector<16xf32>
      tpu.vector_store %arg5[%swap3A_1075], %swap3A_1078 {strides = array<i32>} : memref<8000xf32, #tpu.memory_space<vmem>>, vector<16xf32>,
      %get3A_1079 = arith.constant 1794 : index
      %get3A_1080 = tpu.vector_load %arg4[%get3A_1079] {strides = array<i32>} : memref<6056xf32, #tpu.memory_space<vmem>>, vector<16xf32>,
      %get3A_1081 = vector.shape_cast %get3A_1080 : vector<16xf32> to vector<16xf32>
      %swap3A_1082 = arith.constant 2344 : index
      %swap3A_1083 = tpu.vector_load %arg5[%swap3A_1082] {strides = array<i32>} : memref<8000xf32, #tpu.memory_space<vmem>>, vector<16xf32>,
      %swap3A_1084 = vector.shape_cast %swap3A_1083 : vector<16xf32> to vector<16xf32>
      %swap3A_1085 = vector.shape_cast %get3A_1081 : vector<16xf32> to vector<16xf32>
      tpu.vector_store %arg5[%swap3A_1082], %swap3A_1085 {strides = array<i32>} : memref<8000xf32, #tpu.memory_space<vmem>>, vector<16xf32>,
      %get3A_1086 = arith.constant 1810 : index
      %get3A_1087 = tpu.vector_load %arg4[%get3A_1086] {strides = array<i32>} : memref<6056xf32, #tpu.memory_space<vmem>>, vector<16xf32>,
      %get3A_1088 = vector.shape_cast %get3A_1087 : vector<16xf32> to vector<16xf32>
      %swap3A_1089 = arith.constant 2360 : index
      %swap3A_1090 = tpu.vector_load %arg5[%swap3A_1089] {strides = array<i32>} : memref<8000xf32, #tpu.memory_space<vmem>>, vector<16xf32>,
      %swap3A_1091 = vector.shape_cast %swap3A_1090 : vector<16xf32> to vector<16xf32>
      %swap3A_1092 = vector.shape_cast %get3A_1088 : vector<16xf32> to vector<16xf32>
      tpu.vector_store %arg5[%swap3A_1089], %swap3A_1092 {strides = array<i32>} : memref<8000xf32, #tpu.memory_space<vmem>>, vector<16xf32>,
      %get3A_1093 = arith.constant 1826 : index
      %get3A_1094 = tpu.vector_load %arg4[%get3A_1093] {strides = array<i32>} : memref<6056xf32, #tpu.memory_space<vmem>>, vector<16xf32>,
      %get3A_1095 = vector.shape_cast %get3A_1094 : vector<16xf32> to vector<16xf32>
      %swap3A_1096 = arith.constant 2376 : index
      %swap3A_1097 = tpu.vector_load %arg5[%swap3A_1096] {strides = array<i32>} : memref<8000xf32, #tpu.memory_space<vmem>>, vector<16xf32>,
      %swap3A_1098 = vector.shape_cast %swap3A_1097 : vector<16xf32> to vector<16xf32>
      %swap3A_1099 = vector.shape_cast %get3A_1095 : vector<16xf32> to vector<16xf32>
      tpu.vector_store %arg5[%swap3A_1096], %swap3A_1099 {strides = array<i32>} : memref<8000xf32, #tpu.memory_space<vmem>>, vector<16xf32>,
      %get3A_1100 = arith.constant 1834 : index
      %get3A_1101 = tpu.vector_load %arg4[%get3A_1100] {strides = array<i32>} : memref<6056xf32, #tpu.memory_space<vmem>>, vector<16xf32>,
      %get3A_1102 = vector.shape_cast %get3A_1101 : vector<16xf32> to vector<16xf32>
      %swap3A_1103 = arith.constant 2384 : index
      %swap3A_1104 = tpu.vector_load %arg5[%swap3A_1103] {strides = array<i32>} : memref<8000xf32, #tpu.memory_space<vmem>>, vector<16xf32>,
      %swap3A_1105 = vector.shape_cast %swap3A_1104 : vector<16xf32> to vector<16xf32>
      %swap3A_1106 = vector.shape_cast %get3A_1102 : vector<16xf32> to vector<16xf32>
      tpu.vector_store %arg5[%swap3A_1103], %swap3A_1106 {strides = array<i32>} : memref<8000xf32, #tpu.memory_space<vmem>>, vector<16xf32>,
      %get3A_1107 = arith.constant 1800 : index
      %get3A_1108 = tpu.vector_load %arg4[%get3A_1107] {strides = array<i32>} : memref<6056xf32, #tpu.memory_space<vmem>>, vector<16xf32>,
      %get3A_1109 = vector.shape_cast %get3A_1108 : vector<16xf32> to vector<16xf32>
      %swap3A_1110 = arith.constant 2400 : index
      %swap3A_1111 = tpu.vector_load %arg5[%swap3A_1110] {strides = array<i32>} : memref<8000xf32, #tpu.memory_space<vmem>>, vector<16xf32>,
      %swap3A_1112 = vector.shape_cast %swap3A_1111 : vector<16xf32> to vector<16xf32>
      %swap3A_1113 = vector.shape_cast %get3A_1109 : vector<16xf32> to vector<16xf32>
      tpu.vector_store %arg5[%swap3A_1110], %swap3A_1113 {strides = array<i32>} : memref<8000xf32, #tpu.memory_space<vmem>>, vector<16xf32>,
      %get3A_1114 = arith.constant 1816 : index
      %get3A_1115 = tpu.vector_load %arg4[%get3A_1114] {strides = array<i32>} : memref<6056xf32, #tpu.memory_space<vmem>>, vector<16xf32>,
      %get3A_1116 = vector.shape_cast %get3A_1115 : vector<16xf32> to vector<16xf32>
      %swap3A_1117 = arith.constant 2416 : index
      %swap3A_1118 = tpu.vector_load %arg5[%swap3A_1117] {strides = array<i32>} : memref<8000xf32, #tpu.memory_space<vmem>>, vector<16xf32>,
      %swap3A_1119 = vector.shape_cast %swap3A_1118 : vector<16xf32> to vector<16xf32>
      %swap3A_1120 = vector.shape_cast %get3A_1116 : vector<16xf32> to vector<16xf32>
      tpu.vector_store %arg5[%swap3A_1117], %swap3A_1120 {strides = array<i32>} : memref<8000xf32, #tpu.memory_space<vmem>>, vector<16xf32>,
      %get3A_1121 = arith.constant 1832 : index
      %get3A_1122 = tpu.vector_load %arg4[%get3A_1121] {strides = array<i32>} : memref<6056xf32, #tpu.memory_space<vmem>>, vector<16xf32>,
      %get3A_1123 = vector.shape_cast %get3A_1122 : vector<16xf32> to vector<16xf32>
      %swap3A_1124 = arith.constant 2432 : index
      %swap3A_1125 = tpu.vector_load %arg5[%swap3A_1124] {strides = array<i32>} : memref<8000xf32, #tpu.memory_space<vmem>>, vector<16xf32>,
      %swap3A_1126 = vector.shape_cast %swap3A_1125 : vector<16xf32> to vector<16xf32>
      %swap3A_1127 = vector.shape_cast %get3A_1123 : vector<16xf32> to vector<16xf32>
      tpu.vector_store %arg5[%swap3A_1124], %swap3A_1127 {strides = array<i32>} : memref<8000xf32, #tpu.memory_space<vmem>>, vector<16xf32>,
      %get3A_1128 = arith.constant 1848 : index
      %get3A_1129 = tpu.vector_load %arg4[%get3A_1128] {strides = array<i32>} : memref<6056xf32, #tpu.memory_space<vmem>>, vector<16xf32>,
      %get3A_1130 = vector.shape_cast %get3A_1129 : vector<16xf32> to vector<16xf32>
      %swap3A_1131 = arith.constant 2448 : index
      %swap3A_1132 = tpu.vector_load %arg5[%swap3A_1131] {strides = array<i32>} : memref<8000xf32, #tpu.memory_space<vmem>>, vector<16xf32>,
      %swap3A_1133 = vector.shape_cast %swap3A_1132 : vector<16xf32> to vector<16xf32>
      %swap3A_1134 = vector.shape_cast %get3A_1130 : vector<16xf32> to vector<16xf32>
      tpu.vector_store %arg5[%swap3A_1131], %swap3A_1134 {strides = array<i32>} : memref<8000xf32, #tpu.memory_space<vmem>>, vector<16xf32>,
      %get3A_1135 = arith.constant 1864 : index
      %get3A_1136 = tpu.vector_load %arg4[%get3A_1135] {strides = array<i32>} : memref<6056xf32, #tpu.memory_space<vmem>>, vector<16xf32>,
      %get3A_1137 = vector.shape_cast %get3A_1136 : vector<16xf32> to vector<16xf32>
      %swap3A_1138 = arith.constant 2464 : index
      %swap3A_1139 = tpu.vector_load %arg5[%swap3A_1138] {strides = array<i32>} : memref<8000xf32, #tpu.memory_space<vmem>>, vector<16xf32>,
      %swap3A_1140 = vector.shape_cast %swap3A_1139 : vector<16xf32> to vector<16xf32>
      %swap3A_1141 = vector.shape_cast %get3A_1137 : vector<16xf32> to vector<16xf32>
      tpu.vector_store %arg5[%swap3A_1138], %swap3A_1141 {strides = array<i32>} : memref<8000xf32, #tpu.memory_space<vmem>>, vector<16xf32>,
      %get3A_1142 = arith.constant 1880 : index
      %get3A_1143 = tpu.vector_load %arg4[%get3A_1142] {strides = array<i32>} : memref<6056xf32, #tpu.memory_space<vmem>>, vector<16xf32>,
      %get3A_1144 = vector.shape_cast %get3A_1143 : vector<16xf32> to vector<16xf32>
      %swap3A_1145 = arith.constant 2480 : index
      %swap3A_1146 = tpu.vector_load %arg5[%swap3A_1145] {strides = array<i32>} : memref<8000xf32, #tpu.memory_space<vmem>>, vector<16xf32>,
      %swap3A_1147 = vector.shape_cast %swap3A_1146 : vector<16xf32> to vector<16xf32>
      %swap3A_1148 = vector.shape_cast %get3A_1144 : vector<16xf32> to vector<16xf32>
      tpu.vector_store %arg5[%swap3A_1145], %swap3A_1148 {strides = array<i32>} : memref<8000xf32, #tpu.memory_space<vmem>>, vector<16xf32>,
      %get3A_1149 = arith.constant 1896 : index
      %get3A_1150 = tpu.vector_load %arg4[%get3A_1149] {strides = array<i32>} : memref<6056xf32, #tpu.memory_space<vmem>>, vector<16xf32>,
      %get3A_1151 = vector.shape_cast %get3A_1150 : vector<16xf32> to vector<16xf32>
      %swap3A_1152 = arith.constant 2496 : index
      %swap3A_1153 = tpu.vector_load %arg5[%swap3A_1152] {strides = array<i32>} : memref<8000xf32, #tpu.memory_space<vmem>>, vector<16xf32>,
      %swap3A_1154 = vector.shape_cast %swap3A_1153 : vector<16xf32> to vector<16xf32>
      %swap3A_1155 = vector.shape_cast %get3A_1151 : vector<16xf32> to vector<16xf32>
      tpu.vector_store %arg5[%swap3A_1152], %swap3A_1155 {strides = array<i32>} : memref<8000xf32, #tpu.memory_space<vmem>>, vector<16xf32>,
      %get3A_1156 = arith.constant 1912 : index
      %get3A_1157 = tpu.vector_load %arg4[%get3A_1156] {strides = array<i32>} : memref<6056xf32, #tpu.memory_space<vmem>>, vector<16xf32>,
      %get3A_1158 = vector.shape_cast %get3A_1157 : vector<16xf32> to vector<16xf32>
      %swap3A_1159 = arith.constant 2512 : index
      %swap3A_1160 = tpu.vector_load %arg5[%swap3A_1159] {strides = array<i32>} : memref<8000xf32, #tpu.memory_space<vmem>>, vector<16xf32>,
      %swap3A_1161 = vector.shape_cast %swap3A_1160 : vector<16xf32> to vector<16xf32>
      %swap3A_1162 = vector.shape_cast %get3A_1158 : vector<16xf32> to vector<16xf32>
      tpu.vector_store %arg5[%swap3A_1159], %swap3A_1162 {strides = array<i32>} : memref<8000xf32, #tpu.memory_space<vmem>>, vector<16xf32>,
      %get3A_1163 = arith.constant 1928 : index
      %get3A_1164 = tpu.vector_load %arg4[%get3A_1163] {strides = array<i32>} : memref<6056xf32, #tpu.memory_space<vmem>>, vector<16xf32>,
      %get3A_1165 = vector.shape_cast %get3A_1164 : vector<16xf32> to vector<16xf32>
      %swap3A_1166 = arith.constant 2528 : index
      %swap3A_1167 = tpu.vector_load %arg5[%swap3A_1166] {strides = array<i32>} : memref<8000xf32, #tpu.memory_space<vmem>>, vector<16xf32>,
      %swap3A_1168 = vector.shape_cast %swap3A_1167 : vector<16xf32> to vector<16xf32>
      %swap3A_1169 = vector.shape_cast %get3A_1165 : vector<16xf32> to vector<16xf32>
      tpu.vector_store %arg5[%swap3A_1166], %swap3A_1169 {strides = array<i32>} : memref<8000xf32, #tpu.memory_space<vmem>>, vector<16xf32>,
      %get3A_1170 = arith.constant 1944 : index
      %get3A_1171 = tpu.vector_load %arg4[%get3A_1170] {strides = array<i32>} : memref<6056xf32, #tpu.memory_space<vmem>>, vector<16xf32>,
      %get3A_1172 = vector.shape_cast %get3A_1171 : vector<16xf32> to vector<16xf32>
      %swap3A_1173 = arith.constant 2544 : index
      %swap3A_1174 = tpu.vector_load %arg5[%swap3A_1173] {strides = array<i32>} : memref<8000xf32, #tpu.memory_space<vmem>>, vector<16xf32>,
      %swap3A_1175 = vector.shape_cast %swap3A_1174 : vector<16xf32> to vector<16xf32>
      %swap3A_1176 = vector.shape_cast %get3A_1172 : vector<16xf32> to vector<16xf32>
      tpu.vector_store %arg5[%swap3A_1173], %swap3A_1176 {strides = array<i32>} : memref<8000xf32, #tpu.memory_space<vmem>>, vector<16xf32>,
      %get3A_1177 = arith.constant 1960 : index
      %get3A_1178 = tpu.vector_load %arg4[%get3A_1177] {strides = array<i32>} : memref<6056xf32, #tpu.memory_space<vmem>>, vector<16xf32>,
      %get3A_1179 = vector.shape_cast %get3A_1178 : vector<16xf32> to vector<16xf32>
      %swap3A_1180 = arith.constant 2560 : index
      %swap3A_1181 = tpu.vector_load %arg5[%swap3A_1180] {strides = array<i32>} : memref<8000xf32, #tpu.memory_space<vmem>>, vector<16xf32>,
      %swap3A_1182 = vector.shape_cast %swap3A_1181 : vector<16xf32> to vector<16xf32>
      %swap3A_1183 = vector.shape_cast %get3A_1179 : vector<16xf32> to vector<16xf32>
      tpu.vector_store %arg5[%swap3A_1180], %swap3A_1183 {strides = array<i32>} : memref<8000xf32, #tpu.memory_space<vmem>>, vector<16xf32>,
      %get3A_1184 = arith.constant 1976 : index
      %get3A_1185 = tpu.vector_load %arg4[%get3A_1184] {strides = array<i32>} : memref<6056xf32, #tpu.memory_space<vmem>>, vector<16xf32>,
      %get3A_1186 = vector.shape_cast %get3A_1185 : vector<16xf32> to vector<16xf32>
      %swap3A_1187 = arith.constant 2576 : index
      %swap3A_1188 = tpu.vector_load %arg5[%swap3A_1187] {strides = array<i32>} : memref<8000xf32, #tpu.memory_space<vmem>>, vector<16xf32>,
      %swap3A_1189 = vector.shape_cast %swap3A_1188 : vector<16xf32> to vector<16xf32>
      %swap3A_1190 = vector.shape_cast %get3A_1186 : vector<16xf32> to vector<16xf32>
      tpu.vector_store %arg5[%swap3A_1187], %swap3A_1190 {strides = array<i32>} : memref<8000xf32, #tpu.memory_space<vmem>>, vector<16xf32>,
      %get3A_1191 = arith.constant 1984 : index
      %get3A_1192 = tpu.vector_load %arg4[%get3A_1191] {strides = array<i32>} : memref<6056xf32, #tpu.memory_space<vmem>>, vector<16xf32>,
      %get3A_1193 = vector.shape_cast %get3A_1192 : vector<16xf32> to vector<16xf32>
      %swap3A_1194 = arith.constant 2584 : index
      %swap3A_1195 = tpu.vector_load %arg5[%swap3A_1194] {strides = array<i32>} : memref<8000xf32, #tpu.memory_space<vmem>>, vector<16xf32>,
      %swap3A_1196 = vector.shape_cast %swap3A_1195 : vector<16xf32> to vector<16xf32>
      %swap3A_1197 = vector.shape_cast %get3A_1193 : vector<16xf32> to vector<16xf32>
      tpu.vector_store %arg5[%swap3A_1194], %swap3A_1197 {strides = array<i32>} : memref<8000xf32, #tpu.memory_space<vmem>>, vector<16xf32>,
      %get3A_1198 = arith.constant 1950 : index
      %get3A_1199 = tpu.vector_load %arg4[%get3A_1198] {strides = array<i32>} : memref<6056xf32, #tpu.memory_space<vmem>>, vector<16xf32>,
      %get3A_1200 = vector.shape_cast %get3A_1199 : vector<16xf32> to vector<16xf32>
      %swap3A_1201 = arith.constant 2600 : index
      %swap3A_1202 = tpu.vector_load %arg5[%swap3A_1201] {strides = array<i32>} : memref<8000xf32, #tpu.memory_space<vmem>>, vector<16xf32>,
      %swap3A_1203 = vector.shape_cast %swap3A_1202 : vector<16xf32> to vector<16xf32>
      %swap3A_1204 = vector.shape_cast %get3A_1200 : vector<16xf32> to vector<16xf32>
      tpu.vector_store %arg5[%swap3A_1201], %swap3A_1204 {strides = array<i32>} : memref<8000xf32, #tpu.memory_space<vmem>>, vector<16xf32>,
      %get3A_1205 = arith.constant 1966 : index
      %get3A_1206 = tpu.vector_load %arg4[%get3A_1205] {strides = array<i32>} : memref<6056xf32, #tpu.memory_space<vmem>>, vector<16xf32>,
      %get3A_1207 = vector.shape_cast %get3A_1206 : vector<16xf32> to vector<16xf32>
      %swap3A_1208 = arith.constant 2616 : index
      %swap3A_1209 = tpu.vector_load %arg5[%swap3A_1208] {strides = array<i32>} : memref<8000xf32, #tpu.memory_space<vmem>>, vector<16xf32>,
      %swap3A_1210 = vector.shape_cast %swap3A_1209 : vector<16xf32> to vector<16xf32>
      %swap3A_1211 = vector.shape_cast %get3A_1207 : vector<16xf32> to vector<16xf32>
      tpu.vector_store %arg5[%swap3A_1208], %swap3A_1211 {strides = array<i32>} : memref<8000xf32, #tpu.memory_space<vmem>>, vector<16xf32>,
      %get3A_1212 = arith.constant 1982 : index
      %get3A_1213 = tpu.vector_load %arg4[%get3A_1212] {strides = array<i32>} : memref<6056xf32, #tpu.memory_space<vmem>>, vector<16xf32>,
      %get3A_1214 = vector.shape_cast %get3A_1213 : vector<16xf32> to vector<16xf32>
      %swap3A_1215 = arith.constant 2632 : index
      %swap3A_1216 = tpu.vector_load %arg5[%swap3A_1215] {strides = array<i32>} : memref<8000xf32, #tpu.memory_space<vmem>>, vector<16xf32>,
      %swap3A_1217 = vector.shape_cast %swap3A_1216 : vector<16xf32> to vector<16xf32>
      %swap3A_1218 = vector.shape_cast %get3A_1214 : vector<16xf32> to vector<16xf32>
      tpu.vector_store %arg5[%swap3A_1215], %swap3A_1218 {strides = array<i32>} : memref<8000xf32, #tpu.memory_space<vmem>>, vector<16xf32>,
      %get3A_1219 = arith.constant 1998 : index
      %get3A_1220 = tpu.vector_load %arg4[%get3A_1219] {strides = array<i32>} : memref<6056xf32, #tpu.memory_space<vmem>>, vector<16xf32>,
      %get3A_1221 = vector.shape_cast %get3A_1220 : vector<16xf32> to vector<16xf32>
      %swap3A_1222 = arith.constant 2648 : index
      %swap3A_1223 = tpu.vector_load %arg5[%swap3A_1222] {strides = array<i32>} : memref<8000xf32, #tpu.memory_space<vmem>>, vector<16xf32>,
      %swap3A_1224 = vector.shape_cast %swap3A_1223 : vector<16xf32> to vector<16xf32>
      %swap3A_1225 = vector.shape_cast %get3A_1221 : vector<16xf32> to vector<16xf32>
      tpu.vector_store %arg5[%swap3A_1222], %swap3A_1225 {strides = array<i32>} : memref<8000xf32, #tpu.memory_space<vmem>>, vector<16xf32>,
      %get3A_1226 = arith.constant 2014 : index
      %get3A_1227 = tpu.vector_load %arg4[%get3A_1226] {strides = array<i32>} : memref<6056xf32, #tpu.memory_space<vmem>>, vector<16xf32>,
      %get3A_1228 = vector.shape_cast %get3A_1227 : vector<16xf32> to vector<16xf32>
      %swap3A_1229 = arith.constant 2664 : index
      %swap3A_1230 = tpu.vector_load %arg5[%swap3A_1229] {strides = array<i32>} : memref<8000xf32, #tpu.memory_space<vmem>>, vector<16xf32>,
      %swap3A_1231 = vector.shape_cast %swap3A_1230 : vector<16xf32> to vector<16xf32>
      %swap3A_1232 = vector.shape_cast %get3A_1228 : vector<16xf32> to vector<16xf32>
      tpu.vector_store %arg5[%swap3A_1229], %swap3A_1232 {strides = array<i32>} : memref<8000xf32, #tpu.memory_space<vmem>>, vector<16xf32>,
      %get3A_1233 = arith.constant 2030 : index
      %get3A_1234 = tpu.vector_load %arg4[%get3A_1233] {strides = array<i32>} : memref<6056xf32, #tpu.memory_space<vmem>>, vector<16xf32>,
      %get3A_1235 = vector.shape_cast %get3A_1234 : vector<16xf32> to vector<16xf32>
      %swap3A_1236 = arith.constant 2680 : index
      %swap3A_1237 = tpu.vector_load %arg5[%swap3A_1236] {strides = array<i32>} : memref<8000xf32, #tpu.memory_space<vmem>>, vector<16xf32>,
      %swap3A_1238 = vector.shape_cast %swap3A_1237 : vector<16xf32> to vector<16xf32>
      %swap3A_1239 = vector.shape_cast %get3A_1235 : vector<16xf32> to vector<16xf32>
      tpu.vector_store %arg5[%swap3A_1236], %swap3A_1239 {strides = array<i32>} : memref<8000xf32, #tpu.memory_space<vmem>>, vector<16xf32>,
      %get3A_1240 = arith.constant 2046 : index
      %get3A_1241 = tpu.vector_load %arg4[%get3A_1240] {strides = array<i32>} : memref<6056xf32, #tpu.memory_space<vmem>>, vector<16xf32>,
      %get3A_1242 = vector.shape_cast %get3A_1241 : vector<16xf32> to vector<16xf32>
      %swap3A_1243 = arith.constant 2696 : index
      %swap3A_1244 = tpu.vector_load %arg5[%swap3A_1243] {strides = array<i32>} : memref<8000xf32, #tpu.memory_space<vmem>>, vector<16xf32>,
      %swap3A_1245 = vector.shape_cast %swap3A_1244 : vector<16xf32> to vector<16xf32>
      %swap3A_1246 = vector.shape_cast %get3A_1242 : vector<16xf32> to vector<16xf32>
      tpu.vector_store %arg5[%swap3A_1243], %swap3A_1246 {strides = array<i32>} : memref<8000xf32, #tpu.memory_space<vmem>>, vector<16xf32>,
      %get3A_1247 = arith.constant 2062 : index
      %get3A_1248 = tpu.vector_load %arg4[%get3A_1247] {strides = array<i32>} : memref<6056xf32, #tpu.memory_space<vmem>>, vector<16xf32>,
      %get3A_1249 = vector.shape_cast %get3A_1248 : vector<16xf32> to vector<16xf32>
      %swap3A_1250 = arith.constant 2712 : index
      %swap3A_1251 = tpu.vector_load %arg5[%swap3A_1250] {strides = array<i32>} : memref<8000xf32, #tpu.memory_space<vmem>>, vector<16xf32>,
      %swap3A_1252 = vector.shape_cast %swap3A_1251 : vector<16xf32> to vector<16xf32>
      %swap3A_1253 = vector.shape_cast %get3A_1249 : vector<16xf32> to vector<16xf32>
      tpu.vector_store %arg5[%swap3A_1250], %swap3A_1253 {strides = array<i32>} : memref<8000xf32, #tpu.memory_space<vmem>>, vector<16xf32>,
      %get3A_1254 = arith.constant 2078 : index
      %get3A_1255 = tpu.vector_load %arg4[%get3A_1254] {strides = array<i32>} : memref<6056xf32, #tpu.memory_space<vmem>>, vector<16xf32>,
      %get3A_1256 = vector.shape_cast %get3A_1255 : vector<16xf32> to vector<16xf32>
      %swap3A_1257 = arith.constant 2728 : index
      %swap3A_1258 = tpu.vector_load %arg5[%swap3A_1257] {strides = array<i32>} : memref<8000xf32, #tpu.memory_space<vmem>>, vector<16xf32>,
      %swap3A_1259 = vector.shape_cast %swap3A_1258 : vector<16xf32> to vector<16xf32>
      %swap3A_1260 = vector.shape_cast %get3A_1256 : vector<16xf32> to vector<16xf32>
      tpu.vector_store %arg5[%swap3A_1257], %swap3A_1260 {strides = array<i32>} : memref<8000xf32, #tpu.memory_space<vmem>>, vector<16xf32>,
      %get3A_1261 = arith.constant 2094 : index
      %get3A_1262 = tpu.vector_load %arg4[%get3A_1261] {strides = array<i32>} : memref<6056xf32, #tpu.memory_space<vmem>>, vector<16xf32>,
      %get3A_1263 = vector.shape_cast %get3A_1262 : vector<16xf32> to vector<16xf32>
      %swap3A_1264 = arith.constant 2744 : index
      %swap3A_1265 = tpu.vector_load %arg5[%swap3A_1264] {strides = array<i32>} : memref<8000xf32, #tpu.memory_space<vmem>>, vector<16xf32>,
      %swap3A_1266 = vector.shape_cast %swap3A_1265 : vector<16xf32> to vector<16xf32>
      %swap3A_1267 = vector.shape_cast %get3A_1263 : vector<16xf32> to vector<16xf32>
      tpu.vector_store %arg5[%swap3A_1264], %swap3A_1267 {strides = array<i32>} : memref<8000xf32, #tpu.memory_space<vmem>>, vector<16xf32>,
      %get3A_1268 = arith.constant 2110 : index
      %get3A_1269 = tpu.vector_load %arg4[%get3A_1268] {strides = array<i32>} : memref<6056xf32, #tpu.memory_space<vmem>>, vector<16xf32>,
      %get3A_1270 = vector.shape_cast %get3A_1269 : vector<16xf32> to vector<16xf32>
      %swap3A_1271 = arith.constant 2760 : index
      %swap3A_1272 = tpu.vector_load %arg5[%swap3A_1271] {strides = array<i32>} : memref<8000xf32, #tpu.memory_space<vmem>>, vector<16xf32>,
      %swap3A_1273 = vector.shape_cast %swap3A_1272 : vector<16xf32> to vector<16xf32>
      %swap3A_1274 = vector.shape_cast %get3A_1270 : vector<16xf32> to vector<16xf32>
      tpu.vector_store %arg5[%swap3A_1271], %swap3A_1274 {strides = array<i32>} : memref<8000xf32, #tpu.memory_space<vmem>>, vector<16xf32>,
      %get3A_1275 = arith.constant 2126 : index
      %get3A_1276 = tpu.vector_load %arg4[%get3A_1275] {strides = array<i32>} : memref<6056xf32, #tpu.memory_space<vmem>>, vector<16xf32>,
      %get3A_1277 = vector.shape_cast %get3A_1276 : vector<16xf32> to vector<16xf32>
      %swap3A_1278 = arith.constant 2776 : index
      %swap3A_1279 = tpu.vector_load %arg5[%swap3A_1278] {strides = array<i32>} : memref<8000xf32, #tpu.memory_space<vmem>>, vector<16xf32>,
      %swap3A_1280 = vector.shape_cast %swap3A_1279 : vector<16xf32> to vector<16xf32>
      %swap3A_1281 = vector.shape_cast %get3A_1277 : vector<16xf32> to vector<16xf32>
      tpu.vector_store %arg5[%swap3A_1278], %swap3A_1281 {strides = array<i32>} : memref<8000xf32, #tpu.memory_space<vmem>>, vector<16xf32>,
      %get3A_1282 = arith.constant 2134 : index
      %get3A_1283 = tpu.vector_load %arg4[%get3A_1282] {strides = array<i32>} : memref<6056xf32, #tpu.memory_space<vmem>>, vector<16xf32>,
      %get3A_1284 = vector.shape_cast %get3A_1283 : vector<16xf32> to vector<16xf32>
      %swap3A_1285 = arith.constant 2784 : index
      %swap3A_1286 = tpu.vector_load %arg5[%swap3A_1285] {strides = array<i32>} : memref<8000xf32, #tpu.memory_space<vmem>>, vector<16xf32>,
      %swap3A_1287 = vector.shape_cast %swap3A_1286 : vector<16xf32> to vector<16xf32>
      %swap3A_1288 = vector.shape_cast %get3A_1284 : vector<16xf32> to vector<16xf32>
      tpu.vector_store %arg5[%swap3A_1285], %swap3A_1288 {strides = array<i32>} : memref<8000xf32, #tpu.memory_space<vmem>>, vector<16xf32>,
      %get3A_1289 = arith.constant 2100 : index
      %get3A_1290 = tpu.vector_load %arg4[%get3A_1289] {strides = array<i32>} : memref<6056xf32, #tpu.memory_space<vmem>>, vector<16xf32>,
      %get3A_1291 = vector.shape_cast %get3A_1290 : vector<16xf32> to vector<16xf32>
      %swap3A_1292 = arith.constant 2800 : index
      %swap3A_1293 = tpu.vector_load %arg5[%swap3A_1292] {strides = array<i32>} : memref<8000xf32, #tpu.memory_space<vmem>>, vector<16xf32>,
      %swap3A_1294 = vector.shape_cast %swap3A_1293 : vector<16xf32> to vector<16xf32>
      %swap3A_1295 = vector.shape_cast %get3A_1291 : vector<16xf32> to vector<16xf32>
      tpu.vector_store %arg5[%swap3A_1292], %swap3A_1295 {strides = array<i32>} : memref<8000xf32, #tpu.memory_space<vmem>>, vector<16xf32>,
      %get3A_1296 = arith.constant 2116 : index
      %get3A_1297 = tpu.vector_load %arg4[%get3A_1296] {strides = array<i32>} : memref<6056xf32, #tpu.memory_space<vmem>>, vector<16xf32>,
      %get3A_1298 = vector.shape_cast %get3A_1297 : vector<16xf32> to vector<16xf32>
      %swap3A_1299 = arith.constant 2816 : index
      %swap3A_1300 = tpu.vector_load %arg5[%swap3A_1299] {strides = array<i32>} : memref<8000xf32, #tpu.memory_space<vmem>>, vector<16xf32>,
      %swap3A_1301 = vector.shape_cast %swap3A_1300 : vector<16xf32> to vector<16xf32>
      %swap3A_1302 = vector.shape_cast %get3A_1298 : vector<16xf32> to vector<16xf32>
      tpu.vector_store %arg5[%swap3A_1299], %swap3A_1302 {strides = array<i32>} : memref<8000xf32, #tpu.memory_space<vmem>>, vector<16xf32>,
      %get3A_1303 = arith.constant 2132 : index
      %get3A_1304 = tpu.vector_load %arg4[%get3A_1303] {strides = array<i32>} : memref<6056xf32, #tpu.memory_space<vmem>>, vector<16xf32>,
      %get3A_1305 = vector.shape_cast %get3A_1304 : vector<16xf32> to vector<16xf32>
      %swap3A_1306 = arith.constant 2832 : index
      %swap3A_1307 = tpu.vector_load %arg5[%swap3A_1306] {strides = array<i32>} : memref<8000xf32, #tpu.memory_space<vmem>>, vector<16xf32>,
      %swap3A_1308 = vector.shape_cast %swap3A_1307 : vector<16xf32> to vector<16xf32>
      %swap3A_1309 = vector.shape_cast %get3A_1305 : vector<16xf32> to vector<16xf32>
      tpu.vector_store %arg5[%swap3A_1306], %swap3A_1309 {strides = array<i32>} : memref<8000xf32, #tpu.memory_space<vmem>>, vector<16xf32>,
      %get3A_1310 = arith.constant 2148 : index
      %get3A_1311 = tpu.vector_load %arg4[%get3A_1310] {strides = array<i32>} : memref<6056xf32, #tpu.memory_space<vmem>>, vector<16xf32>,
      %get3A_1312 = vector.shape_cast %get3A_1311 : vector<16xf32> to vector<16xf32>
      %swap3A_1313 = arith.constant 2848 : index
      %swap3A_1314 = tpu.vector_load %arg5[%swap3A_1313] {strides = array<i32>} : memref<8000xf32, #tpu.memory_space<vmem>>, vector<16xf32>,
      %swap3A_1315 = vector.shape_cast %swap3A_1314 : vector<16xf32> to vector<16xf32>
      %swap3A_1316 = vector.shape_cast %get3A_1312 : vector<16xf32> to vector<16xf32>
      tpu.vector_store %arg5[%swap3A_1313], %swap3A_1316 {strides = array<i32>} : memref<8000xf32, #tpu.memory_space<vmem>>, vector<16xf32>,
      %get3A_1317 = arith.constant 2164 : index
      %get3A_1318 = tpu.vector_load %arg4[%get3A_1317] {strides = array<i32>} : memref<6056xf32, #tpu.memory_space<vmem>>, vector<16xf32>,
      %get3A_1319 = vector.shape_cast %get3A_1318 : vector<16xf32> to vector<16xf32>
      %swap3A_1320 = arith.constant 2864 : index
      %swap3A_1321 = tpu.vector_load %arg5[%swap3A_1320] {strides = array<i32>} : memref<8000xf32, #tpu.memory_space<vmem>>, vector<16xf32>,
      %swap3A_1322 = vector.shape_cast %swap3A_1321 : vector<16xf32> to vector<16xf32>
      %swap3A_1323 = vector.shape_cast %get3A_1319 : vector<16xf32> to vector<16xf32>
      tpu.vector_store %arg5[%swap3A_1320], %swap3A_1323 {strides = array<i32>} : memref<8000xf32, #tpu.memory_space<vmem>>, vector<16xf32>,
      %get3A_1324 = arith.constant 2180 : index
      %get3A_1325 = tpu.vector_load %arg4[%get3A_1324] {strides = array<i32>} : memref<6056xf32, #tpu.memory_space<vmem>>, vector<16xf32>,
      %get3A_1326 = vector.shape_cast %get3A_1325 : vector<16xf32> to vector<16xf32>
      %swap3A_1327 = arith.constant 2880 : index
      %swap3A_1328 = tpu.vector_load %arg5[%swap3A_1327] {strides = array<i32>} : memref<8000xf32, #tpu.memory_space<vmem>>, vector<16xf32>,
      %swap3A_1329 = vector.shape_cast %swap3A_1328 : vector<16xf32> to vector<16xf32>
      %swap3A_1330 = vector.shape_cast %get3A_1326 : vector<16xf32> to vector<16xf32>
      tpu.vector_store %arg5[%swap3A_1327], %swap3A_1330 {strides = array<i32>} : memref<8000xf32, #tpu.memory_space<vmem>>, vector<16xf32>,
      %get3A_1331 = arith.constant 2196 : index
      %get3A_1332 = tpu.vector_load %arg4[%get3A_1331] {strides = array<i32>} : memref<6056xf32, #tpu.memory_space<vmem>>, vector<16xf32>,
      %get3A_1333 = vector.shape_cast %get3A_1332 : vector<16xf32> to vector<16xf32>
      %swap3A_1334 = arith.constant 2896 : index
      %swap3A_1335 = tpu.vector_load %arg5[%swap3A_1334] {strides = array<i32>} : memref<8000xf32, #tpu.memory_space<vmem>>, vector<16xf32>,
      %swap3A_1336 = vector.shape_cast %swap3A_1335 : vector<16xf32> to vector<16xf32>
      %swap3A_1337 = vector.shape_cast %get3A_1333 : vector<16xf32> to vector<16xf32>
      tpu.vector_store %arg5[%swap3A_1334], %swap3A_1337 {strides = array<i32>} : memref<8000xf32, #tpu.memory_space<vmem>>, vector<16xf32>,
      %get3A_1338 = arith.constant 2212 : index
      %get3A_1339 = tpu.vector_load %arg4[%get3A_1338] {strides = array<i32>} : memref<6056xf32, #tpu.memory_space<vmem>>, vector<16xf32>,
      %get3A_1340 = vector.shape_cast %get3A_1339 : vector<16xf32> to vector<16xf32>
      %swap3A_1341 = arith.constant 2912 : index
      %swap3A_1342 = tpu.vector_load %arg5[%swap3A_1341] {strides = array<i32>} : memref<8000xf32, #tpu.memory_space<vmem>>, vector<16xf32>,
      %swap3A_1343 = vector.shape_cast %swap3A_1342 : vector<16xf32> to vector<16xf32>
      %swap3A_1344 = vector.shape_cast %get3A_1340 : vector<16xf32> to vector<16xf32>
      tpu.vector_store %arg5[%swap3A_1341], %swap3A_1344 {strides = array<i32>} : memref<8000xf32, #tpu.memory_space<vmem>>, vector<16xf32>,
      %get3A_1345 = arith.constant 2228 : index
      %get3A_1346 = tpu.vector_load %arg4[%get3A_1345] {strides = array<i32>} : memref<6056xf32, #tpu.memory_space<vmem>>, vector<16xf32>,
      %get3A_1347 = vector.shape_cast %get3A_1346 : vector<16xf32> to vector<16xf32>
      %swap3A_1348 = arith.constant 2928 : index
      %swap3A_1349 = tpu.vector_load %arg5[%swap3A_1348] {strides = array<i32>} : memref<8000xf32, #tpu.memory_space<vmem>>, vector<16xf32>,
      %swap3A_1350 = vector.shape_cast %swap3A_1349 : vector<16xf32> to vector<16xf32>
      %swap3A_1351 = vector.shape_cast %get3A_1347 : vector<16xf32> to vector<16xf32>
      tpu.vector_store %arg5[%swap3A_1348], %swap3A_1351 {strides = array<i32>} : memref<8000xf32, #tpu.memory_space<vmem>>, vector<16xf32>,
      %get3A_1352 = arith.constant 2244 : index
      %get3A_1353 = tpu.vector_load %arg4[%get3A_1352] {strides = array<i32>} : memref<6056xf32, #tpu.memory_space<vmem>>, vector<16xf32>,
      %get3A_1354 = vector.shape_cast %get3A_1353 : vector<16xf32> to vector<16xf32>
      %swap3A_1355 = arith.constant 2944 : index
      %swap3A_1356 = tpu.vector_load %arg5[%swap3A_1355] {strides = array<i32>} : memref<8000xf32, #tpu.memory_space<vmem>>, vector<16xf32>,
      %swap3A_1357 = vector.shape_cast %swap3A_1356 : vector<16xf32> to vector<16xf32>
      %swap3A_1358 = vector.shape_cast %get3A_1354 : vector<16xf32> to vector<16xf32>
      tpu.vector_store %arg5[%swap3A_1355], %swap3A_1358 {strides = array<i32>} : memref<8000xf32, #tpu.memory_space<vmem>>, vector<16xf32>,
      %get3A_1359 = arith.constant 2260 : index
      %get3A_1360 = tpu.vector_load %arg4[%get3A_1359] {strides = array<i32>} : memref<6056xf32, #tpu.memory_space<vmem>>, vector<16xf32>,
      %get3A_1361 = vector.shape_cast %get3A_1360 : vector<16xf32> to vector<16xf32>
      %swap3A_1362 = arith.constant 2960 : index
      %swap3A_1363 = tpu.vector_load %arg5[%swap3A_1362] {strides = array<i32>} : memref<8000xf32, #tpu.memory_space<vmem>>, vector<16xf32>,
      %swap3A_1364 = vector.shape_cast %swap3A_1363 : vector<16xf32> to vector<16xf32>
      %swap3A_1365 = vector.shape_cast %get3A_1361 : vector<16xf32> to vector<16xf32>
      tpu.vector_store %arg5[%swap3A_1362], %swap3A_1365 {strides = array<i32>} : memref<8000xf32, #tpu.memory_space<vmem>>, vector<16xf32>,
      %get3A_1366 = arith.constant 2276 : index
      %get3A_1367 = tpu.vector_load %arg4[%get3A_1366] {strides = array<i32>} : memref<6056xf32, #tpu.memory_space<vmem>>, vector<16xf32>,
      %get3A_1368 = vector.shape_cast %get3A_1367 : vector<16xf32> to vector<16xf32>
      %swap3A_1369 = arith.constant 2976 : index
      %swap3A_1370 = tpu.vector_load %arg5[%swap3A_1369] {strides = array<i32>} : memref<8000xf32, #tpu.memory_space<vmem>>, vector<16xf32>,
      %swap3A_1371 = vector.shape_cast %swap3A_1370 : vector<16xf32> to vector<16xf32>
      %swap3A_1372 = vector.shape_cast %get3A_1368 : vector<16xf32> to vector<16xf32>
      tpu.vector_store %arg5[%swap3A_1369], %swap3A_1372 {strides = array<i32>} : memref<8000xf32, #tpu.memory_space<vmem>>, vector<16xf32>,
      %get3A_1373 = arith.constant 2284 : index
      %get3A_1374 = tpu.vector_load %arg4[%get3A_1373] {strides = array<i32>} : memref<6056xf32, #tpu.memory_space<vmem>>, vector<16xf32>,
      %get3A_1375 = vector.shape_cast %get3A_1374 : vector<16xf32> to vector<16xf32>
      %swap3A_1376 = arith.constant 2984 : index
      %swap3A_1377 = tpu.vector_load %arg5[%swap3A_1376] {strides = array<i32>} : memref<8000xf32, #tpu.memory_space<vmem>>, vector<16xf32>,
      %swap3A_1378 = vector.shape_cast %swap3A_1377 : vector<16xf32> to vector<16xf32>
      %swap3A_1379 = vector.shape_cast %get3A_1375 : vector<16xf32> to vector<16xf32>
      tpu.vector_store %arg5[%swap3A_1376], %swap3A_1379 {strides = array<i32>} : memref<8000xf32, #tpu.memory_space<vmem>>, vector<16xf32>,
      %get3A_1380 = arith.constant 2250 : index
      %get3A_1381 = tpu.vector_load %arg4[%get3A_1380] {strides = array<i32>} : memref<6056xf32, #tpu.memory_space<vmem>>, vector<16xf32>,
      %get3A_1382 = vector.shape_cast %get3A_1381 : vector<16xf32> to vector<16xf32>
      %swap3A_1383 = arith.constant 3000 : index
      %swap3A_1384 = tpu.vector_load %arg5[%swap3A_1383] {strides = array<i32>} : memref<8000xf32, #tpu.memory_space<vmem>>, vector<16xf32>,
      %swap3A_1385 = vector.shape_cast %swap3A_1384 : vector<16xf32> to vector<16xf32>
      %swap3A_1386 = vector.shape_cast %get3A_1382 : vector<16xf32> to vector<16xf32>
      tpu.vector_store %arg5[%swap3A_1383], %swap3A_1386 {strides = array<i32>} : memref<8000xf32, #tpu.memory_space<vmem>>, vector<16xf32>,
      %get3A_1387 = arith.constant 2266 : index
      %get3A_1388 = tpu.vector_load %arg4[%get3A_1387] {strides = array<i32>} : memref<6056xf32, #tpu.memory_space<vmem>>, vector<16xf32>,
      %get3A_1389 = vector.shape_cast %get3A_1388 : vector<16xf32> to vector<16xf32>
      %swap3A_1390 = arith.constant 3016 : index
      %swap3A_1391 = tpu.vector_load %arg5[%swap3A_1390] {strides = array<i32>} : memref<8000xf32, #tpu.memory_space<vmem>>, vector<16xf32>,
      %swap3A_1392 = vector.shape_cast %swap3A_1391 : vector<16xf32> to vector<16xf32>
      %swap3A_1393 = vector.shape_cast %get3A_1389 : vector<16xf32> to vector<16xf32>
      tpu.vector_store %arg5[%swap3A_1390], %swap3A_1393 {strides = array<i32>} : memref<8000xf32, #tpu.memory_space<vmem>>, vector<16xf32>,
      %get3A_1394 = arith.constant 2282 : index
      %get3A_1395 = tpu.vector_load %arg4[%get3A_1394] {strides = array<i32>} : memref<6056xf32, #tpu.memory_space<vmem>>, vector<16xf32>,
      %get3A_1396 = vector.shape_cast %get3A_1395 : vector<16xf32> to vector<16xf32>
      %swap3A_1397 = arith.constant 3032 : index
      %swap3A_1398 = tpu.vector_load %arg5[%swap3A_1397] {strides = array<i32>} : memref<8000xf32, #tpu.memory_space<vmem>>, vector<16xf32>,
      %swap3A_1399 = vector.shape_cast %swap3A_1398 : vector<16xf32> to vector<16xf32>
      %swap3A_1400 = vector.shape_cast %get3A_1396 : vector<16xf32> to vector<16xf32>
      tpu.vector_store %arg5[%swap3A_1397], %swap3A_1400 {strides = array<i32>} : memref<8000xf32, #tpu.memory_space<vmem>>, vector<16xf32>,
      %get3A_1401 = arith.constant 2298 : index
      %get3A_1402 = tpu.vector_load %arg4[%get3A_1401] {strides = array<i32>} : memref<6056xf32, #tpu.memory_space<vmem>>, vector<16xf32>,
      %get3A_1403 = vector.shape_cast %get3A_1402 : vector<16xf32> to vector<16xf32>
      %swap3A_1404 = arith.constant 3048 : index
      %swap3A_1405 = tpu.vector_load %arg5[%swap3A_1404] {strides = array<i32>} : memref<8000xf32, #tpu.memory_space<vmem>>, vector<16xf32>,
      %swap3A_1406 = vector.shape_cast %swap3A_1405 : vector<16xf32> to vector<16xf32>
      %swap3A_1407 = vector.shape_cast %get3A_1403 : vector<16xf32> to vector<16xf32>
      tpu.vector_store %arg5[%swap3A_1404], %swap3A_1407 {strides = array<i32>} : memref<8000xf32, #tpu.memory_space<vmem>>, vector<16xf32>,
      %get3A_1408 = arith.constant 2314 : index
      %get3A_1409 = tpu.vector_load %arg4[%get3A_1408] {strides = array<i32>} : memref<6056xf32, #tpu.memory_space<vmem>>, vector<16xf32>,
      %get3A_1410 = vector.shape_cast %get3A_1409 : vector<16xf32> to vector<16xf32>
      %swap3A_1411 = arith.constant 3064 : index
      %swap3A_1412 = tpu.vector_load %arg5[%swap3A_1411] {strides = array<i32>} : memref<8000xf32, #tpu.memory_space<vmem>>, vector<16xf32>,
      %swap3A_1413 = vector.shape_cast %swap3A_1412 : vector<16xf32> to vector<16xf32>
      %swap3A_1414 = vector.shape_cast %get3A_1410 : vector<16xf32> to vector<16xf32>
      tpu.vector_store %arg5[%swap3A_1411], %swap3A_1414 {strides = array<i32>} : memref<8000xf32, #tpu.memory_space<vmem>>, vector<16xf32>,
      %get3A_1415 = arith.constant 2330 : index
      %get3A_1416 = tpu.vector_load %arg4[%get3A_1415] {strides = array<i32>} : memref<6056xf32, #tpu.memory_space<vmem>>, vector<16xf32>,
      %get3A_1417 = vector.shape_cast %get3A_1416 : vector<16xf32> to vector<16xf32>
      %swap3A_1418 = arith.constant 3080 : index
      %swap3A_1419 = tpu.vector_load %arg5[%swap3A_1418] {strides = array<i32>} : memref<8000xf32, #tpu.memory_space<vmem>>, vector<16xf32>,
      %swap3A_1420 = vector.shape_cast %swap3A_1419 : vector<16xf32> to vector<16xf32>
      %swap3A_1421 = vector.shape_cast %get3A_1417 : vector<16xf32> to vector<16xf32>
      tpu.vector_store %arg5[%swap3A_1418], %swap3A_1421 {strides = array<i32>} : memref<8000xf32, #tpu.memory_space<vmem>>, vector<16xf32>,
      %get3A_1422 = arith.constant 2346 : index
      %get3A_1423 = tpu.vector_load %arg4[%get3A_1422] {strides = array<i32>} : memref<6056xf32, #tpu.memory_space<vmem>>, vector<16xf32>,
      %get3A_1424 = vector.shape_cast %get3A_1423 : vector<16xf32> to vector<16xf32>
      %swap3A_1425 = arith.constant 3096 : index
      %swap3A_1426 = tpu.vector_load %arg5[%swap3A_1425] {strides = array<i32>} : memref<8000xf32, #tpu.memory_space<vmem>>, vector<16xf32>,
      %swap3A_1427 = vector.shape_cast %swap3A_1426 : vector<16xf32> to vector<16xf32>
      %swap3A_1428 = vector.shape_cast %get3A_1424 : vector<16xf32> to vector<16xf32>
      tpu.vector_store %arg5[%swap3A_1425], %swap3A_1428 {strides = array<i32>} : memref<8000xf32, #tpu.memory_space<vmem>>, vector<16xf32>,
      %get3A_1429 = arith.constant 2362 : index
      %get3A_1430 = tpu.vector_load %arg4[%get3A_1429] {strides = array<i32>} : memref<6056xf32, #tpu.memory_space<vmem>>, vector<16xf32>,
      %get3A_1431 = vector.shape_cast %get3A_1430 : vector<16xf32> to vector<16xf32>
      %swap3A_1432 = arith.constant 3112 : index
      %swap3A_1433 = tpu.vector_load %arg5[%swap3A_1432] {strides = array<i32>} : memref<8000xf32, #tpu.memory_space<vmem>>, vector<16xf32>,
      %swap3A_1434 = vector.shape_cast %swap3A_1433 : vector<16xf32> to vector<16xf32>
      %swap3A_1435 = vector.shape_cast %get3A_1431 : vector<16xf32> to vector<16xf32>
      tpu.vector_store %arg5[%swap3A_1432], %swap3A_1435 {strides = array<i32>} : memref<8000xf32, #tpu.memory_space<vmem>>, vector<16xf32>,
      %get3A_1436 = arith.constant 2378 : index
      %get3A_1437 = tpu.vector_load %arg4[%get3A_1436] {strides = array<i32>} : memref<6056xf32, #tpu.memory_space<vmem>>, vector<16xf32>,
      %get3A_1438 = vector.shape_cast %get3A_1437 : vector<16xf32> to vector<16xf32>
      %swap3A_1439 = arith.constant 3128 : index
      %swap3A_1440 = tpu.vector_load %arg5[%swap3A_1439] {strides = array<i32>} : memref<8000xf32, #tpu.memory_space<vmem>>, vector<16xf32>,
      %swap3A_1441 = vector.shape_cast %swap3A_1440 : vector<16xf32> to vector<16xf32>
      %swap3A_1442 = vector.shape_cast %get3A_1438 : vector<16xf32> to vector<16xf32>
      tpu.vector_store %arg5[%swap3A_1439], %swap3A_1442 {strides = array<i32>} : memref<8000xf32, #tpu.memory_space<vmem>>, vector<16xf32>,
      %get3A_1443 = arith.constant 2394 : index
      %get3A_1444 = tpu.vector_load %arg4[%get3A_1443] {strides = array<i32>} : memref<6056xf32, #tpu.memory_space<vmem>>, vector<16xf32>,
      %get3A_1445 = vector.shape_cast %get3A_1444 : vector<16xf32> to vector<16xf32>
      %swap3A_1446 = arith.constant 3144 : index
      %swap3A_1447 = tpu.vector_load %arg5[%swap3A_1446] {strides = array<i32>} : memref<8000xf32, #tpu.memory_space<vmem>>, vector<16xf32>,
      %swap3A_1448 = vector.shape_cast %swap3A_1447 : vector<16xf32> to vector<16xf32>
      %swap3A_1449 = vector.shape_cast %get3A_1445 : vector<16xf32> to vector<16xf32>
      tpu.vector_store %arg5[%swap3A_1446], %swap3A_1449 {strides = array<i32>} : memref<8000xf32, #tpu.memory_space<vmem>>, vector<16xf32>,
      %get3A_1450 = arith.constant 2410 : index
      %get3A_1451 = tpu.vector_load %arg4[%get3A_1450] {strides = array<i32>} : memref<6056xf32, #tpu.memory_space<vmem>>, vector<16xf32>,
      %get3A_1452 = vector.shape_cast %get3A_1451 : vector<16xf32> to vector<16xf32>
      %swap3A_1453 = arith.constant 3160 : index
      %swap3A_1454 = tpu.vector_load %arg5[%swap3A_1453] {strides = array<i32>} : memref<8000xf32, #tpu.memory_space<vmem>>, vector<16xf32>,
      %swap3A_1455 = vector.shape_cast %swap3A_1454 : vector<16xf32> to vector<16xf32>
      %swap3A_1456 = vector.shape_cast %get3A_1452 : vector<16xf32> to vector<16xf32>
      tpu.vector_store %arg5[%swap3A_1453], %swap3A_1456 {strides = array<i32>} : memref<8000xf32, #tpu.memory_space<vmem>>, vector<16xf32>,
      %get3A_1457 = arith.constant 2426 : index
      %get3A_1458 = tpu.vector_load %arg4[%get3A_1457] {strides = array<i32>} : memref<6056xf32, #tpu.memory_space<vmem>>, vector<16xf32>,
      %get3A_1459 = vector.shape_cast %get3A_1458 : vector<16xf32> to vector<16xf32>
      %swap3A_1460 = arith.constant 3176 : index
      %swap3A_1461 = tpu.vector_load %arg5[%swap3A_1460] {strides = array<i32>} : memref<8000xf32, #tpu.memory_space<vmem>>, vector<16xf32>,
      %swap3A_1462 = vector.shape_cast %swap3A_1461 : vector<16xf32> to vector<16xf32>
      %swap3A_1463 = vector.shape_cast %get3A_1459 : vector<16xf32> to vector<16xf32>
      tpu.vector_store %arg5[%swap3A_1460], %swap3A_1463 {strides = array<i32>} : memref<8000xf32, #tpu.memory_space<vmem>>, vector<16xf32>,
      %get3A_1464 = arith.constant 2434 : index
      %get3A_1465 = tpu.vector_load %arg4[%get3A_1464] {strides = array<i32>} : memref<6056xf32, #tpu.memory_space<vmem>>, vector<16xf32>,
      %get3A_1466 = vector.shape_cast %get3A_1465 : vector<16xf32> to vector<16xf32>
      %swap3A_1467 = arith.constant 3184 : index
      %swap3A_1468 = tpu.vector_load %arg5[%swap3A_1467] {strides = array<i32>} : memref<8000xf32, #tpu.memory_space<vmem>>, vector<16xf32>,
      %swap3A_1469 = vector.shape_cast %swap3A_1468 : vector<16xf32> to vector<16xf32>
      %swap3A_1470 = vector.shape_cast %get3A_1466 : vector<16xf32> to vector<16xf32>
      tpu.vector_store %arg5[%swap3A_1467], %swap3A_1470 {strides = array<i32>} : memref<8000xf32, #tpu.memory_space<vmem>>, vector<16xf32>,
      %get3A_1471 = arith.constant 2400 : index
      %get3A_1472 = tpu.vector_load %arg4[%get3A_1471] {strides = array<i32>} : memref<6056xf32, #tpu.memory_space<vmem>>, vector<16xf32>,
      %get3A_1473 = vector.shape_cast %get3A_1472 : vector<16xf32> to vector<16xf32>
      %swap3A_1474 = arith.constant 3200 : index
      %swap3A_1475 = tpu.vector_load %arg5[%swap3A_1474] {strides = array<i32>} : memref<8000xf32, #tpu.memory_space<vmem>>, vector<16xf32>,
      %swap3A_1476 = vector.shape_cast %swap3A_1475 : vector<16xf32> to vector<16xf32>
      %swap3A_1477 = vector.shape_cast %get3A_1473 : vector<16xf32> to vector<16xf32>
      tpu.vector_store %arg5[%swap3A_1474], %swap3A_1477 {strides = array<i32>} : memref<8000xf32, #tpu.memory_space<vmem>>, vector<16xf32>,
      %get3A_1478 = arith.constant 2416 : index
      %get3A_1479 = tpu.vector_load %arg4[%get3A_1478] {strides = array<i32>} : memref<6056xf32, #tpu.memory_space<vmem>>, vector<16xf32>,
      %get3A_1480 = vector.shape_cast %get3A_1479 : vector<16xf32> to vector<16xf32>
      %swap3A_1481 = arith.constant 3216 : index
      %swap3A_1482 = tpu.vector_load %arg5[%swap3A_1481] {strides = array<i32>} : memref<8000xf32, #tpu.memory_space<vmem>>, vector<16xf32>,
      %swap3A_1483 = vector.shape_cast %swap3A_1482 : vector<16xf32> to vector<16xf32>
      %swap3A_1484 = vector.shape_cast %get3A_1480 : vector<16xf32> to vector<16xf32>
      tpu.vector_store %arg5[%swap3A_1481], %swap3A_1484 {strides = array<i32>} : memref<8000xf32, #tpu.memory_space<vmem>>, vector<16xf32>,
      %get3A_1485 = arith.constant 2432 : index
      %get3A_1486 = tpu.vector_load %arg4[%get3A_1485] {strides = array<i32>} : memref<6056xf32, #tpu.memory_space<vmem>>, vector<16xf32>,
      %get3A_1487 = vector.shape_cast %get3A_1486 : vector<16xf32> to vector<16xf32>
      %swap3A_1488 = arith.constant 3232 : index
      %swap3A_1489 = tpu.vector_load %arg5[%swap3A_1488] {strides = array<i32>} : memref<8000xf32, #tpu.memory_space<vmem>>, vector<16xf32>,
      %swap3A_1490 = vector.shape_cast %swap3A_1489 : vector<16xf32> to vector<16xf32>
      %swap3A_1491 = vector.shape_cast %get3A_1487 : vector<16xf32> to vector<16xf32>
      tpu.vector_store %arg5[%swap3A_1488], %swap3A_1491 {strides = array<i32>} : memref<8000xf32, #tpu.memory_space<vmem>>, vector<16xf32>,
      %get3A_1492 = arith.constant 2448 : index
      %get3A_1493 = tpu.vector_load %arg4[%get3A_1492] {strides = array<i32>} : memref<6056xf32, #tpu.memory_space<vmem>>, vector<16xf32>,
      %get3A_1494 = vector.shape_cast %get3A_1493 : vector<16xf32> to vector<16xf32>
      %swap3A_1495 = arith.constant 3248 : index
      %swap3A_1496 = tpu.vector_load %arg5[%swap3A_1495] {strides = array<i32>} : memref<8000xf32, #tpu.memory_space<vmem>>, vector<16xf32>,
      %swap3A_1497 = vector.shape_cast %swap3A_1496 : vector<16xf32> to vector<16xf32>
      %swap3A_1498 = vector.shape_cast %get3A_1494 : vector<16xf32> to vector<16xf32>
      tpu.vector_store %arg5[%swap3A_1495], %swap3A_1498 {strides = array<i32>} : memref<8000xf32, #tpu.memory_space<vmem>>, vector<16xf32>,
      %get3A_1499 = arith.constant 2464 : index
      %get3A_1500 = tpu.vector_load %arg4[%get3A_1499] {strides = array<i32>} : memref<6056xf32, #tpu.memory_space<vmem>>, vector<16xf32>,
      %get3A_1501 = vector.shape_cast %get3A_1500 : vector<16xf32> to vector<16xf32>
      %swap3A_1502 = arith.constant 3264 : index
      %swap3A_1503 = tpu.vector_load %arg5[%swap3A_1502] {strides = array<i32>} : memref<8000xf32, #tpu.memory_space<vmem>>, vector<16xf32>,
      %swap3A_1504 = vector.shape_cast %swap3A_1503 : vector<16xf32> to vector<16xf32>
      %swap3A_1505 = vector.shape_cast %get3A_1501 : vector<16xf32> to vector<16xf32>
      tpu.vector_store %arg5[%swap3A_1502], %swap3A_1505 {strides = array<i32>} : memref<8000xf32, #tpu.memory_space<vmem>>, vector<16xf32>,
      %get3A_1506 = arith.constant 2480 : index
      %get3A_1507 = tpu.vector_load %arg4[%get3A_1506] {strides = array<i32>} : memref<6056xf32, #tpu.memory_space<vmem>>, vector<16xf32>,
      %get3A_1508 = vector.shape_cast %get3A_1507 : vector<16xf32> to vector<16xf32>
      %swap3A_1509 = arith.constant 3280 : index
      %swap3A_1510 = tpu.vector_load %arg5[%swap3A_1509] {strides = array<i32>} : memref<8000xf32, #tpu.memory_space<vmem>>, vector<16xf32>,
      %swap3A_1511 = vector.shape_cast %swap3A_1510 : vector<16xf32> to vector<16xf32>
      %swap3A_1512 = vector.shape_cast %get3A_1508 : vector<16xf32> to vector<16xf32>
      tpu.vector_store %arg5[%swap3A_1509], %swap3A_1512 {strides = array<i32>} : memref<8000xf32, #tpu.memory_space<vmem>>, vector<16xf32>,
      %get3A_1513 = arith.constant 2496 : index
      %get3A_1514 = tpu.vector_load %arg4[%get3A_1513] {strides = array<i32>} : memref<6056xf32, #tpu.memory_space<vmem>>, vector<16xf32>,
      %get3A_1515 = vector.shape_cast %get3A_1514 : vector<16xf32> to vector<16xf32>
      %swap3A_1516 = arith.constant 3296 : index
      %swap3A_1517 = tpu.vector_load %arg5[%swap3A_1516] {strides = array<i32>} : memref<8000xf32, #tpu.memory_space<vmem>>, vector<16xf32>,
      %swap3A_1518 = vector.shape_cast %swap3A_1517 : vector<16xf32> to vector<16xf32>
      %swap3A_1519 = vector.shape_cast %get3A_1515 : vector<16xf32> to vector<16xf32>
      tpu.vector_store %arg5[%swap3A_1516], %swap3A_1519 {strides = array<i32>} : memref<8000xf32, #tpu.memory_space<vmem>>, vector<16xf32>,
      %get3A_1520 = arith.constant 2512 : index
      %get3A_1521 = tpu.vector_load %arg4[%get3A_1520] {strides = array<i32>} : memref<6056xf32, #tpu.memory_space<vmem>>, vector<16xf32>,
      %get3A_1522 = vector.shape_cast %get3A_1521 : vector<16xf32> to vector<16xf32>
      %swap3A_1523 = arith.constant 3312 : index
      %swap3A_1524 = tpu.vector_load %arg5[%swap3A_1523] {strides = array<i32>} : memref<8000xf32, #tpu.memory_space<vmem>>, vector<16xf32>,
      %swap3A_1525 = vector.shape_cast %swap3A_1524 : vector<16xf32> to vector<16xf32>
      %swap3A_1526 = vector.shape_cast %get3A_1522 : vector<16xf32> to vector<16xf32>
      tpu.vector_store %arg5[%swap3A_1523], %swap3A_1526 {strides = array<i32>} : memref<8000xf32, #tpu.memory_space<vmem>>, vector<16xf32>,
      %get3A_1527 = arith.constant 2528 : index
      %get3A_1528 = tpu.vector_load %arg4[%get3A_1527] {strides = array<i32>} : memref<6056xf32, #tpu.memory_space<vmem>>, vector<16xf32>,
      %get3A_1529 = vector.shape_cast %get3A_1528 : vector<16xf32> to vector<16xf32>
      %swap3A_1530 = arith.constant 3328 : index
      %swap3A_1531 = tpu.vector_load %arg5[%swap3A_1530] {strides = array<i32>} : memref<8000xf32, #tpu.memory_space<vmem>>, vector<16xf32>,
      %swap3A_1532 = vector.shape_cast %swap3A_1531 : vector<16xf32> to vector<16xf32>
      %swap3A_1533 = vector.shape_cast %get3A_1529 : vector<16xf32> to vector<16xf32>
      tpu.vector_store %arg5[%swap3A_1530], %swap3A_1533 {strides = array<i32>} : memref<8000xf32, #tpu.memory_space<vmem>>, vector<16xf32>,
      %get3A_1534 = arith.constant 2544 : index
      %get3A_1535 = tpu.vector_load %arg4[%get3A_1534] {strides = array<i32>} : memref<6056xf32, #tpu.memory_space<vmem>>, vector<16xf32>,
      %get3A_1536 = vector.shape_cast %get3A_1535 : vector<16xf32> to vector<16xf32>
      %swap3A_1537 = arith.constant 3344 : index
      %swap3A_1538 = tpu.vector_load %arg5[%swap3A_1537] {strides = array<i32>} : memref<8000xf32, #tpu.memory_space<vmem>>, vector<16xf32>,
      %swap3A_1539 = vector.shape_cast %swap3A_1538 : vector<16xf32> to vector<16xf32>
      %swap3A_1540 = vector.shape_cast %get3A_1536 : vector<16xf32> to vector<16xf32>
      tpu.vector_store %arg5[%swap3A_1537], %swap3A_1540 {strides = array<i32>} : memref<8000xf32, #tpu.memory_space<vmem>>, vector<16xf32>,
      %get3A_1541 = arith.constant 2560 : index
      %get3A_1542 = tpu.vector_load %arg4[%get3A_1541] {strides = array<i32>} : memref<6056xf32, #tpu.memory_space<vmem>>, vector<16xf32>,
      %get3A_1543 = vector.shape_cast %get3A_1542 : vector<16xf32> to vector<16xf32>
      %swap3A_1544 = arith.constant 3360 : index
      %swap3A_1545 = tpu.vector_load %arg5[%swap3A_1544] {strides = array<i32>} : memref<8000xf32, #tpu.memory_space<vmem>>, vector<16xf32>,
      %swap3A_1546 = vector.shape_cast %swap3A_1545 : vector<16xf32> to vector<16xf32>
      %swap3A_1547 = vector.shape_cast %get3A_1543 : vector<16xf32> to vector<16xf32>
      tpu.vector_store %arg5[%swap3A_1544], %swap3A_1547 {strides = array<i32>} : memref<8000xf32, #tpu.memory_space<vmem>>, vector<16xf32>,
      %get3A_1548 = arith.constant 2576 : index
      %get3A_1549 = tpu.vector_load %arg4[%get3A_1548] {strides = array<i32>} : memref<6056xf32, #tpu.memory_space<vmem>>, vector<16xf32>,
      %get3A_1550 = vector.shape_cast %get3A_1549 : vector<16xf32> to vector<16xf32>
      %swap3A_1551 = arith.constant 3376 : index
      %swap3A_1552 = tpu.vector_load %arg5[%swap3A_1551] {strides = array<i32>} : memref<8000xf32, #tpu.memory_space<vmem>>, vector<16xf32>,
      %swap3A_1553 = vector.shape_cast %swap3A_1552 : vector<16xf32> to vector<16xf32>
      %swap3A_1554 = vector.shape_cast %get3A_1550 : vector<16xf32> to vector<16xf32>
      tpu.vector_store %arg5[%swap3A_1551], %swap3A_1554 {strides = array<i32>} : memref<8000xf32, #tpu.memory_space<vmem>>, vector<16xf32>,
      %get3A_1555 = arith.constant 2584 : index
      %get3A_1556 = tpu.vector_load %arg4[%get3A_1555] {strides = array<i32>} : memref<6056xf32, #tpu.memory_space<vmem>>, vector<16xf32>,
      %get3A_1557 = vector.shape_cast %get3A_1556 : vector<16xf32> to vector<16xf32>
      %swap3A_1558 = arith.constant 3384 : index
      %swap3A_1559 = tpu.vector_load %arg5[%swap3A_1558] {strides = array<i32>} : memref<8000xf32, #tpu.memory_space<vmem>>, vector<16xf32>,
      %swap3A_1560 = vector.shape_cast %swap3A_1559 : vector<16xf32> to vector<16xf32>
      %swap3A_1561 = vector.shape_cast %get3A_1557 : vector<16xf32> to vector<16xf32>
      tpu.vector_store %arg5[%swap3A_1558], %swap3A_1561 {strides = array<i32>} : memref<8000xf32, #tpu.memory_space<vmem>>, vector<16xf32>,
      %get3A_1562 = arith.constant 2550 : index
      %get3A_1563 = tpu.vector_load %arg4[%get3A_1562] {strides = array<i32>} : memref<6056xf32, #tpu.memory_space<vmem>>, vector<16xf32>,
      %get3A_1564 = vector.shape_cast %get3A_1563 : vector<16xf32> to vector<16xf32>
      %swap3A_1565 = arith.constant 3400 : index
      %swap3A_1566 = tpu.vector_load %arg5[%swap3A_1565] {strides = array<i32>} : memref<8000xf32, #tpu.memory_space<vmem>>, vector<16xf32>,
      %swap3A_1567 = vector.shape_cast %swap3A_1566 : vector<16xf32> to vector<16xf32>
      %swap3A_1568 = vector.shape_cast %get3A_1564 : vector<16xf32> to vector<16xf32>
      tpu.vector_store %arg5[%swap3A_1565], %swap3A_1568 {strides = array<i32>} : memref<8000xf32, #tpu.memory_space<vmem>>, vector<16xf32>,
      %get3A_1569 = arith.constant 2566 : index
      %get3A_1570 = tpu.vector_load %arg4[%get3A_1569] {strides = array<i32>} : memref<6056xf32, #tpu.memory_space<vmem>>, vector<16xf32>,
      %get3A_1571 = vector.shape_cast %get3A_1570 : vector<16xf32> to vector<16xf32>
      %swap3A_1572 = arith.constant 3416 : index
      %swap3A_1573 = tpu.vector_load %arg5[%swap3A_1572] {strides = array<i32>} : memref<8000xf32, #tpu.memory_space<vmem>>, vector<16xf32>,
      %swap3A_1574 = vector.shape_cast %swap3A_1573 : vector<16xf32> to vector<16xf32>
      %swap3A_1575 = vector.shape_cast %get3A_1571 : vector<16xf32> to vector<16xf32>
      tpu.vector_store %arg5[%swap3A_1572], %swap3A_1575 {strides = array<i32>} : memref<8000xf32, #tpu.memory_space<vmem>>, vector<16xf32>,
      %get3A_1576 = arith.constant 2582 : index
      %get3A_1577 = tpu.vector_load %arg4[%get3A_1576] {strides = array<i32>} : memref<6056xf32, #tpu.memory_space<vmem>>, vector<16xf32>,
      %get3A_1578 = vector.shape_cast %get3A_1577 : vector<16xf32> to vector<16xf32>
      %swap3A_1579 = arith.constant 3432 : index
      %swap3A_1580 = tpu.vector_load %arg5[%swap3A_1579] {strides = array<i32>} : memref<8000xf32, #tpu.memory_space<vmem>>, vector<16xf32>,
      %swap3A_1581 = vector.shape_cast %swap3A_1580 : vector<16xf32> to vector<16xf32>
      %swap3A_1582 = vector.shape_cast %get3A_1578 : vector<16xf32> to vector<16xf32>
      tpu.vector_store %arg5[%swap3A_1579], %swap3A_1582 {strides = array<i32>} : memref<8000xf32, #tpu.memory_space<vmem>>, vector<16xf32>,
      %get3A_1583 = arith.constant 2598 : index
      %get3A_1584 = tpu.vector_load %arg4[%get3A_1583] {strides = array<i32>} : memref<6056xf32, #tpu.memory_space<vmem>>, vector<16xf32>,
      %get3A_1585 = vector.shape_cast %get3A_1584 : vector<16xf32> to vector<16xf32>
      %swap3A_1586 = arith.constant 3448 : index
      %swap3A_1587 = tpu.vector_load %arg5[%swap3A_1586] {strides = array<i32>} : memref<8000xf32, #tpu.memory_space<vmem>>, vector<16xf32>,
      %swap3A_1588 = vector.shape_cast %swap3A_1587 : vector<16xf32> to vector<16xf32>
      %swap3A_1589 = vector.shape_cast %get3A_1585 : vector<16xf32> to vector<16xf32>
      tpu.vector_store %arg5[%swap3A_1586], %swap3A_1589 {strides = array<i32>} : memref<8000xf32, #tpu.memory_space<vmem>>, vector<16xf32>,
      %get3A_1590 = arith.constant 2614 : index
      %get3A_1591 = tpu.vector_load %arg4[%get3A_1590] {strides = array<i32>} : memref<6056xf32, #tpu.memory_space<vmem>>, vector<16xf32>,
      %get3A_1592 = vector.shape_cast %get3A_1591 : vector<16xf32> to vector<16xf32>
      %swap3A_1593 = arith.constant 3464 : index
      %swap3A_1594 = tpu.vector_load %arg5[%swap3A_1593] {strides = array<i32>} : memref<8000xf32, #tpu.memory_space<vmem>>, vector<16xf32>,
      %swap3A_1595 = vector.shape_cast %swap3A_1594 : vector<16xf32> to vector<16xf32>
      %swap3A_1596 = vector.shape_cast %get3A_1592 : vector<16xf32> to vector<16xf32>
      tpu.vector_store %arg5[%swap3A_1593], %swap3A_1596 {strides = array<i32>} : memref<8000xf32, #tpu.memory_space<vmem>>, vector<16xf32>,
      %get3A_1597 = arith.constant 2630 : index
      %get3A_1598 = tpu.vector_load %arg4[%get3A_1597] {strides = array<i32>} : memref<6056xf32, #tpu.memory_space<vmem>>, vector<16xf32>,
      %get3A_1599 = vector.shape_cast %get3A_1598 : vector<16xf32> to vector<16xf32>
      %swap3A_1600 = arith.constant 3480 : index
      %swap3A_1601 = tpu.vector_load %arg5[%swap3A_1600] {strides = array<i32>} : memref<8000xf32, #tpu.memory_space<vmem>>, vector<16xf32>,
      %swap3A_1602 = vector.shape_cast %swap3A_1601 : vector<16xf32> to vector<16xf32>
      %swap3A_1603 = vector.shape_cast %get3A_1599 : vector<16xf32> to vector<16xf32>
      tpu.vector_store %arg5[%swap3A_1600], %swap3A_1603 {strides = array<i32>} : memref<8000xf32, #tpu.memory_space<vmem>>, vector<16xf32>,
      %get3A_1604 = arith.constant 2646 : index
      %get3A_1605 = tpu.vector_load %arg4[%get3A_1604] {strides = array<i32>} : memref<6056xf32, #tpu.memory_space<vmem>>, vector<16xf32>,
      %get3A_1606 = vector.shape_cast %get3A_1605 : vector<16xf32> to vector<16xf32>
      %swap3A_1607 = arith.constant 3496 : index
      %swap3A_1608 = tpu.vector_load %arg5[%swap3A_1607] {strides = array<i32>} : memref<8000xf32, #tpu.memory_space<vmem>>, vector<16xf32>,
      %swap3A_1609 = vector.shape_cast %swap3A_1608 : vector<16xf32> to vector<16xf32>
      %swap3A_1610 = vector.shape_cast %get3A_1606 : vector<16xf32> to vector<16xf32>
      tpu.vector_store %arg5[%swap3A_1607], %swap3A_1610 {strides = array<i32>} : memref<8000xf32, #tpu.memory_space<vmem>>, vector<16xf32>,
      %get3A_1611 = arith.constant 2662 : index
      %get3A_1612 = tpu.vector_load %arg4[%get3A_1611] {strides = array<i32>} : memref<6056xf32, #tpu.memory_space<vmem>>, vector<16xf32>,
      %get3A_1613 = vector.shape_cast %get3A_1612 : vector<16xf32> to vector<16xf32>
      %swap3A_1614 = arith.constant 3512 : index
      %swap3A_1615 = tpu.vector_load %arg5[%swap3A_1614] {strides = array<i32>} : memref<8000xf32, #tpu.memory_space<vmem>>, vector<16xf32>,
      %swap3A_1616 = vector.shape_cast %swap3A_1615 : vector<16xf32> to vector<16xf32>
      %swap3A_1617 = vector.shape_cast %get3A_1613 : vector<16xf32> to vector<16xf32>
      tpu.vector_store %arg5[%swap3A_1614], %swap3A_1617 {strides = array<i32>} : memref<8000xf32, #tpu.memory_space<vmem>>, vector<16xf32>,
      %get3A_1618 = arith.constant 2678 : index
      %get3A_1619 = tpu.vector_load %arg4[%get3A_1618] {strides = array<i32>} : memref<6056xf32, #tpu.memory_space<vmem>>, vector<16xf32>,
      %get3A_1620 = vector.shape_cast %get3A_1619 : vector<16xf32> to vector<16xf32>
      %swap3A_1621 = arith.constant 3528 : index
      %swap3A_1622 = tpu.vector_load %arg5[%swap3A_1621] {strides = array<i32>} : memref<8000xf32, #tpu.memory_space<vmem>>, vector<16xf32>,
      %swap3A_1623 = vector.shape_cast %swap3A_1622 : vector<16xf32> to vector<16xf32>
      %swap3A_1624 = vector.shape_cast %get3A_1620 : vector<16xf32> to vector<16xf32>
      tpu.vector_store %arg5[%swap3A_1621], %swap3A_1624 {strides = array<i32>} : memref<8000xf32, #tpu.memory_space<vmem>>, vector<16xf32>,
      %get3A_1625 = arith.constant 2694 : index
      %get3A_1626 = tpu.vector_load %arg4[%get3A_1625] {strides = array<i32>} : memref<6056xf32, #tpu.memory_space<vmem>>, vector<16xf32>,
      %get3A_1627 = vector.shape_cast %get3A_1626 : vector<16xf32> to vector<16xf32>
      %swap3A_1628 = arith.constant 3544 : index
      %swap3A_1629 = tpu.vector_load %arg5[%swap3A_1628] {strides = array<i32>} : memref<8000xf32, #tpu.memory_space<vmem>>, vector<16xf32>,
      %swap3A_1630 = vector.shape_cast %swap3A_1629 : vector<16xf32> to vector<16xf32>
      %swap3A_1631 = vector.shape_cast %get3A_1627 : vector<16xf32> to vector<16xf32>
      tpu.vector_store %arg5[%swap3A_1628], %swap3A_1631 {strides = array<i32>} : memref<8000xf32, #tpu.memory_space<vmem>>, vector<16xf32>,
      %get3A_1632 = arith.constant 2710 : index
      %get3A_1633 = tpu.vector_load %arg4[%get3A_1632] {strides = array<i32>} : memref<6056xf32, #tpu.memory_space<vmem>>, vector<16xf32>,
      %get3A_1634 = vector.shape_cast %get3A_1633 : vector<16xf32> to vector<16xf32>
      %swap3A_1635 = arith.constant 3560 : index
      %swap3A_1636 = tpu.vector_load %arg5[%swap3A_1635] {strides = array<i32>} : memref<8000xf32, #tpu.memory_space<vmem>>, vector<16xf32>,
      %swap3A_1637 = vector.shape_cast %swap3A_1636 : vector<16xf32> to vector<16xf32>
      %swap3A_1638 = vector.shape_cast %get3A_1634 : vector<16xf32> to vector<16xf32>
      tpu.vector_store %arg5[%swap3A_1635], %swap3A_1638 {strides = array<i32>} : memref<8000xf32, #tpu.memory_space<vmem>>, vector<16xf32>,
      %get3A_1639 = arith.constant 2726 : index
      %get3A_1640 = tpu.vector_load %arg4[%get3A_1639] {strides = array<i32>} : memref<6056xf32, #tpu.memory_space<vmem>>, vector<16xf32>,
      %get3A_1641 = vector.shape_cast %get3A_1640 : vector<16xf32> to vector<16xf32>
      %swap3A_1642 = arith.constant 3576 : index
      %swap3A_1643 = tpu.vector_load %arg5[%swap3A_1642] {strides = array<i32>} : memref<8000xf32, #tpu.memory_space<vmem>>, vector<16xf32>,
      %swap3A_1644 = vector.shape_cast %swap3A_1643 : vector<16xf32> to vector<16xf32>
      %swap3A_1645 = vector.shape_cast %get3A_1641 : vector<16xf32> to vector<16xf32>
      tpu.vector_store %arg5[%swap3A_1642], %swap3A_1645 {strides = array<i32>} : memref<8000xf32, #tpu.memory_space<vmem>>, vector<16xf32>,
      %get3A_1646 = arith.constant 2734 : index
      %get3A_1647 = tpu.vector_load %arg4[%get3A_1646] {strides = array<i32>} : memref<6056xf32, #tpu.memory_space<vmem>>, vector<16xf32>,
      %get3A_1648 = vector.shape_cast %get3A_1647 : vector<16xf32> to vector<16xf32>
      %swap3A_1649 = arith.constant 3584 : index
      %swap3A_1650 = tpu.vector_load %arg5[%swap3A_1649] {strides = array<i32>} : memref<8000xf32, #tpu.memory_space<vmem>>, vector<16xf32>,
      %swap3A_1651 = vector.shape_cast %swap3A_1650 : vector<16xf32> to vector<16xf32>
      %swap3A_1652 = vector.shape_cast %get3A_1648 : vector<16xf32> to vector<16xf32>
      tpu.vector_store %arg5[%swap3A_1649], %swap3A_1652 {strides = array<i32>} : memref<8000xf32, #tpu.memory_space<vmem>>, vector<16xf32>,
      %get3A_1653 = arith.constant 2700 : index
      %get3A_1654 = tpu.vector_load %arg4[%get3A_1653] {strides = array<i32>} : memref<6056xf32, #tpu.memory_space<vmem>>, vector<16xf32>,
      %get3A_1655 = vector.shape_cast %get3A_1654 : vector<16xf32> to vector<16xf32>
      %swap3A_1656 = arith.constant 3600 : index
      %swap3A_1657 = tpu.vector_load %arg5[%swap3A_1656] {strides = array<i32>} : memref<8000xf32, #tpu.memory_space<vmem>>, vector<16xf32>,
      %swap3A_1658 = vector.shape_cast %swap3A_1657 : vector<16xf32> to vector<16xf32>
      %swap3A_1659 = vector.shape_cast %get3A_1655 : vector<16xf32> to vector<16xf32>
      tpu.vector_store %arg5[%swap3A_1656], %swap3A_1659 {strides = array<i32>} : memref<8000xf32, #tpu.memory_space<vmem>>, vector<16xf32>,
      %get3A_1660 = arith.constant 2716 : index
      %get3A_1661 = tpu.vector_load %arg4[%get3A_1660] {strides = array<i32>} : memref<6056xf32, #tpu.memory_space<vmem>>, vector<16xf32>,
      %get3A_1662 = vector.shape_cast %get3A_1661 : vector<16xf32> to vector<16xf32>
      %swap3A_1663 = arith.constant 3616 : index
      %swap3A_1664 = tpu.vector_load %arg5[%swap3A_1663] {strides = array<i32>} : memref<8000xf32, #tpu.memory_space<vmem>>, vector<16xf32>,
      %swap3A_1665 = vector.shape_cast %swap3A_1664 : vector<16xf32> to vector<16xf32>
      %swap3A_1666 = vector.shape_cast %get3A_1662 : vector<16xf32> to vector<16xf32>
      tpu.vector_store %arg5[%swap3A_1663], %swap3A_1666 {strides = array<i32>} : memref<8000xf32, #tpu.memory_space<vmem>>, vector<16xf32>,
      %get3A_1667 = arith.constant 2732 : index
      %get3A_1668 = tpu.vector_load %arg4[%get3A_1667] {strides = array<i32>} : memref<6056xf32, #tpu.memory_space<vmem>>, vector<16xf32>,
      %get3A_1669 = vector.shape_cast %get3A_1668 : vector<16xf32> to vector<16xf32>
      %swap3A_1670 = arith.constant 3632 : index
      %swap3A_1671 = tpu.vector_load %arg5[%swap3A_1670] {strides = array<i32>} : memref<8000xf32, #tpu.memory_space<vmem>>, vector<16xf32>,
      %swap3A_1672 = vector.shape_cast %swap3A_1671 : vector<16xf32> to vector<16xf32>
      %swap3A_1673 = vector.shape_cast %get3A_1669 : vector<16xf32> to vector<16xf32>
      tpu.vector_store %arg5[%swap3A_1670], %swap3A_1673 {strides = array<i32>} : memref<8000xf32, #tpu.memory_space<vmem>>, vector<16xf32>,
      %get3A_1674 = arith.constant 2748 : index
      %get3A_1675 = tpu.vector_load %arg4[%get3A_1674] {strides = array<i32>} : memref<6056xf32, #tpu.memory_space<vmem>>, vector<16xf32>,
      %get3A_1676 = vector.shape_cast %get3A_1675 : vector<16xf32> to vector<16xf32>
      %swap3A_1677 = arith.constant 3648 : index
      %swap3A_1678 = tpu.vector_load %arg5[%swap3A_1677] {strides = array<i32>} : memref<8000xf32, #tpu.memory_space<vmem>>, vector<16xf32>,
      %swap3A_1679 = vector.shape_cast %swap3A_1678 : vector<16xf32> to vector<16xf32>
      %swap3A_1680 = vector.shape_cast %get3A_1676 : vector<16xf32> to vector<16xf32>
      tpu.vector_store %arg5[%swap3A_1677], %swap3A_1680 {strides = array<i32>} : memref<8000xf32, #tpu.memory_space<vmem>>, vector<16xf32>,
      %get3A_1681 = arith.constant 2764 : index
      %get3A_1682 = tpu.vector_load %arg4[%get3A_1681] {strides = array<i32>} : memref<6056xf32, #tpu.memory_space<vmem>>, vector<16xf32>,
      %get3A_1683 = vector.shape_cast %get3A_1682 : vector<16xf32> to vector<16xf32>
      %swap3A_1684 = arith.constant 3664 : index
      %swap3A_1685 = tpu.vector_load %arg5[%swap3A_1684] {strides = array<i32>} : memref<8000xf32, #tpu.memory_space<vmem>>, vector<16xf32>,
      %swap3A_1686 = vector.shape_cast %swap3A_1685 : vector<16xf32> to vector<16xf32>
      %swap3A_1687 = vector.shape_cast %get3A_1683 : vector<16xf32> to vector<16xf32>
      tpu.vector_store %arg5[%swap3A_1684], %swap3A_1687 {strides = array<i32>} : memref<8000xf32, #tpu.memory_space<vmem>>, vector<16xf32>,
      %get3A_1688 = arith.constant 2780 : index
      %get3A_1689 = tpu.vector_load %arg4[%get3A_1688] {strides = array<i32>} : memref<6056xf32, #tpu.memory_space<vmem>>, vector<16xf32>,
      %get3A_1690 = vector.shape_cast %get3A_1689 : vector<16xf32> to vector<16xf32>
      %swap3A_1691 = arith.constant 3680 : index
      %swap3A_1692 = tpu.vector_load %arg5[%swap3A_1691] {strides = array<i32>} : memref<8000xf32, #tpu.memory_space<vmem>>, vector<16xf32>,
      %swap3A_1693 = vector.shape_cast %swap3A_1692 : vector<16xf32> to vector<16xf32>
      %swap3A_1694 = vector.shape_cast %get3A_1690 : vector<16xf32> to vector<16xf32>
      tpu.vector_store %arg5[%swap3A_1691], %swap3A_1694 {strides = array<i32>} : memref<8000xf32, #tpu.memory_space<vmem>>, vector<16xf32>,
      %get3A_1695 = arith.constant 2796 : index
      %get3A_1696 = tpu.vector_load %arg4[%get3A_1695] {strides = array<i32>} : memref<6056xf32, #tpu.memory_space<vmem>>, vector<16xf32>,
      %get3A_1697 = vector.shape_cast %get3A_1696 : vector<16xf32> to vector<16xf32>
      %swap3A_1698 = arith.constant 3696 : index
      %swap3A_1699 = tpu.vector_load %arg5[%swap3A_1698] {strides = array<i32>} : memref<8000xf32, #tpu.memory_space<vmem>>, vector<16xf32>,
      %swap3A_1700 = vector.shape_cast %swap3A_1699 : vector<16xf32> to vector<16xf32>
      %swap3A_1701 = vector.shape_cast %get3A_1697 : vector<16xf32> to vector<16xf32>
      tpu.vector_store %arg5[%swap3A_1698], %swap3A_1701 {strides = array<i32>} : memref<8000xf32, #tpu.memory_space<vmem>>, vector<16xf32>,
      %get3A_1702 = arith.constant 2812 : index
      %get3A_1703 = tpu.vector_load %arg4[%get3A_1702] {strides = array<i32>} : memref<6056xf32, #tpu.memory_space<vmem>>, vector<16xf32>,
      %get3A_1704 = vector.shape_cast %get3A_1703 : vector<16xf32> to vector<16xf32>
      %swap3A_1705 = arith.constant 3712 : index
      %swap3A_1706 = tpu.vector_load %arg5[%swap3A_1705] {strides = array<i32>} : memref<8000xf32, #tpu.memory_space<vmem>>, vector<16xf32>,
      %swap3A_1707 = vector.shape_cast %swap3A_1706 : vector<16xf32> to vector<16xf32>
      %swap3A_1708 = vector.shape_cast %get3A_1704 : vector<16xf32> to vector<16xf32>
      tpu.vector_store %arg5[%swap3A_1705], %swap3A_1708 {strides = array<i32>} : memref<8000xf32, #tpu.memory_space<vmem>>, vector<16xf32>,
      %get3A_1709 = arith.constant 2828 : index
      %get3A_1710 = tpu.vector_load %arg4[%get3A_1709] {strides = array<i32>} : memref<6056xf32, #tpu.memory_space<vmem>>, vector<16xf32>,
      %get3A_1711 = vector.shape_cast %get3A_1710 : vector<16xf32> to vector<16xf32>
      %swap3A_1712 = arith.constant 3728 : index
      %swap3A_1713 = tpu.vector_load %arg5[%swap3A_1712] {strides = array<i32>} : memref<8000xf32, #tpu.memory_space<vmem>>, vector<16xf32>,
      %swap3A_1714 = vector.shape_cast %swap3A_1713 : vector<16xf32> to vector<16xf32>
      %swap3A_1715 = vector.shape_cast %get3A_1711 : vector<16xf32> to vector<16xf32>
      tpu.vector_store %arg5[%swap3A_1712], %swap3A_1715 {strides = array<i32>} : memref<8000xf32, #tpu.memory_space<vmem>>, vector<16xf32>,
      %get3A_1716 = arith.constant 2844 : index
      %get3A_1717 = tpu.vector_load %arg4[%get3A_1716] {strides = array<i32>} : memref<6056xf32, #tpu.memory_space<vmem>>, vector<16xf32>,
      %get3A_1718 = vector.shape_cast %get3A_1717 : vector<16xf32> to vector<16xf32>
      %swap3A_1719 = arith.constant 3744 : index
      %swap3A_1720 = tpu.vector_load %arg5[%swap3A_1719] {strides = array<i32>} : memref<8000xf32, #tpu.memory_space<vmem>>, vector<16xf32>,
      %swap3A_1721 = vector.shape_cast %swap3A_1720 : vector<16xf32> to vector<16xf32>
      %swap3A_1722 = vector.shape_cast %get3A_1718 : vector<16xf32> to vector<16xf32>
      tpu.vector_store %arg5[%swap3A_1719], %swap3A_1722 {strides = array<i32>} : memref<8000xf32, #tpu.memory_space<vmem>>, vector<16xf32>,
      %get3A_1723 = arith.constant 2860 : index
      %get3A_1724 = tpu.vector_load %arg4[%get3A_1723] {strides = array<i32>} : memref<6056xf32, #tpu.memory_space<vmem>>, vector<16xf32>,
      %get3A_1725 = vector.shape_cast %get3A_1724 : vector<16xf32> to vector<16xf32>
      %swap3A_1726 = arith.constant 3760 : index
      %swap3A_1727 = tpu.vector_load %arg5[%swap3A_1726] {strides = array<i32>} : memref<8000xf32, #tpu.memory_space<vmem>>, vector<16xf32>,
      %swap3A_1728 = vector.shape_cast %swap3A_1727 : vector<16xf32> to vector<16xf32>
      %swap3A_1729 = vector.shape_cast %get3A_1725 : vector<16xf32> to vector<16xf32>
      tpu.vector_store %arg5[%swap3A_1726], %swap3A_1729 {strides = array<i32>} : memref<8000xf32, #tpu.memory_space<vmem>>, vector<16xf32>,
      %get3A_1730 = arith.constant 2876 : index
      %get3A_1731 = tpu.vector_load %arg4[%get3A_1730] {strides = array<i32>} : memref<6056xf32, #tpu.memory_space<vmem>>, vector<16xf32>,
      %get3A_1732 = vector.shape_cast %get3A_1731 : vector<16xf32> to vector<16xf32>
      %swap3A_1733 = arith.constant 3776 : index
      %swap3A_1734 = tpu.vector_load %arg5[%swap3A_1733] {strides = array<i32>} : memref<8000xf32, #tpu.memory_space<vmem>>, vector<16xf32>,
      %swap3A_1735 = vector.shape_cast %swap3A_1734 : vector<16xf32> to vector<16xf32>
      %swap3A_1736 = vector.shape_cast %get3A_1732 : vector<16xf32> to vector<16xf32>
      tpu.vector_store %arg5[%swap3A_1733], %swap3A_1736 {strides = array<i32>} : memref<8000xf32, #tpu.memory_space<vmem>>, vector<16xf32>,
      %get3A_1737 = arith.constant 2884 : index
      %get3A_1738 = tpu.vector_load %arg4[%get3A_1737] {strides = array<i32>} : memref<6056xf32, #tpu.memory_space<vmem>>, vector<16xf32>,
      %get3A_1739 = vector.shape_cast %get3A_1738 : vector<16xf32> to vector<16xf32>
      %swap3A_1740 = arith.constant 3784 : index
      %swap3A_1741 = tpu.vector_load %arg5[%swap3A_1740] {strides = array<i32>} : memref<8000xf32, #tpu.memory_space<vmem>>, vector<16xf32>,
      %swap3A_1742 = vector.shape_cast %swap3A_1741 : vector<16xf32> to vector<16xf32>
      %swap3A_1743 = vector.shape_cast %get3A_1739 : vector<16xf32> to vector<16xf32>
      tpu.vector_store %arg5[%swap3A_1740], %swap3A_1743 {strides = array<i32>} : memref<8000xf32, #tpu.memory_space<vmem>>, vector<16xf32>,
      %get3A_1744 = arith.constant 2850 : index
      %get3A_1745 = tpu.vector_load %arg4[%get3A_1744] {strides = array<i32>} : memref<6056xf32, #tpu.memory_space<vmem>>, vector<16xf32>,
      %get3A_1746 = vector.shape_cast %get3A_1745 : vector<16xf32> to vector<16xf32>
      %swap3A_1747 = arith.constant 3800 : index
      %swap3A_1748 = tpu.vector_load %arg5[%swap3A_1747] {strides = array<i32>} : memref<8000xf32, #tpu.memory_space<vmem>>, vector<16xf32>,
      %swap3A_1749 = vector.shape_cast %swap3A_1748 : vector<16xf32> to vector<16xf32>
      %swap3A_1750 = vector.shape_cast %get3A_1746 : vector<16xf32> to vector<16xf32>
      tpu.vector_store %arg5[%swap3A_1747], %swap3A_1750 {strides = array<i32>} : memref<8000xf32, #tpu.memory_space<vmem>>, vector<16xf32>,
      %get3A_1751 = arith.constant 2866 : index
      %get3A_1752 = tpu.vector_load %arg4[%get3A_1751] {strides = array<i32>} : memref<6056xf32, #tpu.memory_space<vmem>>, vector<16xf32>,
      %get3A_1753 = vector.shape_cast %get3A_1752 : vector<16xf32> to vector<16xf32>
      %swap3A_1754 = arith.constant 3816 : index
      %swap3A_1755 = tpu.vector_load %arg5[%swap3A_1754] {strides = array<i32>} : memref<8000xf32, #tpu.memory_space<vmem>>, vector<16xf32>,
      %swap3A_1756 = vector.shape_cast %swap3A_1755 : vector<16xf32> to vector<16xf32>
      %swap3A_1757 = vector.shape_cast %get3A_1753 : vector<16xf32> to vector<16xf32>
      tpu.vector_store %arg5[%swap3A_1754], %swap3A_1757 {strides = array<i32>} : memref<8000xf32, #tpu.memory_space<vmem>>, vector<16xf32>,
      %get3A_1758 = arith.constant 2882 : index
      %get3A_1759 = tpu.vector_load %arg4[%get3A_1758] {strides = array<i32>} : memref<6056xf32, #tpu.memory_space<vmem>>, vector<16xf32>,
      %get3A_1760 = vector.shape_cast %get3A_1759 : vector<16xf32> to vector<16xf32>
      %swap3A_1761 = arith.constant 3832 : index
      %swap3A_1762 = tpu.vector_load %arg5[%swap3A_1761] {strides = array<i32>} : memref<8000xf32, #tpu.memory_space<vmem>>, vector<16xf32>,
      %swap3A_1763 = vector.shape_cast %swap3A_1762 : vector<16xf32> to vector<16xf32>
      %swap3A_1764 = vector.shape_cast %get3A_1760 : vector<16xf32> to vector<16xf32>
      tpu.vector_store %arg5[%swap3A_1761], %swap3A_1764 {strides = array<i32>} : memref<8000xf32, #tpu.memory_space<vmem>>, vector<16xf32>,
      %get3A_1765 = arith.constant 2898 : index
      %get3A_1766 = tpu.vector_load %arg4[%get3A_1765] {strides = array<i32>} : memref<6056xf32, #tpu.memory_space<vmem>>, vector<16xf32>,
      %get3A_1767 = vector.shape_cast %get3A_1766 : vector<16xf32> to vector<16xf32>
      %swap3A_1768 = arith.constant 3848 : index
      %swap3A_1769 = tpu.vector_load %arg5[%swap3A_1768] {strides = array<i32>} : memref<8000xf32, #tpu.memory_space<vmem>>, vector<16xf32>,
      %swap3A_1770 = vector.shape_cast %swap3A_1769 : vector<16xf32> to vector<16xf32>
      %swap3A_1771 = vector.shape_cast %get3A_1767 : vector<16xf32> to vector<16xf32>
      tpu.vector_store %arg5[%swap3A_1768], %swap3A_1771 {strides = array<i32>} : memref<8000xf32, #tpu.memory_space<vmem>>, vector<16xf32>,
      %get3A_1772 = arith.constant 2914 : index
      %get3A_1773 = tpu.vector_load %arg4[%get3A_1772] {strides = array<i32>} : memref<6056xf32, #tpu.memory_space<vmem>>, vector<16xf32>,
      %get3A_1774 = vector.shape_cast %get3A_1773 : vector<16xf32> to vector<16xf32>
      %swap3A_1775 = arith.constant 3864 : index
      %swap3A_1776 = tpu.vector_load %arg5[%swap3A_1775] {strides = array<i32>} : memref<8000xf32, #tpu.memory_space<vmem>>, vector<16xf32>,
      %swap3A_1777 = vector.shape_cast %swap3A_1776 : vector<16xf32> to vector<16xf32>
      %swap3A_1778 = vector.shape_cast %get3A_1774 : vector<16xf32> to vector<16xf32>
      tpu.vector_store %arg5[%swap3A_1775], %swap3A_1778 {strides = array<i32>} : memref<8000xf32, #tpu.memory_space<vmem>>, vector<16xf32>,
      %get3A_1779 = arith.constant 2930 : index
      %get3A_1780 = tpu.vector_load %arg4[%get3A_1779] {strides = array<i32>} : memref<6056xf32, #tpu.memory_space<vmem>>, vector<16xf32>,
      %get3A_1781 = vector.shape_cast %get3A_1780 : vector<16xf32> to vector<16xf32>
      %swap3A_1782 = arith.constant 3880 : index
      %swap3A_1783 = tpu.vector_load %arg5[%swap3A_1782] {strides = array<i32>} : memref<8000xf32, #tpu.memory_space<vmem>>, vector<16xf32>,
      %swap3A_1784 = vector.shape_cast %swap3A_1783 : vector<16xf32> to vector<16xf32>
      %swap3A_1785 = vector.shape_cast %get3A_1781 : vector<16xf32> to vector<16xf32>
      tpu.vector_store %arg5[%swap3A_1782], %swap3A_1785 {strides = array<i32>} : memref<8000xf32, #tpu.memory_space<vmem>>, vector<16xf32>,
      %get3A_1786 = arith.constant 2946 : index
      %get3A_1787 = tpu.vector_load %arg4[%get3A_1786] {strides = array<i32>} : memref<6056xf32, #tpu.memory_space<vmem>>, vector<16xf32>,
      %get3A_1788 = vector.shape_cast %get3A_1787 : vector<16xf32> to vector<16xf32>
      %swap3A_1789 = arith.constant 3896 : index
      %swap3A_1790 = tpu.vector_load %arg5[%swap3A_1789] {strides = array<i32>} : memref<8000xf32, #tpu.memory_space<vmem>>, vector<16xf32>,
      %swap3A_1791 = vector.shape_cast %swap3A_1790 : vector<16xf32> to vector<16xf32>
      %swap3A_1792 = vector.shape_cast %get3A_1788 : vector<16xf32> to vector<16xf32>
      tpu.vector_store %arg5[%swap3A_1789], %swap3A_1792 {strides = array<i32>} : memref<8000xf32, #tpu.memory_space<vmem>>, vector<16xf32>,
      %get3A_1793 = arith.constant 2962 : index
      %get3A_1794 = tpu.vector_load %arg4[%get3A_1793] {strides = array<i32>} : memref<6056xf32, #tpu.memory_space<vmem>>, vector<16xf32>,
      %get3A_1795 = vector.shape_cast %get3A_1794 : vector<16xf32> to vector<16xf32>
      %swap3A_1796 = arith.constant 3912 : index
      %swap3A_1797 = tpu.vector_load %arg5[%swap3A_1796] {strides = array<i32>} : memref<8000xf32, #tpu.memory_space<vmem>>, vector<16xf32>,
      %swap3A_1798 = vector.shape_cast %swap3A_1797 : vector<16xf32> to vector<16xf32>
      %swap3A_1799 = vector.shape_cast %get3A_1795 : vector<16xf32> to vector<16xf32>
      tpu.vector_store %arg5[%swap3A_1796], %swap3A_1799 {strides = array<i32>} : memref<8000xf32, #tpu.memory_space<vmem>>, vector<16xf32>,
      %get3A_1800 = arith.constant 2978 : index
      %get3A_1801 = tpu.vector_load %arg4[%get3A_1800] {strides = array<i32>} : memref<6056xf32, #tpu.memory_space<vmem>>, vector<16xf32>,
      %get3A_1802 = vector.shape_cast %get3A_1801 : vector<16xf32> to vector<16xf32>
      %swap3A_1803 = arith.constant 3928 : index
      %swap3A_1804 = tpu.vector_load %arg5[%swap3A_1803] {strides = array<i32>} : memref<8000xf32, #tpu.memory_space<vmem>>, vector<16xf32>,
      %swap3A_1805 = vector.shape_cast %swap3A_1804 : vector<16xf32> to vector<16xf32>
      %swap3A_1806 = vector.shape_cast %get3A_1802 : vector<16xf32> to vector<16xf32>
      tpu.vector_store %arg5[%swap3A_1803], %swap3A_1806 {strides = array<i32>} : memref<8000xf32, #tpu.memory_space<vmem>>, vector<16xf32>,
      %get3A_1807 = arith.constant 2994 : index
      %get3A_1808 = tpu.vector_load %arg4[%get3A_1807] {strides = array<i32>} : memref<6056xf32, #tpu.memory_space<vmem>>, vector<16xf32>,
      %get3A_1809 = vector.shape_cast %get3A_1808 : vector<16xf32> to vector<16xf32>
      %swap3A_1810 = arith.constant 3944 : index
      %swap3A_1811 = tpu.vector_load %arg5[%swap3A_1810] {strides = array<i32>} : memref<8000xf32, #tpu.memory_space<vmem>>, vector<16xf32>,
      %swap3A_1812 = vector.shape_cast %swap3A_1811 : vector<16xf32> to vector<16xf32>
      %swap3A_1813 = vector.shape_cast %get3A_1809 : vector<16xf32> to vector<16xf32>
      tpu.vector_store %arg5[%swap3A_1810], %swap3A_1813 {strides = array<i32>} : memref<8000xf32, #tpu.memory_space<vmem>>, vector<16xf32>,
      %get3A_1814 = arith.constant 3010 : index
      %get3A_1815 = tpu.vector_load %arg4[%get3A_1814] {strides = array<i32>} : memref<6056xf32, #tpu.memory_space<vmem>>, vector<16xf32>,
      %get3A_1816 = vector.shape_cast %get3A_1815 : vector<16xf32> to vector<16xf32>
      %swap3A_1817 = arith.constant 3960 : index
      %swap3A_1818 = tpu.vector_load %arg5[%swap3A_1817] {strides = array<i32>} : memref<8000xf32, #tpu.memory_space<vmem>>, vector<16xf32>,
      %swap3A_1819 = vector.shape_cast %swap3A_1818 : vector<16xf32> to vector<16xf32>
      %swap3A_1820 = vector.shape_cast %get3A_1816 : vector<16xf32> to vector<16xf32>
      tpu.vector_store %arg5[%swap3A_1817], %swap3A_1820 {strides = array<i32>} : memref<8000xf32, #tpu.memory_space<vmem>>, vector<16xf32>,
      %get3A_1821 = arith.constant 3026 : index
      %get3A_1822 = tpu.vector_load %arg4[%get3A_1821] {strides = array<i32>} : memref<6056xf32, #tpu.memory_space<vmem>>, vector<16xf32>,
      %get3A_1823 = vector.shape_cast %get3A_1822 : vector<16xf32> to vector<16xf32>
      %swap3A_1824 = arith.constant 3976 : index
      %swap3A_1825 = tpu.vector_load %arg5[%swap3A_1824] {strides = array<i32>} : memref<8000xf32, #tpu.memory_space<vmem>>, vector<16xf32>,
      %swap3A_1826 = vector.shape_cast %swap3A_1825 : vector<16xf32> to vector<16xf32>
      %swap3A_1827 = vector.shape_cast %get3A_1823 : vector<16xf32> to vector<16xf32>
      tpu.vector_store %arg5[%swap3A_1824], %swap3A_1827 {strides = array<i32>} : memref<8000xf32, #tpu.memory_space<vmem>>, vector<16xf32>,
      %get3A_1828 = arith.constant 3034 : index
      %get3A_1829 = tpu.vector_load %arg4[%get3A_1828] {strides = array<i32>} : memref<6056xf32, #tpu.memory_space<vmem>>, vector<16xf32>,
      %get3A_1830 = vector.shape_cast %get3A_1829 : vector<16xf32> to vector<16xf32>
      %swap3A_1831 = arith.constant 3984 : index
      %swap3A_1832 = tpu.vector_load %arg5[%swap3A_1831] {strides = array<i32>} : memref<8000xf32, #tpu.memory_space<vmem>>, vector<16xf32>,
      %swap3A_1833 = vector.shape_cast %swap3A_1832 : vector<16xf32> to vector<16xf32>
      %swap3A_1834 = vector.shape_cast %get3A_1830 : vector<16xf32> to vector<16xf32>
      tpu.vector_store %arg5[%swap3A_1831], %swap3A_1834 {strides = array<i32>} : memref<8000xf32, #tpu.memory_space<vmem>>, vector<16xf32>,
      %get3A_1835 = arith.constant 3000 : index
      %get3A_1836 = tpu.vector_load %arg4[%get3A_1835] {strides = array<i32>} : memref<6056xf32, #tpu.memory_space<vmem>>, vector<16xf32>,
      %get3A_1837 = vector.shape_cast %get3A_1836 : vector<16xf32> to vector<16xf32>
      %swap3A_1838 = arith.constant 4000 : index
      %swap3A_1839 = tpu.vector_load %arg5[%swap3A_1838] {strides = array<i32>} : memref<8000xf32, #tpu.memory_space<vmem>>, vector<16xf32>,
      %swap3A_1840 = vector.shape_cast %swap3A_1839 : vector<16xf32> to vector<16xf32>
      %swap3A_1841 = vector.shape_cast %get3A_1837 : vector<16xf32> to vector<16xf32>
      tpu.vector_store %arg5[%swap3A_1838], %swap3A_1841 {strides = array<i32>} : memref<8000xf32, #tpu.memory_space<vmem>>, vector<16xf32>,
      %get3A_1842 = arith.constant 3016 : index
      %get3A_1843 = tpu.vector_load %arg4[%get3A_1842] {strides = array<i32>} : memref<6056xf32, #tpu.memory_space<vmem>>, vector<16xf32>,
      %get3A_1844 = vector.shape_cast %get3A_1843 : vector<16xf32> to vector<16xf32>
      %swap3A_1845 = arith.constant 4016 : index
      %swap3A_1846 = tpu.vector_load %arg5[%swap3A_1845] {strides = array<i32>} : memref<8000xf32, #tpu.memory_space<vmem>>, vector<16xf32>,
      %swap3A_1847 = vector.shape_cast %swap3A_1846 : vector<16xf32> to vector<16xf32>
      %swap3A_1848 = vector.shape_cast %get3A_1844 : vector<16xf32> to vector<16xf32>
      tpu.vector_store %arg5[%swap3A_1845], %swap3A_1848 {strides = array<i32>} : memref<8000xf32, #tpu.memory_space<vmem>>, vector<16xf32>,
      %get3A_1849 = arith.constant 3032 : index
      %get3A_1850 = tpu.vector_load %arg4[%get3A_1849] {strides = array<i32>} : memref<6056xf32, #tpu.memory_space<vmem>>, vector<16xf32>,
      %get3A_1851 = vector.shape_cast %get3A_1850 : vector<16xf32> to vector<16xf32>
      %swap3A_1852 = arith.constant 4032 : index
      %swap3A_1853 = tpu.vector_load %arg5[%swap3A_1852] {strides = array<i32>} : memref<8000xf32, #tpu.memory_space<vmem>>, vector<16xf32>,
      %swap3A_1854 = vector.shape_cast %swap3A_1853 : vector<16xf32> to vector<16xf32>
      %swap3A_1855 = vector.shape_cast %get3A_1851 : vector<16xf32> to vector<16xf32>
      tpu.vector_store %arg5[%swap3A_1852], %swap3A_1855 {strides = array<i32>} : memref<8000xf32, #tpu.memory_space<vmem>>, vector<16xf32>,
      %get3A_1856 = arith.constant 3048 : index
      %get3A_1857 = tpu.vector_load %arg4[%get3A_1856] {strides = array<i32>} : memref<6056xf32, #tpu.memory_space<vmem>>, vector<16xf32>,
      %get3A_1858 = vector.shape_cast %get3A_1857 : vector<16xf32> to vector<16xf32>
      %swap3A_1859 = arith.constant 4048 : index
      %swap3A_1860 = tpu.vector_load %arg5[%swap3A_1859] {strides = array<i32>} : memref<8000xf32, #tpu.memory_space<vmem>>, vector<16xf32>,
      %swap3A_1861 = vector.shape_cast %swap3A_1860 : vector<16xf32> to vector<16xf32>
      %swap3A_1862 = vector.shape_cast %get3A_1858 : vector<16xf32> to vector<16xf32>
      tpu.vector_store %arg5[%swap3A_1859], %swap3A_1862 {strides = array<i32>} : memref<8000xf32, #tpu.memory_space<vmem>>, vector<16xf32>,
      %get3A_1863 = arith.constant 3064 : index
      %get3A_1864 = tpu.vector_load %arg4[%get3A_1863] {strides = array<i32>} : memref<6056xf32, #tpu.memory_space<vmem>>, vector<16xf32>,
      %get3A_1865 = vector.shape_cast %get3A_1864 : vector<16xf32> to vector<16xf32>
      %swap3A_1866 = arith.constant 4064 : index
      %swap3A_1867 = tpu.vector_load %arg5[%swap3A_1866] {strides = array<i32>} : memref<8000xf32, #tpu.memory_space<vmem>>, vector<16xf32>,
      %swap3A_1868 = vector.shape_cast %swap3A_1867 : vector<16xf32> to vector<16xf32>
      %swap3A_1869 = vector.shape_cast %get3A_1865 : vector<16xf32> to vector<16xf32>
      tpu.vector_store %arg5[%swap3A_1866], %swap3A_1869 {strides = array<i32>} : memref<8000xf32, #tpu.memory_space<vmem>>, vector<16xf32>,
      %get3A_1870 = arith.constant 3080 : index
      %get3A_1871 = tpu.vector_load %arg4[%get3A_1870] {strides = array<i32>} : memref<6056xf32, #tpu.memory_space<vmem>>, vector<16xf32>,
      %get3A_1872 = vector.shape_cast %get3A_1871 : vector<16xf32> to vector<16xf32>
      %swap3A_1873 = arith.constant 4080 : index
      %swap3A_1874 = tpu.vector_load %arg5[%swap3A_1873] {strides = array<i32>} : memref<8000xf32, #tpu.memory_space<vmem>>, vector<16xf32>,
      %swap3A_1875 = vector.shape_cast %swap3A_1874 : vector<16xf32> to vector<16xf32>
      %swap3A_1876 = vector.shape_cast %get3A_1872 : vector<16xf32> to vector<16xf32>
      tpu.vector_store %arg5[%swap3A_1873], %swap3A_1876 {strides = array<i32>} : memref<8000xf32, #tpu.memory_space<vmem>>, vector<16xf32>,
      %get3A_1877 = arith.constant 3096 : index
      %get3A_1878 = tpu.vector_load %arg4[%get3A_1877] {strides = array<i32>} : memref<6056xf32, #tpu.memory_space<vmem>>, vector<16xf32>,
      %get3A_1879 = vector.shape_cast %get3A_1878 : vector<16xf32> to vector<16xf32>
      %swap3A_1880 = arith.constant 4096 : index
      %swap3A_1881 = tpu.vector_load %arg5[%swap3A_1880] {strides = array<i32>} : memref<8000xf32, #tpu.memory_space<vmem>>, vector<16xf32>,
      %swap3A_1882 = vector.shape_cast %swap3A_1881 : vector<16xf32> to vector<16xf32>
      %swap3A_1883 = vector.shape_cast %get3A_1879 : vector<16xf32> to vector<16xf32>
      tpu.vector_store %arg5[%swap3A_1880], %swap3A_1883 {strides = array<i32>} : memref<8000xf32, #tpu.memory_space<vmem>>, vector<16xf32>,
      %get3A_1884 = arith.constant 3112 : index
      %get3A_1885 = tpu.vector_load %arg4[%get3A_1884] {strides = array<i32>} : memref<6056xf32, #tpu.memory_space<vmem>>, vector<16xf32>,
      %get3A_1886 = vector.shape_cast %get3A_1885 : vector<16xf32> to vector<16xf32>
      %swap3A_1887 = arith.constant 4112 : index
      %swap3A_1888 = tpu.vector_load %arg5[%swap3A_1887] {strides = array<i32>} : memref<8000xf32, #tpu.memory_space<vmem>>, vector<16xf32>,
      %swap3A_1889 = vector.shape_cast %swap3A_1888 : vector<16xf32> to vector<16xf32>
      %swap3A_1890 = vector.shape_cast %get3A_1886 : vector<16xf32> to vector<16xf32>
      tpu.vector_store %arg5[%swap3A_1887], %swap3A_1890 {strides = array<i32>} : memref<8000xf32, #tpu.memory_space<vmem>>, vector<16xf32>,
      %get3A_1891 = arith.constant 3128 : index
      %get3A_1892 = tpu.vector_load %arg4[%get3A_1891] {strides = array<i32>} : memref<6056xf32, #tpu.memory_space<vmem>>, vector<16xf32>,
      %get3A_1893 = vector.shape_cast %get3A_1892 : vector<16xf32> to vector<16xf32>
      %swap3A_1894 = arith.constant 4128 : index
      %swap3A_1895 = tpu.vector_load %arg5[%swap3A_1894] {strides = array<i32>} : memref<8000xf32, #tpu.memory_space<vmem>>, vector<16xf32>,
      %swap3A_1896 = vector.shape_cast %swap3A_1895 : vector<16xf32> to vector<16xf32>
      %swap3A_1897 = vector.shape_cast %get3A_1893 : vector<16xf32> to vector<16xf32>
      tpu.vector_store %arg5[%swap3A_1894], %swap3A_1897 {strides = array<i32>} : memref<8000xf32, #tpu.memory_space<vmem>>, vector<16xf32>,
      %get3A_1898 = arith.constant 3144 : index
      %get3A_1899 = tpu.vector_load %arg4[%get3A_1898] {strides = array<i32>} : memref<6056xf32, #tpu.memory_space<vmem>>, vector<16xf32>,
      %get3A_1900 = vector.shape_cast %get3A_1899 : vector<16xf32> to vector<16xf32>
      %swap3A_1901 = arith.constant 4144 : index
      %swap3A_1902 = tpu.vector_load %arg5[%swap3A_1901] {strides = array<i32>} : memref<8000xf32, #tpu.memory_space<vmem>>, vector<16xf32>,
      %swap3A_1903 = vector.shape_cast %swap3A_1902 : vector<16xf32> to vector<16xf32>
      %swap3A_1904 = vector.shape_cast %get3A_1900 : vector<16xf32> to vector<16xf32>
      tpu.vector_store %arg5[%swap3A_1901], %swap3A_1904 {strides = array<i32>} : memref<8000xf32, #tpu.memory_space<vmem>>, vector<16xf32>,
      %get3A_1905 = arith.constant 3160 : index
      %get3A_1906 = tpu.vector_load %arg4[%get3A_1905] {strides = array<i32>} : memref<6056xf32, #tpu.memory_space<vmem>>, vector<16xf32>,
      %get3A_1907 = vector.shape_cast %get3A_1906 : vector<16xf32> to vector<16xf32>
      %swap3A_1908 = arith.constant 4160 : index
      %swap3A_1909 = tpu.vector_load %arg5[%swap3A_1908] {strides = array<i32>} : memref<8000xf32, #tpu.memory_space<vmem>>, vector<16xf32>,
      %swap3A_1910 = vector.shape_cast %swap3A_1909 : vector<16xf32> to vector<16xf32>
      %swap3A_1911 = vector.shape_cast %get3A_1907 : vector<16xf32> to vector<16xf32>
      tpu.vector_store %arg5[%swap3A_1908], %swap3A_1911 {strides = array<i32>} : memref<8000xf32, #tpu.memory_space<vmem>>, vector<16xf32>,
      %get3A_1912 = arith.constant 3176 : index
      %get3A_1913 = tpu.vector_load %arg4[%get3A_1912] {strides = array<i32>} : memref<6056xf32, #tpu.memory_space<vmem>>, vector<16xf32>,
      %get3A_1914 = vector.shape_cast %get3A_1913 : vector<16xf32> to vector<16xf32>
      %swap3A_1915 = arith.constant 4176 : index
      %swap3A_1916 = tpu.vector_load %arg5[%swap3A_1915] {strides = array<i32>} : memref<8000xf32, #tpu.memory_space<vmem>>, vector<16xf32>,
      %swap3A_1917 = vector.shape_cast %swap3A_1916 : vector<16xf32> to vector<16xf32>
      %swap3A_1918 = vector.shape_cast %get3A_1914 : vector<16xf32> to vector<16xf32>
      tpu.vector_store %arg5[%swap3A_1915], %swap3A_1918 {strides = array<i32>} : memref<8000xf32, #tpu.memory_space<vmem>>, vector<16xf32>,
      %get3A_1919 = arith.constant 3184 : index
      %get3A_1920 = tpu.vector_load %arg4[%get3A_1919] {strides = array<i32>} : memref<6056xf32, #tpu.memory_space<vmem>>, vector<16xf32>,
      %get3A_1921 = vector.shape_cast %get3A_1920 : vector<16xf32> to vector<16xf32>
      %swap3A_1922 = arith.constant 4184 : index
      %swap3A_1923 = tpu.vector_load %arg5[%swap3A_1922] {strides = array<i32>} : memref<8000xf32, #tpu.memory_space<vmem>>, vector<16xf32>,
      %swap3A_1924 = vector.shape_cast %swap3A_1923 : vector<16xf32> to vector<16xf32>
      %swap3A_1925 = vector.shape_cast %get3A_1921 : vector<16xf32> to vector<16xf32>
      tpu.vector_store %arg5[%swap3A_1922], %swap3A_1925 {strides = array<i32>} : memref<8000xf32, #tpu.memory_space<vmem>>, vector<16xf32>,
      %get3A_1926 = arith.constant 3150 : index
      %get3A_1927 = tpu.vector_load %arg4[%get3A_1926] {strides = array<i32>} : memref<6056xf32, #tpu.memory_space<vmem>>, vector<16xf32>,
      %get3A_1928 = vector.shape_cast %get3A_1927 : vector<16xf32> to vector<16xf32>
      %swap3A_1929 = arith.constant 4200 : index
      %swap3A_1930 = tpu.vector_load %arg5[%swap3A_1929] {strides = array<i32>} : memref<8000xf32, #tpu.memory_space<vmem>>, vector<16xf32>,
      %swap3A_1931 = vector.shape_cast %swap3A_1930 : vector<16xf32> to vector<16xf32>
      %swap3A_1932 = vector.shape_cast %get3A_1928 : vector<16xf32> to vector<16xf32>
      tpu.vector_store %arg5[%swap3A_1929], %swap3A_1932 {strides = array<i32>} : memref<8000xf32, #tpu.memory_space<vmem>>, vector<16xf32>,
      %get3A_1933 = arith.constant 3166 : index
      %get3A_1934 = tpu.vector_load %arg4[%get3A_1933] {strides = array<i32>} : memref<6056xf32, #tpu.memory_space<vmem>>, vector<16xf32>,
      %get3A_1935 = vector.shape_cast %get3A_1934 : vector<16xf32> to vector<16xf32>
      %swap3A_1936 = arith.constant 4216 : index
      %swap3A_1937 = tpu.vector_load %arg5[%swap3A_1936] {strides = array<i32>} : memref<8000xf32, #tpu.memory_space<vmem>>, vector<16xf32>,
      %swap3A_1938 = vector.shape_cast %swap3A_1937 : vector<16xf32> to vector<16xf32>
      %swap3A_1939 = vector.shape_cast %get3A_1935 : vector<16xf32> to vector<16xf32>
      tpu.vector_store %arg5[%swap3A_1936], %swap3A_1939 {strides = array<i32>} : memref<8000xf32, #tpu.memory_space<vmem>>, vector<16xf32>,
      %get3A_1940 = arith.constant 3182 : index
      %get3A_1941 = tpu.vector_load %arg4[%get3A_1940] {strides = array<i32>} : memref<6056xf32, #tpu.memory_space<vmem>>, vector<16xf32>,
      %get3A_1942 = vector.shape_cast %get3A_1941 : vector<16xf32> to vector<16xf32>
      %swap3A_1943 = arith.constant 4232 : index
      %swap3A_1944 = tpu.vector_load %arg5[%swap3A_1943] {strides = array<i32>} : memref<8000xf32, #tpu.memory_space<vmem>>, vector<16xf32>,
      %swap3A_1945 = vector.shape_cast %swap3A_1944 : vector<16xf32> to vector<16xf32>
      %swap3A_1946 = vector.shape_cast %get3A_1942 : vector<16xf32> to vector<16xf32>
      tpu.vector_store %arg5[%swap3A_1943], %swap3A_1946 {strides = array<i32>} : memref<8000xf32, #tpu.memory_space<vmem>>, vector<16xf32>,
      %get3A_1947 = arith.constant 3198 : index
      %get3A_1948 = tpu.vector_load %arg4[%get3A_1947] {strides = array<i32>} : memref<6056xf32, #tpu.memory_space<vmem>>, vector<16xf32>,
      %get3A_1949 = vector.shape_cast %get3A_1948 : vector<16xf32> to vector<16xf32>
      %swap3A_1950 = arith.constant 4248 : index
      %swap3A_1951 = tpu.vector_load %arg5[%swap3A_1950] {strides = array<i32>} : memref<8000xf32, #tpu.memory_space<vmem>>, vector<16xf32>,
      %swap3A_1952 = vector.shape_cast %swap3A_1951 : vector<16xf32> to vector<16xf32>
      %swap3A_1953 = vector.shape_cast %get3A_1949 : vector<16xf32> to vector<16xf32>
      tpu.vector_store %arg5[%swap3A_1950], %swap3A_1953 {strides = array<i32>} : memref<8000xf32, #tpu.memory_space<vmem>>, vector<16xf32>,
      %get3A_1954 = arith.constant 3214 : index
      %get3A_1955 = tpu.vector_load %arg4[%get3A_1954] {strides = array<i32>} : memref<6056xf32, #tpu.memory_space<vmem>>, vector<16xf32>,
      %get3A_1956 = vector.shape_cast %get3A_1955 : vector<16xf32> to vector<16xf32>
      %swap3A_1957 = arith.constant 4264 : index
      %swap3A_1958 = tpu.vector_load %arg5[%swap3A_1957] {strides = array<i32>} : memref<8000xf32, #tpu.memory_space<vmem>>, vector<16xf32>,
      %swap3A_1959 = vector.shape_cast %swap3A_1958 : vector<16xf32> to vector<16xf32>
      %swap3A_1960 = vector.shape_cast %get3A_1956 : vector<16xf32> to vector<16xf32>
      tpu.vector_store %arg5[%swap3A_1957], %swap3A_1960 {strides = array<i32>} : memref<8000xf32, #tpu.memory_space<vmem>>, vector<16xf32>,
      %get3A_1961 = arith.constant 3230 : index
      %get3A_1962 = tpu.vector_load %arg4[%get3A_1961] {strides = array<i32>} : memref<6056xf32, #tpu.memory_space<vmem>>, vector<16xf32>,
      %get3A_1963 = vector.shape_cast %get3A_1962 : vector<16xf32> to vector<16xf32>
      %swap3A_1964 = arith.constant 4280 : index
      %swap3A_1965 = tpu.vector_load %arg5[%swap3A_1964] {strides = array<i32>} : memref<8000xf32, #tpu.memory_space<vmem>>, vector<16xf32>,
      %swap3A_1966 = vector.shape_cast %swap3A_1965 : vector<16xf32> to vector<16xf32>
      %swap3A_1967 = vector.shape_cast %get3A_1963 : vector<16xf32> to vector<16xf32>
      tpu.vector_store %arg5[%swap3A_1964], %swap3A_1967 {strides = array<i32>} : memref<8000xf32, #tpu.memory_space<vmem>>, vector<16xf32>,
      %get3A_1968 = arith.constant 3246 : index
      %get3A_1969 = tpu.vector_load %arg4[%get3A_1968] {strides = array<i32>} : memref<6056xf32, #tpu.memory_space<vmem>>, vector<16xf32>,
      %get3A_1970 = vector.shape_cast %get3A_1969 : vector<16xf32> to vector<16xf32>
      %swap3A_1971 = arith.constant 4296 : index
      %swap3A_1972 = tpu.vector_load %arg5[%swap3A_1971] {strides = array<i32>} : memref<8000xf32, #tpu.memory_space<vmem>>, vector<16xf32>,
      %swap3A_1973 = vector.shape_cast %swap3A_1972 : vector<16xf32> to vector<16xf32>
      %swap3A_1974 = vector.shape_cast %get3A_1970 : vector<16xf32> to vector<16xf32>
      tpu.vector_store %arg5[%swap3A_1971], %swap3A_1974 {strides = array<i32>} : memref<8000xf32, #tpu.memory_space<vmem>>, vector<16xf32>,
      %get3A_1975 = arith.constant 3262 : index
      %get3A_1976 = tpu.vector_load %arg4[%get3A_1975] {strides = array<i32>} : memref<6056xf32, #tpu.memory_space<vmem>>, vector<16xf32>,
      %get3A_1977 = vector.shape_cast %get3A_1976 : vector<16xf32> to vector<16xf32>
      %swap3A_1978 = arith.constant 4312 : index
      %swap3A_1979 = tpu.vector_load %arg5[%swap3A_1978] {strides = array<i32>} : memref<8000xf32, #tpu.memory_space<vmem>>, vector<16xf32>,
      %swap3A_1980 = vector.shape_cast %swap3A_1979 : vector<16xf32> to vector<16xf32>
      %swap3A_1981 = vector.shape_cast %get3A_1977 : vector<16xf32> to vector<16xf32>
      tpu.vector_store %arg5[%swap3A_1978], %swap3A_1981 {strides = array<i32>} : memref<8000xf32, #tpu.memory_space<vmem>>, vector<16xf32>,
      %get3A_1982 = arith.constant 3278 : index
      %get3A_1983 = tpu.vector_load %arg4[%get3A_1982] {strides = array<i32>} : memref<6056xf32, #tpu.memory_space<vmem>>, vector<16xf32>,
      %get3A_1984 = vector.shape_cast %get3A_1983 : vector<16xf32> to vector<16xf32>
      %swap3A_1985 = arith.constant 4328 : index
      %swap3A_1986 = tpu.vector_load %arg5[%swap3A_1985] {strides = array<i32>} : memref<8000xf32, #tpu.memory_space<vmem>>, vector<16xf32>,
      %swap3A_1987 = vector.shape_cast %swap3A_1986 : vector<16xf32> to vector<16xf32>
      %swap3A_1988 = vector.shape_cast %get3A_1984 : vector<16xf32> to vector<16xf32>
      tpu.vector_store %arg5[%swap3A_1985], %swap3A_1988 {strides = array<i32>} : memref<8000xf32, #tpu.memory_space<vmem>>, vector<16xf32>,
      %get3A_1989 = arith.constant 3294 : index
      %get3A_1990 = tpu.vector_load %arg4[%get3A_1989] {strides = array<i32>} : memref<6056xf32, #tpu.memory_space<vmem>>, vector<16xf32>,
      %get3A_1991 = vector.shape_cast %get3A_1990 : vector<16xf32> to vector<16xf32>
      %swap3A_1992 = arith.constant 4344 : index
      %swap3A_1993 = tpu.vector_load %arg5[%swap3A_1992] {strides = array<i32>} : memref<8000xf32, #tpu.memory_space<vmem>>, vector<16xf32>,
      %swap3A_1994 = vector.shape_cast %swap3A_1993 : vector<16xf32> to vector<16xf32>
      %swap3A_1995 = vector.shape_cast %get3A_1991 : vector<16xf32> to vector<16xf32>
      tpu.vector_store %arg5[%swap3A_1992], %swap3A_1995 {strides = array<i32>} : memref<8000xf32, #tpu.memory_space<vmem>>, vector<16xf32>,
      %get3A_1996 = arith.constant 3310 : index
      %get3A_1997 = tpu.vector_load %arg4[%get3A_1996] {strides = array<i32>} : memref<6056xf32, #tpu.memory_space<vmem>>, vector<16xf32>,
      %get3A_1998 = vector.shape_cast %get3A_1997 : vector<16xf32> to vector<16xf32>
      %swap3A_1999 = arith.constant 4360 : index
      %swap3A_2000 = tpu.vector_load %arg5[%swap3A_1999] {strides = array<i32>} : memref<8000xf32, #tpu.memory_space<vmem>>, vector<16xf32>,
      %swap3A_2001 = vector.shape_cast %swap3A_2000 : vector<16xf32> to vector<16xf32>
      %swap3A_2002 = vector.shape_cast %get3A_1998 : vector<16xf32> to vector<16xf32>
      tpu.vector_store %arg5[%swap3A_1999], %swap3A_2002 {strides = array<i32>} : memref<8000xf32, #tpu.memory_space<vmem>>, vector<16xf32>,
      %get3A_2003 = arith.constant 3326 : index
      %get3A_2004 = tpu.vector_load %arg4[%get3A_2003] {strides = array<i32>} : memref<6056xf32, #tpu.memory_space<vmem>>, vector<16xf32>,
      %get3A_2005 = vector.shape_cast %get3A_2004 : vector<16xf32> to vector<16xf32>
      %swap3A_2006 = arith.constant 4376 : index
      %swap3A_2007 = tpu.vector_load %arg5[%swap3A_2006] {strides = array<i32>} : memref<8000xf32, #tpu.memory_space<vmem>>, vector<16xf32>,
      %swap3A_2008 = vector.shape_cast %swap3A_2007 : vector<16xf32> to vector<16xf32>
      %swap3A_2009 = vector.shape_cast %get3A_2005 : vector<16xf32> to vector<16xf32>
      tpu.vector_store %arg5[%swap3A_2006], %swap3A_2009 {strides = array<i32>} : memref<8000xf32, #tpu.memory_space<vmem>>, vector<16xf32>,
      %get3A_2010 = arith.constant 3334 : index
      %get3A_2011 = tpu.vector_load %arg4[%get3A_2010] {strides = array<i32>} : memref<6056xf32, #tpu.memory_space<vmem>>, vector<16xf32>,
      %get3A_2012 = vector.shape_cast %get3A_2011 : vector<16xf32> to vector<16xf32>
      %swap3A_2013 = arith.constant 4384 : index
      %swap3A_2014 = tpu.vector_load %arg5[%swap3A_2013] {strides = array<i32>} : memref<8000xf32, #tpu.memory_space<vmem>>, vector<16xf32>,
      %swap3A_2015 = vector.shape_cast %swap3A_2014 : vector<16xf32> to vector<16xf32>
      %swap3A_2016 = vector.shape_cast %get3A_2012 : vector<16xf32> to vector<16xf32>
      tpu.vector_store %arg5[%swap3A_2013], %swap3A_2016 {strides = array<i32>} : memref<8000xf32, #tpu.memory_space<vmem>>, vector<16xf32>,
      %get3A_2017 = arith.constant 3300 : index
      %get3A_2018 = tpu.vector_load %arg4[%get3A_2017] {strides = array<i32>} : memref<6056xf32, #tpu.memory_space<vmem>>, vector<16xf32>,
      %get3A_2019 = vector.shape_cast %get3A_2018 : vector<16xf32> to vector<16xf32>
      %swap3A_2020 = arith.constant 4400 : index
      %swap3A_2021 = tpu.vector_load %arg5[%swap3A_2020] {strides = array<i32>} : memref<8000xf32, #tpu.memory_space<vmem>>, vector<16xf32>,
      %swap3A_2022 = vector.shape_cast %swap3A_2021 : vector<16xf32> to vector<16xf32>
      %swap3A_2023 = vector.shape_cast %get3A_2019 : vector<16xf32> to vector<16xf32>
      tpu.vector_store %arg5[%swap3A_2020], %swap3A_2023 {strides = array<i32>} : memref<8000xf32, #tpu.memory_space<vmem>>, vector<16xf32>,
      %get3A_2024 = arith.constant 3316 : index
      %get3A_2025 = tpu.vector_load %arg4[%get3A_2024] {strides = array<i32>} : memref<6056xf32, #tpu.memory_space<vmem>>, vector<16xf32>,
      %get3A_2026 = vector.shape_cast %get3A_2025 : vector<16xf32> to vector<16xf32>
      %swap3A_2027 = arith.constant 4416 : index
      %swap3A_2028 = tpu.vector_load %arg5[%swap3A_2027] {strides = array<i32>} : memref<8000xf32, #tpu.memory_space<vmem>>, vector<16xf32>,
      %swap3A_2029 = vector.shape_cast %swap3A_2028 : vector<16xf32> to vector<16xf32>
      %swap3A_2030 = vector.shape_cast %get3A_2026 : vector<16xf32> to vector<16xf32>
      tpu.vector_store %arg5[%swap3A_2027], %swap3A_2030 {strides = array<i32>} : memref<8000xf32, #tpu.memory_space<vmem>>, vector<16xf32>,
      %get3A_2031 = arith.constant 3332 : index
      %get3A_2032 = tpu.vector_load %arg4[%get3A_2031] {strides = array<i32>} : memref<6056xf32, #tpu.memory_space<vmem>>, vector<16xf32>,
      %get3A_2033 = vector.shape_cast %get3A_2032 : vector<16xf32> to vector<16xf32>
      %swap3A_2034 = arith.constant 4432 : index
      %swap3A_2035 = tpu.vector_load %arg5[%swap3A_2034] {strides = array<i32>} : memref<8000xf32, #tpu.memory_space<vmem>>, vector<16xf32>,
      %swap3A_2036 = vector.shape_cast %swap3A_2035 : vector<16xf32> to vector<16xf32>
      %swap3A_2037 = vector.shape_cast %get3A_2033 : vector<16xf32> to vector<16xf32>
      tpu.vector_store %arg5[%swap3A_2034], %swap3A_2037 {strides = array<i32>} : memref<8000xf32, #tpu.memory_space<vmem>>, vector<16xf32>,
      %get3A_2038 = arith.constant 3348 : index
      %get3A_2039 = tpu.vector_load %arg4[%get3A_2038] {strides = array<i32>} : memref<6056xf32, #tpu.memory_space<vmem>>, vector<16xf32>,
      %get3A_2040 = vector.shape_cast %get3A_2039 : vector<16xf32> to vector<16xf32>
      %swap3A_2041 = arith.constant 4448 : index
      %swap3A_2042 = tpu.vector_load %arg5[%swap3A_2041] {strides = array<i32>} : memref<8000xf32, #tpu.memory_space<vmem>>, vector<16xf32>,
      %swap3A_2043 = vector.shape_cast %swap3A_2042 : vector<16xf32> to vector<16xf32>
      %swap3A_2044 = vector.shape_cast %get3A_2040 : vector<16xf32> to vector<16xf32>
      tpu.vector_store %arg5[%swap3A_2041], %swap3A_2044 {strides = array<i32>} : memref<8000xf32, #tpu.memory_space<vmem>>, vector<16xf32>,
      %get3A_2045 = arith.constant 3364 : index
      %get3A_2046 = tpu.vector_load %arg4[%get3A_2045] {strides = array<i32>} : memref<6056xf32, #tpu.memory_space<vmem>>, vector<16xf32>,
      %get3A_2047 = vector.shape_cast %get3A_2046 : vector<16xf32> to vector<16xf32>
      %swap3A_2048 = arith.constant 4464 : index
      %swap3A_2049 = tpu.vector_load %arg5[%swap3A_2048] {strides = array<i32>} : memref<8000xf32, #tpu.memory_space<vmem>>, vector<16xf32>,
      %swap3A_2050 = vector.shape_cast %swap3A_2049 : vector<16xf32> to vector<16xf32>
      %swap3A_2051 = vector.shape_cast %get3A_2047 : vector<16xf32> to vector<16xf32>
      tpu.vector_store %arg5[%swap3A_2048], %swap3A_2051 {strides = array<i32>} : memref<8000xf32, #tpu.memory_space<vmem>>, vector<16xf32>,
      %get3A_2052 = arith.constant 3380 : index
      %get3A_2053 = tpu.vector_load %arg4[%get3A_2052] {strides = array<i32>} : memref<6056xf32, #tpu.memory_space<vmem>>, vector<16xf32>,
      %get3A_2054 = vector.shape_cast %get3A_2053 : vector<16xf32> to vector<16xf32>
      %swap3A_2055 = arith.constant 4480 : index
      %swap3A_2056 = tpu.vector_load %arg5[%swap3A_2055] {strides = array<i32>} : memref<8000xf32, #tpu.memory_space<vmem>>, vector<16xf32>,
      %swap3A_2057 = vector.shape_cast %swap3A_2056 : vector<16xf32> to vector<16xf32>
      %swap3A_2058 = vector.shape_cast %get3A_2054 : vector<16xf32> to vector<16xf32>
      tpu.vector_store %arg5[%swap3A_2055], %swap3A_2058 {strides = array<i32>} : memref<8000xf32, #tpu.memory_space<vmem>>, vector<16xf32>,
      %get3A_2059 = arith.constant 3396 : index
      %get3A_2060 = tpu.vector_load %arg4[%get3A_2059] {strides = array<i32>} : memref<6056xf32, #tpu.memory_space<vmem>>, vector<16xf32>,
      %get3A_2061 = vector.shape_cast %get3A_2060 : vector<16xf32> to vector<16xf32>
      %swap3A_2062 = arith.constant 4496 : index
      %swap3A_2063 = tpu.vector_load %arg5[%swap3A_2062] {strides = array<i32>} : memref<8000xf32, #tpu.memory_space<vmem>>, vector<16xf32>,
      %swap3A_2064 = vector.shape_cast %swap3A_2063 : vector<16xf32> to vector<16xf32>
      %swap3A_2065 = vector.shape_cast %get3A_2061 : vector<16xf32> to vector<16xf32>
      tpu.vector_store %arg5[%swap3A_2062], %swap3A_2065 {strides = array<i32>} : memref<8000xf32, #tpu.memory_space<vmem>>, vector<16xf32>,
      %get3A_2066 = arith.constant 3412 : index
      %get3A_2067 = tpu.vector_load %arg4[%get3A_2066] {strides = array<i32>} : memref<6056xf32, #tpu.memory_space<vmem>>, vector<16xf32>,
      %get3A_2068 = vector.shape_cast %get3A_2067 : vector<16xf32> to vector<16xf32>
      %swap3A_2069 = arith.constant 4512 : index
      %swap3A_2070 = tpu.vector_load %arg5[%swap3A_2069] {strides = array<i32>} : memref<8000xf32, #tpu.memory_space<vmem>>, vector<16xf32>,
      %swap3A_2071 = vector.shape_cast %swap3A_2070 : vector<16xf32> to vector<16xf32>
      %swap3A_2072 = vector.shape_cast %get3A_2068 : vector<16xf32> to vector<16xf32>
      tpu.vector_store %arg5[%swap3A_2069], %swap3A_2072 {strides = array<i32>} : memref<8000xf32, #tpu.memory_space<vmem>>, vector<16xf32>,
      %get3A_2073 = arith.constant 3428 : index
      %get3A_2074 = tpu.vector_load %arg4[%get3A_2073] {strides = array<i32>} : memref<6056xf32, #tpu.memory_space<vmem>>, vector<16xf32>,
      %get3A_2075 = vector.shape_cast %get3A_2074 : vector<16xf32> to vector<16xf32>
      %swap3A_2076 = arith.constant 4528 : index
      %swap3A_2077 = tpu.vector_load %arg5[%swap3A_2076] {strides = array<i32>} : memref<8000xf32, #tpu.memory_space<vmem>>, vector<16xf32>,
      %swap3A_2078 = vector.shape_cast %swap3A_2077 : vector<16xf32> to vector<16xf32>
      %swap3A_2079 = vector.shape_cast %get3A_2075 : vector<16xf32> to vector<16xf32>
      tpu.vector_store %arg5[%swap3A_2076], %swap3A_2079 {strides = array<i32>} : memref<8000xf32, #tpu.memory_space<vmem>>, vector<16xf32>,
      %get3A_2080 = arith.constant 3444 : index
      %get3A_2081 = tpu.vector_load %arg4[%get3A_2080] {strides = array<i32>} : memref<6056xf32, #tpu.memory_space<vmem>>, vector<16xf32>,
      %get3A_2082 = vector.shape_cast %get3A_2081 : vector<16xf32> to vector<16xf32>
      %swap3A_2083 = arith.constant 4544 : index
      %swap3A_2084 = tpu.vector_load %arg5[%swap3A_2083] {strides = array<i32>} : memref<8000xf32, #tpu.memory_space<vmem>>, vector<16xf32>,
      %swap3A_2085 = vector.shape_cast %swap3A_2084 : vector<16xf32> to vector<16xf32>
      %swap3A_2086 = vector.shape_cast %get3A_2082 : vector<16xf32> to vector<16xf32>
      tpu.vector_store %arg5[%swap3A_2083], %swap3A_2086 {strides = array<i32>} : memref<8000xf32, #tpu.memory_space<vmem>>, vector<16xf32>,
      %get3A_2087 = arith.constant 3460 : index
      %get3A_2088 = tpu.vector_load %arg4[%get3A_2087] {strides = array<i32>} : memref<6056xf32, #tpu.memory_space<vmem>>, vector<16xf32>,
      %get3A_2089 = vector.shape_cast %get3A_2088 : vector<16xf32> to vector<16xf32>
      %swap3A_2090 = arith.constant 4560 : index
      %swap3A_2091 = tpu.vector_load %arg5[%swap3A_2090] {strides = array<i32>} : memref<8000xf32, #tpu.memory_space<vmem>>, vector<16xf32>,
      %swap3A_2092 = vector.shape_cast %swap3A_2091 : vector<16xf32> to vector<16xf32>
      %swap3A_2093 = vector.shape_cast %get3A_2089 : vector<16xf32> to vector<16xf32>
      tpu.vector_store %arg5[%swap3A_2090], %swap3A_2093 {strides = array<i32>} : memref<8000xf32, #tpu.memory_space<vmem>>, vector<16xf32>,
      %get3A_2094 = arith.constant 3476 : index
      %get3A_2095 = tpu.vector_load %arg4[%get3A_2094] {strides = array<i32>} : memref<6056xf32, #tpu.memory_space<vmem>>, vector<16xf32>,
      %get3A_2096 = vector.shape_cast %get3A_2095 : vector<16xf32> to vector<16xf32>
      %swap3A_2097 = arith.constant 4576 : index
      %swap3A_2098 = tpu.vector_load %arg5[%swap3A_2097] {strides = array<i32>} : memref<8000xf32, #tpu.memory_space<vmem>>, vector<16xf32>,
      %swap3A_2099 = vector.shape_cast %swap3A_2098 : vector<16xf32> to vector<16xf32>
      %swap3A_2100 = vector.shape_cast %get3A_2096 : vector<16xf32> to vector<16xf32>
      tpu.vector_store %arg5[%swap3A_2097], %swap3A_2100 {strides = array<i32>} : memref<8000xf32, #tpu.memory_space<vmem>>, vector<16xf32>,
      %get3A_2101 = arith.constant 3484 : index
      %get3A_2102 = tpu.vector_load %arg4[%get3A_2101] {strides = array<i32>} : memref<6056xf32, #tpu.memory_space<vmem>>, vector<16xf32>,
      %get3A_2103 = vector.shape_cast %get3A_2102 : vector<16xf32> to vector<16xf32>
      %swap3A_2104 = arith.constant 4584 : index
      %swap3A_2105 = tpu.vector_load %arg5[%swap3A_2104] {strides = array<i32>} : memref<8000xf32, #tpu.memory_space<vmem>>, vector<16xf32>,
      %swap3A_2106 = vector.shape_cast %swap3A_2105 : vector<16xf32> to vector<16xf32>
      %swap3A_2107 = vector.shape_cast %get3A_2103 : vector<16xf32> to vector<16xf32>
      tpu.vector_store %arg5[%swap3A_2104], %swap3A_2107 {strides = array<i32>} : memref<8000xf32, #tpu.memory_space<vmem>>, vector<16xf32>,
      %get3A_2108 = arith.constant 3450 : index
      %get3A_2109 = tpu.vector_load %arg4[%get3A_2108] {strides = array<i32>} : memref<6056xf32, #tpu.memory_space<vmem>>, vector<16xf32>,
      %get3A_2110 = vector.shape_cast %get3A_2109 : vector<16xf32> to vector<16xf32>
      %swap3A_2111 = arith.constant 4600 : index
      %swap3A_2112 = tpu.vector_load %arg5[%swap3A_2111] {strides = array<i32>} : memref<8000xf32, #tpu.memory_space<vmem>>, vector<16xf32>,
      %swap3A_2113 = vector.shape_cast %swap3A_2112 : vector<16xf32> to vector<16xf32>
      %swap3A_2114 = vector.shape_cast %get3A_2110 : vector<16xf32> to vector<16xf32>
      tpu.vector_store %arg5[%swap3A_2111], %swap3A_2114 {strides = array<i32>} : memref<8000xf32, #tpu.memory_space<vmem>>, vector<16xf32>,
      %get3A_2115 = arith.constant 3466 : index
      %get3A_2116 = tpu.vector_load %arg4[%get3A_2115] {strides = array<i32>} : memref<6056xf32, #tpu.memory_space<vmem>>, vector<16xf32>,
      %get3A_2117 = vector.shape_cast %get3A_2116 : vector<16xf32> to vector<16xf32>
      %swap3A_2118 = arith.constant 4616 : index
      %swap3A_2119 = tpu.vector_load %arg5[%swap3A_2118] {strides = array<i32>} : memref<8000xf32, #tpu.memory_space<vmem>>, vector<16xf32>,
      %swap3A_2120 = vector.shape_cast %swap3A_2119 : vector<16xf32> to vector<16xf32>
      %swap3A_2121 = vector.shape_cast %get3A_2117 : vector<16xf32> to vector<16xf32>
      tpu.vector_store %arg5[%swap3A_2118], %swap3A_2121 {strides = array<i32>} : memref<8000xf32, #tpu.memory_space<vmem>>, vector<16xf32>,
      %get3A_2122 = arith.constant 3482 : index
      %get3A_2123 = tpu.vector_load %arg4[%get3A_2122] {strides = array<i32>} : memref<6056xf32, #tpu.memory_space<vmem>>, vector<16xf32>,
      %get3A_2124 = vector.shape_cast %get3A_2123 : vector<16xf32> to vector<16xf32>
      %swap3A_2125 = arith.constant 4632 : index
      %swap3A_2126 = tpu.vector_load %arg5[%swap3A_2125] {strides = array<i32>} : memref<8000xf32, #tpu.memory_space<vmem>>, vector<16xf32>,
      %swap3A_2127 = vector.shape_cast %swap3A_2126 : vector<16xf32> to vector<16xf32>
      %swap3A_2128 = vector.shape_cast %get3A_2124 : vector<16xf32> to vector<16xf32>
      tpu.vector_store %arg5[%swap3A_2125], %swap3A_2128 {strides = array<i32>} : memref<8000xf32, #tpu.memory_space<vmem>>, vector<16xf32>,
      %get3A_2129 = arith.constant 3498 : index
      %get3A_2130 = tpu.vector_load %arg4[%get3A_2129] {strides = array<i32>} : memref<6056xf32, #tpu.memory_space<vmem>>, vector<16xf32>,
      %get3A_2131 = vector.shape_cast %get3A_2130 : vector<16xf32> to vector<16xf32>
      %swap3A_2132 = arith.constant 4648 : index
      %swap3A_2133 = tpu.vector_load %arg5[%swap3A_2132] {strides = array<i32>} : memref<8000xf32, #tpu.memory_space<vmem>>, vector<16xf32>,
      %swap3A_2134 = vector.shape_cast %swap3A_2133 : vector<16xf32> to vector<16xf32>
      %swap3A_2135 = vector.shape_cast %get3A_2131 : vector<16xf32> to vector<16xf32>
      tpu.vector_store %arg5[%swap3A_2132], %swap3A_2135 {strides = array<i32>} : memref<8000xf32, #tpu.memory_space<vmem>>, vector<16xf32>,
      %get3A_2136 = arith.constant 3514 : index
      %get3A_2137 = tpu.vector_load %arg4[%get3A_2136] {strides = array<i32>} : memref<6056xf32, #tpu.memory_space<vmem>>, vector<16xf32>,
      %get3A_2138 = vector.shape_cast %get3A_2137 : vector<16xf32> to vector<16xf32>
      %swap3A_2139 = arith.constant 4664 : index
      %swap3A_2140 = tpu.vector_load %arg5[%swap3A_2139] {strides = array<i32>} : memref<8000xf32, #tpu.memory_space<vmem>>, vector<16xf32>,
      %swap3A_2141 = vector.shape_cast %swap3A_2140 : vector<16xf32> to vector<16xf32>
      %swap3A_2142 = vector.shape_cast %get3A_2138 : vector<16xf32> to vector<16xf32>
      tpu.vector_store %arg5[%swap3A_2139], %swap3A_2142 {strides = array<i32>} : memref<8000xf32, #tpu.memory_space<vmem>>, vector<16xf32>,
      %get3A_2143 = arith.constant 3530 : index
      %get3A_2144 = tpu.vector_load %arg4[%get3A_2143] {strides = array<i32>} : memref<6056xf32, #tpu.memory_space<vmem>>, vector<16xf32>,
      %get3A_2145 = vector.shape_cast %get3A_2144 : vector<16xf32> to vector<16xf32>
      %swap3A_2146 = arith.constant 4680 : index
      %swap3A_2147 = tpu.vector_load %arg5[%swap3A_2146] {strides = array<i32>} : memref<8000xf32, #tpu.memory_space<vmem>>, vector<16xf32>,
      %swap3A_2148 = vector.shape_cast %swap3A_2147 : vector<16xf32> to vector<16xf32>
      %swap3A_2149 = vector.shape_cast %get3A_2145 : vector<16xf32> to vector<16xf32>
      tpu.vector_store %arg5[%swap3A_2146], %swap3A_2149 {strides = array<i32>} : memref<8000xf32, #tpu.memory_space<vmem>>, vector<16xf32>,
      %get3A_2150 = arith.constant 3546 : index
      %get3A_2151 = tpu.vector_load %arg4[%get3A_2150] {strides = array<i32>} : memref<6056xf32, #tpu.memory_space<vmem>>, vector<16xf32>,
      %get3A_2152 = vector.shape_cast %get3A_2151 : vector<16xf32> to vector<16xf32>
      %swap3A_2153 = arith.constant 4696 : index
      %swap3A_2154 = tpu.vector_load %arg5[%swap3A_2153] {strides = array<i32>} : memref<8000xf32, #tpu.memory_space<vmem>>, vector<16xf32>,
      %swap3A_2155 = vector.shape_cast %swap3A_2154 : vector<16xf32> to vector<16xf32>
      %swap3A_2156 = vector.shape_cast %get3A_2152 : vector<16xf32> to vector<16xf32>
      tpu.vector_store %arg5[%swap3A_2153], %swap3A_2156 {strides = array<i32>} : memref<8000xf32, #tpu.memory_space<vmem>>, vector<16xf32>,
      %get3A_2157 = arith.constant 3562 : index
      %get3A_2158 = tpu.vector_load %arg4[%get3A_2157] {strides = array<i32>} : memref<6056xf32, #tpu.memory_space<vmem>>, vector<16xf32>,
      %get3A_2159 = vector.shape_cast %get3A_2158 : vector<16xf32> to vector<16xf32>
      %swap3A_2160 = arith.constant 4712 : index
      %swap3A_2161 = tpu.vector_load %arg5[%swap3A_2160] {strides = array<i32>} : memref<8000xf32, #tpu.memory_space<vmem>>, vector<16xf32>,
      %swap3A_2162 = vector.shape_cast %swap3A_2161 : vector<16xf32> to vector<16xf32>
      %swap3A_2163 = vector.shape_cast %get3A_2159 : vector<16xf32> to vector<16xf32>
      tpu.vector_store %arg5[%swap3A_2160], %swap3A_2163 {strides = array<i32>} : memref<8000xf32, #tpu.memory_space<vmem>>, vector<16xf32>,
      %get3A_2164 = arith.constant 3578 : index
      %get3A_2165 = tpu.vector_load %arg4[%get3A_2164] {strides = array<i32>} : memref<6056xf32, #tpu.memory_space<vmem>>, vector<16xf32>,
      %get3A_2166 = vector.shape_cast %get3A_2165 : vector<16xf32> to vector<16xf32>
      %swap3A_2167 = arith.constant 4728 : index
      %swap3A_2168 = tpu.vector_load %arg5[%swap3A_2167] {strides = array<i32>} : memref<8000xf32, #tpu.memory_space<vmem>>, vector<16xf32>,
      %swap3A_2169 = vector.shape_cast %swap3A_2168 : vector<16xf32> to vector<16xf32>
      %swap3A_2170 = vector.shape_cast %get3A_2166 : vector<16xf32> to vector<16xf32>
      tpu.vector_store %arg5[%swap3A_2167], %swap3A_2170 {strides = array<i32>} : memref<8000xf32, #tpu.memory_space<vmem>>, vector<16xf32>,
      %get3A_2171 = arith.constant 3594 : index
      %get3A_2172 = tpu.vector_load %arg4[%get3A_2171] {strides = array<i32>} : memref<6056xf32, #tpu.memory_space<vmem>>, vector<16xf32>,
      %get3A_2173 = vector.shape_cast %get3A_2172 : vector<16xf32> to vector<16xf32>
      %swap3A_2174 = arith.constant 4744 : index
      %swap3A_2175 = tpu.vector_load %arg5[%swap3A_2174] {strides = array<i32>} : memref<8000xf32, #tpu.memory_space<vmem>>, vector<16xf32>,
      %swap3A_2176 = vector.shape_cast %swap3A_2175 : vector<16xf32> to vector<16xf32>
      %swap3A_2177 = vector.shape_cast %get3A_2173 : vector<16xf32> to vector<16xf32>
      tpu.vector_store %arg5[%swap3A_2174], %swap3A_2177 {strides = array<i32>} : memref<8000xf32, #tpu.memory_space<vmem>>, vector<16xf32>,
      %get3A_2178 = arith.constant 3610 : index
      %get3A_2179 = tpu.vector_load %arg4[%get3A_2178] {strides = array<i32>} : memref<6056xf32, #tpu.memory_space<vmem>>, vector<16xf32>,
      %get3A_2180 = vector.shape_cast %get3A_2179 : vector<16xf32> to vector<16xf32>
      %swap3A_2181 = arith.constant 4760 : index
      %swap3A_2182 = tpu.vector_load %arg5[%swap3A_2181] {strides = array<i32>} : memref<8000xf32, #tpu.memory_space<vmem>>, vector<16xf32>,
      %swap3A_2183 = vector.shape_cast %swap3A_2182 : vector<16xf32> to vector<16xf32>
      %swap3A_2184 = vector.shape_cast %get3A_2180 : vector<16xf32> to vector<16xf32>
      tpu.vector_store %arg5[%swap3A_2181], %swap3A_2184 {strides = array<i32>} : memref<8000xf32, #tpu.memory_space<vmem>>, vector<16xf32>,
      %get3A_2185 = arith.constant 3626 : index
      %get3A_2186 = tpu.vector_load %arg4[%get3A_2185] {strides = array<i32>} : memref<6056xf32, #tpu.memory_space<vmem>>, vector<16xf32>,
      %get3A_2187 = vector.shape_cast %get3A_2186 : vector<16xf32> to vector<16xf32>
      %swap3A_2188 = arith.constant 4776 : index
      %swap3A_2189 = tpu.vector_load %arg5[%swap3A_2188] {strides = array<i32>} : memref<8000xf32, #tpu.memory_space<vmem>>, vector<16xf32>,
      %swap3A_2190 = vector.shape_cast %swap3A_2189 : vector<16xf32> to vector<16xf32>
      %swap3A_2191 = vector.shape_cast %get3A_2187 : vector<16xf32> to vector<16xf32>
      tpu.vector_store %arg5[%swap3A_2188], %swap3A_2191 {strides = array<i32>} : memref<8000xf32, #tpu.memory_space<vmem>>, vector<16xf32>,
      %get3A_2192 = arith.constant 3634 : index
      %get3A_2193 = tpu.vector_load %arg4[%get3A_2192] {strides = array<i32>} : memref<6056xf32, #tpu.memory_space<vmem>>, vector<16xf32>,
      %get3A_2194 = vector.shape_cast %get3A_2193 : vector<16xf32> to vector<16xf32>
      %swap3A_2195 = arith.constant 4784 : index
      %swap3A_2196 = tpu.vector_load %arg5[%swap3A_2195] {strides = array<i32>} : memref<8000xf32, #tpu.memory_space<vmem>>, vector<16xf32>,
      %swap3A_2197 = vector.shape_cast %swap3A_2196 : vector<16xf32> to vector<16xf32>
      %swap3A_2198 = vector.shape_cast %get3A_2194 : vector<16xf32> to vector<16xf32>
      tpu.vector_store %arg5[%swap3A_2195], %swap3A_2198 {strides = array<i32>} : memref<8000xf32, #tpu.memory_space<vmem>>, vector<16xf32>,
      %get3A_2199 = arith.constant 3600 : index
      %get3A_2200 = tpu.vector_load %arg4[%get3A_2199] {strides = array<i32>} : memref<6056xf32, #tpu.memory_space<vmem>>, vector<16xf32>,
      %get3A_2201 = vector.shape_cast %get3A_2200 : vector<16xf32> to vector<16xf32>
      %swap3A_2202 = arith.constant 4800 : index
      %swap3A_2203 = tpu.vector_load %arg5[%swap3A_2202] {strides = array<i32>} : memref<8000xf32, #tpu.memory_space<vmem>>, vector<16xf32>,
      %swap3A_2204 = vector.shape_cast %swap3A_2203 : vector<16xf32> to vector<16xf32>
      %swap3A_2205 = vector.shape_cast %get3A_2201 : vector<16xf32> to vector<16xf32>
      tpu.vector_store %arg5[%swap3A_2202], %swap3A_2205 {strides = array<i32>} : memref<8000xf32, #tpu.memory_space<vmem>>, vector<16xf32>,
      %get3A_2206 = arith.constant 3616 : index
      %get3A_2207 = tpu.vector_load %arg4[%get3A_2206] {strides = array<i32>} : memref<6056xf32, #tpu.memory_space<vmem>>, vector<16xf32>,
      %get3A_2208 = vector.shape_cast %get3A_2207 : vector<16xf32> to vector<16xf32>
      %swap3A_2209 = arith.constant 4816 : index
      %swap3A_2210 = tpu.vector_load %arg5[%swap3A_2209] {strides = array<i32>} : memref<8000xf32, #tpu.memory_space<vmem>>, vector<16xf32>,
      %swap3A_2211 = vector.shape_cast %swap3A_2210 : vector<16xf32> to vector<16xf32>
      %swap3A_2212 = vector.shape_cast %get3A_2208 : vector<16xf32> to vector<16xf32>
      tpu.vector_store %arg5[%swap3A_2209], %swap3A_2212 {strides = array<i32>} : memref<8000xf32, #tpu.memory_space<vmem>>, vector<16xf32>,
      %get3A_2213 = arith.constant 3632 : index
      %get3A_2214 = tpu.vector_load %arg4[%get3A_2213] {strides = array<i32>} : memref<6056xf32, #tpu.memory_space<vmem>>, vector<16xf32>,
      %get3A_2215 = vector.shape_cast %get3A_2214 : vector<16xf32> to vector<16xf32>
      %swap3A_2216 = arith.constant 4832 : index
      %swap3A_2217 = tpu.vector_load %arg5[%swap3A_2216] {strides = array<i32>} : memref<8000xf32, #tpu.memory_space<vmem>>, vector<16xf32>,
      %swap3A_2218 = vector.shape_cast %swap3A_2217 : vector<16xf32> to vector<16xf32>
      %swap3A_2219 = vector.shape_cast %get3A_2215 : vector<16xf32> to vector<16xf32>
      tpu.vector_store %arg5[%swap3A_2216], %swap3A_2219 {strides = array<i32>} : memref<8000xf32, #tpu.memory_space<vmem>>, vector<16xf32>,
      %get3A_2220 = arith.constant 3648 : index
      %get3A_2221 = tpu.vector_load %arg4[%get3A_2220] {strides = array<i32>} : memref<6056xf32, #tpu.memory_space<vmem>>, vector<16xf32>,
      %get3A_2222 = vector.shape_cast %get3A_2221 : vector<16xf32> to vector<16xf32>
      %swap3A_2223 = arith.constant 4848 : index
      %swap3A_2224 = tpu.vector_load %arg5[%swap3A_2223] {strides = array<i32>} : memref<8000xf32, #tpu.memory_space<vmem>>, vector<16xf32>,
      %swap3A_2225 = vector.shape_cast %swap3A_2224 : vector<16xf32> to vector<16xf32>
      %swap3A_2226 = vector.shape_cast %get3A_2222 : vector<16xf32> to vector<16xf32>
      tpu.vector_store %arg5[%swap3A_2223], %swap3A_2226 {strides = array<i32>} : memref<8000xf32, #tpu.memory_space<vmem>>, vector<16xf32>,
      %get3A_2227 = arith.constant 3664 : index
      %get3A_2228 = tpu.vector_load %arg4[%get3A_2227] {strides = array<i32>} : memref<6056xf32, #tpu.memory_space<vmem>>, vector<16xf32>,
      %get3A_2229 = vector.shape_cast %get3A_2228 : vector<16xf32> to vector<16xf32>
      %swap3A_2230 = arith.constant 4864 : index
      %swap3A_2231 = tpu.vector_load %arg5[%swap3A_2230] {strides = array<i32>} : memref<8000xf32, #tpu.memory_space<vmem>>, vector<16xf32>,
      %swap3A_2232 = vector.shape_cast %swap3A_2231 : vector<16xf32> to vector<16xf32>
      %swap3A_2233 = vector.shape_cast %get3A_2229 : vector<16xf32> to vector<16xf32>
      tpu.vector_store %arg5[%swap3A_2230], %swap3A_2233 {strides = array<i32>} : memref<8000xf32, #tpu.memory_space<vmem>>, vector<16xf32>,
      %get3A_2234 = arith.constant 3680 : index
      %get3A_2235 = tpu.vector_load %arg4[%get3A_2234] {strides = array<i32>} : memref<6056xf32, #tpu.memory_space<vmem>>, vector<16xf32>,
      %get3A_2236 = vector.shape_cast %get3A_2235 : vector<16xf32> to vector<16xf32>
      %swap3A_2237 = arith.constant 4880 : index
      %swap3A_2238 = tpu.vector_load %arg5[%swap3A_2237] {strides = array<i32>} : memref<8000xf32, #tpu.memory_space<vmem>>, vector<16xf32>,
      %swap3A_2239 = vector.shape_cast %swap3A_2238 : vector<16xf32> to vector<16xf32>
      %swap3A_2240 = vector.shape_cast %get3A_2236 : vector<16xf32> to vector<16xf32>
      tpu.vector_store %arg5[%swap3A_2237], %swap3A_2240 {strides = array<i32>} : memref<8000xf32, #tpu.memory_space<vmem>>, vector<16xf32>,
      %get3A_2241 = arith.constant 3696 : index
      %get3A_2242 = tpu.vector_load %arg4[%get3A_2241] {strides = array<i32>} : memref<6056xf32, #tpu.memory_space<vmem>>, vector<16xf32>,
      %get3A_2243 = vector.shape_cast %get3A_2242 : vector<16xf32> to vector<16xf32>
      %swap3A_2244 = arith.constant 4896 : index
      %swap3A_2245 = tpu.vector_load %arg5[%swap3A_2244] {strides = array<i32>} : memref<8000xf32, #tpu.memory_space<vmem>>, vector<16xf32>,
      %swap3A_2246 = vector.shape_cast %swap3A_2245 : vector<16xf32> to vector<16xf32>
      %swap3A_2247 = vector.shape_cast %get3A_2243 : vector<16xf32> to vector<16xf32>
      tpu.vector_store %arg5[%swap3A_2244], %swap3A_2247 {strides = array<i32>} : memref<8000xf32, #tpu.memory_space<vmem>>, vector<16xf32>,
      %get3A_2248 = arith.constant 3712 : index
      %get3A_2249 = tpu.vector_load %arg4[%get3A_2248] {strides = array<i32>} : memref<6056xf32, #tpu.memory_space<vmem>>, vector<16xf32>,
      %get3A_2250 = vector.shape_cast %get3A_2249 : vector<16xf32> to vector<16xf32>
      %swap3A_2251 = arith.constant 4912 : index
      %swap3A_2252 = tpu.vector_load %arg5[%swap3A_2251] {strides = array<i32>} : memref<8000xf32, #tpu.memory_space<vmem>>, vector<16xf32>,
      %swap3A_2253 = vector.shape_cast %swap3A_2252 : vector<16xf32> to vector<16xf32>
      %swap3A_2254 = vector.shape_cast %get3A_2250 : vector<16xf32> to vector<16xf32>
      tpu.vector_store %arg5[%swap3A_2251], %swap3A_2254 {strides = array<i32>} : memref<8000xf32, #tpu.memory_space<vmem>>, vector<16xf32>,
      %get3A_2255 = arith.constant 3728 : index
      %get3A_2256 = tpu.vector_load %arg4[%get3A_2255] {strides = array<i32>} : memref<6056xf32, #tpu.memory_space<vmem>>, vector<16xf32>,
      %get3A_2257 = vector.shape_cast %get3A_2256 : vector<16xf32> to vector<16xf32>
      %swap3A_2258 = arith.constant 4928 : index
      %swap3A_2259 = tpu.vector_load %arg5[%swap3A_2258] {strides = array<i32>} : memref<8000xf32, #tpu.memory_space<vmem>>, vector<16xf32>,
      %swap3A_2260 = vector.shape_cast %swap3A_2259 : vector<16xf32> to vector<16xf32>
      %swap3A_2261 = vector.shape_cast %get3A_2257 : vector<16xf32> to vector<16xf32>
      tpu.vector_store %arg5[%swap3A_2258], %swap3A_2261 {strides = array<i32>} : memref<8000xf32, #tpu.memory_space<vmem>>, vector<16xf32>,
      %get3A_2262 = arith.constant 3744 : index
      %get3A_2263 = tpu.vector_load %arg4[%get3A_2262] {strides = array<i32>} : memref<6056xf32, #tpu.memory_space<vmem>>, vector<16xf32>,
      %get3A_2264 = vector.shape_cast %get3A_2263 : vector<16xf32> to vector<16xf32>
      %swap3A_2265 = arith.constant 4944 : index
      %swap3A_2266 = tpu.vector_load %arg5[%swap3A_2265] {strides = array<i32>} : memref<8000xf32, #tpu.memory_space<vmem>>, vector<16xf32>,
      %swap3A_2267 = vector.shape_cast %swap3A_2266 : vector<16xf32> to vector<16xf32>
      %swap3A_2268 = vector.shape_cast %get3A_2264 : vector<16xf32> to vector<16xf32>
      tpu.vector_store %arg5[%swap3A_2265], %swap3A_2268 {strides = array<i32>} : memref<8000xf32, #tpu.memory_space<vmem>>, vector<16xf32>,
      %get3A_2269 = arith.constant 3760 : index
      %get3A_2270 = tpu.vector_load %arg4[%get3A_2269] {strides = array<i32>} : memref<6056xf32, #tpu.memory_space<vmem>>, vector<16xf32>,
      %get3A_2271 = vector.shape_cast %get3A_2270 : vector<16xf32> to vector<16xf32>
      %swap3A_2272 = arith.constant 4960 : index
      %swap3A_2273 = tpu.vector_load %arg5[%swap3A_2272] {strides = array<i32>} : memref<8000xf32, #tpu.memory_space<vmem>>, vector<16xf32>,
      %swap3A_2274 = vector.shape_cast %swap3A_2273 : vector<16xf32> to vector<16xf32>
      %swap3A_2275 = vector.shape_cast %get3A_2271 : vector<16xf32> to vector<16xf32>
      tpu.vector_store %arg5[%swap3A_2272], %swap3A_2275 {strides = array<i32>} : memref<8000xf32, #tpu.memory_space<vmem>>, vector<16xf32>,
      %get3A_2276 = arith.constant 3776 : index
      %get3A_2277 = tpu.vector_load %arg4[%get3A_2276] {strides = array<i32>} : memref<6056xf32, #tpu.memory_space<vmem>>, vector<16xf32>,
      %get3A_2278 = vector.shape_cast %get3A_2277 : vector<16xf32> to vector<16xf32>
      %swap3A_2279 = arith.constant 4976 : index
      %swap3A_2280 = tpu.vector_load %arg5[%swap3A_2279] {strides = array<i32>} : memref<8000xf32, #tpu.memory_space<vmem>>, vector<16xf32>,
      %swap3A_2281 = vector.shape_cast %swap3A_2280 : vector<16xf32> to vector<16xf32>
      %swap3A_2282 = vector.shape_cast %get3A_2278 : vector<16xf32> to vector<16xf32>
      tpu.vector_store %arg5[%swap3A_2279], %swap3A_2282 {strides = array<i32>} : memref<8000xf32, #tpu.memory_space<vmem>>, vector<16xf32>,
      %get3A_2283 = arith.constant 3784 : index
      %get3A_2284 = tpu.vector_load %arg4[%get3A_2283] {strides = array<i32>} : memref<6056xf32, #tpu.memory_space<vmem>>, vector<16xf32>,
      %get3A_2285 = vector.shape_cast %get3A_2284 : vector<16xf32> to vector<16xf32>
      %swap3A_2286 = arith.constant 4984 : index
      %swap3A_2287 = tpu.vector_load %arg5[%swap3A_2286] {strides = array<i32>} : memref<8000xf32, #tpu.memory_space<vmem>>, vector<16xf32>,
      %swap3A_2288 = vector.shape_cast %swap3A_2287 : vector<16xf32> to vector<16xf32>
      %swap3A_2289 = vector.shape_cast %get3A_2285 : vector<16xf32> to vector<16xf32>
      tpu.vector_store %arg5[%swap3A_2286], %swap3A_2289 {strides = array<i32>} : memref<8000xf32, #tpu.memory_space<vmem>>, vector<16xf32>,
      %get3A_2290 = arith.constant 3750 : index
      %get3A_2291 = tpu.vector_load %arg4[%get3A_2290] {strides = array<i32>} : memref<6056xf32, #tpu.memory_space<vmem>>, vector<16xf32>,
      %get3A_2292 = vector.shape_cast %get3A_2291 : vector<16xf32> to vector<16xf32>
      %swap3A_2293 = arith.constant 5000 : index
      %swap3A_2294 = tpu.vector_load %arg5[%swap3A_2293] {strides = array<i32>} : memref<8000xf32, #tpu.memory_space<vmem>>, vector<16xf32>,
      %swap3A_2295 = vector.shape_cast %swap3A_2294 : vector<16xf32> to vector<16xf32>
      %swap3A_2296 = vector.shape_cast %get3A_2292 : vector<16xf32> to vector<16xf32>
      tpu.vector_store %arg5[%swap3A_2293], %swap3A_2296 {strides = array<i32>} : memref<8000xf32, #tpu.memory_space<vmem>>, vector<16xf32>,
      %get3A_2297 = arith.constant 3766 : index
      %get3A_2298 = tpu.vector_load %arg4[%get3A_2297] {strides = array<i32>} : memref<6056xf32, #tpu.memory_space<vmem>>, vector<16xf32>,
      %get3A_2299 = vector.shape_cast %get3A_2298 : vector<16xf32> to vector<16xf32>
      %swap3A_2300 = arith.constant 5016 : index
      %swap3A_2301 = tpu.vector_load %arg5[%swap3A_2300] {strides = array<i32>} : memref<8000xf32, #tpu.memory_space<vmem>>, vector<16xf32>,
      %swap3A_2302 = vector.shape_cast %swap3A_2301 : vector<16xf32> to vector<16xf32>
      %swap3A_2303 = vector.shape_cast %get3A_2299 : vector<16xf32> to vector<16xf32>
      tpu.vector_store %arg5[%swap3A_2300], %swap3A_2303 {strides = array<i32>} : memref<8000xf32, #tpu.memory_space<vmem>>, vector<16xf32>,
      %get3A_2304 = arith.constant 3782 : index
      %get3A_2305 = tpu.vector_load %arg4[%get3A_2304] {strides = array<i32>} : memref<6056xf32, #tpu.memory_space<vmem>>, vector<16xf32>,
      %get3A_2306 = vector.shape_cast %get3A_2305 : vector<16xf32> to vector<16xf32>
      %swap3A_2307 = arith.constant 5032 : index
      %swap3A_2308 = tpu.vector_load %arg5[%swap3A_2307] {strides = array<i32>} : memref<8000xf32, #tpu.memory_space<vmem>>, vector<16xf32>,
      %swap3A_2309 = vector.shape_cast %swap3A_2308 : vector<16xf32> to vector<16xf32>
      %swap3A_2310 = vector.shape_cast %get3A_2306 : vector<16xf32> to vector<16xf32>
      tpu.vector_store %arg5[%swap3A_2307], %swap3A_2310 {strides = array<i32>} : memref<8000xf32, #tpu.memory_space<vmem>>, vector<16xf32>,
      %get3A_2311 = arith.constant 3798 : index
      %get3A_2312 = tpu.vector_load %arg4[%get3A_2311] {strides = array<i32>} : memref<6056xf32, #tpu.memory_space<vmem>>, vector<16xf32>,
      %get3A_2313 = vector.shape_cast %get3A_2312 : vector<16xf32> to vector<16xf32>
      %swap3A_2314 = arith.constant 5048 : index
      %swap3A_2315 = tpu.vector_load %arg5[%swap3A_2314] {strides = array<i32>} : memref<8000xf32, #tpu.memory_space<vmem>>, vector<16xf32>,
      %swap3A_2316 = vector.shape_cast %swap3A_2315 : vector<16xf32> to vector<16xf32>
      %swap3A_2317 = vector.shape_cast %get3A_2313 : vector<16xf32> to vector<16xf32>
      tpu.vector_store %arg5[%swap3A_2314], %swap3A_2317 {strides = array<i32>} : memref<8000xf32, #tpu.memory_space<vmem>>, vector<16xf32>,
      %get3A_2318 = arith.constant 3814 : index
      %get3A_2319 = tpu.vector_load %arg4[%get3A_2318] {strides = array<i32>} : memref<6056xf32, #tpu.memory_space<vmem>>, vector<16xf32>,
      %get3A_2320 = vector.shape_cast %get3A_2319 : vector<16xf32> to vector<16xf32>
      %swap3A_2321 = arith.constant 5064 : index
      %swap3A_2322 = tpu.vector_load %arg5[%swap3A_2321] {strides = array<i32>} : memref<8000xf32, #tpu.memory_space<vmem>>, vector<16xf32>,
      %swap3A_2323 = vector.shape_cast %swap3A_2322 : vector<16xf32> to vector<16xf32>
      %swap3A_2324 = vector.shape_cast %get3A_2320 : vector<16xf32> to vector<16xf32>
      tpu.vector_store %arg5[%swap3A_2321], %swap3A_2324 {strides = array<i32>} : memref<8000xf32, #tpu.memory_space<vmem>>, vector<16xf32>,
      %get3A_2325 = arith.constant 3830 : index
      %get3A_2326 = tpu.vector_load %arg4[%get3A_2325] {strides = array<i32>} : memref<6056xf32, #tpu.memory_space<vmem>>, vector<16xf32>,
      %get3A_2327 = vector.shape_cast %get3A_2326 : vector<16xf32> to vector<16xf32>
      %swap3A_2328 = arith.constant 5080 : index
      %swap3A_2329 = tpu.vector_load %arg5[%swap3A_2328] {strides = array<i32>} : memref<8000xf32, #tpu.memory_space<vmem>>, vector<16xf32>,
      %swap3A_2330 = vector.shape_cast %swap3A_2329 : vector<16xf32> to vector<16xf32>
      %swap3A_2331 = vector.shape_cast %get3A_2327 : vector<16xf32> to vector<16xf32>
      tpu.vector_store %arg5[%swap3A_2328], %swap3A_2331 {strides = array<i32>} : memref<8000xf32, #tpu.memory_space<vmem>>, vector<16xf32>,
      %get3A_2332 = arith.constant 3846 : index
      %get3A_2333 = tpu.vector_load %arg4[%get3A_2332] {strides = array<i32>} : memref<6056xf32, #tpu.memory_space<vmem>>, vector<16xf32>,
      %get3A_2334 = vector.shape_cast %get3A_2333 : vector<16xf32> to vector<16xf32>
      %swap3A_2335 = arith.constant 5096 : index
      %swap3A_2336 = tpu.vector_load %arg5[%swap3A_2335] {strides = array<i32>} : memref<8000xf32, #tpu.memory_space<vmem>>, vector<16xf32>,
      %swap3A_2337 = vector.shape_cast %swap3A_2336 : vector<16xf32> to vector<16xf32>
      %swap3A_2338 = vector.shape_cast %get3A_2334 : vector<16xf32> to vector<16xf32>
      tpu.vector_store %arg5[%swap3A_2335], %swap3A_2338 {strides = array<i32>} : memref<8000xf32, #tpu.memory_space<vmem>>, vector<16xf32>,
      %get3A_2339 = arith.constant 3862 : index
      %get3A_2340 = tpu.vector_load %arg4[%get3A_2339] {strides = array<i32>} : memref<6056xf32, #tpu.memory_space<vmem>>, vector<16xf32>,
      %get3A_2341 = vector.shape_cast %get3A_2340 : vector<16xf32> to vector<16xf32>
      %swap3A_2342 = arith.constant 5112 : index
      %swap3A_2343 = tpu.vector_load %arg5[%swap3A_2342] {strides = array<i32>} : memref<8000xf32, #tpu.memory_space<vmem>>, vector<16xf32>,
      %swap3A_2344 = vector.shape_cast %swap3A_2343 : vector<16xf32> to vector<16xf32>
      %swap3A_2345 = vector.shape_cast %get3A_2341 : vector<16xf32> to vector<16xf32>
      tpu.vector_store %arg5[%swap3A_2342], %swap3A_2345 {strides = array<i32>} : memref<8000xf32, #tpu.memory_space<vmem>>, vector<16xf32>,
      %get3A_2346 = arith.constant 3878 : index
      %get3A_2347 = tpu.vector_load %arg4[%get3A_2346] {strides = array<i32>} : memref<6056xf32, #tpu.memory_space<vmem>>, vector<16xf32>,
      %get3A_2348 = vector.shape_cast %get3A_2347 : vector<16xf32> to vector<16xf32>
      %swap3A_2349 = arith.constant 5128 : index
      %swap3A_2350 = tpu.vector_load %arg5[%swap3A_2349] {strides = array<i32>} : memref<8000xf32, #tpu.memory_space<vmem>>, vector<16xf32>,
      %swap3A_2351 = vector.shape_cast %swap3A_2350 : vector<16xf32> to vector<16xf32>
      %swap3A_2352 = vector.shape_cast %get3A_2348 : vector<16xf32> to vector<16xf32>
      tpu.vector_store %arg5[%swap3A_2349], %swap3A_2352 {strides = array<i32>} : memref<8000xf32, #tpu.memory_space<vmem>>, vector<16xf32>,
      %get3A_2353 = arith.constant 3894 : index
      %get3A_2354 = tpu.vector_load %arg4[%get3A_2353] {strides = array<i32>} : memref<6056xf32, #tpu.memory_space<vmem>>, vector<16xf32>,
      %get3A_2355 = vector.shape_cast %get3A_2354 : vector<16xf32> to vector<16xf32>
      %swap3A_2356 = arith.constant 5144 : index
      %swap3A_2357 = tpu.vector_load %arg5[%swap3A_2356] {strides = array<i32>} : memref<8000xf32, #tpu.memory_space<vmem>>, vector<16xf32>,
      %swap3A_2358 = vector.shape_cast %swap3A_2357 : vector<16xf32> to vector<16xf32>
      %swap3A_2359 = vector.shape_cast %get3A_2355 : vector<16xf32> to vector<16xf32>
      tpu.vector_store %arg5[%swap3A_2356], %swap3A_2359 {strides = array<i32>} : memref<8000xf32, #tpu.memory_space<vmem>>, vector<16xf32>,
      %get3A_2360 = arith.constant 3910 : index
      %get3A_2361 = tpu.vector_load %arg4[%get3A_2360] {strides = array<i32>} : memref<6056xf32, #tpu.memory_space<vmem>>, vector<16xf32>,
      %get3A_2362 = vector.shape_cast %get3A_2361 : vector<16xf32> to vector<16xf32>
      %swap3A_2363 = arith.constant 5160 : index
      %swap3A_2364 = tpu.vector_load %arg5[%swap3A_2363] {strides = array<i32>} : memref<8000xf32, #tpu.memory_space<vmem>>, vector<16xf32>,
      %swap3A_2365 = vector.shape_cast %swap3A_2364 : vector<16xf32> to vector<16xf32>
      %swap3A_2366 = vector.shape_cast %get3A_2362 : vector<16xf32> to vector<16xf32>
      tpu.vector_store %arg5[%swap3A_2363], %swap3A_2366 {strides = array<i32>} : memref<8000xf32, #tpu.memory_space<vmem>>, vector<16xf32>,
      %get3A_2367 = arith.constant 3926 : index
      %get3A_2368 = tpu.vector_load %arg4[%get3A_2367] {strides = array<i32>} : memref<6056xf32, #tpu.memory_space<vmem>>, vector<16xf32>,
      %get3A_2369 = vector.shape_cast %get3A_2368 : vector<16xf32> to vector<16xf32>
      %swap3A_2370 = arith.constant 5176 : index
      %swap3A_2371 = tpu.vector_load %arg5[%swap3A_2370] {strides = array<i32>} : memref<8000xf32, #tpu.memory_space<vmem>>, vector<16xf32>,
      %swap3A_2372 = vector.shape_cast %swap3A_2371 : vector<16xf32> to vector<16xf32>
      %swap3A_2373 = vector.shape_cast %get3A_2369 : vector<16xf32> to vector<16xf32>
      tpu.vector_store %arg5[%swap3A_2370], %swap3A_2373 {strides = array<i32>} : memref<8000xf32, #tpu.memory_space<vmem>>, vector<16xf32>,
      %get3A_2374 = arith.constant 3934 : index
      %get3A_2375 = tpu.vector_load %arg4[%get3A_2374] {strides = array<i32>} : memref<6056xf32, #tpu.memory_space<vmem>>, vector<16xf32>,
      %get3A_2376 = vector.shape_cast %get3A_2375 : vector<16xf32> to vector<16xf32>
      %swap3A_2377 = arith.constant 5184 : index
      %swap3A_2378 = tpu.vector_load %arg5[%swap3A_2377] {strides = array<i32>} : memref<8000xf32, #tpu.memory_space<vmem>>, vector<16xf32>,
      %swap3A_2379 = vector.shape_cast %swap3A_2378 : vector<16xf32> to vector<16xf32>
      %swap3A_2380 = vector.shape_cast %get3A_2376 : vector<16xf32> to vector<16xf32>
      tpu.vector_store %arg5[%swap3A_2377], %swap3A_2380 {strides = array<i32>} : memref<8000xf32, #tpu.memory_space<vmem>>, vector<16xf32>,
      %get3A_2381 = arith.constant 3900 : index
      %get3A_2382 = tpu.vector_load %arg4[%get3A_2381] {strides = array<i32>} : memref<6056xf32, #tpu.memory_space<vmem>>, vector<16xf32>,
      %get3A_2383 = vector.shape_cast %get3A_2382 : vector<16xf32> to vector<16xf32>
      %swap3A_2384 = arith.constant 5200 : index
      %swap3A_2385 = tpu.vector_load %arg5[%swap3A_2384] {strides = array<i32>} : memref<8000xf32, #tpu.memory_space<vmem>>, vector<16xf32>,
      %swap3A_2386 = vector.shape_cast %swap3A_2385 : vector<16xf32> to vector<16xf32>
      %swap3A_2387 = vector.shape_cast %get3A_2383 : vector<16xf32> to vector<16xf32>
      tpu.vector_store %arg5[%swap3A_2384], %swap3A_2387 {strides = array<i32>} : memref<8000xf32, #tpu.memory_space<vmem>>, vector<16xf32>,
      %get3A_2388 = arith.constant 3916 : index
      %get3A_2389 = tpu.vector_load %arg4[%get3A_2388] {strides = array<i32>} : memref<6056xf32, #tpu.memory_space<vmem>>, vector<16xf32>,
      %get3A_2390 = vector.shape_cast %get3A_2389 : vector<16xf32> to vector<16xf32>
      %swap3A_2391 = arith.constant 5216 : index
      %swap3A_2392 = tpu.vector_load %arg5[%swap3A_2391] {strides = array<i32>} : memref<8000xf32, #tpu.memory_space<vmem>>, vector<16xf32>,
      %swap3A_2393 = vector.shape_cast %swap3A_2392 : vector<16xf32> to vector<16xf32>
      %swap3A_2394 = vector.shape_cast %get3A_2390 : vector<16xf32> to vector<16xf32>
      tpu.vector_store %arg5[%swap3A_2391], %swap3A_2394 {strides = array<i32>} : memref<8000xf32, #tpu.memory_space<vmem>>, vector<16xf32>,
      %get3A_2395 = arith.constant 3932 : index
      %get3A_2396 = tpu.vector_load %arg4[%get3A_2395] {strides = array<i32>} : memref<6056xf32, #tpu.memory_space<vmem>>, vector<16xf32>,
      %get3A_2397 = vector.shape_cast %get3A_2396 : vector<16xf32> to vector<16xf32>
      %swap3A_2398 = arith.constant 5232 : index
      %swap3A_2399 = tpu.vector_load %arg5[%swap3A_2398] {strides = array<i32>} : memref<8000xf32, #tpu.memory_space<vmem>>, vector<16xf32>,
      %swap3A_2400 = vector.shape_cast %swap3A_2399 : vector<16xf32> to vector<16xf32>
      %swap3A_2401 = vector.shape_cast %get3A_2397 : vector<16xf32> to vector<16xf32>
      tpu.vector_store %arg5[%swap3A_2398], %swap3A_2401 {strides = array<i32>} : memref<8000xf32, #tpu.memory_space<vmem>>, vector<16xf32>,
      %get3A_2402 = arith.constant 3948 : index
      %get3A_2403 = tpu.vector_load %arg4[%get3A_2402] {strides = array<i32>} : memref<6056xf32, #tpu.memory_space<vmem>>, vector<16xf32>,
      %get3A_2404 = vector.shape_cast %get3A_2403 : vector<16xf32> to vector<16xf32>
      %swap3A_2405 = arith.constant 5248 : index
      %swap3A_2406 = tpu.vector_load %arg5[%swap3A_2405] {strides = array<i32>} : memref<8000xf32, #tpu.memory_space<vmem>>, vector<16xf32>,
      %swap3A_2407 = vector.shape_cast %swap3A_2406 : vector<16xf32> to vector<16xf32>
      %swap3A_2408 = vector.shape_cast %get3A_2404 : vector<16xf32> to vector<16xf32>
      tpu.vector_store %arg5[%swap3A_2405], %swap3A_2408 {strides = array<i32>} : memref<8000xf32, #tpu.memory_space<vmem>>, vector<16xf32>,
      %get3A_2409 = arith.constant 3964 : index
      %get3A_2410 = tpu.vector_load %arg4[%get3A_2409] {strides = array<i32>} : memref<6056xf32, #tpu.memory_space<vmem>>, vector<16xf32>,
      %get3A_2411 = vector.shape_cast %get3A_2410 : vector<16xf32> to vector<16xf32>
      %swap3A_2412 = arith.constant 5264 : index
      %swap3A_2413 = tpu.vector_load %arg5[%swap3A_2412] {strides = array<i32>} : memref<8000xf32, #tpu.memory_space<vmem>>, vector<16xf32>,
      %swap3A_2414 = vector.shape_cast %swap3A_2413 : vector<16xf32> to vector<16xf32>
      %swap3A_2415 = vector.shape_cast %get3A_2411 : vector<16xf32> to vector<16xf32>
      tpu.vector_store %arg5[%swap3A_2412], %swap3A_2415 {strides = array<i32>} : memref<8000xf32, #tpu.memory_space<vmem>>, vector<16xf32>,
      %get3A_2416 = arith.constant 3980 : index
      %get3A_2417 = tpu.vector_load %arg4[%get3A_2416] {strides = array<i32>} : memref<6056xf32, #tpu.memory_space<vmem>>, vector<16xf32>,
      %get3A_2418 = vector.shape_cast %get3A_2417 : vector<16xf32> to vector<16xf32>
      %swap3A_2419 = arith.constant 5280 : index
      %swap3A_2420 = tpu.vector_load %arg5[%swap3A_2419] {strides = array<i32>} : memref<8000xf32, #tpu.memory_space<vmem>>, vector<16xf32>,
      %swap3A_2421 = vector.shape_cast %swap3A_2420 : vector<16xf32> to vector<16xf32>
      %swap3A_2422 = vector.shape_cast %get3A_2418 : vector<16xf32> to vector<16xf32>
      tpu.vector_store %arg5[%swap3A_2419], %swap3A_2422 {strides = array<i32>} : memref<8000xf32, #tpu.memory_space<vmem>>, vector<16xf32>,
      %get3A_2423 = arith.constant 3996 : index
      %get3A_2424 = tpu.vector_load %arg4[%get3A_2423] {strides = array<i32>} : memref<6056xf32, #tpu.memory_space<vmem>>, vector<16xf32>,
      %get3A_2425 = vector.shape_cast %get3A_2424 : vector<16xf32> to vector<16xf32>
      %swap3A_2426 = arith.constant 5296 : index
      %swap3A_2427 = tpu.vector_load %arg5[%swap3A_2426] {strides = array<i32>} : memref<8000xf32, #tpu.memory_space<vmem>>, vector<16xf32>,
      %swap3A_2428 = vector.shape_cast %swap3A_2427 : vector<16xf32> to vector<16xf32>
      %swap3A_2429 = vector.shape_cast %get3A_2425 : vector<16xf32> to vector<16xf32>
      tpu.vector_store %arg5[%swap3A_2426], %swap3A_2429 {strides = array<i32>} : memref<8000xf32, #tpu.memory_space<vmem>>, vector<16xf32>,
      %get3A_2430 = arith.constant 4012 : index
      %get3A_2431 = tpu.vector_load %arg4[%get3A_2430] {strides = array<i32>} : memref<6056xf32, #tpu.memory_space<vmem>>, vector<16xf32>,
      %get3A_2432 = vector.shape_cast %get3A_2431 : vector<16xf32> to vector<16xf32>
      %swap3A_2433 = arith.constant 5312 : index
      %swap3A_2434 = tpu.vector_load %arg5[%swap3A_2433] {strides = array<i32>} : memref<8000xf32, #tpu.memory_space<vmem>>, vector<16xf32>,
      %swap3A_2435 = vector.shape_cast %swap3A_2434 : vector<16xf32> to vector<16xf32>
      %swap3A_2436 = vector.shape_cast %get3A_2432 : vector<16xf32> to vector<16xf32>
      tpu.vector_store %arg5[%swap3A_2433], %swap3A_2436 {strides = array<i32>} : memref<8000xf32, #tpu.memory_space<vmem>>, vector<16xf32>,
      %get3A_2437 = arith.constant 4028 : index
      %get3A_2438 = tpu.vector_load %arg4[%get3A_2437] {strides = array<i32>} : memref<6056xf32, #tpu.memory_space<vmem>>, vector<16xf32>,
      %get3A_2439 = vector.shape_cast %get3A_2438 : vector<16xf32> to vector<16xf32>
      %swap3A_2440 = arith.constant 5328 : index
      %swap3A_2441 = tpu.vector_load %arg5[%swap3A_2440] {strides = array<i32>} : memref<8000xf32, #tpu.memory_space<vmem>>, vector<16xf32>,
      %swap3A_2442 = vector.shape_cast %swap3A_2441 : vector<16xf32> to vector<16xf32>
      %swap3A_2443 = vector.shape_cast %get3A_2439 : vector<16xf32> to vector<16xf32>
      tpu.vector_store %arg5[%swap3A_2440], %swap3A_2443 {strides = array<i32>} : memref<8000xf32, #tpu.memory_space<vmem>>, vector<16xf32>,
      %get3A_2444 = arith.constant 4044 : index
      %get3A_2445 = tpu.vector_load %arg4[%get3A_2444] {strides = array<i32>} : memref<6056xf32, #tpu.memory_space<vmem>>, vector<16xf32>,
      %get3A_2446 = vector.shape_cast %get3A_2445 : vector<16xf32> to vector<16xf32>
      %swap3A_2447 = arith.constant 5344 : index
      %swap3A_2448 = tpu.vector_load %arg5[%swap3A_2447] {strides = array<i32>} : memref<8000xf32, #tpu.memory_space<vmem>>, vector<16xf32>,
      %swap3A_2449 = vector.shape_cast %swap3A_2448 : vector<16xf32> to vector<16xf32>
      %swap3A_2450 = vector.shape_cast %get3A_2446 : vector<16xf32> to vector<16xf32>
      tpu.vector_store %arg5[%swap3A_2447], %swap3A_2450 {strides = array<i32>} : memref<8000xf32, #tpu.memory_space<vmem>>, vector<16xf32>,
      %get3A_2451 = arith.constant 4060 : index
      %get3A_2452 = tpu.vector_load %arg4[%get3A_2451] {strides = array<i32>} : memref<6056xf32, #tpu.memory_space<vmem>>, vector<16xf32>,
      %get3A_2453 = vector.shape_cast %get3A_2452 : vector<16xf32> to vector<16xf32>
      %swap3A_2454 = arith.constant 5360 : index
      %swap3A_2455 = tpu.vector_load %arg5[%swap3A_2454] {strides = array<i32>} : memref<8000xf32, #tpu.memory_space<vmem>>, vector<16xf32>,
      %swap3A_2456 = vector.shape_cast %swap3A_2455 : vector<16xf32> to vector<16xf32>
      %swap3A_2457 = vector.shape_cast %get3A_2453 : vector<16xf32> to vector<16xf32>
      tpu.vector_store %arg5[%swap3A_2454], %swap3A_2457 {strides = array<i32>} : memref<8000xf32, #tpu.memory_space<vmem>>, vector<16xf32>,
      %get3A_2458 = arith.constant 4076 : index
      %get3A_2459 = tpu.vector_load %arg4[%get3A_2458] {strides = array<i32>} : memref<6056xf32, #tpu.memory_space<vmem>>, vector<16xf32>,
      %get3A_2460 = vector.shape_cast %get3A_2459 : vector<16xf32> to vector<16xf32>
      %swap3A_2461 = arith.constant 5376 : index
      %swap3A_2462 = tpu.vector_load %arg5[%swap3A_2461] {strides = array<i32>} : memref<8000xf32, #tpu.memory_space<vmem>>, vector<16xf32>,
      %swap3A_2463 = vector.shape_cast %swap3A_2462 : vector<16xf32> to vector<16xf32>
      %swap3A_2464 = vector.shape_cast %get3A_2460 : vector<16xf32> to vector<16xf32>
      tpu.vector_store %arg5[%swap3A_2461], %swap3A_2464 {strides = array<i32>} : memref<8000xf32, #tpu.memory_space<vmem>>, vector<16xf32>,
      %get3A_2465 = arith.constant 4084 : index
      %get3A_2466 = tpu.vector_load %arg4[%get3A_2465] {strides = array<i32>} : memref<6056xf32, #tpu.memory_space<vmem>>, vector<16xf32>,
      %get3A_2467 = vector.shape_cast %get3A_2466 : vector<16xf32> to vector<16xf32>
      %swap3A_2468 = arith.constant 5384 : index
      %swap3A_2469 = tpu.vector_load %arg5[%swap3A_2468] {strides = array<i32>} : memref<8000xf32, #tpu.memory_space<vmem>>, vector<16xf32>,
      %swap3A_2470 = vector.shape_cast %swap3A_2469 : vector<16xf32> to vector<16xf32>
      %swap3A_2471 = vector.shape_cast %get3A_2467 : vector<16xf32> to vector<16xf32>
      tpu.vector_store %arg5[%swap3A_2468], %swap3A_2471 {strides = array<i32>} : memref<8000xf32, #tpu.memory_space<vmem>>, vector<16xf32>,
      %get3A_2472 = arith.constant 4050 : index
      %get3A_2473 = tpu.vector_load %arg4[%get3A_2472] {strides = array<i32>} : memref<6056xf32, #tpu.memory_space<vmem>>, vector<16xf32>,
      %get3A_2474 = vector.shape_cast %get3A_2473 : vector<16xf32> to vector<16xf32>
      %swap3A_2475 = arith.constant 5400 : index
      %swap3A_2476 = tpu.vector_load %arg5[%swap3A_2475] {strides = array<i32>} : memref<8000xf32, #tpu.memory_space<vmem>>, vector<16xf32>,
      %swap3A_2477 = vector.shape_cast %swap3A_2476 : vector<16xf32> to vector<16xf32>
      %swap3A_2478 = vector.shape_cast %get3A_2474 : vector<16xf32> to vector<16xf32>
      tpu.vector_store %arg5[%swap3A_2475], %swap3A_2478 {strides = array<i32>} : memref<8000xf32, #tpu.memory_space<vmem>>, vector<16xf32>,
      %get3A_2479 = arith.constant 4066 : index
      %get3A_2480 = tpu.vector_load %arg4[%get3A_2479] {strides = array<i32>} : memref<6056xf32, #tpu.memory_space<vmem>>, vector<16xf32>,
      %get3A_2481 = vector.shape_cast %get3A_2480 : vector<16xf32> to vector<16xf32>
      %swap3A_2482 = arith.constant 5416 : index
      %swap3A_2483 = tpu.vector_load %arg5[%swap3A_2482] {strides = array<i32>} : memref<8000xf32, #tpu.memory_space<vmem>>, vector<16xf32>,
      %swap3A_2484 = vector.shape_cast %swap3A_2483 : vector<16xf32> to vector<16xf32>
      %swap3A_2485 = vector.shape_cast %get3A_2481 : vector<16xf32> to vector<16xf32>
      tpu.vector_store %arg5[%swap3A_2482], %swap3A_2485 {strides = array<i32>} : memref<8000xf32, #tpu.memory_space<vmem>>, vector<16xf32>,
      %get3A_2486 = arith.constant 4082 : index
      %get3A_2487 = tpu.vector_load %arg4[%get3A_2486] {strides = array<i32>} : memref<6056xf32, #tpu.memory_space<vmem>>, vector<16xf32>,
      %get3A_2488 = vector.shape_cast %get3A_2487 : vector<16xf32> to vector<16xf32>
      %swap3A_2489 = arith.constant 5432 : index
      %swap3A_2490 = tpu.vector_load %arg5[%swap3A_2489] {strides = array<i32>} : memref<8000xf32, #tpu.memory_space<vmem>>, vector<16xf32>,
      %swap3A_2491 = vector.shape_cast %swap3A_2490 : vector<16xf32> to vector<16xf32>
      %swap3A_2492 = vector.shape_cast %get3A_2488 : vector<16xf32> to vector<16xf32>
      tpu.vector_store %arg5[%swap3A_2489], %swap3A_2492 {strides = array<i32>} : memref<8000xf32, #tpu.memory_space<vmem>>, vector<16xf32>,
      %get3A_2493 = arith.constant 4098 : index
      %get3A_2494 = tpu.vector_load %arg4[%get3A_2493] {strides = array<i32>} : memref<6056xf32, #tpu.memory_space<vmem>>, vector<16xf32>,
      %get3A_2495 = vector.shape_cast %get3A_2494 : vector<16xf32> to vector<16xf32>
      %swap3A_2496 = arith.constant 5448 : index
      %swap3A_2497 = tpu.vector_load %arg5[%swap3A_2496] {strides = array<i32>} : memref<8000xf32, #tpu.memory_space<vmem>>, vector<16xf32>,
      %swap3A_2498 = vector.shape_cast %swap3A_2497 : vector<16xf32> to vector<16xf32>
      %swap3A_2499 = vector.shape_cast %get3A_2495 : vector<16xf32> to vector<16xf32>
      tpu.vector_store %arg5[%swap3A_2496], %swap3A_2499 {strides = array<i32>} : memref<8000xf32, #tpu.memory_space<vmem>>, vector<16xf32>,
      %get3A_2500 = arith.constant 4114 : index
      %get3A_2501 = tpu.vector_load %arg4[%get3A_2500] {strides = array<i32>} : memref<6056xf32, #tpu.memory_space<vmem>>, vector<16xf32>,
      %get3A_2502 = vector.shape_cast %get3A_2501 : vector<16xf32> to vector<16xf32>
      %swap3A_2503 = arith.constant 5464 : index
      %swap3A_2504 = tpu.vector_load %arg5[%swap3A_2503] {strides = array<i32>} : memref<8000xf32, #tpu.memory_space<vmem>>, vector<16xf32>,
      %swap3A_2505 = vector.shape_cast %swap3A_2504 : vector<16xf32> to vector<16xf32>
      %swap3A_2506 = vector.shape_cast %get3A_2502 : vector<16xf32> to vector<16xf32>
      tpu.vector_store %arg5[%swap3A_2503], %swap3A_2506 {strides = array<i32>} : memref<8000xf32, #tpu.memory_space<vmem>>, vector<16xf32>,
      %get3A_2507 = arith.constant 4130 : index
      %get3A_2508 = tpu.vector_load %arg4[%get3A_2507] {strides = array<i32>} : memref<6056xf32, #tpu.memory_space<vmem>>, vector<16xf32>,
      %get3A_2509 = vector.shape_cast %get3A_2508 : vector<16xf32> to vector<16xf32>
      %swap3A_2510 = arith.constant 5480 : index
      %swap3A_2511 = tpu.vector_load %arg5[%swap3A_2510] {strides = array<i32>} : memref<8000xf32, #tpu.memory_space<vmem>>, vector<16xf32>,
      %swap3A_2512 = vector.shape_cast %swap3A_2511 : vector<16xf32> to vector<16xf32>
      %swap3A_2513 = vector.shape_cast %get3A_2509 : vector<16xf32> to vector<16xf32>
      tpu.vector_store %arg5[%swap3A_2510], %swap3A_2513 {strides = array<i32>} : memref<8000xf32, #tpu.memory_space<vmem>>, vector<16xf32>,
      %get3A_2514 = arith.constant 4146 : index
      %get3A_2515 = tpu.vector_load %arg4[%get3A_2514] {strides = array<i32>} : memref<6056xf32, #tpu.memory_space<vmem>>, vector<16xf32>,
      %get3A_2516 = vector.shape_cast %get3A_2515 : vector<16xf32> to vector<16xf32>
      %swap3A_2517 = arith.constant 5496 : index
      %swap3A_2518 = tpu.vector_load %arg5[%swap3A_2517] {strides = array<i32>} : memref<8000xf32, #tpu.memory_space<vmem>>, vector<16xf32>,
      %swap3A_2519 = vector.shape_cast %swap3A_2518 : vector<16xf32> to vector<16xf32>
      %swap3A_2520 = vector.shape_cast %get3A_2516 : vector<16xf32> to vector<16xf32>
      tpu.vector_store %arg5[%swap3A_2517], %swap3A_2520 {strides = array<i32>} : memref<8000xf32, #tpu.memory_space<vmem>>, vector<16xf32>,
      %get3A_2521 = arith.constant 4162 : index
      %get3A_2522 = tpu.vector_load %arg4[%get3A_2521] {strides = array<i32>} : memref<6056xf32, #tpu.memory_space<vmem>>, vector<16xf32>,
      %get3A_2523 = vector.shape_cast %get3A_2522 : vector<16xf32> to vector<16xf32>
      %swap3A_2524 = arith.constant 5512 : index
      %swap3A_2525 = tpu.vector_load %arg5[%swap3A_2524] {strides = array<i32>} : memref<8000xf32, #tpu.memory_space<vmem>>, vector<16xf32>,
      %swap3A_2526 = vector.shape_cast %swap3A_2525 : vector<16xf32> to vector<16xf32>
      %swap3A_2527 = vector.shape_cast %get3A_2523 : vector<16xf32> to vector<16xf32>
      tpu.vector_store %arg5[%swap3A_2524], %swap3A_2527 {strides = array<i32>} : memref<8000xf32, #tpu.memory_space<vmem>>, vector<16xf32>,
      %get3A_2528 = arith.constant 4178 : index
      %get3A_2529 = tpu.vector_load %arg4[%get3A_2528] {strides = array<i32>} : memref<6056xf32, #tpu.memory_space<vmem>>, vector<16xf32>,
      %get3A_2530 = vector.shape_cast %get3A_2529 : vector<16xf32> to vector<16xf32>
      %swap3A_2531 = arith.constant 5528 : index
      %swap3A_2532 = tpu.vector_load %arg5[%swap3A_2531] {strides = array<i32>} : memref<8000xf32, #tpu.memory_space<vmem>>, vector<16xf32>,
      %swap3A_2533 = vector.shape_cast %swap3A_2532 : vector<16xf32> to vector<16xf32>
      %swap3A_2534 = vector.shape_cast %get3A_2530 : vector<16xf32> to vector<16xf32>
      tpu.vector_store %arg5[%swap3A_2531], %swap3A_2534 {strides = array<i32>} : memref<8000xf32, #tpu.memory_space<vmem>>, vector<16xf32>,
      %get3A_2535 = arith.constant 4194 : index
      %get3A_2536 = tpu.vector_load %arg4[%get3A_2535] {strides = array<i32>} : memref<6056xf32, #tpu.memory_space<vmem>>, vector<16xf32>,
      %get3A_2537 = vector.shape_cast %get3A_2536 : vector<16xf32> to vector<16xf32>
      %swap3A_2538 = arith.constant 5544 : index
      %swap3A_2539 = tpu.vector_load %arg5[%swap3A_2538] {strides = array<i32>} : memref<8000xf32, #tpu.memory_space<vmem>>, vector<16xf32>,
      %swap3A_2540 = vector.shape_cast %swap3A_2539 : vector<16xf32> to vector<16xf32>
      %swap3A_2541 = vector.shape_cast %get3A_2537 : vector<16xf32> to vector<16xf32>
      tpu.vector_store %arg5[%swap3A_2538], %swap3A_2541 {strides = array<i32>} : memref<8000xf32, #tpu.memory_space<vmem>>, vector<16xf32>,
      %get3A_2542 = arith.constant 4210 : index
      %get3A_2543 = tpu.vector_load %arg4[%get3A_2542] {strides = array<i32>} : memref<6056xf32, #tpu.memory_space<vmem>>, vector<16xf32>,
      %get3A_2544 = vector.shape_cast %get3A_2543 : vector<16xf32> to vector<16xf32>
      %swap3A_2545 = arith.constant 5560 : index
      %swap3A_2546 = tpu.vector_load %arg5[%swap3A_2545] {strides = array<i32>} : memref<8000xf32, #tpu.memory_space<vmem>>, vector<16xf32>,
      %swap3A_2547 = vector.shape_cast %swap3A_2546 : vector<16xf32> to vector<16xf32>
      %swap3A_2548 = vector.shape_cast %get3A_2544 : vector<16xf32> to vector<16xf32>
      tpu.vector_store %arg5[%swap3A_2545], %swap3A_2548 {strides = array<i32>} : memref<8000xf32, #tpu.memory_space<vmem>>, vector<16xf32>,
      %get3A_2549 = arith.constant 4226 : index
      %get3A_2550 = tpu.vector_load %arg4[%get3A_2549] {strides = array<i32>} : memref<6056xf32, #tpu.memory_space<vmem>>, vector<16xf32>,
      %get3A_2551 = vector.shape_cast %get3A_2550 : vector<16xf32> to vector<16xf32>
      %swap3A_2552 = arith.constant 5576 : index
      %swap3A_2553 = tpu.vector_load %arg5[%swap3A_2552] {strides = array<i32>} : memref<8000xf32, #tpu.memory_space<vmem>>, vector<16xf32>,
      %swap3A_2554 = vector.shape_cast %swap3A_2553 : vector<16xf32> to vector<16xf32>
      %swap3A_2555 = vector.shape_cast %get3A_2551 : vector<16xf32> to vector<16xf32>
      tpu.vector_store %arg5[%swap3A_2552], %swap3A_2555 {strides = array<i32>} : memref<8000xf32, #tpu.memory_space<vmem>>, vector<16xf32>,
      %get3A_2556 = arith.constant 4234 : index
      %get3A_2557 = tpu.vector_load %arg4[%get3A_2556] {strides = array<i32>} : memref<6056xf32, #tpu.memory_space<vmem>>, vector<16xf32>,
      %get3A_2558 = vector.shape_cast %get3A_2557 : vector<16xf32> to vector<16xf32>
      %swap3A_2559 = arith.constant 5584 : index
      %swap3A_2560 = tpu.vector_load %arg5[%swap3A_2559] {strides = array<i32>} : memref<8000xf32, #tpu.memory_space<vmem>>, vector<16xf32>,
      %swap3A_2561 = vector.shape_cast %swap3A_2560 : vector<16xf32> to vector<16xf32>
      %swap3A_2562 = vector.shape_cast %get3A_2558 : vector<16xf32> to vector<16xf32>
      tpu.vector_store %arg5[%swap3A_2559], %swap3A_2562 {strides = array<i32>} : memref<8000xf32, #tpu.memory_space<vmem>>, vector<16xf32>,
      %get3A_2563 = arith.constant 4200 : index
      %get3A_2564 = tpu.vector_load %arg4[%get3A_2563] {strides = array<i32>} : memref<6056xf32, #tpu.memory_space<vmem>>, vector<16xf32>,
      %get3A_2565 = vector.shape_cast %get3A_2564 : vector<16xf32> to vector<16xf32>
      %swap3A_2566 = arith.constant 5600 : index
      %swap3A_2567 = tpu.vector_load %arg5[%swap3A_2566] {strides = array<i32>} : memref<8000xf32, #tpu.memory_space<vmem>>, vector<16xf32>,
      %swap3A_2568 = vector.shape_cast %swap3A_2567 : vector<16xf32> to vector<16xf32>
      %swap3A_2569 = vector.shape_cast %get3A_2565 : vector<16xf32> to vector<16xf32>
      tpu.vector_store %arg5[%swap3A_2566], %swap3A_2569 {strides = array<i32>} : memref<8000xf32, #tpu.memory_space<vmem>>, vector<16xf32>,
      %get3A_2570 = arith.constant 4216 : index
      %get3A_2571 = tpu.vector_load %arg4[%get3A_2570] {strides = array<i32>} : memref<6056xf32, #tpu.memory_space<vmem>>, vector<16xf32>,
      %get3A_2572 = vector.shape_cast %get3A_2571 : vector<16xf32> to vector<16xf32>
      %swap3A_2573 = arith.constant 5616 : index
      %swap3A_2574 = tpu.vector_load %arg5[%swap3A_2573] {strides = array<i32>} : memref<8000xf32, #tpu.memory_space<vmem>>, vector<16xf32>,
      %swap3A_2575 = vector.shape_cast %swap3A_2574 : vector<16xf32> to vector<16xf32>
      %swap3A_2576 = vector.shape_cast %get3A_2572 : vector<16xf32> to vector<16xf32>
      tpu.vector_store %arg5[%swap3A_2573], %swap3A_2576 {strides = array<i32>} : memref<8000xf32, #tpu.memory_space<vmem>>, vector<16xf32>,
      %get3A_2577 = arith.constant 4232 : index
      %get3A_2578 = tpu.vector_load %arg4[%get3A_2577] {strides = array<i32>} : memref<6056xf32, #tpu.memory_space<vmem>>, vector<16xf32>,
      %get3A_2579 = vector.shape_cast %get3A_2578 : vector<16xf32> to vector<16xf32>
      %swap3A_2580 = arith.constant 5632 : index
      %swap3A_2581 = tpu.vector_load %arg5[%swap3A_2580] {strides = array<i32>} : memref<8000xf32, #tpu.memory_space<vmem>>, vector<16xf32>,
      %swap3A_2582 = vector.shape_cast %swap3A_2581 : vector<16xf32> to vector<16xf32>
      %swap3A_2583 = vector.shape_cast %get3A_2579 : vector<16xf32> to vector<16xf32>
      tpu.vector_store %arg5[%swap3A_2580], %swap3A_2583 {strides = array<i32>} : memref<8000xf32, #tpu.memory_space<vmem>>, vector<16xf32>,
      %get3A_2584 = arith.constant 4248 : index
      %get3A_2585 = tpu.vector_load %arg4[%get3A_2584] {strides = array<i32>} : memref<6056xf32, #tpu.memory_space<vmem>>, vector<16xf32>,
      %get3A_2586 = vector.shape_cast %get3A_2585 : vector<16xf32> to vector<16xf32>
      %swap3A_2587 = arith.constant 5648 : index
      %swap3A_2588 = tpu.vector_load %arg5[%swap3A_2587] {strides = array<i32>} : memref<8000xf32, #tpu.memory_space<vmem>>, vector<16xf32>,
      %swap3A_2589 = vector.shape_cast %swap3A_2588 : vector<16xf32> to vector<16xf32>
      %swap3A_2590 = vector.shape_cast %get3A_2586 : vector<16xf32> to vector<16xf32>
      tpu.vector_store %arg5[%swap3A_2587], %swap3A_2590 {strides = array<i32>} : memref<8000xf32, #tpu.memory_space<vmem>>, vector<16xf32>,
      %get3A_2591 = arith.constant 4264 : index
      %get3A_2592 = tpu.vector_load %arg4[%get3A_2591] {strides = array<i32>} : memref<6056xf32, #tpu.memory_space<vmem>>, vector<16xf32>,
      %get3A_2593 = vector.shape_cast %get3A_2592 : vector<16xf32> to vector<16xf32>
      %swap3A_2594 = arith.constant 5664 : index
      %swap3A_2595 = tpu.vector_load %arg5[%swap3A_2594] {strides = array<i32>} : memref<8000xf32, #tpu.memory_space<vmem>>, vector<16xf32>,
      %swap3A_2596 = vector.shape_cast %swap3A_2595 : vector<16xf32> to vector<16xf32>
      %swap3A_2597 = vector.shape_cast %get3A_2593 : vector<16xf32> to vector<16xf32>
      tpu.vector_store %arg5[%swap3A_2594], %swap3A_2597 {strides = array<i32>} : memref<8000xf32, #tpu.memory_space<vmem>>, vector<16xf32>,
      %get3A_2598 = arith.constant 4280 : index
      %get3A_2599 = tpu.vector_load %arg4[%get3A_2598] {strides = array<i32>} : memref<6056xf32, #tpu.memory_space<vmem>>, vector<16xf32>,
      %get3A_2600 = vector.shape_cast %get3A_2599 : vector<16xf32> to vector<16xf32>
      %swap3A_2601 = arith.constant 5680 : index
      %swap3A_2602 = tpu.vector_load %arg5[%swap3A_2601] {strides = array<i32>} : memref<8000xf32, #tpu.memory_space<vmem>>, vector<16xf32>,
      %swap3A_2603 = vector.shape_cast %swap3A_2602 : vector<16xf32> to vector<16xf32>
      %swap3A_2604 = vector.shape_cast %get3A_2600 : vector<16xf32> to vector<16xf32>
      tpu.vector_store %arg5[%swap3A_2601], %swap3A_2604 {strides = array<i32>} : memref<8000xf32, #tpu.memory_space<vmem>>, vector<16xf32>,
      %get3A_2605 = arith.constant 4296 : index
      %get3A_2606 = tpu.vector_load %arg4[%get3A_2605] {strides = array<i32>} : memref<6056xf32, #tpu.memory_space<vmem>>, vector<16xf32>,
      %get3A_2607 = vector.shape_cast %get3A_2606 : vector<16xf32> to vector<16xf32>
      %swap3A_2608 = arith.constant 5696 : index
      %swap3A_2609 = tpu.vector_load %arg5[%swap3A_2608] {strides = array<i32>} : memref<8000xf32, #tpu.memory_space<vmem>>, vector<16xf32>,
      %swap3A_2610 = vector.shape_cast %swap3A_2609 : vector<16xf32> to vector<16xf32>
      %swap3A_2611 = vector.shape_cast %get3A_2607 : vector<16xf32> to vector<16xf32>
      tpu.vector_store %arg5[%swap3A_2608], %swap3A_2611 {strides = array<i32>} : memref<8000xf32, #tpu.memory_space<vmem>>, vector<16xf32>,
      %get3A_2612 = arith.constant 4312 : index
      %get3A_2613 = tpu.vector_load %arg4[%get3A_2612] {strides = array<i32>} : memref<6056xf32, #tpu.memory_space<vmem>>, vector<16xf32>,
      %get3A_2614 = vector.shape_cast %get3A_2613 : vector<16xf32> to vector<16xf32>
      %swap3A_2615 = arith.constant 5712 : index
      %swap3A_2616 = tpu.vector_load %arg5[%swap3A_2615] {strides = array<i32>} : memref<8000xf32, #tpu.memory_space<vmem>>, vector<16xf32>,
      %swap3A_2617 = vector.shape_cast %swap3A_2616 : vector<16xf32> to vector<16xf32>
      %swap3A_2618 = vector.shape_cast %get3A_2614 : vector<16xf32> to vector<16xf32>
      tpu.vector_store %arg5[%swap3A_2615], %swap3A_2618 {strides = array<i32>} : memref<8000xf32, #tpu.memory_space<vmem>>, vector<16xf32>,
      %get3A_2619 = arith.constant 4328 : index
      %get3A_2620 = tpu.vector_load %arg4[%get3A_2619] {strides = array<i32>} : memref<6056xf32, #tpu.memory_space<vmem>>, vector<16xf32>,
      %get3A_2621 = vector.shape_cast %get3A_2620 : vector<16xf32> to vector<16xf32>
      %swap3A_2622 = arith.constant 5728 : index
      %swap3A_2623 = tpu.vector_load %arg5[%swap3A_2622] {strides = array<i32>} : memref<8000xf32, #tpu.memory_space<vmem>>, vector<16xf32>,
      %swap3A_2624 = vector.shape_cast %swap3A_2623 : vector<16xf32> to vector<16xf32>
      %swap3A_2625 = vector.shape_cast %get3A_2621 : vector<16xf32> to vector<16xf32>
      tpu.vector_store %arg5[%swap3A_2622], %swap3A_2625 {strides = array<i32>} : memref<8000xf32, #tpu.memory_space<vmem>>, vector<16xf32>,
      %get3A_2626 = arith.constant 4344 : index
      %get3A_2627 = tpu.vector_load %arg4[%get3A_2626] {strides = array<i32>} : memref<6056xf32, #tpu.memory_space<vmem>>, vector<16xf32>,
      %get3A_2628 = vector.shape_cast %get3A_2627 : vector<16xf32> to vector<16xf32>
      %swap3A_2629 = arith.constant 5744 : index
      %swap3A_2630 = tpu.vector_load %arg5[%swap3A_2629] {strides = array<i32>} : memref<8000xf32, #tpu.memory_space<vmem>>, vector<16xf32>,
      %swap3A_2631 = vector.shape_cast %swap3A_2630 : vector<16xf32> to vector<16xf32>
      %swap3A_2632 = vector.shape_cast %get3A_2628 : vector<16xf32> to vector<16xf32>
      tpu.vector_store %arg5[%swap3A_2629], %swap3A_2632 {strides = array<i32>} : memref<8000xf32, #tpu.memory_space<vmem>>, vector<16xf32>,
      %get3A_2633 = arith.constant 4360 : index
      %get3A_2634 = tpu.vector_load %arg4[%get3A_2633] {strides = array<i32>} : memref<6056xf32, #tpu.memory_space<vmem>>, vector<16xf32>,
      %get3A_2635 = vector.shape_cast %get3A_2634 : vector<16xf32> to vector<16xf32>
      %swap3A_2636 = arith.constant 5760 : index
      %swap3A_2637 = tpu.vector_load %arg5[%swap3A_2636] {strides = array<i32>} : memref<8000xf32, #tpu.memory_space<vmem>>, vector<16xf32>,
      %swap3A_2638 = vector.shape_cast %swap3A_2637 : vector<16xf32> to vector<16xf32>
      %swap3A_2639 = vector.shape_cast %get3A_2635 : vector<16xf32> to vector<16xf32>
      tpu.vector_store %arg5[%swap3A_2636], %swap3A_2639 {strides = array<i32>} : memref<8000xf32, #tpu.memory_space<vmem>>, vector<16xf32>,
      %get3A_2640 = arith.constant 4376 : index
      %get3A_2641 = tpu.vector_load %arg4[%get3A_2640] {strides = array<i32>} : memref<6056xf32, #tpu.memory_space<vmem>>, vector<16xf32>,
      %get3A_2642 = vector.shape_cast %get3A_2641 : vector<16xf32> to vector<16xf32>
      %swap3A_2643 = arith.constant 5776 : index
      %swap3A_2644 = tpu.vector_load %arg5[%swap3A_2643] {strides = array<i32>} : memref<8000xf32, #tpu.memory_space<vmem>>, vector<16xf32>,
      %swap3A_2645 = vector.shape_cast %swap3A_2644 : vector<16xf32> to vector<16xf32>
      %swap3A_2646 = vector.shape_cast %get3A_2642 : vector<16xf32> to vector<16xf32>
      tpu.vector_store %arg5[%swap3A_2643], %swap3A_2646 {strides = array<i32>} : memref<8000xf32, #tpu.memory_space<vmem>>, vector<16xf32>,
      %get3A_2647 = arith.constant 4384 : index
      %get3A_2648 = tpu.vector_load %arg4[%get3A_2647] {strides = array<i32>} : memref<6056xf32, #tpu.memory_space<vmem>>, vector<16xf32>,
      %get3A_2649 = vector.shape_cast %get3A_2648 : vector<16xf32> to vector<16xf32>
      %swap3A_2650 = arith.constant 5784 : index
      %swap3A_2651 = tpu.vector_load %arg5[%swap3A_2650] {strides = array<i32>} : memref<8000xf32, #tpu.memory_space<vmem>>, vector<16xf32>,
      %swap3A_2652 = vector.shape_cast %swap3A_2651 : vector<16xf32> to vector<16xf32>
      %swap3A_2653 = vector.shape_cast %get3A_2649 : vector<16xf32> to vector<16xf32>
      tpu.vector_store %arg5[%swap3A_2650], %swap3A_2653 {strides = array<i32>} : memref<8000xf32, #tpu.memory_space<vmem>>, vector<16xf32>,
      %get3A_2654 = arith.constant 4350 : index
      %get3A_2655 = tpu.vector_load %arg4[%get3A_2654] {strides = array<i32>} : memref<6056xf32, #tpu.memory_space<vmem>>, vector<16xf32>,
      %get3A_2656 = vector.shape_cast %get3A_2655 : vector<16xf32> to vector<16xf32>
      %swap3A_2657 = arith.constant 5800 : index
      %swap3A_2658 = tpu.vector_load %arg5[%swap3A_2657] {strides = array<i32>} : memref<8000xf32, #tpu.memory_space<vmem>>, vector<16xf32>,
      %swap3A_2659 = vector.shape_cast %swap3A_2658 : vector<16xf32> to vector<16xf32>
      %swap3A_2660 = vector.shape_cast %get3A_2656 : vector<16xf32> to vector<16xf32>
      tpu.vector_store %arg5[%swap3A_2657], %swap3A_2660 {strides = array<i32>} : memref<8000xf32, #tpu.memory_space<vmem>>, vector<16xf32>,
      %get3A_2661 = arith.constant 4366 : index
      %get3A_2662 = tpu.vector_load %arg4[%get3A_2661] {strides = array<i32>} : memref<6056xf32, #tpu.memory_space<vmem>>, vector<16xf32>,
      %get3A_2663 = vector.shape_cast %get3A_2662 : vector<16xf32> to vector<16xf32>
      %swap3A_2664 = arith.constant 5816 : index
      %swap3A_2665 = tpu.vector_load %arg5[%swap3A_2664] {strides = array<i32>} : memref<8000xf32, #tpu.memory_space<vmem>>, vector<16xf32>,
      %swap3A_2666 = vector.shape_cast %swap3A_2665 : vector<16xf32> to vector<16xf32>
      %swap3A_2667 = vector.shape_cast %get3A_2663 : vector<16xf32> to vector<16xf32>
      tpu.vector_store %arg5[%swap3A_2664], %swap3A_2667 {strides = array<i32>} : memref<8000xf32, #tpu.memory_space<vmem>>, vector<16xf32>,
      %get3A_2668 = arith.constant 4382 : index
      %get3A_2669 = tpu.vector_load %arg4[%get3A_2668] {strides = array<i32>} : memref<6056xf32, #tpu.memory_space<vmem>>, vector<16xf32>,
      %get3A_2670 = vector.shape_cast %get3A_2669 : vector<16xf32> to vector<16xf32>
      %swap3A_2671 = arith.constant 5832 : index
      %swap3A_2672 = tpu.vector_load %arg5[%swap3A_2671] {strides = array<i32>} : memref<8000xf32, #tpu.memory_space<vmem>>, vector<16xf32>,
      %swap3A_2673 = vector.shape_cast %swap3A_2672 : vector<16xf32> to vector<16xf32>
      %swap3A_2674 = vector.shape_cast %get3A_2670 : vector<16xf32> to vector<16xf32>
      tpu.vector_store %arg5[%swap3A_2671], %swap3A_2674 {strides = array<i32>} : memref<8000xf32, #tpu.memory_space<vmem>>, vector<16xf32>,
      %get3A_2675 = arith.constant 4398 : index
      %get3A_2676 = tpu.vector_load %arg4[%get3A_2675] {strides = array<i32>} : memref<6056xf32, #tpu.memory_space<vmem>>, vector<16xf32>,
      %get3A_2677 = vector.shape_cast %get3A_2676 : vector<16xf32> to vector<16xf32>
      %swap3A_2678 = arith.constant 5848 : index
      %swap3A_2679 = tpu.vector_load %arg5[%swap3A_2678] {strides = array<i32>} : memref<8000xf32, #tpu.memory_space<vmem>>, vector<16xf32>,
      %swap3A_2680 = vector.shape_cast %swap3A_2679 : vector<16xf32> to vector<16xf32>
      %swap3A_2681 = vector.shape_cast %get3A_2677 : vector<16xf32> to vector<16xf32>
      tpu.vector_store %arg5[%swap3A_2678], %swap3A_2681 {strides = array<i32>} : memref<8000xf32, #tpu.memory_space<vmem>>, vector<16xf32>,
      %get3A_2682 = arith.constant 4414 : index
      %get3A_2683 = tpu.vector_load %arg4[%get3A_2682] {strides = array<i32>} : memref<6056xf32, #tpu.memory_space<vmem>>, vector<16xf32>,
      %get3A_2684 = vector.shape_cast %get3A_2683 : vector<16xf32> to vector<16xf32>
      %swap3A_2685 = arith.constant 5864 : index
      %swap3A_2686 = tpu.vector_load %arg5[%swap3A_2685] {strides = array<i32>} : memref<8000xf32, #tpu.memory_space<vmem>>, vector<16xf32>,
      %swap3A_2687 = vector.shape_cast %swap3A_2686 : vector<16xf32> to vector<16xf32>
      %swap3A_2688 = vector.shape_cast %get3A_2684 : vector<16xf32> to vector<16xf32>
      tpu.vector_store %arg5[%swap3A_2685], %swap3A_2688 {strides = array<i32>} : memref<8000xf32, #tpu.memory_space<vmem>>, vector<16xf32>,
      %get3A_2689 = arith.constant 4430 : index
      %get3A_2690 = tpu.vector_load %arg4[%get3A_2689] {strides = array<i32>} : memref<6056xf32, #tpu.memory_space<vmem>>, vector<16xf32>,
      %get3A_2691 = vector.shape_cast %get3A_2690 : vector<16xf32> to vector<16xf32>
      %swap3A_2692 = arith.constant 5880 : index
      %swap3A_2693 = tpu.vector_load %arg5[%swap3A_2692] {strides = array<i32>} : memref<8000xf32, #tpu.memory_space<vmem>>, vector<16xf32>,
      %swap3A_2694 = vector.shape_cast %swap3A_2693 : vector<16xf32> to vector<16xf32>
      %swap3A_2695 = vector.shape_cast %get3A_2691 : vector<16xf32> to vector<16xf32>
      tpu.vector_store %arg5[%swap3A_2692], %swap3A_2695 {strides = array<i32>} : memref<8000xf32, #tpu.memory_space<vmem>>, vector<16xf32>,
      %get3A_2696 = arith.constant 4446 : index
      %get3A_2697 = tpu.vector_load %arg4[%get3A_2696] {strides = array<i32>} : memref<6056xf32, #tpu.memory_space<vmem>>, vector<16xf32>,
      %get3A_2698 = vector.shape_cast %get3A_2697 : vector<16xf32> to vector<16xf32>
      %swap3A_2699 = arith.constant 5896 : index
      %swap3A_2700 = tpu.vector_load %arg5[%swap3A_2699] {strides = array<i32>} : memref<8000xf32, #tpu.memory_space<vmem>>, vector<16xf32>,
      %swap3A_2701 = vector.shape_cast %swap3A_2700 : vector<16xf32> to vector<16xf32>
      %swap3A_2702 = vector.shape_cast %get3A_2698 : vector<16xf32> to vector<16xf32>
      tpu.vector_store %arg5[%swap3A_2699], %swap3A_2702 {strides = array<i32>} : memref<8000xf32, #tpu.memory_space<vmem>>, vector<16xf32>,
      %get3A_2703 = arith.constant 4462 : index
      %get3A_2704 = tpu.vector_load %arg4[%get3A_2703] {strides = array<i32>} : memref<6056xf32, #tpu.memory_space<vmem>>, vector<16xf32>,
      %get3A_2705 = vector.shape_cast %get3A_2704 : vector<16xf32> to vector<16xf32>
      %swap3A_2706 = arith.constant 5912 : index
      %swap3A_2707 = tpu.vector_load %arg5[%swap3A_2706] {strides = array<i32>} : memref<8000xf32, #tpu.memory_space<vmem>>, vector<16xf32>,
      %swap3A_2708 = vector.shape_cast %swap3A_2707 : vector<16xf32> to vector<16xf32>
      %swap3A_2709 = vector.shape_cast %get3A_2705 : vector<16xf32> to vector<16xf32>
      tpu.vector_store %arg5[%swap3A_2706], %swap3A_2709 {strides = array<i32>} : memref<8000xf32, #tpu.memory_space<vmem>>, vector<16xf32>,
      %get3A_2710 = arith.constant 4478 : index
      %get3A_2711 = tpu.vector_load %arg4[%get3A_2710] {strides = array<i32>} : memref<6056xf32, #tpu.memory_space<vmem>>, vector<16xf32>,
      %get3A_2712 = vector.shape_cast %get3A_2711 : vector<16xf32> to vector<16xf32>
      %swap3A_2713 = arith.constant 5928 : index
      %swap3A_2714 = tpu.vector_load %arg5[%swap3A_2713] {strides = array<i32>} : memref<8000xf32, #tpu.memory_space<vmem>>, vector<16xf32>,
      %swap3A_2715 = vector.shape_cast %swap3A_2714 : vector<16xf32> to vector<16xf32>
      %swap3A_2716 = vector.shape_cast %get3A_2712 : vector<16xf32> to vector<16xf32>
      tpu.vector_store %arg5[%swap3A_2713], %swap3A_2716 {strides = array<i32>} : memref<8000xf32, #tpu.memory_space<vmem>>, vector<16xf32>,
      %get3A_2717 = arith.constant 4494 : index
      %get3A_2718 = tpu.vector_load %arg4[%get3A_2717] {strides = array<i32>} : memref<6056xf32, #tpu.memory_space<vmem>>, vector<16xf32>,
      %get3A_2719 = vector.shape_cast %get3A_2718 : vector<16xf32> to vector<16xf32>
      %swap3A_2720 = arith.constant 5944 : index
      %swap3A_2721 = tpu.vector_load %arg5[%swap3A_2720] {strides = array<i32>} : memref<8000xf32, #tpu.memory_space<vmem>>, vector<16xf32>,
      %swap3A_2722 = vector.shape_cast %swap3A_2721 : vector<16xf32> to vector<16xf32>
      %swap3A_2723 = vector.shape_cast %get3A_2719 : vector<16xf32> to vector<16xf32>
      tpu.vector_store %arg5[%swap3A_2720], %swap3A_2723 {strides = array<i32>} : memref<8000xf32, #tpu.memory_space<vmem>>, vector<16xf32>,
      %get3A_2724 = arith.constant 4510 : index
      %get3A_2725 = tpu.vector_load %arg4[%get3A_2724] {strides = array<i32>} : memref<6056xf32, #tpu.memory_space<vmem>>, vector<16xf32>,
      %get3A_2726 = vector.shape_cast %get3A_2725 : vector<16xf32> to vector<16xf32>
      %swap3A_2727 = arith.constant 5960 : index
      %swap3A_2728 = tpu.vector_load %arg5[%swap3A_2727] {strides = array<i32>} : memref<8000xf32, #tpu.memory_space<vmem>>, vector<16xf32>,
      %swap3A_2729 = vector.shape_cast %swap3A_2728 : vector<16xf32> to vector<16xf32>
      %swap3A_2730 = vector.shape_cast %get3A_2726 : vector<16xf32> to vector<16xf32>
      tpu.vector_store %arg5[%swap3A_2727], %swap3A_2730 {strides = array<i32>} : memref<8000xf32, #tpu.memory_space<vmem>>, vector<16xf32>,
      %get3A_2731 = arith.constant 4526 : index
      %get3A_2732 = tpu.vector_load %arg4[%get3A_2731] {strides = array<i32>} : memref<6056xf32, #tpu.memory_space<vmem>>, vector<16xf32>,
      %get3A_2733 = vector.shape_cast %get3A_2732 : vector<16xf32> to vector<16xf32>
      %swap3A_2734 = arith.constant 5976 : index
      %swap3A_2735 = tpu.vector_load %arg5[%swap3A_2734] {strides = array<i32>} : memref<8000xf32, #tpu.memory_space<vmem>>, vector<16xf32>,
      %swap3A_2736 = vector.shape_cast %swap3A_2735 : vector<16xf32> to vector<16xf32>
      %swap3A_2737 = vector.shape_cast %get3A_2733 : vector<16xf32> to vector<16xf32>
      tpu.vector_store %arg5[%swap3A_2734], %swap3A_2737 {strides = array<i32>} : memref<8000xf32, #tpu.memory_space<vmem>>, vector<16xf32>,
      %get3A_2738 = arith.constant 4534 : index
      %get3A_2739 = tpu.vector_load %arg4[%get3A_2738] {strides = array<i32>} : memref<6056xf32, #tpu.memory_space<vmem>>, vector<16xf32>,
      %get3A_2740 = vector.shape_cast %get3A_2739 : vector<16xf32> to vector<16xf32>
      %swap3A_2741 = arith.constant 5984 : index
      %swap3A_2742 = tpu.vector_load %arg5[%swap3A_2741] {strides = array<i32>} : memref<8000xf32, #tpu.memory_space<vmem>>, vector<16xf32>,
      %swap3A_2743 = vector.shape_cast %swap3A_2742 : vector<16xf32> to vector<16xf32>
      %swap3A_2744 = vector.shape_cast %get3A_2740 : vector<16xf32> to vector<16xf32>
      tpu.vector_store %arg5[%swap3A_2741], %swap3A_2744 {strides = array<i32>} : memref<8000xf32, #tpu.memory_space<vmem>>, vector<16xf32>,
      %get3A_2745 = arith.constant 4500 : index
      %get3A_2746 = tpu.vector_load %arg4[%get3A_2745] {strides = array<i32>} : memref<6056xf32, #tpu.memory_space<vmem>>, vector<16xf32>,
      %get3A_2747 = vector.shape_cast %get3A_2746 : vector<16xf32> to vector<16xf32>
      %swap3A_2748 = arith.constant 6000 : index
      %swap3A_2749 = tpu.vector_load %arg5[%swap3A_2748] {strides = array<i32>} : memref<8000xf32, #tpu.memory_space<vmem>>, vector<16xf32>,
      %swap3A_2750 = vector.shape_cast %swap3A_2749 : vector<16xf32> to vector<16xf32>
      %swap3A_2751 = vector.shape_cast %get3A_2747 : vector<16xf32> to vector<16xf32>
      tpu.vector_store %arg5[%swap3A_2748], %swap3A_2751 {strides = array<i32>} : memref<8000xf32, #tpu.memory_space<vmem>>, vector<16xf32>,
      %get3A_2752 = arith.constant 4516 : index
      %get3A_2753 = tpu.vector_load %arg4[%get3A_2752] {strides = array<i32>} : memref<6056xf32, #tpu.memory_space<vmem>>, vector<16xf32>,
      %get3A_2754 = vector.shape_cast %get3A_2753 : vector<16xf32> to vector<16xf32>
      %swap3A_2755 = arith.constant 6016 : index
      %swap3A_2756 = tpu.vector_load %arg5[%swap3A_2755] {strides = array<i32>} : memref<8000xf32, #tpu.memory_space<vmem>>, vector<16xf32>,
      %swap3A_2757 = vector.shape_cast %swap3A_2756 : vector<16xf32> to vector<16xf32>
      %swap3A_2758 = vector.shape_cast %get3A_2754 : vector<16xf32> to vector<16xf32>
      tpu.vector_store %arg5[%swap3A_2755], %swap3A_2758 {strides = array<i32>} : memref<8000xf32, #tpu.memory_space<vmem>>, vector<16xf32>,
      %get3A_2759 = arith.constant 4532 : index
      %get3A_2760 = tpu.vector_load %arg4[%get3A_2759] {strides = array<i32>} : memref<6056xf32, #tpu.memory_space<vmem>>, vector<16xf32>,
      %get3A_2761 = vector.shape_cast %get3A_2760 : vector<16xf32> to vector<16xf32>
      %swap3A_2762 = arith.constant 6032 : index
      %swap3A_2763 = tpu.vector_load %arg5[%swap3A_2762] {strides = array<i32>} : memref<8000xf32, #tpu.memory_space<vmem>>, vector<16xf32>,
      %swap3A_2764 = vector.shape_cast %swap3A_2763 : vector<16xf32> to vector<16xf32>
      %swap3A_2765 = vector.shape_cast %get3A_2761 : vector<16xf32> to vector<16xf32>
      tpu.vector_store %arg5[%swap3A_2762], %swap3A_2765 {strides = array<i32>} : memref<8000xf32, #tpu.memory_space<vmem>>, vector<16xf32>,
      %get3A_2766 = arith.constant 4548 : index
      %get3A_2767 = tpu.vector_load %arg4[%get3A_2766] {strides = array<i32>} : memref<6056xf32, #tpu.memory_space<vmem>>, vector<16xf32>,
      %get3A_2768 = vector.shape_cast %get3A_2767 : vector<16xf32> to vector<16xf32>
      %swap3A_2769 = arith.constant 6048 : index
      %swap3A_2770 = tpu.vector_load %arg5[%swap3A_2769] {strides = array<i32>} : memref<8000xf32, #tpu.memory_space<vmem>>, vector<16xf32>,
      %swap3A_2771 = vector.shape_cast %swap3A_2770 : vector<16xf32> to vector<16xf32>
      %swap3A_2772 = vector.shape_cast %get3A_2768 : vector<16xf32> to vector<16xf32>
      tpu.vector_store %arg5[%swap3A_2769], %swap3A_2772 {strides = array<i32>} : memref<8000xf32, #tpu.memory_space<vmem>>, vector<16xf32>,
      %get3A_2773 = arith.constant 4564 : index
      %get3A_2774 = tpu.vector_load %arg4[%get3A_2773] {strides = array<i32>} : memref<6056xf32, #tpu.memory_space<vmem>>, vector<16xf32>,
      %get3A_2775 = vector.shape_cast %get3A_2774 : vector<16xf32> to vector<16xf32>
      %swap3A_2776 = arith.constant 6064 : index
      %swap3A_2777 = tpu.vector_load %arg5[%swap3A_2776] {strides = array<i32>} : memref<8000xf32, #tpu.memory_space<vmem>>, vector<16xf32>,
      %swap3A_2778 = vector.shape_cast %swap3A_2777 : vector<16xf32> to vector<16xf32>
      %swap3A_2779 = vector.shape_cast %get3A_2775 : vector<16xf32> to vector<16xf32>
      tpu.vector_store %arg5[%swap3A_2776], %swap3A_2779 {strides = array<i32>} : memref<8000xf32, #tpu.memory_space<vmem>>, vector<16xf32>,
      %get3A_2780 = arith.constant 4580 : index
      %get3A_2781 = tpu.vector_load %arg4[%get3A_2780] {strides = array<i32>} : memref<6056xf32, #tpu.memory_space<vmem>>, vector<16xf32>,
      %get3A_2782 = vector.shape_cast %get3A_2781 : vector<16xf32> to vector<16xf32>
      %swap3A_2783 = arith.constant 6080 : index
      %swap3A_2784 = tpu.vector_load %arg5[%swap3A_2783] {strides = array<i32>} : memref<8000xf32, #tpu.memory_space<vmem>>, vector<16xf32>,
      %swap3A_2785 = vector.shape_cast %swap3A_2784 : vector<16xf32> to vector<16xf32>
      %swap3A_2786 = vector.shape_cast %get3A_2782 : vector<16xf32> to vector<16xf32>
      tpu.vector_store %arg5[%swap3A_2783], %swap3A_2786 {strides = array<i32>} : memref<8000xf32, #tpu.memory_space<vmem>>, vector<16xf32>,
      %get3A_2787 = arith.constant 4596 : index
      %get3A_2788 = tpu.vector_load %arg4[%get3A_2787] {strides = array<i32>} : memref<6056xf32, #tpu.memory_space<vmem>>, vector<16xf32>,
      %get3A_2789 = vector.shape_cast %get3A_2788 : vector<16xf32> to vector<16xf32>
      %swap3A_2790 = arith.constant 6096 : index
      %swap3A_2791 = tpu.vector_load %arg5[%swap3A_2790] {strides = array<i32>} : memref<8000xf32, #tpu.memory_space<vmem>>, vector<16xf32>,
      %swap3A_2792 = vector.shape_cast %swap3A_2791 : vector<16xf32> to vector<16xf32>
      %swap3A_2793 = vector.shape_cast %get3A_2789 : vector<16xf32> to vector<16xf32>
      tpu.vector_store %arg5[%swap3A_2790], %swap3A_2793 {strides = array<i32>} : memref<8000xf32, #tpu.memory_space<vmem>>, vector<16xf32>,
      %get3A_2794 = arith.constant 4612 : index
      %get3A_2795 = tpu.vector_load %arg4[%get3A_2794] {strides = array<i32>} : memref<6056xf32, #tpu.memory_space<vmem>>, vector<16xf32>,
      %get3A_2796 = vector.shape_cast %get3A_2795 : vector<16xf32> to vector<16xf32>
      %swap3A_2797 = arith.constant 6112 : index
      %swap3A_2798 = tpu.vector_load %arg5[%swap3A_2797] {strides = array<i32>} : memref<8000xf32, #tpu.memory_space<vmem>>, vector<16xf32>,
      %swap3A_2799 = vector.shape_cast %swap3A_2798 : vector<16xf32> to vector<16xf32>
      %swap3A_2800 = vector.shape_cast %get3A_2796 : vector<16xf32> to vector<16xf32>
      tpu.vector_store %arg5[%swap3A_2797], %swap3A_2800 {strides = array<i32>} : memref<8000xf32, #tpu.memory_space<vmem>>, vector<16xf32>,
      %get3A_2801 = arith.constant 4628 : index
      %get3A_2802 = tpu.vector_load %arg4[%get3A_2801] {strides = array<i32>} : memref<6056xf32, #tpu.memory_space<vmem>>, vector<16xf32>,
      %get3A_2803 = vector.shape_cast %get3A_2802 : vector<16xf32> to vector<16xf32>
      %swap3A_2804 = arith.constant 6128 : index
      %swap3A_2805 = tpu.vector_load %arg5[%swap3A_2804] {strides = array<i32>} : memref<8000xf32, #tpu.memory_space<vmem>>, vector<16xf32>,
      %swap3A_2806 = vector.shape_cast %swap3A_2805 : vector<16xf32> to vector<16xf32>
      %swap3A_2807 = vector.shape_cast %get3A_2803 : vector<16xf32> to vector<16xf32>
      tpu.vector_store %arg5[%swap3A_2804], %swap3A_2807 {strides = array<i32>} : memref<8000xf32, #tpu.memory_space<vmem>>, vector<16xf32>,
      %get3A_2808 = arith.constant 4644 : index
      %get3A_2809 = tpu.vector_load %arg4[%get3A_2808] {strides = array<i32>} : memref<6056xf32, #tpu.memory_space<vmem>>, vector<16xf32>,
      %get3A_2810 = vector.shape_cast %get3A_2809 : vector<16xf32> to vector<16xf32>
      %swap3A_2811 = arith.constant 6144 : index
      %swap3A_2812 = tpu.vector_load %arg5[%swap3A_2811] {strides = array<i32>} : memref<8000xf32, #tpu.memory_space<vmem>>, vector<16xf32>,
      %swap3A_2813 = vector.shape_cast %swap3A_2812 : vector<16xf32> to vector<16xf32>
      %swap3A_2814 = vector.shape_cast %get3A_2810 : vector<16xf32> to vector<16xf32>
      tpu.vector_store %arg5[%swap3A_2811], %swap3A_2814 {strides = array<i32>} : memref<8000xf32, #tpu.memory_space<vmem>>, vector<16xf32>,
      %get3A_2815 = arith.constant 4660 : index
      %get3A_2816 = tpu.vector_load %arg4[%get3A_2815] {strides = array<i32>} : memref<6056xf32, #tpu.memory_space<vmem>>, vector<16xf32>,
      %get3A_2817 = vector.shape_cast %get3A_2816 : vector<16xf32> to vector<16xf32>
      %swap3A_2818 = arith.constant 6160 : index
      %swap3A_2819 = tpu.vector_load %arg5[%swap3A_2818] {strides = array<i32>} : memref<8000xf32, #tpu.memory_space<vmem>>, vector<16xf32>,
      %swap3A_2820 = vector.shape_cast %swap3A_2819 : vector<16xf32> to vector<16xf32>
      %swap3A_2821 = vector.shape_cast %get3A_2817 : vector<16xf32> to vector<16xf32>
      tpu.vector_store %arg5[%swap3A_2818], %swap3A_2821 {strides = array<i32>} : memref<8000xf32, #tpu.memory_space<vmem>>, vector<16xf32>,
      %get3A_2822 = arith.constant 4676 : index
      %get3A_2823 = tpu.vector_load %arg4[%get3A_2822] {strides = array<i32>} : memref<6056xf32, #tpu.memory_space<vmem>>, vector<16xf32>,
      %get3A_2824 = vector.shape_cast %get3A_2823 : vector<16xf32> to vector<16xf32>
      %swap3A_2825 = arith.constant 6176 : index
      %swap3A_2826 = tpu.vector_load %arg5[%swap3A_2825] {strides = array<i32>} : memref<8000xf32, #tpu.memory_space<vmem>>, vector<16xf32>,
      %swap3A_2827 = vector.shape_cast %swap3A_2826 : vector<16xf32> to vector<16xf32>
      %swap3A_2828 = vector.shape_cast %get3A_2824 : vector<16xf32> to vector<16xf32>
      tpu.vector_store %arg5[%swap3A_2825], %swap3A_2828 {strides = array<i32>} : memref<8000xf32, #tpu.memory_space<vmem>>, vector<16xf32>,
      %get3A_2829 = arith.constant 4684 : index
      %get3A_2830 = tpu.vector_load %arg4[%get3A_2829] {strides = array<i32>} : memref<6056xf32, #tpu.memory_space<vmem>>, vector<16xf32>,
      %get3A_2831 = vector.shape_cast %get3A_2830 : vector<16xf32> to vector<16xf32>
      %swap3A_2832 = arith.constant 6184 : index
      %swap3A_2833 = tpu.vector_load %arg5[%swap3A_2832] {strides = array<i32>} : memref<8000xf32, #tpu.memory_space<vmem>>, vector<16xf32>,
      %swap3A_2834 = vector.shape_cast %swap3A_2833 : vector<16xf32> to vector<16xf32>
      %swap3A_2835 = vector.shape_cast %get3A_2831 : vector<16xf32> to vector<16xf32>
      tpu.vector_store %arg5[%swap3A_2832], %swap3A_2835 {strides = array<i32>} : memref<8000xf32, #tpu.memory_space<vmem>>, vector<16xf32>,
      %get3A_2836 = arith.constant 4650 : index
      %get3A_2837 = tpu.vector_load %arg4[%get3A_2836] {strides = array<i32>} : memref<6056xf32, #tpu.memory_space<vmem>>, vector<16xf32>,
      %get3A_2838 = vector.shape_cast %get3A_2837 : vector<16xf32> to vector<16xf32>
      %swap3A_2839 = arith.constant 6200 : index
      %swap3A_2840 = tpu.vector_load %arg5[%swap3A_2839] {strides = array<i32>} : memref<8000xf32, #tpu.memory_space<vmem>>, vector<16xf32>,
      %swap3A_2841 = vector.shape_cast %swap3A_2840 : vector<16xf32> to vector<16xf32>
      %swap3A_2842 = vector.shape_cast %get3A_2838 : vector<16xf32> to vector<16xf32>
      tpu.vector_store %arg5[%swap3A_2839], %swap3A_2842 {strides = array<i32>} : memref<8000xf32, #tpu.memory_space<vmem>>, vector<16xf32>,
      %get3A_2843 = arith.constant 4666 : index
      %get3A_2844 = tpu.vector_load %arg4[%get3A_2843] {strides = array<i32>} : memref<6056xf32, #tpu.memory_space<vmem>>, vector<16xf32>,
      %get3A_2845 = vector.shape_cast %get3A_2844 : vector<16xf32> to vector<16xf32>
      %swap3A_2846 = arith.constant 6216 : index
      %swap3A_2847 = tpu.vector_load %arg5[%swap3A_2846] {strides = array<i32>} : memref<8000xf32, #tpu.memory_space<vmem>>, vector<16xf32>,
      %swap3A_2848 = vector.shape_cast %swap3A_2847 : vector<16xf32> to vector<16xf32>
      %swap3A_2849 = vector.shape_cast %get3A_2845 : vector<16xf32> to vector<16xf32>
      tpu.vector_store %arg5[%swap3A_2846], %swap3A_2849 {strides = array<i32>} : memref<8000xf32, #tpu.memory_space<vmem>>, vector<16xf32>,
      %get3A_2850 = arith.constant 4682 : index
      %get3A_2851 = tpu.vector_load %arg4[%get3A_2850] {strides = array<i32>} : memref<6056xf32, #tpu.memory_space<vmem>>, vector<16xf32>,
      %get3A_2852 = vector.shape_cast %get3A_2851 : vector<16xf32> to vector<16xf32>
      %swap3A_2853 = arith.constant 6232 : index
      %swap3A_2854 = tpu.vector_load %arg5[%swap3A_2853] {strides = array<i32>} : memref<8000xf32, #tpu.memory_space<vmem>>, vector<16xf32>,
      %swap3A_2855 = vector.shape_cast %swap3A_2854 : vector<16xf32> to vector<16xf32>
      %swap3A_2856 = vector.shape_cast %get3A_2852 : vector<16xf32> to vector<16xf32>
      tpu.vector_store %arg5[%swap3A_2853], %swap3A_2856 {strides = array<i32>} : memref<8000xf32, #tpu.memory_space<vmem>>, vector<16xf32>,
      %get3A_2857 = arith.constant 4698 : index
      %get3A_2858 = tpu.vector_load %arg4[%get3A_2857] {strides = array<i32>} : memref<6056xf32, #tpu.memory_space<vmem>>, vector<16xf32>,
      %get3A_2859 = vector.shape_cast %get3A_2858 : vector<16xf32> to vector<16xf32>
      %swap3A_2860 = arith.constant 6248 : index
      %swap3A_2861 = tpu.vector_load %arg5[%swap3A_2860] {strides = array<i32>} : memref<8000xf32, #tpu.memory_space<vmem>>, vector<16xf32>,
      %swap3A_2862 = vector.shape_cast %swap3A_2861 : vector<16xf32> to vector<16xf32>
      %swap3A_2863 = vector.shape_cast %get3A_2859 : vector<16xf32> to vector<16xf32>
      tpu.vector_store %arg5[%swap3A_2860], %swap3A_2863 {strides = array<i32>} : memref<8000xf32, #tpu.memory_space<vmem>>, vector<16xf32>,
      %get3A_2864 = arith.constant 4714 : index
      %get3A_2865 = tpu.vector_load %arg4[%get3A_2864] {strides = array<i32>} : memref<6056xf32, #tpu.memory_space<vmem>>, vector<16xf32>,
      %get3A_2866 = vector.shape_cast %get3A_2865 : vector<16xf32> to vector<16xf32>
      %swap3A_2867 = arith.constant 6264 : index
      %swap3A_2868 = tpu.vector_load %arg5[%swap3A_2867] {strides = array<i32>} : memref<8000xf32, #tpu.memory_space<vmem>>, vector<16xf32>,
      %swap3A_2869 = vector.shape_cast %swap3A_2868 : vector<16xf32> to vector<16xf32>
      %swap3A_2870 = vector.shape_cast %get3A_2866 : vector<16xf32> to vector<16xf32>
      tpu.vector_store %arg5[%swap3A_2867], %swap3A_2870 {strides = array<i32>} : memref<8000xf32, #tpu.memory_space<vmem>>, vector<16xf32>,
      %get3A_2871 = arith.constant 4730 : index
      %get3A_2872 = tpu.vector_load %arg4[%get3A_2871] {strides = array<i32>} : memref<6056xf32, #tpu.memory_space<vmem>>, vector<16xf32>,
      %get3A_2873 = vector.shape_cast %get3A_2872 : vector<16xf32> to vector<16xf32>
      %swap3A_2874 = arith.constant 6280 : index
      %swap3A_2875 = tpu.vector_load %arg5[%swap3A_2874] {strides = array<i32>} : memref<8000xf32, #tpu.memory_space<vmem>>, vector<16xf32>,
      %swap3A_2876 = vector.shape_cast %swap3A_2875 : vector<16xf32> to vector<16xf32>
      %swap3A_2877 = vector.shape_cast %get3A_2873 : vector<16xf32> to vector<16xf32>
      tpu.vector_store %arg5[%swap3A_2874], %swap3A_2877 {strides = array<i32>} : memref<8000xf32, #tpu.memory_space<vmem>>, vector<16xf32>,
      %get3A_2878 = arith.constant 4746 : index
      %get3A_2879 = tpu.vector_load %arg4[%get3A_2878] {strides = array<i32>} : memref<6056xf32, #tpu.memory_space<vmem>>, vector<16xf32>,
      %get3A_2880 = vector.shape_cast %get3A_2879 : vector<16xf32> to vector<16xf32>
      %swap3A_2881 = arith.constant 6296 : index
      %swap3A_2882 = tpu.vector_load %arg5[%swap3A_2881] {strides = array<i32>} : memref<8000xf32, #tpu.memory_space<vmem>>, vector<16xf32>,
      %swap3A_2883 = vector.shape_cast %swap3A_2882 : vector<16xf32> to vector<16xf32>
      %swap3A_2884 = vector.shape_cast %get3A_2880 : vector<16xf32> to vector<16xf32>
      tpu.vector_store %arg5[%swap3A_2881], %swap3A_2884 {strides = array<i32>} : memref<8000xf32, #tpu.memory_space<vmem>>, vector<16xf32>,
      %get3A_2885 = arith.constant 4762 : index
      %get3A_2886 = tpu.vector_load %arg4[%get3A_2885] {strides = array<i32>} : memref<6056xf32, #tpu.memory_space<vmem>>, vector<16xf32>,
      %get3A_2887 = vector.shape_cast %get3A_2886 : vector<16xf32> to vector<16xf32>
      %swap3A_2888 = arith.constant 6312 : index
      %swap3A_2889 = tpu.vector_load %arg5[%swap3A_2888] {strides = array<i32>} : memref<8000xf32, #tpu.memory_space<vmem>>, vector<16xf32>,
      %swap3A_2890 = vector.shape_cast %swap3A_2889 : vector<16xf32> to vector<16xf32>
      %swap3A_2891 = vector.shape_cast %get3A_2887 : vector<16xf32> to vector<16xf32>
      tpu.vector_store %arg5[%swap3A_2888], %swap3A_2891 {strides = array<i32>} : memref<8000xf32, #tpu.memory_space<vmem>>, vector<16xf32>,
      %get3A_2892 = arith.constant 4778 : index
      %get3A_2893 = tpu.vector_load %arg4[%get3A_2892] {strides = array<i32>} : memref<6056xf32, #tpu.memory_space<vmem>>, vector<16xf32>,
      %get3A_2894 = vector.shape_cast %get3A_2893 : vector<16xf32> to vector<16xf32>
      %swap3A_2895 = arith.constant 6328 : index
      %swap3A_2896 = tpu.vector_load %arg5[%swap3A_2895] {strides = array<i32>} : memref<8000xf32, #tpu.memory_space<vmem>>, vector<16xf32>,
      %swap3A_2897 = vector.shape_cast %swap3A_2896 : vector<16xf32> to vector<16xf32>
      %swap3A_2898 = vector.shape_cast %get3A_2894 : vector<16xf32> to vector<16xf32>
      tpu.vector_store %arg5[%swap3A_2895], %swap3A_2898 {strides = array<i32>} : memref<8000xf32, #tpu.memory_space<vmem>>, vector<16xf32>,
      %get3A_2899 = arith.constant 4794 : index
      %get3A_2900 = tpu.vector_load %arg4[%get3A_2899] {strides = array<i32>} : memref<6056xf32, #tpu.memory_space<vmem>>, vector<16xf32>,
      %get3A_2901 = vector.shape_cast %get3A_2900 : vector<16xf32> to vector<16xf32>
      %swap3A_2902 = arith.constant 6344 : index
      %swap3A_2903 = tpu.vector_load %arg5[%swap3A_2902] {strides = array<i32>} : memref<8000xf32, #tpu.memory_space<vmem>>, vector<16xf32>,
      %swap3A_2904 = vector.shape_cast %swap3A_2903 : vector<16xf32> to vector<16xf32>
      %swap3A_2905 = vector.shape_cast %get3A_2901 : vector<16xf32> to vector<16xf32>
      tpu.vector_store %arg5[%swap3A_2902], %swap3A_2905 {strides = array<i32>} : memref<8000xf32, #tpu.memory_space<vmem>>, vector<16xf32>,
      %get3A_2906 = arith.constant 4810 : index
      %get3A_2907 = tpu.vector_load %arg4[%get3A_2906] {strides = array<i32>} : memref<6056xf32, #tpu.memory_space<vmem>>, vector<16xf32>,
      %get3A_2908 = vector.shape_cast %get3A_2907 : vector<16xf32> to vector<16xf32>
      %swap3A_2909 = arith.constant 6360 : index
      %swap3A_2910 = tpu.vector_load %arg5[%swap3A_2909] {strides = array<i32>} : memref<8000xf32, #tpu.memory_space<vmem>>, vector<16xf32>,
      %swap3A_2911 = vector.shape_cast %swap3A_2910 : vector<16xf32> to vector<16xf32>
      %swap3A_2912 = vector.shape_cast %get3A_2908 : vector<16xf32> to vector<16xf32>
      tpu.vector_store %arg5[%swap3A_2909], %swap3A_2912 {strides = array<i32>} : memref<8000xf32, #tpu.memory_space<vmem>>, vector<16xf32>,
      %get3A_2913 = arith.constant 4826 : index
      %get3A_2914 = tpu.vector_load %arg4[%get3A_2913] {strides = array<i32>} : memref<6056xf32, #tpu.memory_space<vmem>>, vector<16xf32>,
      %get3A_2915 = vector.shape_cast %get3A_2914 : vector<16xf32> to vector<16xf32>
      %swap3A_2916 = arith.constant 6376 : index
      %swap3A_2917 = tpu.vector_load %arg5[%swap3A_2916] {strides = array<i32>} : memref<8000xf32, #tpu.memory_space<vmem>>, vector<16xf32>,
      %swap3A_2918 = vector.shape_cast %swap3A_2917 : vector<16xf32> to vector<16xf32>
      %swap3A_2919 = vector.shape_cast %get3A_2915 : vector<16xf32> to vector<16xf32>
      tpu.vector_store %arg5[%swap3A_2916], %swap3A_2919 {strides = array<i32>} : memref<8000xf32, #tpu.memory_space<vmem>>, vector<16xf32>,
      %get3A_2920 = arith.constant 4834 : index
      %get3A_2921 = tpu.vector_load %arg4[%get3A_2920] {strides = array<i32>} : memref<6056xf32, #tpu.memory_space<vmem>>, vector<16xf32>,
      %get3A_2922 = vector.shape_cast %get3A_2921 : vector<16xf32> to vector<16xf32>
      %swap3A_2923 = arith.constant 6384 : index
      %swap3A_2924 = tpu.vector_load %arg5[%swap3A_2923] {strides = array<i32>} : memref<8000xf32, #tpu.memory_space<vmem>>, vector<16xf32>,
      %swap3A_2925 = vector.shape_cast %swap3A_2924 : vector<16xf32> to vector<16xf32>
      %swap3A_2926 = vector.shape_cast %get3A_2922 : vector<16xf32> to vector<16xf32>
      tpu.vector_store %arg5[%swap3A_2923], %swap3A_2926 {strides = array<i32>} : memref<8000xf32, #tpu.memory_space<vmem>>, vector<16xf32>,
      %get3A_2927 = arith.constant 4800 : index
      %get3A_2928 = tpu.vector_load %arg4[%get3A_2927] {strides = array<i32>} : memref<6056xf32, #tpu.memory_space<vmem>>, vector<16xf32>,
      %get3A_2929 = vector.shape_cast %get3A_2928 : vector<16xf32> to vector<16xf32>
      %swap3A_2930 = arith.constant 6400 : index
      %swap3A_2931 = tpu.vector_load %arg5[%swap3A_2930] {strides = array<i32>} : memref<8000xf32, #tpu.memory_space<vmem>>, vector<16xf32>,
      %swap3A_2932 = vector.shape_cast %swap3A_2931 : vector<16xf32> to vector<16xf32>
      %swap3A_2933 = vector.shape_cast %get3A_2929 : vector<16xf32> to vector<16xf32>
      tpu.vector_store %arg5[%swap3A_2930], %swap3A_2933 {strides = array<i32>} : memref<8000xf32, #tpu.memory_space<vmem>>, vector<16xf32>,
      %get3A_2934 = arith.constant 4816 : index
      %get3A_2935 = tpu.vector_load %arg4[%get3A_2934] {strides = array<i32>} : memref<6056xf32, #tpu.memory_space<vmem>>, vector<16xf32>,
      %get3A_2936 = vector.shape_cast %get3A_2935 : vector<16xf32> to vector<16xf32>
      %swap3A_2937 = arith.constant 6416 : index
      %swap3A_2938 = tpu.vector_load %arg5[%swap3A_2937] {strides = array<i32>} : memref<8000xf32, #tpu.memory_space<vmem>>, vector<16xf32>,
      %swap3A_2939 = vector.shape_cast %swap3A_2938 : vector<16xf32> to vector<16xf32>
      %swap3A_2940 = vector.shape_cast %get3A_2936 : vector<16xf32> to vector<16xf32>
      tpu.vector_store %arg5[%swap3A_2937], %swap3A_2940 {strides = array<i32>} : memref<8000xf32, #tpu.memory_space<vmem>>, vector<16xf32>,
      %get3A_2941 = arith.constant 4832 : index
      %get3A_2942 = tpu.vector_load %arg4[%get3A_2941] {strides = array<i32>} : memref<6056xf32, #tpu.memory_space<vmem>>, vector<16xf32>,
      %get3A_2943 = vector.shape_cast %get3A_2942 : vector<16xf32> to vector<16xf32>
      %swap3A_2944 = arith.constant 6432 : index
      %swap3A_2945 = tpu.vector_load %arg5[%swap3A_2944] {strides = array<i32>} : memref<8000xf32, #tpu.memory_space<vmem>>, vector<16xf32>,
      %swap3A_2946 = vector.shape_cast %swap3A_2945 : vector<16xf32> to vector<16xf32>
      %swap3A_2947 = vector.shape_cast %get3A_2943 : vector<16xf32> to vector<16xf32>
      tpu.vector_store %arg5[%swap3A_2944], %swap3A_2947 {strides = array<i32>} : memref<8000xf32, #tpu.memory_space<vmem>>, vector<16xf32>,
      %get3A_2948 = arith.constant 4848 : index
      %get3A_2949 = tpu.vector_load %arg4[%get3A_2948] {strides = array<i32>} : memref<6056xf32, #tpu.memory_space<vmem>>, vector<16xf32>,
      %get3A_2950 = vector.shape_cast %get3A_2949 : vector<16xf32> to vector<16xf32>
      %swap3A_2951 = arith.constant 6448 : index
      %swap3A_2952 = tpu.vector_load %arg5[%swap3A_2951] {strides = array<i32>} : memref<8000xf32, #tpu.memory_space<vmem>>, vector<16xf32>,
      %swap3A_2953 = vector.shape_cast %swap3A_2952 : vector<16xf32> to vector<16xf32>
      %swap3A_2954 = vector.shape_cast %get3A_2950 : vector<16xf32> to vector<16xf32>
      tpu.vector_store %arg5[%swap3A_2951], %swap3A_2954 {strides = array<i32>} : memref<8000xf32, #tpu.memory_space<vmem>>, vector<16xf32>,
      %get3A_2955 = arith.constant 4864 : index
      %get3A_2956 = tpu.vector_load %arg4[%get3A_2955] {strides = array<i32>} : memref<6056xf32, #tpu.memory_space<vmem>>, vector<16xf32>,
      %get3A_2957 = vector.shape_cast %get3A_2956 : vector<16xf32> to vector<16xf32>
      %swap3A_2958 = arith.constant 6464 : index
      %swap3A_2959 = tpu.vector_load %arg5[%swap3A_2958] {strides = array<i32>} : memref<8000xf32, #tpu.memory_space<vmem>>, vector<16xf32>,
      %swap3A_2960 = vector.shape_cast %swap3A_2959 : vector<16xf32> to vector<16xf32>
      %swap3A_2961 = vector.shape_cast %get3A_2957 : vector<16xf32> to vector<16xf32>
      tpu.vector_store %arg5[%swap3A_2958], %swap3A_2961 {strides = array<i32>} : memref<8000xf32, #tpu.memory_space<vmem>>, vector<16xf32>,
      %get3A_2962 = arith.constant 4880 : index
      %get3A_2963 = tpu.vector_load %arg4[%get3A_2962] {strides = array<i32>} : memref<6056xf32, #tpu.memory_space<vmem>>, vector<16xf32>,
      %get3A_2964 = vector.shape_cast %get3A_2963 : vector<16xf32> to vector<16xf32>
      %swap3A_2965 = arith.constant 6480 : index
      %swap3A_2966 = tpu.vector_load %arg5[%swap3A_2965] {strides = array<i32>} : memref<8000xf32, #tpu.memory_space<vmem>>, vector<16xf32>,
      %swap3A_2967 = vector.shape_cast %swap3A_2966 : vector<16xf32> to vector<16xf32>
      %swap3A_2968 = vector.shape_cast %get3A_2964 : vector<16xf32> to vector<16xf32>
      tpu.vector_store %arg5[%swap3A_2965], %swap3A_2968 {strides = array<i32>} : memref<8000xf32, #tpu.memory_space<vmem>>, vector<16xf32>,
      %get3A_2969 = arith.constant 4896 : index
      %get3A_2970 = tpu.vector_load %arg4[%get3A_2969] {strides = array<i32>} : memref<6056xf32, #tpu.memory_space<vmem>>, vector<16xf32>,
      %get3A_2971 = vector.shape_cast %get3A_2970 : vector<16xf32> to vector<16xf32>
      %swap3A_2972 = arith.constant 6496 : index
      %swap3A_2973 = tpu.vector_load %arg5[%swap3A_2972] {strides = array<i32>} : memref<8000xf32, #tpu.memory_space<vmem>>, vector<16xf32>,
      %swap3A_2974 = vector.shape_cast %swap3A_2973 : vector<16xf32> to vector<16xf32>
      %swap3A_2975 = vector.shape_cast %get3A_2971 : vector<16xf32> to vector<16xf32>
      tpu.vector_store %arg5[%swap3A_2972], %swap3A_2975 {strides = array<i32>} : memref<8000xf32, #tpu.memory_space<vmem>>, vector<16xf32>,
      %get3A_2976 = arith.constant 4912 : index
      %get3A_2977 = tpu.vector_load %arg4[%get3A_2976] {strides = array<i32>} : memref<6056xf32, #tpu.memory_space<vmem>>, vector<16xf32>,
      %get3A_2978 = vector.shape_cast %get3A_2977 : vector<16xf32> to vector<16xf32>
      %swap3A_2979 = arith.constant 6512 : index
      %swap3A_2980 = tpu.vector_load %arg5[%swap3A_2979] {strides = array<i32>} : memref<8000xf32, #tpu.memory_space<vmem>>, vector<16xf32>,
      %swap3A_2981 = vector.shape_cast %swap3A_2980 : vector<16xf32> to vector<16xf32>
      %swap3A_2982 = vector.shape_cast %get3A_2978 : vector<16xf32> to vector<16xf32>
      tpu.vector_store %arg5[%swap3A_2979], %swap3A_2982 {strides = array<i32>} : memref<8000xf32, #tpu.memory_space<vmem>>, vector<16xf32>,
      %get3A_2983 = arith.constant 4928 : index
      %get3A_2984 = tpu.vector_load %arg4[%get3A_2983] {strides = array<i32>} : memref<6056xf32, #tpu.memory_space<vmem>>, vector<16xf32>,
      %get3A_2985 = vector.shape_cast %get3A_2984 : vector<16xf32> to vector<16xf32>
      %swap3A_2986 = arith.constant 6528 : index
      %swap3A_2987 = tpu.vector_load %arg5[%swap3A_2986] {strides = array<i32>} : memref<8000xf32, #tpu.memory_space<vmem>>, vector<16xf32>,
      %swap3A_2988 = vector.shape_cast %swap3A_2987 : vector<16xf32> to vector<16xf32>
      %swap3A_2989 = vector.shape_cast %get3A_2985 : vector<16xf32> to vector<16xf32>
      tpu.vector_store %arg5[%swap3A_2986], %swap3A_2989 {strides = array<i32>} : memref<8000xf32, #tpu.memory_space<vmem>>, vector<16xf32>,
      %get3A_2990 = arith.constant 4944 : index
      %get3A_2991 = tpu.vector_load %arg4[%get3A_2990] {strides = array<i32>} : memref<6056xf32, #tpu.memory_space<vmem>>, vector<16xf32>,
      %get3A_2992 = vector.shape_cast %get3A_2991 : vector<16xf32> to vector<16xf32>
      %swap3A_2993 = arith.constant 6544 : index
      %swap3A_2994 = tpu.vector_load %arg5[%swap3A_2993] {strides = array<i32>} : memref<8000xf32, #tpu.memory_space<vmem>>, vector<16xf32>,
      %swap3A_2995 = vector.shape_cast %swap3A_2994 : vector<16xf32> to vector<16xf32>
      %swap3A_2996 = vector.shape_cast %get3A_2992 : vector<16xf32> to vector<16xf32>
      tpu.vector_store %arg5[%swap3A_2993], %swap3A_2996 {strides = array<i32>} : memref<8000xf32, #tpu.memory_space<vmem>>, vector<16xf32>,
      %get3A_2997 = arith.constant 4960 : index
      %get3A_2998 = tpu.vector_load %arg4[%get3A_2997] {strides = array<i32>} : memref<6056xf32, #tpu.memory_space<vmem>>, vector<16xf32>,
      %get3A_2999 = vector.shape_cast %get3A_2998 : vector<16xf32> to vector<16xf32>
      %swap3A_3000 = arith.constant 6560 : index
      %swap3A_3001 = tpu.vector_load %arg5[%swap3A_3000] {strides = array<i32>} : memref<8000xf32, #tpu.memory_space<vmem>>, vector<16xf32>,
      %swap3A_3002 = vector.shape_cast %swap3A_3001 : vector<16xf32> to vector<16xf32>
      %swap3A_3003 = vector.shape_cast %get3A_2999 : vector<16xf32> to vector<16xf32>
      tpu.vector_store %arg5[%swap3A_3000], %swap3A_3003 {strides = array<i32>} : memref<8000xf32, #tpu.memory_space<vmem>>, vector<16xf32>,
      %get3A_3004 = arith.constant 4976 : index
      %get3A_3005 = tpu.vector_load %arg4[%get3A_3004] {strides = array<i32>} : memref<6056xf32, #tpu.memory_space<vmem>>, vector<16xf32>,
      %get3A_3006 = vector.shape_cast %get3A_3005 : vector<16xf32> to vector<16xf32>
      %swap3A_3007 = arith.constant 6576 : index
      %swap3A_3008 = tpu.vector_load %arg5[%swap3A_3007] {strides = array<i32>} : memref<8000xf32, #tpu.memory_space<vmem>>, vector<16xf32>,
      %swap3A_3009 = vector.shape_cast %swap3A_3008 : vector<16xf32> to vector<16xf32>
      %swap3A_3010 = vector.shape_cast %get3A_3006 : vector<16xf32> to vector<16xf32>
      tpu.vector_store %arg5[%swap3A_3007], %swap3A_3010 {strides = array<i32>} : memref<8000xf32, #tpu.memory_space<vmem>>, vector<16xf32>,
      %get3A_3011 = arith.constant 4984 : index
      %get3A_3012 = tpu.vector_load %arg4[%get3A_3011] {strides = array<i32>} : memref<6056xf32, #tpu.memory_space<vmem>>, vector<16xf32>,
      %get3A_3013 = vector.shape_cast %get3A_3012 : vector<16xf32> to vector<16xf32>
      %swap3A_3014 = arith.constant 6584 : index
      %swap3A_3015 = tpu.vector_load %arg5[%swap3A_3014] {strides = array<i32>} : memref<8000xf32, #tpu.memory_space<vmem>>, vector<16xf32>,
      %swap3A_3016 = vector.shape_cast %swap3A_3015 : vector<16xf32> to vector<16xf32>
      %swap3A_3017 = vector.shape_cast %get3A_3013 : vector<16xf32> to vector<16xf32>
      tpu.vector_store %arg5[%swap3A_3014], %swap3A_3017 {strides = array<i32>} : memref<8000xf32, #tpu.memory_space<vmem>>, vector<16xf32>,
      %get3A_3018 = arith.constant 4950 : index
      %get3A_3019 = tpu.vector_load %arg4[%get3A_3018] {strides = array<i32>} : memref<6056xf32, #tpu.memory_space<vmem>>, vector<16xf32>,
      %get3A_3020 = vector.shape_cast %get3A_3019 : vector<16xf32> to vector<16xf32>
      %swap3A_3021 = arith.constant 6600 : index
      %swap3A_3022 = tpu.vector_load %arg5[%swap3A_3021] {strides = array<i32>} : memref<8000xf32, #tpu.memory_space<vmem>>, vector<16xf32>,
      %swap3A_3023 = vector.shape_cast %swap3A_3022 : vector<16xf32> to vector<16xf32>
      %swap3A_3024 = vector.shape_cast %get3A_3020 : vector<16xf32> to vector<16xf32>
      tpu.vector_store %arg5[%swap3A_3021], %swap3A_3024 {strides = array<i32>} : memref<8000xf32, #tpu.memory_space<vmem>>, vector<16xf32>,
      %get3A_3025 = arith.constant 4966 : index
      %get3A_3026 = tpu.vector_load %arg4[%get3A_3025] {strides = array<i32>} : memref<6056xf32, #tpu.memory_space<vmem>>, vector<16xf32>,
      %get3A_3027 = vector.shape_cast %get3A_3026 : vector<16xf32> to vector<16xf32>
      %swap3A_3028 = arith.constant 6616 : index
      %swap3A_3029 = tpu.vector_load %arg5[%swap3A_3028] {strides = array<i32>} : memref<8000xf32, #tpu.memory_space<vmem>>, vector<16xf32>,
      %swap3A_3030 = vector.shape_cast %swap3A_3029 : vector<16xf32> to vector<16xf32>
      %swap3A_3031 = vector.shape_cast %get3A_3027 : vector<16xf32> to vector<16xf32>
      tpu.vector_store %arg5[%swap3A_3028], %swap3A_3031 {strides = array<i32>} : memref<8000xf32, #tpu.memory_space<vmem>>, vector<16xf32>,
      %get3A_3032 = arith.constant 4982 : index
      %get3A_3033 = tpu.vector_load %arg4[%get3A_3032] {strides = array<i32>} : memref<6056xf32, #tpu.memory_space<vmem>>, vector<16xf32>,
      %get3A_3034 = vector.shape_cast %get3A_3033 : vector<16xf32> to vector<16xf32>
      %swap3A_3035 = arith.constant 6632 : index
      %swap3A_3036 = tpu.vector_load %arg5[%swap3A_3035] {strides = array<i32>} : memref<8000xf32, #tpu.memory_space<vmem>>, vector<16xf32>,
      %swap3A_3037 = vector.shape_cast %swap3A_3036 : vector<16xf32> to vector<16xf32>
      %swap3A_3038 = vector.shape_cast %get3A_3034 : vector<16xf32> to vector<16xf32>
      tpu.vector_store %arg5[%swap3A_3035], %swap3A_3038 {strides = array<i32>} : memref<8000xf32, #tpu.memory_space<vmem>>, vector<16xf32>,
      %get3A_3039 = arith.constant 4998 : index
      %get3A_3040 = tpu.vector_load %arg4[%get3A_3039] {strides = array<i32>} : memref<6056xf32, #tpu.memory_space<vmem>>, vector<16xf32>,
      %get3A_3041 = vector.shape_cast %get3A_3040 : vector<16xf32> to vector<16xf32>
      %swap3A_3042 = arith.constant 6648 : index
      %swap3A_3043 = tpu.vector_load %arg5[%swap3A_3042] {strides = array<i32>} : memref<8000xf32, #tpu.memory_space<vmem>>, vector<16xf32>,
      %swap3A_3044 = vector.shape_cast %swap3A_3043 : vector<16xf32> to vector<16xf32>
      %swap3A_3045 = vector.shape_cast %get3A_3041 : vector<16xf32> to vector<16xf32>
      tpu.vector_store %arg5[%swap3A_3042], %swap3A_3045 {strides = array<i32>} : memref<8000xf32, #tpu.memory_space<vmem>>, vector<16xf32>,
      %get3A_3046 = arith.constant 5014 : index
      %get3A_3047 = tpu.vector_load %arg4[%get3A_3046] {strides = array<i32>} : memref<6056xf32, #tpu.memory_space<vmem>>, vector<16xf32>,
      %get3A_3048 = vector.shape_cast %get3A_3047 : vector<16xf32> to vector<16xf32>
      %swap3A_3049 = arith.constant 6664 : index
      %swap3A_3050 = tpu.vector_load %arg5[%swap3A_3049] {strides = array<i32>} : memref<8000xf32, #tpu.memory_space<vmem>>, vector<16xf32>,
      %swap3A_3051 = vector.shape_cast %swap3A_3050 : vector<16xf32> to vector<16xf32>
      %swap3A_3052 = vector.shape_cast %get3A_3048 : vector<16xf32> to vector<16xf32>
      tpu.vector_store %arg5[%swap3A_3049], %swap3A_3052 {strides = array<i32>} : memref<8000xf32, #tpu.memory_space<vmem>>, vector<16xf32>,
      %get3A_3053 = arith.constant 5030 : index
      %get3A_3054 = tpu.vector_load %arg4[%get3A_3053] {strides = array<i32>} : memref<6056xf32, #tpu.memory_space<vmem>>, vector<16xf32>,
      %get3A_3055 = vector.shape_cast %get3A_3054 : vector<16xf32> to vector<16xf32>
      %swap3A_3056 = arith.constant 6680 : index
      %swap3A_3057 = tpu.vector_load %arg5[%swap3A_3056] {strides = array<i32>} : memref<8000xf32, #tpu.memory_space<vmem>>, vector<16xf32>,
      %swap3A_3058 = vector.shape_cast %swap3A_3057 : vector<16xf32> to vector<16xf32>
      %swap3A_3059 = vector.shape_cast %get3A_3055 : vector<16xf32> to vector<16xf32>
      tpu.vector_store %arg5[%swap3A_3056], %swap3A_3059 {strides = array<i32>} : memref<8000xf32, #tpu.memory_space<vmem>>, vector<16xf32>,
      %get3A_3060 = arith.constant 5046 : index
      %get3A_3061 = tpu.vector_load %arg4[%get3A_3060] {strides = array<i32>} : memref<6056xf32, #tpu.memory_space<vmem>>, vector<16xf32>,
      %get3A_3062 = vector.shape_cast %get3A_3061 : vector<16xf32> to vector<16xf32>
      %swap3A_3063 = arith.constant 6696 : index
      %swap3A_3064 = tpu.vector_load %arg5[%swap3A_3063] {strides = array<i32>} : memref<8000xf32, #tpu.memory_space<vmem>>, vector<16xf32>,
      %swap3A_3065 = vector.shape_cast %swap3A_3064 : vector<16xf32> to vector<16xf32>
      %swap3A_3066 = vector.shape_cast %get3A_3062 : vector<16xf32> to vector<16xf32>
      tpu.vector_store %arg5[%swap3A_3063], %swap3A_3066 {strides = array<i32>} : memref<8000xf32, #tpu.memory_space<vmem>>, vector<16xf32>,
      %get3A_3067 = arith.constant 5062 : index
      %get3A_3068 = tpu.vector_load %arg4[%get3A_3067] {strides = array<i32>} : memref<6056xf32, #tpu.memory_space<vmem>>, vector<16xf32>,
      %get3A_3069 = vector.shape_cast %get3A_3068 : vector<16xf32> to vector<16xf32>
      %swap3A_3070 = arith.constant 6712 : index
      %swap3A_3071 = tpu.vector_load %arg5[%swap3A_3070] {strides = array<i32>} : memref<8000xf32, #tpu.memory_space<vmem>>, vector<16xf32>,
      %swap3A_3072 = vector.shape_cast %swap3A_3071 : vector<16xf32> to vector<16xf32>
      %swap3A_3073 = vector.shape_cast %get3A_3069 : vector<16xf32> to vector<16xf32>
      tpu.vector_store %arg5[%swap3A_3070], %swap3A_3073 {strides = array<i32>} : memref<8000xf32, #tpu.memory_space<vmem>>, vector<16xf32>,
      %get3A_3074 = arith.constant 5078 : index
      %get3A_3075 = tpu.vector_load %arg4[%get3A_3074] {strides = array<i32>} : memref<6056xf32, #tpu.memory_space<vmem>>, vector<16xf32>,
      %get3A_3076 = vector.shape_cast %get3A_3075 : vector<16xf32> to vector<16xf32>
      %swap3A_3077 = arith.constant 6728 : index
      %swap3A_3078 = tpu.vector_load %arg5[%swap3A_3077] {strides = array<i32>} : memref<8000xf32, #tpu.memory_space<vmem>>, vector<16xf32>,
      %swap3A_3079 = vector.shape_cast %swap3A_3078 : vector<16xf32> to vector<16xf32>
      %swap3A_3080 = vector.shape_cast %get3A_3076 : vector<16xf32> to vector<16xf32>
      tpu.vector_store %arg5[%swap3A_3077], %swap3A_3080 {strides = array<i32>} : memref<8000xf32, #tpu.memory_space<vmem>>, vector<16xf32>,
      %get3A_3081 = arith.constant 5094 : index
      %get3A_3082 = tpu.vector_load %arg4[%get3A_3081] {strides = array<i32>} : memref<6056xf32, #tpu.memory_space<vmem>>, vector<16xf32>,
      %get3A_3083 = vector.shape_cast %get3A_3082 : vector<16xf32> to vector<16xf32>
      %swap3A_3084 = arith.constant 6744 : index
      %swap3A_3085 = tpu.vector_load %arg5[%swap3A_3084] {strides = array<i32>} : memref<8000xf32, #tpu.memory_space<vmem>>, vector<16xf32>,
      %swap3A_3086 = vector.shape_cast %swap3A_3085 : vector<16xf32> to vector<16xf32>
      %swap3A_3087 = vector.shape_cast %get3A_3083 : vector<16xf32> to vector<16xf32>
      tpu.vector_store %arg5[%swap3A_3084], %swap3A_3087 {strides = array<i32>} : memref<8000xf32, #tpu.memory_space<vmem>>, vector<16xf32>,
      %get3A_3088 = arith.constant 5110 : index
      %get3A_3089 = tpu.vector_load %arg4[%get3A_3088] {strides = array<i32>} : memref<6056xf32, #tpu.memory_space<vmem>>, vector<16xf32>,
      %get3A_3090 = vector.shape_cast %get3A_3089 : vector<16xf32> to vector<16xf32>
      %swap3A_3091 = arith.constant 6760 : index
      %swap3A_3092 = tpu.vector_load %arg5[%swap3A_3091] {strides = array<i32>} : memref<8000xf32, #tpu.memory_space<vmem>>, vector<16xf32>,
      %swap3A_3093 = vector.shape_cast %swap3A_3092 : vector<16xf32> to vector<16xf32>
      %swap3A_3094 = vector.shape_cast %get3A_3090 : vector<16xf32> to vector<16xf32>
      tpu.vector_store %arg5[%swap3A_3091], %swap3A_3094 {strides = array<i32>} : memref<8000xf32, #tpu.memory_space<vmem>>, vector<16xf32>,
      %get3A_3095 = arith.constant 5126 : index
      %get3A_3096 = tpu.vector_load %arg4[%get3A_3095] {strides = array<i32>} : memref<6056xf32, #tpu.memory_space<vmem>>, vector<16xf32>,
      %get3A_3097 = vector.shape_cast %get3A_3096 : vector<16xf32> to vector<16xf32>
      %swap3A_3098 = arith.constant 6776 : index
      %swap3A_3099 = tpu.vector_load %arg5[%swap3A_3098] {strides = array<i32>} : memref<8000xf32, #tpu.memory_space<vmem>>, vector<16xf32>,
      %swap3A_3100 = vector.shape_cast %swap3A_3099 : vector<16xf32> to vector<16xf32>
      %swap3A_3101 = vector.shape_cast %get3A_3097 : vector<16xf32> to vector<16xf32>
      tpu.vector_store %arg5[%swap3A_3098], %swap3A_3101 {strides = array<i32>} : memref<8000xf32, #tpu.memory_space<vmem>>, vector<16xf32>,
      %get3A_3102 = arith.constant 5134 : index
      %get3A_3103 = tpu.vector_load %arg4[%get3A_3102] {strides = array<i32>} : memref<6056xf32, #tpu.memory_space<vmem>>, vector<16xf32>,
      %get3A_3104 = vector.shape_cast %get3A_3103 : vector<16xf32> to vector<16xf32>
      %swap3A_3105 = arith.constant 6784 : index
      %swap3A_3106 = tpu.vector_load %arg5[%swap3A_3105] {strides = array<i32>} : memref<8000xf32, #tpu.memory_space<vmem>>, vector<16xf32>,
      %swap3A_3107 = vector.shape_cast %swap3A_3106 : vector<16xf32> to vector<16xf32>
      %swap3A_3108 = vector.shape_cast %get3A_3104 : vector<16xf32> to vector<16xf32>
      tpu.vector_store %arg5[%swap3A_3105], %swap3A_3108 {strides = array<i32>} : memref<8000xf32, #tpu.memory_space<vmem>>, vector<16xf32>,
      %get3A_3109 = arith.constant 5100 : index
      %get3A_3110 = tpu.vector_load %arg4[%get3A_3109] {strides = array<i32>} : memref<6056xf32, #tpu.memory_space<vmem>>, vector<16xf32>,
      %get3A_3111 = vector.shape_cast %get3A_3110 : vector<16xf32> to vector<16xf32>
      %swap3A_3112 = arith.constant 6800 : index
      %swap3A_3113 = tpu.vector_load %arg5[%swap3A_3112] {strides = array<i32>} : memref<8000xf32, #tpu.memory_space<vmem>>, vector<16xf32>,
      %swap3A_3114 = vector.shape_cast %swap3A_3113 : vector<16xf32> to vector<16xf32>
      %swap3A_3115 = vector.shape_cast %get3A_3111 : vector<16xf32> to vector<16xf32>
      tpu.vector_store %arg5[%swap3A_3112], %swap3A_3115 {strides = array<i32>} : memref<8000xf32, #tpu.memory_space<vmem>>, vector<16xf32>,
      %get3A_3116 = arith.constant 5116 : index
      %get3A_3117 = tpu.vector_load %arg4[%get3A_3116] {strides = array<i32>} : memref<6056xf32, #tpu.memory_space<vmem>>, vector<16xf32>,
      %get3A_3118 = vector.shape_cast %get3A_3117 : vector<16xf32> to vector<16xf32>
      %swap3A_3119 = arith.constant 6816 : index
      %swap3A_3120 = tpu.vector_load %arg5[%swap3A_3119] {strides = array<i32>} : memref<8000xf32, #tpu.memory_space<vmem>>, vector<16xf32>,
      %swap3A_3121 = vector.shape_cast %swap3A_3120 : vector<16xf32> to vector<16xf32>
      %swap3A_3122 = vector.shape_cast %get3A_3118 : vector<16xf32> to vector<16xf32>
      tpu.vector_store %arg5[%swap3A_3119], %swap3A_3122 {strides = array<i32>} : memref<8000xf32, #tpu.memory_space<vmem>>, vector<16xf32>,
      %get3A_3123 = arith.constant 5132 : index
      %get3A_3124 = tpu.vector_load %arg4[%get3A_3123] {strides = array<i32>} : memref<6056xf32, #tpu.memory_space<vmem>>, vector<16xf32>,
      %get3A_3125 = vector.shape_cast %get3A_3124 : vector<16xf32> to vector<16xf32>
      %swap3A_3126 = arith.constant 6832 : index
      %swap3A_3127 = tpu.vector_load %arg5[%swap3A_3126] {strides = array<i32>} : memref<8000xf32, #tpu.memory_space<vmem>>, vector<16xf32>,
      %swap3A_3128 = vector.shape_cast %swap3A_3127 : vector<16xf32> to vector<16xf32>
      %swap3A_3129 = vector.shape_cast %get3A_3125 : vector<16xf32> to vector<16xf32>
      tpu.vector_store %arg5[%swap3A_3126], %swap3A_3129 {strides = array<i32>} : memref<8000xf32, #tpu.memory_space<vmem>>, vector<16xf32>,
      %get3A_3130 = arith.constant 5148 : index
      %get3A_3131 = tpu.vector_load %arg4[%get3A_3130] {strides = array<i32>} : memref<6056xf32, #tpu.memory_space<vmem>>, vector<16xf32>,
      %get3A_3132 = vector.shape_cast %get3A_3131 : vector<16xf32> to vector<16xf32>
      %swap3A_3133 = arith.constant 6848 : index
      %swap3A_3134 = tpu.vector_load %arg5[%swap3A_3133] {strides = array<i32>} : memref<8000xf32, #tpu.memory_space<vmem>>, vector<16xf32>,
      %swap3A_3135 = vector.shape_cast %swap3A_3134 : vector<16xf32> to vector<16xf32>
      %swap3A_3136 = vector.shape_cast %get3A_3132 : vector<16xf32> to vector<16xf32>
      tpu.vector_store %arg5[%swap3A_3133], %swap3A_3136 {strides = array<i32>} : memref<8000xf32, #tpu.memory_space<vmem>>, vector<16xf32>,
      %get3A_3137 = arith.constant 5164 : index
      %get3A_3138 = tpu.vector_load %arg4[%get3A_3137] {strides = array<i32>} : memref<6056xf32, #tpu.memory_space<vmem>>, vector<16xf32>,
      %get3A_3139 = vector.shape_cast %get3A_3138 : vector<16xf32> to vector<16xf32>
      %swap3A_3140 = arith.constant 6864 : index
      %swap3A_3141 = tpu.vector_load %arg5[%swap3A_3140] {strides = array<i32>} : memref<8000xf32, #tpu.memory_space<vmem>>, vector<16xf32>,
      %swap3A_3142 = vector.shape_cast %swap3A_3141 : vector<16xf32> to vector<16xf32>
      %swap3A_3143 = vector.shape_cast %get3A_3139 : vector<16xf32> to vector<16xf32>
      tpu.vector_store %arg5[%swap3A_3140], %swap3A_3143 {strides = array<i32>} : memref<8000xf32, #tpu.memory_space<vmem>>, vector<16xf32>,
      %get3A_3144 = arith.constant 5180 : index
      %get3A_3145 = tpu.vector_load %arg4[%get3A_3144] {strides = array<i32>} : memref<6056xf32, #tpu.memory_space<vmem>>, vector<16xf32>,
      %get3A_3146 = vector.shape_cast %get3A_3145 : vector<16xf32> to vector<16xf32>
      %swap3A_3147 = arith.constant 6880 : index
      %swap3A_3148 = tpu.vector_load %arg5[%swap3A_3147] {strides = array<i32>} : memref<8000xf32, #tpu.memory_space<vmem>>, vector<16xf32>,
      %swap3A_3149 = vector.shape_cast %swap3A_3148 : vector<16xf32> to vector<16xf32>
      %swap3A_3150 = vector.shape_cast %get3A_3146 : vector<16xf32> to vector<16xf32>
      tpu.vector_store %arg5[%swap3A_3147], %swap3A_3150 {strides = array<i32>} : memref<8000xf32, #tpu.memory_space<vmem>>, vector<16xf32>,
      %get3A_3151 = arith.constant 5196 : index
      %get3A_3152 = tpu.vector_load %arg4[%get3A_3151] {strides = array<i32>} : memref<6056xf32, #tpu.memory_space<vmem>>, vector<16xf32>,
      %get3A_3153 = vector.shape_cast %get3A_3152 : vector<16xf32> to vector<16xf32>
      %swap3A_3154 = arith.constant 6896 : index
      %swap3A_3155 = tpu.vector_load %arg5[%swap3A_3154] {strides = array<i32>} : memref<8000xf32, #tpu.memory_space<vmem>>, vector<16xf32>,
      %swap3A_3156 = vector.shape_cast %swap3A_3155 : vector<16xf32> to vector<16xf32>
      %swap3A_3157 = vector.shape_cast %get3A_3153 : vector<16xf32> to vector<16xf32>
      tpu.vector_store %arg5[%swap3A_3154], %swap3A_3157 {strides = array<i32>} : memref<8000xf32, #tpu.memory_space<vmem>>, vector<16xf32>,
      %get3A_3158 = arith.constant 5212 : index
      %get3A_3159 = tpu.vector_load %arg4[%get3A_3158] {strides = array<i32>} : memref<6056xf32, #tpu.memory_space<vmem>>, vector<16xf32>,
      %get3A_3160 = vector.shape_cast %get3A_3159 : vector<16xf32> to vector<16xf32>
      %swap3A_3161 = arith.constant 6912 : index
      %swap3A_3162 = tpu.vector_load %arg5[%swap3A_3161] {strides = array<i32>} : memref<8000xf32, #tpu.memory_space<vmem>>, vector<16xf32>,
      %swap3A_3163 = vector.shape_cast %swap3A_3162 : vector<16xf32> to vector<16xf32>
      %swap3A_3164 = vector.shape_cast %get3A_3160 : vector<16xf32> to vector<16xf32>
      tpu.vector_store %arg5[%swap3A_3161], %swap3A_3164 {strides = array<i32>} : memref<8000xf32, #tpu.memory_space<vmem>>, vector<16xf32>,
      %get3A_3165 = arith.constant 5228 : index
      %get3A_3166 = tpu.vector_load %arg4[%get3A_3165] {strides = array<i32>} : memref<6056xf32, #tpu.memory_space<vmem>>, vector<16xf32>,
      %get3A_3167 = vector.shape_cast %get3A_3166 : vector<16xf32> to vector<16xf32>
      %swap3A_3168 = arith.constant 6928 : index
      %swap3A_3169 = tpu.vector_load %arg5[%swap3A_3168] {strides = array<i32>} : memref<8000xf32, #tpu.memory_space<vmem>>, vector<16xf32>,
      %swap3A_3170 = vector.shape_cast %swap3A_3169 : vector<16xf32> to vector<16xf32>
      %swap3A_3171 = vector.shape_cast %get3A_3167 : vector<16xf32> to vector<16xf32>
      tpu.vector_store %arg5[%swap3A_3168], %swap3A_3171 {strides = array<i32>} : memref<8000xf32, #tpu.memory_space<vmem>>, vector<16xf32>,
      %get3A_3172 = arith.constant 5244 : index
      %get3A_3173 = tpu.vector_load %arg4[%get3A_3172] {strides = array<i32>} : memref<6056xf32, #tpu.memory_space<vmem>>, vector<16xf32>,
      %get3A_3174 = vector.shape_cast %get3A_3173 : vector<16xf32> to vector<16xf32>
      %swap3A_3175 = arith.constant 6944 : index
      %swap3A_3176 = tpu.vector_load %arg5[%swap3A_3175] {strides = array<i32>} : memref<8000xf32, #tpu.memory_space<vmem>>, vector<16xf32>,
      %swap3A_3177 = vector.shape_cast %swap3A_3176 : vector<16xf32> to vector<16xf32>
      %swap3A_3178 = vector.shape_cast %get3A_3174 : vector<16xf32> to vector<16xf32>
      tpu.vector_store %arg5[%swap3A_3175], %swap3A_3178 {strides = array<i32>} : memref<8000xf32, #tpu.memory_space<vmem>>, vector<16xf32>,
      %get3A_3179 = arith.constant 5260 : index
      %get3A_3180 = tpu.vector_load %arg4[%get3A_3179] {strides = array<i32>} : memref<6056xf32, #tpu.memory_space<vmem>>, vector<16xf32>,
      %get3A_3181 = vector.shape_cast %get3A_3180 : vector<16xf32> to vector<16xf32>
      %swap3A_3182 = arith.constant 6960 : index
      %swap3A_3183 = tpu.vector_load %arg5[%swap3A_3182] {strides = array<i32>} : memref<8000xf32, #tpu.memory_space<vmem>>, vector<16xf32>,
      %swap3A_3184 = vector.shape_cast %swap3A_3183 : vector<16xf32> to vector<16xf32>
      %swap3A_3185 = vector.shape_cast %get3A_3181 : vector<16xf32> to vector<16xf32>
      tpu.vector_store %arg5[%swap3A_3182], %swap3A_3185 {strides = array<i32>} : memref<8000xf32, #tpu.memory_space<vmem>>, vector<16xf32>,
      %get3A_3186 = arith.constant 5276 : index
      %get3A_3187 = tpu.vector_load %arg4[%get3A_3186] {strides = array<i32>} : memref<6056xf32, #tpu.memory_space<vmem>>, vector<16xf32>,
      %get3A_3188 = vector.shape_cast %get3A_3187 : vector<16xf32> to vector<16xf32>
      %swap3A_3189 = arith.constant 6976 : index
      %swap3A_3190 = tpu.vector_load %arg5[%swap3A_3189] {strides = array<i32>} : memref<8000xf32, #tpu.memory_space<vmem>>, vector<16xf32>,
      %swap3A_3191 = vector.shape_cast %swap3A_3190 : vector<16xf32> to vector<16xf32>
      %swap3A_3192 = vector.shape_cast %get3A_3188 : vector<16xf32> to vector<16xf32>
      tpu.vector_store %arg5[%swap3A_3189], %swap3A_3192 {strides = array<i32>} : memref<8000xf32, #tpu.memory_space<vmem>>, vector<16xf32>,
      %get3A_3193 = arith.constant 5284 : index
      %get3A_3194 = tpu.vector_load %arg4[%get3A_3193] {strides = array<i32>} : memref<6056xf32, #tpu.memory_space<vmem>>, vector<16xf32>,
      %get3A_3195 = vector.shape_cast %get3A_3194 : vector<16xf32> to vector<16xf32>
      %swap3A_3196 = arith.constant 6984 : index
      %swap3A_3197 = tpu.vector_load %arg5[%swap3A_3196] {strides = array<i32>} : memref<8000xf32, #tpu.memory_space<vmem>>, vector<16xf32>,
      %swap3A_3198 = vector.shape_cast %swap3A_3197 : vector<16xf32> to vector<16xf32>
      %swap3A_3199 = vector.shape_cast %get3A_3195 : vector<16xf32> to vector<16xf32>
      tpu.vector_store %arg5[%swap3A_3196], %swap3A_3199 {strides = array<i32>} : memref<8000xf32, #tpu.memory_space<vmem>>, vector<16xf32>,
      %get3A_3200 = arith.constant 5250 : index
      %get3A_3201 = tpu.vector_load %arg4[%get3A_3200] {strides = array<i32>} : memref<6056xf32, #tpu.memory_space<vmem>>, vector<16xf32>,
      %get3A_3202 = vector.shape_cast %get3A_3201 : vector<16xf32> to vector<16xf32>
      %swap3A_3203 = arith.constant 7000 : index
      %swap3A_3204 = tpu.vector_load %arg5[%swap3A_3203] {strides = array<i32>} : memref<8000xf32, #tpu.memory_space<vmem>>, vector<16xf32>,
      %swap3A_3205 = vector.shape_cast %swap3A_3204 : vector<16xf32> to vector<16xf32>
      %swap3A_3206 = vector.shape_cast %get3A_3202 : vector<16xf32> to vector<16xf32>
      tpu.vector_store %arg5[%swap3A_3203], %swap3A_3206 {strides = array<i32>} : memref<8000xf32, #tpu.memory_space<vmem>>, vector<16xf32>,
      %get3A_3207 = arith.constant 5266 : index
      %get3A_3208 = tpu.vector_load %arg4[%get3A_3207] {strides = array<i32>} : memref<6056xf32, #tpu.memory_space<vmem>>, vector<16xf32>,
      %get3A_3209 = vector.shape_cast %get3A_3208 : vector<16xf32> to vector<16xf32>
      %swap3A_3210 = arith.constant 7016 : index
      %swap3A_3211 = tpu.vector_load %arg5[%swap3A_3210] {strides = array<i32>} : memref<8000xf32, #tpu.memory_space<vmem>>, vector<16xf32>,
      %swap3A_3212 = vector.shape_cast %swap3A_3211 : vector<16xf32> to vector<16xf32>
      %swap3A_3213 = vector.shape_cast %get3A_3209 : vector<16xf32> to vector<16xf32>
      tpu.vector_store %arg5[%swap3A_3210], %swap3A_3213 {strides = array<i32>} : memref<8000xf32, #tpu.memory_space<vmem>>, vector<16xf32>,
      %get3A_3214 = arith.constant 5282 : index
      %get3A_3215 = tpu.vector_load %arg4[%get3A_3214] {strides = array<i32>} : memref<6056xf32, #tpu.memory_space<vmem>>, vector<16xf32>,
      %get3A_3216 = vector.shape_cast %get3A_3215 : vector<16xf32> to vector<16xf32>
      %swap3A_3217 = arith.constant 7032 : index
      %swap3A_3218 = tpu.vector_load %arg5[%swap3A_3217] {strides = array<i32>} : memref<8000xf32, #tpu.memory_space<vmem>>, vector<16xf32>,
      %swap3A_3219 = vector.shape_cast %swap3A_3218 : vector<16xf32> to vector<16xf32>
      %swap3A_3220 = vector.shape_cast %get3A_3216 : vector<16xf32> to vector<16xf32>
      tpu.vector_store %arg5[%swap3A_3217], %swap3A_3220 {strides = array<i32>} : memref<8000xf32, #tpu.memory_space<vmem>>, vector<16xf32>,
      %get3A_3221 = arith.constant 5298 : index
      %get3A_3222 = tpu.vector_load %arg4[%get3A_3221] {strides = array<i32>} : memref<6056xf32, #tpu.memory_space<vmem>>, vector<16xf32>,
      %get3A_3223 = vector.shape_cast %get3A_3222 : vector<16xf32> to vector<16xf32>
      %swap3A_3224 = arith.constant 7048 : index
      %swap3A_3225 = tpu.vector_load %arg5[%swap3A_3224] {strides = array<i32>} : memref<8000xf32, #tpu.memory_space<vmem>>, vector<16xf32>,
      %swap3A_3226 = vector.shape_cast %swap3A_3225 : vector<16xf32> to vector<16xf32>
      %swap3A_3227 = vector.shape_cast %get3A_3223 : vector<16xf32> to vector<16xf32>
      tpu.vector_store %arg5[%swap3A_3224], %swap3A_3227 {strides = array<i32>} : memref<8000xf32, #tpu.memory_space<vmem>>, vector<16xf32>,
      %get3A_3228 = arith.constant 5314 : index
      %get3A_3229 = tpu.vector_load %arg4[%get3A_3228] {strides = array<i32>} : memref<6056xf32, #tpu.memory_space<vmem>>, vector<16xf32>,
      %get3A_3230 = vector.shape_cast %get3A_3229 : vector<16xf32> to vector<16xf32>
      %swap3A_3231 = arith.constant 7064 : index
      %swap3A_3232 = tpu.vector_load %arg5[%swap3A_3231] {strides = array<i32>} : memref<8000xf32, #tpu.memory_space<vmem>>, vector<16xf32>,
      %swap3A_3233 = vector.shape_cast %swap3A_3232 : vector<16xf32> to vector<16xf32>
      %swap3A_3234 = vector.shape_cast %get3A_3230 : vector<16xf32> to vector<16xf32>
      tpu.vector_store %arg5[%swap3A_3231], %swap3A_3234 {strides = array<i32>} : memref<8000xf32, #tpu.memory_space<vmem>>, vector<16xf32>,
      %get3A_3235 = arith.constant 5330 : index
      %get3A_3236 = tpu.vector_load %arg4[%get3A_3235] {strides = array<i32>} : memref<6056xf32, #tpu.memory_space<vmem>>, vector<16xf32>,
      %get3A_3237 = vector.shape_cast %get3A_3236 : vector<16xf32> to vector<16xf32>
      %swap3A_3238 = arith.constant 7080 : index
      %swap3A_3239 = tpu.vector_load %arg5[%swap3A_3238] {strides = array<i32>} : memref<8000xf32, #tpu.memory_space<vmem>>, vector<16xf32>,
      %swap3A_3240 = vector.shape_cast %swap3A_3239 : vector<16xf32> to vector<16xf32>
      %swap3A_3241 = vector.shape_cast %get3A_3237 : vector<16xf32> to vector<16xf32>
      tpu.vector_store %arg5[%swap3A_3238], %swap3A_3241 {strides = array<i32>} : memref<8000xf32, #tpu.memory_space<vmem>>, vector<16xf32>,
      %get3A_3242 = arith.constant 5346 : index
      %get3A_3243 = tpu.vector_load %arg4[%get3A_3242] {strides = array<i32>} : memref<6056xf32, #tpu.memory_space<vmem>>, vector<16xf32>,
      %get3A_3244 = vector.shape_cast %get3A_3243 : vector<16xf32> to vector<16xf32>
      %swap3A_3245 = arith.constant 7096 : index
      %swap3A_3246 = tpu.vector_load %arg5[%swap3A_3245] {strides = array<i32>} : memref<8000xf32, #tpu.memory_space<vmem>>, vector<16xf32>,
      %swap3A_3247 = vector.shape_cast %swap3A_3246 : vector<16xf32> to vector<16xf32>
      %swap3A_3248 = vector.shape_cast %get3A_3244 : vector<16xf32> to vector<16xf32>
      tpu.vector_store %arg5[%swap3A_3245], %swap3A_3248 {strides = array<i32>} : memref<8000xf32, #tpu.memory_space<vmem>>, vector<16xf32>,
      %get3A_3249 = arith.constant 5362 : index
      %get3A_3250 = tpu.vector_load %arg4[%get3A_3249] {strides = array<i32>} : memref<6056xf32, #tpu.memory_space<vmem>>, vector<16xf32>,
      %get3A_3251 = vector.shape_cast %get3A_3250 : vector<16xf32> to vector<16xf32>
      %swap3A_3252 = arith.constant 7112 : index
      %swap3A_3253 = tpu.vector_load %arg5[%swap3A_3252] {strides = array<i32>} : memref<8000xf32, #tpu.memory_space<vmem>>, vector<16xf32>,
      %swap3A_3254 = vector.shape_cast %swap3A_3253 : vector<16xf32> to vector<16xf32>
      %swap3A_3255 = vector.shape_cast %get3A_3251 : vector<16xf32> to vector<16xf32>
      tpu.vector_store %arg5[%swap3A_3252], %swap3A_3255 {strides = array<i32>} : memref<8000xf32, #tpu.memory_space<vmem>>, vector<16xf32>,
      %get3A_3256 = arith.constant 5378 : index
      %get3A_3257 = tpu.vector_load %arg4[%get3A_3256] {strides = array<i32>} : memref<6056xf32, #tpu.memory_space<vmem>>, vector<16xf32>,
      %get3A_3258 = vector.shape_cast %get3A_3257 : vector<16xf32> to vector<16xf32>
      %swap3A_3259 = arith.constant 7128 : index
      %swap3A_3260 = tpu.vector_load %arg5[%swap3A_3259] {strides = array<i32>} : memref<8000xf32, #tpu.memory_space<vmem>>, vector<16xf32>,
      %swap3A_3261 = vector.shape_cast %swap3A_3260 : vector<16xf32> to vector<16xf32>
      %swap3A_3262 = vector.shape_cast %get3A_3258 : vector<16xf32> to vector<16xf32>
      tpu.vector_store %arg5[%swap3A_3259], %swap3A_3262 {strides = array<i32>} : memref<8000xf32, #tpu.memory_space<vmem>>, vector<16xf32>,
      %get3A_3263 = arith.constant 5394 : index
      %get3A_3264 = tpu.vector_load %arg4[%get3A_3263] {strides = array<i32>} : memref<6056xf32, #tpu.memory_space<vmem>>, vector<16xf32>,
      %get3A_3265 = vector.shape_cast %get3A_3264 : vector<16xf32> to vector<16xf32>
      %swap3A_3266 = arith.constant 7144 : index
      %swap3A_3267 = tpu.vector_load %arg5[%swap3A_3266] {strides = array<i32>} : memref<8000xf32, #tpu.memory_space<vmem>>, vector<16xf32>,
      %swap3A_3268 = vector.shape_cast %swap3A_3267 : vector<16xf32> to vector<16xf32>
      %swap3A_3269 = vector.shape_cast %get3A_3265 : vector<16xf32> to vector<16xf32>
      tpu.vector_store %arg5[%swap3A_3266], %swap3A_3269 {strides = array<i32>} : memref<8000xf32, #tpu.memory_space<vmem>>, vector<16xf32>,
      %get3A_3270 = arith.constant 5410 : index
      %get3A_3271 = tpu.vector_load %arg4[%get3A_3270] {strides = array<i32>} : memref<6056xf32, #tpu.memory_space<vmem>>, vector<16xf32>,
      %get3A_3272 = vector.shape_cast %get3A_3271 : vector<16xf32> to vector<16xf32>
      %swap3A_3273 = arith.constant 7160 : index
      %swap3A_3274 = tpu.vector_load %arg5[%swap3A_3273] {strides = array<i32>} : memref<8000xf32, #tpu.memory_space<vmem>>, vector<16xf32>,
      %swap3A_3275 = vector.shape_cast %swap3A_3274 : vector<16xf32> to vector<16xf32>
      %swap3A_3276 = vector.shape_cast %get3A_3272 : vector<16xf32> to vector<16xf32>
      tpu.vector_store %arg5[%swap3A_3273], %swap3A_3276 {strides = array<i32>} : memref<8000xf32, #tpu.memory_space<vmem>>, vector<16xf32>,
      %get3A_3277 = arith.constant 5426 : index
      %get3A_3278 = tpu.vector_load %arg4[%get3A_3277] {strides = array<i32>} : memref<6056xf32, #tpu.memory_space<vmem>>, vector<16xf32>,
      %get3A_3279 = vector.shape_cast %get3A_3278 : vector<16xf32> to vector<16xf32>
      %swap3A_3280 = arith.constant 7176 : index
      %swap3A_3281 = tpu.vector_load %arg5[%swap3A_3280] {strides = array<i32>} : memref<8000xf32, #tpu.memory_space<vmem>>, vector<16xf32>,
      %swap3A_3282 = vector.shape_cast %swap3A_3281 : vector<16xf32> to vector<16xf32>
      %swap3A_3283 = vector.shape_cast %get3A_3279 : vector<16xf32> to vector<16xf32>
      tpu.vector_store %arg5[%swap3A_3280], %swap3A_3283 {strides = array<i32>} : memref<8000xf32, #tpu.memory_space<vmem>>, vector<16xf32>,
      %get3A_3284 = arith.constant 5434 : index
      %get3A_3285 = tpu.vector_load %arg4[%get3A_3284] {strides = array<i32>} : memref<6056xf32, #tpu.memory_space<vmem>>, vector<16xf32>,
      %get3A_3286 = vector.shape_cast %get3A_3285 : vector<16xf32> to vector<16xf32>
      %swap3A_3287 = arith.constant 7184 : index
      %swap3A_3288 = tpu.vector_load %arg5[%swap3A_3287] {strides = array<i32>} : memref<8000xf32, #tpu.memory_space<vmem>>, vector<16xf32>,
      %swap3A_3289 = vector.shape_cast %swap3A_3288 : vector<16xf32> to vector<16xf32>
      %swap3A_3290 = vector.shape_cast %get3A_3286 : vector<16xf32> to vector<16xf32>
      tpu.vector_store %arg5[%swap3A_3287], %swap3A_3290 {strides = array<i32>} : memref<8000xf32, #tpu.memory_space<vmem>>, vector<16xf32>,
      %get3A_3291 = arith.constant 5400 : index
      %get3A_3292 = tpu.vector_load %arg4[%get3A_3291] {strides = array<i32>} : memref<6056xf32, #tpu.memory_space<vmem>>, vector<16xf32>,
      %get3A_3293 = vector.shape_cast %get3A_3292 : vector<16xf32> to vector<16xf32>
      %swap3A_3294 = arith.constant 7200 : index
      %swap3A_3295 = tpu.vector_load %arg5[%swap3A_3294] {strides = array<i32>} : memref<8000xf32, #tpu.memory_space<vmem>>, vector<16xf32>,
      %swap3A_3296 = vector.shape_cast %swap3A_3295 : vector<16xf32> to vector<16xf32>
      %swap3A_3297 = vector.shape_cast %get3A_3293 : vector<16xf32> to vector<16xf32>
      tpu.vector_store %arg5[%swap3A_3294], %swap3A_3297 {strides = array<i32>} : memref<8000xf32, #tpu.memory_space<vmem>>, vector<16xf32>,
      %get3A_3298 = arith.constant 5416 : index
      %get3A_3299 = tpu.vector_load %arg4[%get3A_3298] {strides = array<i32>} : memref<6056xf32, #tpu.memory_space<vmem>>, vector<16xf32>,
      %get3A_3300 = vector.shape_cast %get3A_3299 : vector<16xf32> to vector<16xf32>
      %swap3A_3301 = arith.constant 7216 : index
      %swap3A_3302 = tpu.vector_load %arg5[%swap3A_3301] {strides = array<i32>} : memref<8000xf32, #tpu.memory_space<vmem>>, vector<16xf32>,
      %swap3A_3303 = vector.shape_cast %swap3A_3302 : vector<16xf32> to vector<16xf32>
      %swap3A_3304 = vector.shape_cast %get3A_3300 : vector<16xf32> to vector<16xf32>
      tpu.vector_store %arg5[%swap3A_3301], %swap3A_3304 {strides = array<i32>} : memref<8000xf32, #tpu.memory_space<vmem>>, vector<16xf32>,
      %get3A_3305 = arith.constant 5432 : index
      %get3A_3306 = tpu.vector_load %arg4[%get3A_3305] {strides = array<i32>} : memref<6056xf32, #tpu.memory_space<vmem>>, vector<16xf32>,
      %get3A_3307 = vector.shape_cast %get3A_3306 : vector<16xf32> to vector<16xf32>
      %swap3A_3308 = arith.constant 7232 : index
      %swap3A_3309 = tpu.vector_load %arg5[%swap3A_3308] {strides = array<i32>} : memref<8000xf32, #tpu.memory_space<vmem>>, vector<16xf32>,
      %swap3A_3310 = vector.shape_cast %swap3A_3309 : vector<16xf32> to vector<16xf32>
      %swap3A_3311 = vector.shape_cast %get3A_3307 : vector<16xf32> to vector<16xf32>
      tpu.vector_store %arg5[%swap3A_3308], %swap3A_3311 {strides = array<i32>} : memref<8000xf32, #tpu.memory_space<vmem>>, vector<16xf32>,
      %get3A_3312 = arith.constant 5448 : index
      %get3A_3313 = tpu.vector_load %arg4[%get3A_3312] {strides = array<i32>} : memref<6056xf32, #tpu.memory_space<vmem>>, vector<16xf32>,
      %get3A_3314 = vector.shape_cast %get3A_3313 : vector<16xf32> to vector<16xf32>
      %swap3A_3315 = arith.constant 7248 : index
      %swap3A_3316 = tpu.vector_load %arg5[%swap3A_3315] {strides = array<i32>} : memref<8000xf32, #tpu.memory_space<vmem>>, vector<16xf32>,
      %swap3A_3317 = vector.shape_cast %swap3A_3316 : vector<16xf32> to vector<16xf32>
      %swap3A_3318 = vector.shape_cast %get3A_3314 : vector<16xf32> to vector<16xf32>
      tpu.vector_store %arg5[%swap3A_3315], %swap3A_3318 {strides = array<i32>} : memref<8000xf32, #tpu.memory_space<vmem>>, vector<16xf32>,
      %get3A_3319 = arith.constant 5464 : index
      %get3A_3320 = tpu.vector_load %arg4[%get3A_3319] {strides = array<i32>} : memref<6056xf32, #tpu.memory_space<vmem>>, vector<16xf32>,
      %get3A_3321 = vector.shape_cast %get3A_3320 : vector<16xf32> to vector<16xf32>
      %swap3A_3322 = arith.constant 7264 : index
      %swap3A_3323 = tpu.vector_load %arg5[%swap3A_3322] {strides = array<i32>} : memref<8000xf32, #tpu.memory_space<vmem>>, vector<16xf32>,
      %swap3A_3324 = vector.shape_cast %swap3A_3323 : vector<16xf32> to vector<16xf32>
      %swap3A_3325 = vector.shape_cast %get3A_3321 : vector<16xf32> to vector<16xf32>
      tpu.vector_store %arg5[%swap3A_3322], %swap3A_3325 {strides = array<i32>} : memref<8000xf32, #tpu.memory_space<vmem>>, vector<16xf32>,
      %get3A_3326 = arith.constant 5480 : index
      %get3A_3327 = tpu.vector_load %arg4[%get3A_3326] {strides = array<i32>} : memref<6056xf32, #tpu.memory_space<vmem>>, vector<16xf32>,
      %get3A_3328 = vector.shape_cast %get3A_3327 : vector<16xf32> to vector<16xf32>
      %swap3A_3329 = arith.constant 7280 : index
      %swap3A_3330 = tpu.vector_load %arg5[%swap3A_3329] {strides = array<i32>} : memref<8000xf32, #tpu.memory_space<vmem>>, vector<16xf32>,
      %swap3A_3331 = vector.shape_cast %swap3A_3330 : vector<16xf32> to vector<16xf32>
      %swap3A_3332 = vector.shape_cast %get3A_3328 : vector<16xf32> to vector<16xf32>
      tpu.vector_store %arg5[%swap3A_3329], %swap3A_3332 {strides = array<i32>} : memref<8000xf32, #tpu.memory_space<vmem>>, vector<16xf32>,
      %get3A_3333 = arith.constant 5496 : index
      %get3A_3334 = tpu.vector_load %arg4[%get3A_3333] {strides = array<i32>} : memref<6056xf32, #tpu.memory_space<vmem>>, vector<16xf32>,
      %get3A_3335 = vector.shape_cast %get3A_3334 : vector<16xf32> to vector<16xf32>
      %swap3A_3336 = arith.constant 7296 : index
      %swap3A_3337 = tpu.vector_load %arg5[%swap3A_3336] {strides = array<i32>} : memref<8000xf32, #tpu.memory_space<vmem>>, vector<16xf32>,
      %swap3A_3338 = vector.shape_cast %swap3A_3337 : vector<16xf32> to vector<16xf32>
      %swap3A_3339 = vector.shape_cast %get3A_3335 : vector<16xf32> to vector<16xf32>
      tpu.vector_store %arg5[%swap3A_3336], %swap3A_3339 {strides = array<i32>} : memref<8000xf32, #tpu.memory_space<vmem>>, vector<16xf32>,
      %get3A_3340 = arith.constant 5512 : index
      %get3A_3341 = tpu.vector_load %arg4[%get3A_3340] {strides = array<i32>} : memref<6056xf32, #tpu.memory_space<vmem>>, vector<16xf32>,
      %get3A_3342 = vector.shape_cast %get3A_3341 : vector<16xf32> to vector<16xf32>
      %swap3A_3343 = arith.constant 7312 : index
      %swap3A_3344 = tpu.vector_load %arg5[%swap3A_3343] {strides = array<i32>} : memref<8000xf32, #tpu.memory_space<vmem>>, vector<16xf32>,
      %swap3A_3345 = vector.shape_cast %swap3A_3344 : vector<16xf32> to vector<16xf32>
      %swap3A_3346 = vector.shape_cast %get3A_3342 : vector<16xf32> to vector<16xf32>
      tpu.vector_store %arg5[%swap3A_3343], %swap3A_3346 {strides = array<i32>} : memref<8000xf32, #tpu.memory_space<vmem>>, vector<16xf32>,
      %get3A_3347 = arith.constant 5528 : index
      %get3A_3348 = tpu.vector_load %arg4[%get3A_3347] {strides = array<i32>} : memref<6056xf32, #tpu.memory_space<vmem>>, vector<16xf32>,
      %get3A_3349 = vector.shape_cast %get3A_3348 : vector<16xf32> to vector<16xf32>
      %swap3A_3350 = arith.constant 7328 : index
      %swap3A_3351 = tpu.vector_load %arg5[%swap3A_3350] {strides = array<i32>} : memref<8000xf32, #tpu.memory_space<vmem>>, vector<16xf32>,
      %swap3A_3352 = vector.shape_cast %swap3A_3351 : vector<16xf32> to vector<16xf32>
      %swap3A_3353 = vector.shape_cast %get3A_3349 : vector<16xf32> to vector<16xf32>
      tpu.vector_store %arg5[%swap3A_3350], %swap3A_3353 {strides = array<i32>} : memref<8000xf32, #tpu.memory_space<vmem>>, vector<16xf32>,
      %get3A_3354 = arith.constant 5544 : index
      %get3A_3355 = tpu.vector_load %arg4[%get3A_3354] {strides = array<i32>} : memref<6056xf32, #tpu.memory_space<vmem>>, vector<16xf32>,
      %get3A_3356 = vector.shape_cast %get3A_3355 : vector<16xf32> to vector<16xf32>
      %swap3A_3357 = arith.constant 7344 : index
      %swap3A_3358 = tpu.vector_load %arg5[%swap3A_3357] {strides = array<i32>} : memref<8000xf32, #tpu.memory_space<vmem>>, vector<16xf32>,
      %swap3A_3359 = vector.shape_cast %swap3A_3358 : vector<16xf32> to vector<16xf32>
      %swap3A_3360 = vector.shape_cast %get3A_3356 : vector<16xf32> to vector<16xf32>
      tpu.vector_store %arg5[%swap3A_3357], %swap3A_3360 {strides = array<i32>} : memref<8000xf32, #tpu.memory_space<vmem>>, vector<16xf32>,
      %get3A_3361 = arith.constant 5560 : index
      %get3A_3362 = tpu.vector_load %arg4[%get3A_3361] {strides = array<i32>} : memref<6056xf32, #tpu.memory_space<vmem>>, vector<16xf32>,
      %get3A_3363 = vector.shape_cast %get3A_3362 : vector<16xf32> to vector<16xf32>
      %swap3A_3364 = arith.constant 7360 : index
      %swap3A_3365 = tpu.vector_load %arg5[%swap3A_3364] {strides = array<i32>} : memref<8000xf32, #tpu.memory_space<vmem>>, vector<16xf32>,
      %swap3A_3366 = vector.shape_cast %swap3A_3365 : vector<16xf32> to vector<16xf32>
      %swap3A_3367 = vector.shape_cast %get3A_3363 : vector<16xf32> to vector<16xf32>
      tpu.vector_store %arg5[%swap3A_3364], %swap3A_3367 {strides = array<i32>} : memref<8000xf32, #tpu.memory_space<vmem>>, vector<16xf32>,
      %get3A_3368 = arith.constant 5576 : index
      %get3A_3369 = tpu.vector_load %arg4[%get3A_3368] {strides = array<i32>} : memref<6056xf32, #tpu.memory_space<vmem>>, vector<16xf32>,
      %get3A_3370 = vector.shape_cast %get3A_3369 : vector<16xf32> to vector<16xf32>
      %swap3A_3371 = arith.constant 7376 : index
      %swap3A_3372 = tpu.vector_load %arg5[%swap3A_3371] {strides = array<i32>} : memref<8000xf32, #tpu.memory_space<vmem>>, vector<16xf32>,
      %swap3A_3373 = vector.shape_cast %swap3A_3372 : vector<16xf32> to vector<16xf32>
      %swap3A_3374 = vector.shape_cast %get3A_3370 : vector<16xf32> to vector<16xf32>
      tpu.vector_store %arg5[%swap3A_3371], %swap3A_3374 {strides = array<i32>} : memref<8000xf32, #tpu.memory_space<vmem>>, vector<16xf32>,
      %get3A_3375 = arith.constant 5584 : index
      %get3A_3376 = tpu.vector_load %arg4[%get3A_3375] {strides = array<i32>} : memref<6056xf32, #tpu.memory_space<vmem>>, vector<16xf32>,
      %get3A_3377 = vector.shape_cast %get3A_3376 : vector<16xf32> to vector<16xf32>
      %swap3A_3378 = arith.constant 7384 : index
      %swap3A_3379 = tpu.vector_load %arg5[%swap3A_3378] {strides = array<i32>} : memref<8000xf32, #tpu.memory_space<vmem>>, vector<16xf32>,
      %swap3A_3380 = vector.shape_cast %swap3A_3379 : vector<16xf32> to vector<16xf32>
      %swap3A_3381 = vector.shape_cast %get3A_3377 : vector<16xf32> to vector<16xf32>
      tpu.vector_store %arg5[%swap3A_3378], %swap3A_3381 {strides = array<i32>} : memref<8000xf32, #tpu.memory_space<vmem>>, vector<16xf32>,
      %get3A_3382 = arith.constant 5550 : index
      %get3A_3383 = tpu.vector_load %arg4[%get3A_3382] {strides = array<i32>} : memref<6056xf32, #tpu.memory_space<vmem>>, vector<16xf32>,
      %get3A_3384 = vector.shape_cast %get3A_3383 : vector<16xf32> to vector<16xf32>
      %swap3A_3385 = arith.constant 7400 : index
      %swap3A_3386 = tpu.vector_load %arg5[%swap3A_3385] {strides = array<i32>} : memref<8000xf32, #tpu.memory_space<vmem>>, vector<16xf32>,
      %swap3A_3387 = vector.shape_cast %swap3A_3386 : vector<16xf32> to vector<16xf32>
      %swap3A_3388 = vector.shape_cast %get3A_3384 : vector<16xf32> to vector<16xf32>
      tpu.vector_store %arg5[%swap3A_3385], %swap3A_3388 {strides = array<i32>} : memref<8000xf32, #tpu.memory_space<vmem>>, vector<16xf32>,
      %get3A_3389 = arith.constant 5566 : index
      %get3A_3390 = tpu.vector_load %arg4[%get3A_3389] {strides = array<i32>} : memref<6056xf32, #tpu.memory_space<vmem>>, vector<16xf32>,
      %get3A_3391 = vector.shape_cast %get3A_3390 : vector<16xf32> to vector<16xf32>
      %swap3A_3392 = arith.constant 7416 : index
      %swap3A_3393 = tpu.vector_load %arg5[%swap3A_3392] {strides = array<i32>} : memref<8000xf32, #tpu.memory_space<vmem>>, vector<16xf32>,
      %swap3A_3394 = vector.shape_cast %swap3A_3393 : vector<16xf32> to vector<16xf32>
      %swap3A_3395 = vector.shape_cast %get3A_3391 : vector<16xf32> to vector<16xf32>
      tpu.vector_store %arg5[%swap3A_3392], %swap3A_3395 {strides = array<i32>} : memref<8000xf32, #tpu.memory_space<vmem>>, vector<16xf32>,
      %get3A_3396 = arith.constant 5582 : index
      %get3A_3397 = tpu.vector_load %arg4[%get3A_3396] {strides = array<i32>} : memref<6056xf32, #tpu.memory_space<vmem>>, vector<16xf32>,
      %get3A_3398 = vector.shape_cast %get3A_3397 : vector<16xf32> to vector<16xf32>
      %swap3A_3399 = arith.constant 7432 : index
      %swap3A_3400 = tpu.vector_load %arg5[%swap3A_3399] {strides = array<i32>} : memref<8000xf32, #tpu.memory_space<vmem>>, vector<16xf32>,
      %swap3A_3401 = vector.shape_cast %swap3A_3400 : vector<16xf32> to vector<16xf32>
      %swap3A_3402 = vector.shape_cast %get3A_3398 : vector<16xf32> to vector<16xf32>
      tpu.vector_store %arg5[%swap3A_3399], %swap3A_3402 {strides = array<i32>} : memref<8000xf32, #tpu.memory_space<vmem>>, vector<16xf32>,
      %get3A_3403 = arith.constant 5598 : index
      %get3A_3404 = tpu.vector_load %arg4[%get3A_3403] {strides = array<i32>} : memref<6056xf32, #tpu.memory_space<vmem>>, vector<16xf32>,
      %get3A_3405 = vector.shape_cast %get3A_3404 : vector<16xf32> to vector<16xf32>
      %swap3A_3406 = arith.constant 7448 : index
      %swap3A_3407 = tpu.vector_load %arg5[%swap3A_3406] {strides = array<i32>} : memref<8000xf32, #tpu.memory_space<vmem>>, vector<16xf32>,
      %swap3A_3408 = vector.shape_cast %swap3A_3407 : vector<16xf32> to vector<16xf32>
      %swap3A_3409 = vector.shape_cast %get3A_3405 : vector<16xf32> to vector<16xf32>
      tpu.vector_store %arg5[%swap3A_3406], %swap3A_3409 {strides = array<i32>} : memref<8000xf32, #tpu.memory_space<vmem>>, vector<16xf32>,
      %get3A_3410 = arith.constant 5614 : index
      %get3A_3411 = tpu.vector_load %arg4[%get3A_3410] {strides = array<i32>} : memref<6056xf32, #tpu.memory_space<vmem>>, vector<16xf32>,
      %get3A_3412 = vector.shape_cast %get3A_3411 : vector<16xf32> to vector<16xf32>
      %swap3A_3413 = arith.constant 7464 : index
      %swap3A_3414 = tpu.vector_load %arg5[%swap3A_3413] {strides = array<i32>} : memref<8000xf32, #tpu.memory_space<vmem>>, vector<16xf32>,
      %swap3A_3415 = vector.shape_cast %swap3A_3414 : vector<16xf32> to vector<16xf32>
      %swap3A_3416 = vector.shape_cast %get3A_3412 : vector<16xf32> to vector<16xf32>
      tpu.vector_store %arg5[%swap3A_3413], %swap3A_3416 {strides = array<i32>} : memref<8000xf32, #tpu.memory_space<vmem>>, vector<16xf32>,
      %get3A_3417 = arith.constant 5630 : index
      %get3A_3418 = tpu.vector_load %arg4[%get3A_3417] {strides = array<i32>} : memref<6056xf32, #tpu.memory_space<vmem>>, vector<16xf32>,
      %get3A_3419 = vector.shape_cast %get3A_3418 : vector<16xf32> to vector<16xf32>
      %swap3A_3420 = arith.constant 7480 : index
      %swap3A_3421 = tpu.vector_load %arg5[%swap3A_3420] {strides = array<i32>} : memref<8000xf32, #tpu.memory_space<vmem>>, vector<16xf32>,
      %swap3A_3422 = vector.shape_cast %swap3A_3421 : vector<16xf32> to vector<16xf32>
      %swap3A_3423 = vector.shape_cast %get3A_3419 : vector<16xf32> to vector<16xf32>
      tpu.vector_store %arg5[%swap3A_3420], %swap3A_3423 {strides = array<i32>} : memref<8000xf32, #tpu.memory_space<vmem>>, vector<16xf32>,
      %get3A_3424 = arith.constant 5646 : index
      %get3A_3425 = tpu.vector_load %arg4[%get3A_3424] {strides = array<i32>} : memref<6056xf32, #tpu.memory_space<vmem>>, vector<16xf32>,
      %get3A_3426 = vector.shape_cast %get3A_3425 : vector<16xf32> to vector<16xf32>
      %swap3A_3427 = arith.constant 7496 : index
      %swap3A_3428 = tpu.vector_load %arg5[%swap3A_3427] {strides = array<i32>} : memref<8000xf32, #tpu.memory_space<vmem>>, vector<16xf32>,
      %swap3A_3429 = vector.shape_cast %swap3A_3428 : vector<16xf32> to vector<16xf32>
      %swap3A_3430 = vector.shape_cast %get3A_3426 : vector<16xf32> to vector<16xf32>
      tpu.vector_store %arg5[%swap3A_3427], %swap3A_3430 {strides = array<i32>} : memref<8000xf32, #tpu.memory_space<vmem>>, vector<16xf32>,
      %get3A_3431 = arith.constant 5662 : index
      %get3A_3432 = tpu.vector_load %arg4[%get3A_3431] {strides = array<i32>} : memref<6056xf32, #tpu.memory_space<vmem>>, vector<16xf32>,
      %get3A_3433 = vector.shape_cast %get3A_3432 : vector<16xf32> to vector<16xf32>
      %swap3A_3434 = arith.constant 7512 : index
      %swap3A_3435 = tpu.vector_load %arg5[%swap3A_3434] {strides = array<i32>} : memref<8000xf32, #tpu.memory_space<vmem>>, vector<16xf32>,
      %swap3A_3436 = vector.shape_cast %swap3A_3435 : vector<16xf32> to vector<16xf32>
      %swap3A_3437 = vector.shape_cast %get3A_3433 : vector<16xf32> to vector<16xf32>
      tpu.vector_store %arg5[%swap3A_3434], %swap3A_3437 {strides = array<i32>} : memref<8000xf32, #tpu.memory_space<vmem>>, vector<16xf32>,
      %get3A_3438 = arith.constant 5678 : index
      %get3A_3439 = tpu.vector_load %arg4[%get3A_3438] {strides = array<i32>} : memref<6056xf32, #tpu.memory_space<vmem>>, vector<16xf32>,
      %get3A_3440 = vector.shape_cast %get3A_3439 : vector<16xf32> to vector<16xf32>
      %swap3A_3441 = arith.constant 7528 : index
      %swap3A_3442 = tpu.vector_load %arg5[%swap3A_3441] {strides = array<i32>} : memref<8000xf32, #tpu.memory_space<vmem>>, vector<16xf32>,
      %swap3A_3443 = vector.shape_cast %swap3A_3442 : vector<16xf32> to vector<16xf32>
      %swap3A_3444 = vector.shape_cast %get3A_3440 : vector<16xf32> to vector<16xf32>
      tpu.vector_store %arg5[%swap3A_3441], %swap3A_3444 {strides = array<i32>} : memref<8000xf32, #tpu.memory_space<vmem>>, vector<16xf32>,
      %get3A_3445 = arith.constant 5694 : index
      %get3A_3446 = tpu.vector_load %arg4[%get3A_3445] {strides = array<i32>} : memref<6056xf32, #tpu.memory_space<vmem>>, vector<16xf32>,
      %get3A_3447 = vector.shape_cast %get3A_3446 : vector<16xf32> to vector<16xf32>
      %swap3A_3448 = arith.constant 7544 : index
      %swap3A_3449 = tpu.vector_load %arg5[%swap3A_3448] {strides = array<i32>} : memref<8000xf32, #tpu.memory_space<vmem>>, vector<16xf32>,
      %swap3A_3450 = vector.shape_cast %swap3A_3449 : vector<16xf32> to vector<16xf32>
      %swap3A_3451 = vector.shape_cast %get3A_3447 : vector<16xf32> to vector<16xf32>
      tpu.vector_store %arg5[%swap3A_3448], %swap3A_3451 {strides = array<i32>} : memref<8000xf32, #tpu.memory_space<vmem>>, vector<16xf32>,
      %get3A_3452 = arith.constant 5710 : index
      %get3A_3453 = tpu.vector_load %arg4[%get3A_3452] {strides = array<i32>} : memref<6056xf32, #tpu.memory_space<vmem>>, vector<16xf32>,
      %get3A_3454 = vector.shape_cast %get3A_3453 : vector<16xf32> to vector<16xf32>
      %swap3A_3455 = arith.constant 7560 : index
      %swap3A_3456 = tpu.vector_load %arg5[%swap3A_3455] {strides = array<i32>} : memref<8000xf32, #tpu.memory_space<vmem>>, vector<16xf32>,
      %swap3A_3457 = vector.shape_cast %swap3A_3456 : vector<16xf32> to vector<16xf32>
      %swap3A_3458 = vector.shape_cast %get3A_3454 : vector<16xf32> to vector<16xf32>
      tpu.vector_store %arg5[%swap3A_3455], %swap3A_3458 {strides = array<i32>} : memref<8000xf32, #tpu.memory_space<vmem>>, vector<16xf32>,
      %get3A_3459 = arith.constant 5726 : index
      %get3A_3460 = tpu.vector_load %arg4[%get3A_3459] {strides = array<i32>} : memref<6056xf32, #tpu.memory_space<vmem>>, vector<16xf32>,
      %get3A_3461 = vector.shape_cast %get3A_3460 : vector<16xf32> to vector<16xf32>
      %swap3A_3462 = arith.constant 7576 : index
      %swap3A_3463 = tpu.vector_load %arg5[%swap3A_3462] {strides = array<i32>} : memref<8000xf32, #tpu.memory_space<vmem>>, vector<16xf32>,
      %swap3A_3464 = vector.shape_cast %swap3A_3463 : vector<16xf32> to vector<16xf32>
      %swap3A_3465 = vector.shape_cast %get3A_3461 : vector<16xf32> to vector<16xf32>
      tpu.vector_store %arg5[%swap3A_3462], %swap3A_3465 {strides = array<i32>} : memref<8000xf32, #tpu.memory_space<vmem>>, vector<16xf32>,
      %get3A_3466 = arith.constant 5734 : index
      %get3A_3467 = tpu.vector_load %arg4[%get3A_3466] {strides = array<i32>} : memref<6056xf32, #tpu.memory_space<vmem>>, vector<16xf32>,
      %get3A_3468 = vector.shape_cast %get3A_3467 : vector<16xf32> to vector<16xf32>
      %swap3A_3469 = arith.constant 7584 : index
      %swap3A_3470 = tpu.vector_load %arg5[%swap3A_3469] {strides = array<i32>} : memref<8000xf32, #tpu.memory_space<vmem>>, vector<16xf32>,
      %swap3A_3471 = vector.shape_cast %swap3A_3470 : vector<16xf32> to vector<16xf32>
      %swap3A_3472 = vector.shape_cast %get3A_3468 : vector<16xf32> to vector<16xf32>
      tpu.vector_store %arg5[%swap3A_3469], %swap3A_3472 {strides = array<i32>} : memref<8000xf32, #tpu.memory_space<vmem>>, vector<16xf32>,
      %get3A_3473 = arith.constant 5700 : index
      %get3A_3474 = tpu.vector_load %arg4[%get3A_3473] {strides = array<i32>} : memref<6056xf32, #tpu.memory_space<vmem>>, vector<16xf32>,
      %get3A_3475 = vector.shape_cast %get3A_3474 : vector<16xf32> to vector<16xf32>
      %swap3A_3476 = arith.constant 7600 : index
      %swap3A_3477 = tpu.vector_load %arg5[%swap3A_3476] {strides = array<i32>} : memref<8000xf32, #tpu.memory_space<vmem>>, vector<16xf32>,
      %swap3A_3478 = vector.shape_cast %swap3A_3477 : vector<16xf32> to vector<16xf32>
      %swap3A_3479 = vector.shape_cast %get3A_3475 : vector<16xf32> to vector<16xf32>
      tpu.vector_store %arg5[%swap3A_3476], %swap3A_3479 {strides = array<i32>} : memref<8000xf32, #tpu.memory_space<vmem>>, vector<16xf32>,
      %get3A_3480 = arith.constant 5716 : index
      %get3A_3481 = tpu.vector_load %arg4[%get3A_3480] {strides = array<i32>} : memref<6056xf32, #tpu.memory_space<vmem>>, vector<16xf32>,
      %get3A_3482 = vector.shape_cast %get3A_3481 : vector<16xf32> to vector<16xf32>
      %swap3A_3483 = arith.constant 7616 : index
      %swap3A_3484 = tpu.vector_load %arg5[%swap3A_3483] {strides = array<i32>} : memref<8000xf32, #tpu.memory_space<vmem>>, vector<16xf32>,
      %swap3A_3485 = vector.shape_cast %swap3A_3484 : vector<16xf32> to vector<16xf32>
      %swap3A_3486 = vector.shape_cast %get3A_3482 : vector<16xf32> to vector<16xf32>
      tpu.vector_store %arg5[%swap3A_3483], %swap3A_3486 {strides = array<i32>} : memref<8000xf32, #tpu.memory_space<vmem>>, vector<16xf32>,
      %get3A_3487 = arith.constant 5732 : index
      %get3A_3488 = tpu.vector_load %arg4[%get3A_3487] {strides = array<i32>} : memref<6056xf32, #tpu.memory_space<vmem>>, vector<16xf32>,
      %get3A_3489 = vector.shape_cast %get3A_3488 : vector<16xf32> to vector<16xf32>
      %swap3A_3490 = arith.constant 7632 : index
      %swap3A_3491 = tpu.vector_load %arg5[%swap3A_3490] {strides = array<i32>} : memref<8000xf32, #tpu.memory_space<vmem>>, vector<16xf32>,
      %swap3A_3492 = vector.shape_cast %swap3A_3491 : vector<16xf32> to vector<16xf32>
      %swap3A_3493 = vector.shape_cast %get3A_3489 : vector<16xf32> to vector<16xf32>
      tpu.vector_store %arg5[%swap3A_3490], %swap3A_3493 {strides = array<i32>} : memref<8000xf32, #tpu.memory_space<vmem>>, vector<16xf32>,
      %get3A_3494 = arith.constant 5748 : index
      %get3A_3495 = tpu.vector_load %arg4[%get3A_3494] {strides = array<i32>} : memref<6056xf32, #tpu.memory_space<vmem>>, vector<16xf32>,
      %get3A_3496 = vector.shape_cast %get3A_3495 : vector<16xf32> to vector<16xf32>
      %swap3A_3497 = arith.constant 7648 : index
      %swap3A_3498 = tpu.vector_load %arg5[%swap3A_3497] {strides = array<i32>} : memref<8000xf32, #tpu.memory_space<vmem>>, vector<16xf32>,
      %swap3A_3499 = vector.shape_cast %swap3A_3498 : vector<16xf32> to vector<16xf32>
      %swap3A_3500 = vector.shape_cast %get3A_3496 : vector<16xf32> to vector<16xf32>
      tpu.vector_store %arg5[%swap3A_3497], %swap3A_3500 {strides = array<i32>} : memref<8000xf32, #tpu.memory_space<vmem>>, vector<16xf32>,
      %get3A_3501 = arith.constant 5764 : index
      %get3A_3502 = tpu.vector_load %arg4[%get3A_3501] {strides = array<i32>} : memref<6056xf32, #tpu.memory_space<vmem>>, vector<16xf32>,
      %get3A_3503 = vector.shape_cast %get3A_3502 : vector<16xf32> to vector<16xf32>
      %swap3A_3504 = arith.constant 7664 : index
      %swap3A_3505 = tpu.vector_load %arg5[%swap3A_3504] {strides = array<i32>} : memref<8000xf32, #tpu.memory_space<vmem>>, vector<16xf32>,
      %swap3A_3506 = vector.shape_cast %swap3A_3505 : vector<16xf32> to vector<16xf32>
      %swap3A_3507 = vector.shape_cast %get3A_3503 : vector<16xf32> to vector<16xf32>
      tpu.vector_store %arg5[%swap3A_3504], %swap3A_3507 {strides = array<i32>} : memref<8000xf32, #tpu.memory_space<vmem>>, vector<16xf32>,
      %get3A_3508 = arith.constant 5780 : index
      %get3A_3509 = tpu.vector_load %arg4[%get3A_3508] {strides = array<i32>} : memref<6056xf32, #tpu.memory_space<vmem>>, vector<16xf32>,
      %get3A_3510 = vector.shape_cast %get3A_3509 : vector<16xf32> to vector<16xf32>
      %swap3A_3511 = arith.constant 7680 : index
      %swap3A_3512 = tpu.vector_load %arg5[%swap3A_3511] {strides = array<i32>} : memref<8000xf32, #tpu.memory_space<vmem>>, vector<16xf32>,
      %swap3A_3513 = vector.shape_cast %swap3A_3512 : vector<16xf32> to vector<16xf32>
      %swap3A_3514 = vector.shape_cast %get3A_3510 : vector<16xf32> to vector<16xf32>
      tpu.vector_store %arg5[%swap3A_3511], %swap3A_3514 {strides = array<i32>} : memref<8000xf32, #tpu.memory_space<vmem>>, vector<16xf32>,
      %get3A_3515 = arith.constant 5796 : index
      %get3A_3516 = tpu.vector_load %arg4[%get3A_3515] {strides = array<i32>} : memref<6056xf32, #tpu.memory_space<vmem>>, vector<16xf32>,
      %get3A_3517 = vector.shape_cast %get3A_3516 : vector<16xf32> to vector<16xf32>
      %swap3A_3518 = arith.constant 7696 : index
      %swap3A_3519 = tpu.vector_load %arg5[%swap3A_3518] {strides = array<i32>} : memref<8000xf32, #tpu.memory_space<vmem>>, vector<16xf32>,
      %swap3A_3520 = vector.shape_cast %swap3A_3519 : vector<16xf32> to vector<16xf32>
      %swap3A_3521 = vector.shape_cast %get3A_3517 : vector<16xf32> to vector<16xf32>
      tpu.vector_store %arg5[%swap3A_3518], %swap3A_3521 {strides = array<i32>} : memref<8000xf32, #tpu.memory_space<vmem>>, vector<16xf32>,
      %get3A_3522 = arith.constant 5812 : index
      %get3A_3523 = tpu.vector_load %arg4[%get3A_3522] {strides = array<i32>} : memref<6056xf32, #tpu.memory_space<vmem>>, vector<16xf32>,
      %get3A_3524 = vector.shape_cast %get3A_3523 : vector<16xf32> to vector<16xf32>
      %swap3A_3525 = arith.constant 7712 : index
      %swap3A_3526 = tpu.vector_load %arg5[%swap3A_3525] {strides = array<i32>} : memref<8000xf32, #tpu.memory_space<vmem>>, vector<16xf32>,
      %swap3A_3527 = vector.shape_cast %swap3A_3526 : vector<16xf32> to vector<16xf32>
      %swap3A_3528 = vector.shape_cast %get3A_3524 : vector<16xf32> to vector<16xf32>
      tpu.vector_store %arg5[%swap3A_3525], %swap3A_3528 {strides = array<i32>} : memref<8000xf32, #tpu.memory_space<vmem>>, vector<16xf32>,
      %get3A_3529 = arith.constant 5828 : index
      %get3A_3530 = tpu.vector_load %arg4[%get3A_3529] {strides = array<i32>} : memref<6056xf32, #tpu.memory_space<vmem>>, vector<16xf32>,
      %get3A_3531 = vector.shape_cast %get3A_3530 : vector<16xf32> to vector<16xf32>
      %swap3A_3532 = arith.constant 7728 : index
      %swap3A_3533 = tpu.vector_load %arg5[%swap3A_3532] {strides = array<i32>} : memref<8000xf32, #tpu.memory_space<vmem>>, vector<16xf32>,
      %swap3A_3534 = vector.shape_cast %swap3A_3533 : vector<16xf32> to vector<16xf32>
      %swap3A_3535 = vector.shape_cast %get3A_3531 : vector<16xf32> to vector<16xf32>
      tpu.vector_store %arg5[%swap3A_3532], %swap3A_3535 {strides = array<i32>} : memref<8000xf32, #tpu.memory_space<vmem>>, vector<16xf32>,
      %get3A_3536 = arith.constant 5844 : index
      %get3A_3537 = tpu.vector_load %arg4[%get3A_3536] {strides = array<i32>} : memref<6056xf32, #tpu.memory_space<vmem>>, vector<16xf32>,
      %get3A_3538 = vector.shape_cast %get3A_3537 : vector<16xf32> to vector<16xf32>
      %swap3A_3539 = arith.constant 7744 : index
      %swap3A_3540 = tpu.vector_load %arg5[%swap3A_3539] {strides = array<i32>} : memref<8000xf32, #tpu.memory_space<vmem>>, vector<16xf32>,
      %swap3A_3541 = vector.shape_cast %swap3A_3540 : vector<16xf32> to vector<16xf32>
      %swap3A_3542 = vector.shape_cast %get3A_3538 : vector<16xf32> to vector<16xf32>
      tpu.vector_store %arg5[%swap3A_3539], %swap3A_3542 {strides = array<i32>} : memref<8000xf32, #tpu.memory_space<vmem>>, vector<16xf32>,
      %get3A_3543 = arith.constant 5860 : index
      %get3A_3544 = tpu.vector_load %arg4[%get3A_3543] {strides = array<i32>} : memref<6056xf32, #tpu.memory_space<vmem>>, vector<16xf32>,
      %get3A_3545 = vector.shape_cast %get3A_3544 : vector<16xf32> to vector<16xf32>
      %swap3A_3546 = arith.constant 7760 : index
      %swap3A_3547 = tpu.vector_load %arg5[%swap3A_3546] {strides = array<i32>} : memref<8000xf32, #tpu.memory_space<vmem>>, vector<16xf32>,
      %swap3A_3548 = vector.shape_cast %swap3A_3547 : vector<16xf32> to vector<16xf32>
      %swap3A_3549 = vector.shape_cast %get3A_3545 : vector<16xf32> to vector<16xf32>
      tpu.vector_store %arg5[%swap3A_3546], %swap3A_3549 {strides = array<i32>} : memref<8000xf32, #tpu.memory_space<vmem>>, vector<16xf32>,
      %get3A_3550 = arith.constant 5876 : index
      %get3A_3551 = tpu.vector_load %arg4[%get3A_3550] {strides = array<i32>} : memref<6056xf32, #tpu.memory_space<vmem>>, vector<16xf32>,
      %get3A_3552 = vector.shape_cast %get3A_3551 : vector<16xf32> to vector<16xf32>
      %swap3A_3553 = arith.constant 7776 : index
      %swap3A_3554 = tpu.vector_load %arg5[%swap3A_3553] {strides = array<i32>} : memref<8000xf32, #tpu.memory_space<vmem>>, vector<16xf32>,
      %swap3A_3555 = vector.shape_cast %swap3A_3554 : vector<16xf32> to vector<16xf32>
      %swap3A_3556 = vector.shape_cast %get3A_3552 : vector<16xf32> to vector<16xf32>
      tpu.vector_store %arg5[%swap3A_3553], %swap3A_3556 {strides = array<i32>} : memref<8000xf32, #tpu.memory_space<vmem>>, vector<16xf32>,
      %get3A_3557 = arith.constant 5884 : index
      %get3A_3558 = tpu.vector_load %arg4[%get3A_3557] {strides = array<i32>} : memref<6056xf32, #tpu.memory_space<vmem>>, vector<16xf32>,
      %get3A_3559 = vector.shape_cast %get3A_3558 : vector<16xf32> to vector<16xf32>
      %swap3A_3560 = arith.constant 7784 : index
      %swap3A_3561 = tpu.vector_load %arg5[%swap3A_3560] {strides = array<i32>} : memref<8000xf32, #tpu.memory_space<vmem>>, vector<16xf32>,
      %swap3A_3562 = vector.shape_cast %swap3A_3561 : vector<16xf32> to vector<16xf32>
      %swap3A_3563 = vector.shape_cast %get3A_3559 : vector<16xf32> to vector<16xf32>
      tpu.vector_store %arg5[%swap3A_3560], %swap3A_3563 {strides = array<i32>} : memref<8000xf32, #tpu.memory_space<vmem>>, vector<16xf32>,
      %get3A_3564 = arith.constant 5850 : index
      %get3A_3565 = tpu.vector_load %arg4[%get3A_3564] {strides = array<i32>} : memref<6056xf32, #tpu.memory_space<vmem>>, vector<16xf32>,
      %get3A_3566 = vector.shape_cast %get3A_3565 : vector<16xf32> to vector<16xf32>
      %swap3A_3567 = arith.constant 7800 : index
      %swap3A_3568 = tpu.vector_load %arg5[%swap3A_3567] {strides = array<i32>} : memref<8000xf32, #tpu.memory_space<vmem>>, vector<16xf32>,
      %swap3A_3569 = vector.shape_cast %swap3A_3568 : vector<16xf32> to vector<16xf32>
      %swap3A_3570 = vector.shape_cast %get3A_3566 : vector<16xf32> to vector<16xf32>
      tpu.vector_store %arg5[%swap3A_3567], %swap3A_3570 {strides = array<i32>} : memref<8000xf32, #tpu.memory_space<vmem>>, vector<16xf32>,
      %get3A_3571 = arith.constant 5866 : index
      %get3A_3572 = tpu.vector_load %arg4[%get3A_3571] {strides = array<i32>} : memref<6056xf32, #tpu.memory_space<vmem>>, vector<16xf32>,
      %get3A_3573 = vector.shape_cast %get3A_3572 : vector<16xf32> to vector<16xf32>
      %swap3A_3574 = arith.constant 7816 : index
      %swap3A_3575 = tpu.vector_load %arg5[%swap3A_3574] {strides = array<i32>} : memref<8000xf32, #tpu.memory_space<vmem>>, vector<16xf32>,
      %swap3A_3576 = vector.shape_cast %swap3A_3575 : vector<16xf32> to vector<16xf32>
      %swap3A_3577 = vector.shape_cast %get3A_3573 : vector<16xf32> to vector<16xf32>
      tpu.vector_store %arg5[%swap3A_3574], %swap3A_3577 {strides = array<i32>} : memref<8000xf32, #tpu.memory_space<vmem>>, vector<16xf32>,
      %get3A_3578 = arith.constant 5882 : index
      %get3A_3579 = tpu.vector_load %arg4[%get3A_3578] {strides = array<i32>} : memref<6056xf32, #tpu.memory_space<vmem>>, vector<16xf32>,
      %get3A_3580 = vector.shape_cast %get3A_3579 : vector<16xf32> to vector<16xf32>
      %swap3A_3581 = arith.constant 7832 : index
      %swap3A_3582 = tpu.vector_load %arg5[%swap3A_3581] {strides = array<i32>} : memref<8000xf32, #tpu.memory_space<vmem>>, vector<16xf32>,
      %swap3A_3583 = vector.shape_cast %swap3A_3582 : vector<16xf32> to vector<16xf32>
      %swap3A_3584 = vector.shape_cast %get3A_3580 : vector<16xf32> to vector<16xf32>
      tpu.vector_store %arg5[%swap3A_3581], %swap3A_3584 {strides = array<i32>} : memref<8000xf32, #tpu.memory_space<vmem>>, vector<16xf32>,
      %get3A_3585 = arith.constant 5898 : index
      %get3A_3586 = tpu.vector_load %arg4[%get3A_3585] {strides = array<i32>} : memref<6056xf32, #tpu.memory_space<vmem>>, vector<16xf32>,
      %get3A_3587 = vector.shape_cast %get3A_3586 : vector<16xf32> to vector<16xf32>
      %swap3A_3588 = arith.constant 7848 : index
      %swap3A_3589 = tpu.vector_load %arg5[%swap3A_3588] {strides = array<i32>} : memref<8000xf32, #tpu.memory_space<vmem>>, vector<16xf32>,
      %swap3A_3590 = vector.shape_cast %swap3A_3589 : vector<16xf32> to vector<16xf32>
      %swap3A_3591 = vector.shape_cast %get3A_3587 : vector<16xf32> to vector<16xf32>
      tpu.vector_store %arg5[%swap3A_3588], %swap3A_3591 {strides = array<i32>} : memref<8000xf32, #tpu.memory_space<vmem>>, vector<16xf32>,
      %get3A_3592 = arith.constant 5914 : index
      %get3A_3593 = tpu.vector_load %arg4[%get3A_3592] {strides = array<i32>} : memref<6056xf32, #tpu.memory_space<vmem>>, vector<16xf32>,
      %get3A_3594 = vector.shape_cast %get3A_3593 : vector<16xf32> to vector<16xf32>
      %swap3A_3595 = arith.constant 7864 : index
      %swap3A_3596 = tpu.vector_load %arg5[%swap3A_3595] {strides = array<i32>} : memref<8000xf32, #tpu.memory_space<vmem>>, vector<16xf32>,
      %swap3A_3597 = vector.shape_cast %swap3A_3596 : vector<16xf32> to vector<16xf32>
      %swap3A_3598 = vector.shape_cast %get3A_3594 : vector<16xf32> to vector<16xf32>
      tpu.vector_store %arg5[%swap3A_3595], %swap3A_3598 {strides = array<i32>} : memref<8000xf32, #tpu.memory_space<vmem>>, vector<16xf32>,
      %get3A_3599 = arith.constant 5930 : index
      %get3A_3600 = tpu.vector_load %arg4[%get3A_3599] {strides = array<i32>} : memref<6056xf32, #tpu.memory_space<vmem>>, vector<16xf32>,
      %get3A_3601 = vector.shape_cast %get3A_3600 : vector<16xf32> to vector<16xf32>
      %swap3A_3602 = arith.constant 7880 : index
      %swap3A_3603 = tpu.vector_load %arg5[%swap3A_3602] {strides = array<i32>} : memref<8000xf32, #tpu.memory_space<vmem>>, vector<16xf32>,
      %swap3A_3604 = vector.shape_cast %swap3A_3603 : vector<16xf32> to vector<16xf32>
      %swap3A_3605 = vector.shape_cast %get3A_3601 : vector<16xf32> to vector<16xf32>
      tpu.vector_store %arg5[%swap3A_3602], %swap3A_3605 {strides = array<i32>} : memref<8000xf32, #tpu.memory_space<vmem>>, vector<16xf32>,
      %get3A_3606 = arith.constant 5946 : index
      %get3A_3607 = tpu.vector_load %arg4[%get3A_3606] {strides = array<i32>} : memref<6056xf32, #tpu.memory_space<vmem>>, vector<16xf32>,
      %get3A_3608 = vector.shape_cast %get3A_3607 : vector<16xf32> to vector<16xf32>
      %swap3A_3609 = arith.constant 7896 : index
      %swap3A_3610 = tpu.vector_load %arg5[%swap3A_3609] {strides = array<i32>} : memref<8000xf32, #tpu.memory_space<vmem>>, vector<16xf32>,
      %swap3A_3611 = vector.shape_cast %swap3A_3610 : vector<16xf32> to vector<16xf32>
      %swap3A_3612 = vector.shape_cast %get3A_3608 : vector<16xf32> to vector<16xf32>
      tpu.vector_store %arg5[%swap3A_3609], %swap3A_3612 {strides = array<i32>} : memref<8000xf32, #tpu.memory_space<vmem>>, vector<16xf32>,
      %get3A_3613 = arith.constant 5962 : index
      %get3A_3614 = tpu.vector_load %arg4[%get3A_3613] {strides = array<i32>} : memref<6056xf32, #tpu.memory_space<vmem>>, vector<16xf32>,
      %get3A_3615 = vector.shape_cast %get3A_3614 : vector<16xf32> to vector<16xf32>
      %swap3A_3616 = arith.constant 7912 : index
      %swap3A_3617 = tpu.vector_load %arg5[%swap3A_3616] {strides = array<i32>} : memref<8000xf32, #tpu.memory_space<vmem>>, vector<16xf32>,
      %swap3A_3618 = vector.shape_cast %swap3A_3617 : vector<16xf32> to vector<16xf32>
      %swap3A_3619 = vector.shape_cast %get3A_3615 : vector<16xf32> to vector<16xf32>
      tpu.vector_store %arg5[%swap3A_3616], %swap3A_3619 {strides = array<i32>} : memref<8000xf32, #tpu.memory_space<vmem>>, vector<16xf32>,
      %get3A_3620 = arith.constant 5978 : index
      %get3A_3621 = tpu.vector_load %arg4[%get3A_3620] {strides = array<i32>} : memref<6056xf32, #tpu.memory_space<vmem>>, vector<16xf32>,
      %get3A_3622 = vector.shape_cast %get3A_3621 : vector<16xf32> to vector<16xf32>
      %swap3A_3623 = arith.constant 7928 : index
      %swap3A_3624 = tpu.vector_load %arg5[%swap3A_3623] {strides = array<i32>} : memref<8000xf32, #tpu.memory_space<vmem>>, vector<16xf32>,
      %swap3A_3625 = vector.shape_cast %swap3A_3624 : vector<16xf32> to vector<16xf32>
      %swap3A_3626 = vector.shape_cast %get3A_3622 : vector<16xf32> to vector<16xf32>
      tpu.vector_store %arg5[%swap3A_3623], %swap3A_3626 {strides = array<i32>} : memref<8000xf32, #tpu.memory_space<vmem>>, vector<16xf32>,
      %get3A_3627 = arith.constant 5994 : index
      %get3A_3628 = tpu.vector_load %arg4[%get3A_3627] {strides = array<i32>} : memref<6056xf32, #tpu.memory_space<vmem>>, vector<16xf32>,
      %get3A_3629 = vector.shape_cast %get3A_3628 : vector<16xf32> to vector<16xf32>
      %swap3A_3630 = arith.constant 7944 : index
      %swap3A_3631 = tpu.vector_load %arg5[%swap3A_3630] {strides = array<i32>} : memref<8000xf32, #tpu.memory_space<vmem>>, vector<16xf32>,
      %swap3A_3632 = vector.shape_cast %swap3A_3631 : vector<16xf32> to vector<16xf32>
      %swap3A_3633 = vector.shape_cast %get3A_3629 : vector<16xf32> to vector<16xf32>
      tpu.vector_store %arg5[%swap3A_3630], %swap3A_3633 {strides = array<i32>} : memref<8000xf32, #tpu.memory_space<vmem>>, vector<16xf32>,
      %get3A_3634 = arith.constant 6010 : index
      %get3A_3635 = tpu.vector_load %arg4[%get3A_3634] {strides = array<i32>} : memref<6056xf32, #tpu.memory_space<vmem>>, vector<16xf32>,
      %get3A_3636 = vector.shape_cast %get3A_3635 : vector<16xf32> to vector<16xf32>
      %swap3A_3637 = arith.constant 7960 : index
      %swap3A_3638 = tpu.vector_load %arg5[%swap3A_3637] {strides = array<i32>} : memref<8000xf32, #tpu.memory_space<vmem>>, vector<16xf32>,
      %swap3A_3639 = vector.shape_cast %swap3A_3638 : vector<16xf32> to vector<16xf32>
      %swap3A_3640 = vector.shape_cast %get3A_3636 : vector<16xf32> to vector<16xf32>
      tpu.vector_store %arg5[%swap3A_3637], %swap3A_3640 {strides = array<i32>} : memref<8000xf32, #tpu.memory_space<vmem>>, vector<16xf32>,
      %get3A_3641 = arith.constant 6026 : index
      %get3A_3642 = tpu.vector_load %arg4[%get3A_3641] {strides = array<i32>} : memref<6056xf32, #tpu.memory_space<vmem>>, vector<16xf32>,
      %get3A_3643 = vector.shape_cast %get3A_3642 : vector<16xf32> to vector<16xf32>
      %swap3A_3644 = arith.constant 7976 : index
      %swap3A_3645 = tpu.vector_load %arg5[%swap3A_3644] {strides = array<i32>} : memref<8000xf32, #tpu.memory_space<vmem>>, vector<16xf32>,
      %swap3A_3646 = vector.shape_cast %swap3A_3645 : vector<16xf32> to vector<16xf32>
      %swap3A_3647 = vector.shape_cast %get3A_3643 : vector<16xf32> to vector<16xf32>
      tpu.vector_store %arg5[%swap3A_3644], %swap3A_3647 {strides = array<i32>} : memref<8000xf32, #tpu.memory_space<vmem>>, vector<16xf32>,
      %get3A_3648 = arith.constant 6034 : index
      %get3A_3649 = tpu.vector_load %arg4[%get3A_3648] {strides = array<i32>} : memref<6056xf32, #tpu.memory_space<vmem>>, vector<16xf32>,
      %get3A_3650 = vector.shape_cast %get3A_3649 : vector<16xf32> to vector<16xf32>
      %swap3A_3651 = arith.constant 7984 : index
      %swap3A_3652 = tpu.vector_load %arg5[%swap3A_3651] {strides = array<i32>} : memref<8000xf32, #tpu.memory_space<vmem>>, vector<16xf32>,
      %swap3A_3653 = vector.shape_cast %swap3A_3652 : vector<16xf32> to vector<16xf32>
      %swap3A_3654 = vector.shape_cast %get3A_3650 : vector<16xf32> to vector<16xf32>
      tpu.vector_store %arg5[%swap3A_3651], %swap3A_3654 {strides = array<i32>} : memref<8000xf32, #tpu.memory_space<vmem>>, vector<16xf32>,
      %mul3A_3655 = arith.constant 200 : i32
      %mul3A_3656 = arith.muli %mul3A_3655, %mul3A_14 : i32
      %add3A_3657 = arith.addi %mul3A_4, %mul3A_3656 : i32
      %multiple_of3A = tpu.assume_multiple %add3A_3657, 8 : i32
      "tpu.region"() ({
        %run_scoped3A = tpu.sem_alloc : memref<!tpu.dma_semaphore, #tpu.memory_space<semaphore_mem>>
        %dma_start3A = tpu.memref_slice %arg3[%multiple_of3A] : memref<6400000xf32, #tpu.memory_space<hbm>> -> memref<8000xf32, #tpu.memory_space<hbm>>
        %dma_start3A_3659 = tpu.memref_slice %arg3[%multiple_of3A] : memref<6400000xf32, #tpu.memory_space<hbm>> -> memref<8000xf32, #tpu.memory_space<hbm>>
        tpu.enqueue_dma source(%arg5 : memref<8000xf32, #tpu.memory_space<vmem>>) target(%dma_start3A_3659 : memref<8000xf32, #tpu.memory_space<hbm>>) target_semaphore(%run_scoped3A : memref<!tpu.dma_semaphore, #tpu.memory_space<semaphore_mem>>)
        %dma_wait3A = tpu.memref_slice %arg3[%multiple_of3A] : memref<6400000xf32, #tpu.memory_space<hbm>> -> memref<8000xf32, #tpu.memory_space<hbm>>
        %dma_wait3A_3660 = tpu.memref_slice %arg3[%multiple_of3A] : memref<6400000xf32, #tpu.memory_space<hbm>> -> memref<8000xf32, #tpu.memory_space<hbm>>
        tpu.wait_dma2 semaphore(%run_scoped3A : memref<!tpu.dma_semaphore, #tpu.memory_space<semaphore_mem>>) src(%arg5 : memref<8000xf32, #tpu.memory_space<vmem>>) dst(%dma_wait3A_3660 : memref<8000xf32, #tpu.memory_space<hbm>>)
        tpu.yield
      }) : () -> ()
      %scan3A_3658 = arith.constant 0 : i32
      scf.yield %scan3A_3658 : i32
    }
    %scan3A_10 = arith.constant 25 : i32
    return
  }
}

</mosaic_0001>

<sc_bundles>
// kernel: _extract_patches.3.cloned.1.call-start
scs
__scs_entry_jumppad:
0x0: {  	(pc) =	sbr.rel $0x88, $3  }
0x1: {  	(tag) =	ssettag $0x0;
	lr =	simm.s32 $0x1  }
0x2: {  	[smem:$0x3FA0] =	sst lr;
	_ =	strace $0xD0000000  }
0x3: {  	_ = 	snop  }
0x4: {  	_ = 	snop  }
0x5: {  	_ = 	snop  }
0x6: {  	_ = 	snop  }
0x7: {  	_ = 	snop  }
__scs_overlays_trampoline_lowered:
0x8: {  	[smem:$0x3FAF] =	sst s0  }
0x9: {  	[smem:$0x3FB0] =	sst s1  }
0xa: {  	[smem:$0x3FB1] =	sst s2  }
0xb: {  	[smem:$0x3FB2] =	sst s3  }
0xc: {  	[smem:$0x3FB3] =	sst s4  }
0xd: {  	[smem:$0x3FB4] =	sst s5  }
0xe: {  	[smem:$0x3FB5] =	sst s6  }
0xf: {  	[smem:$0x3FB6] =	sst s7  }
0x10: {  	[smem:$0x3FB7] =	sst s8  }
0x11: {  	[smem:$0x3FB8] =	sst s9;
	s0 =	simm.s32 @!p0 $0x0  }
0x12: {  	s1 =	sld [smem:$0x3F9E];
	s0 =	simm.s32 @p0 $0x1  }
0x13: {  	[smem:$0x3FB9] =	sst s0;
	s0 =	simm.s32 @!p1 $0x0  }
0x14: {  	s2 =	sld [smem:$0x3F9D];
	s0 =	simm.s32 @p1 $0x1  }
0x15: {  	[smem:$0x3FBA] =	sst s0;
	s0 =	simm.s32 @!p2 $0x0  }
0x16: {  	s3 =	sld [smem:$0x3FDB];
	s0 =	simm.s32 @p2 $0x1  }
0x17: {  	s4 =	simm.s32 $0x1BF5;
	[smem:$0x3FBC] =	sst s0  }
0x18: {  	s0 =	sld [smem:$0x3F9F];
	_ =	swait.ge [sflag:s4], $0x0  }
0x19: {  	s7 =	sld [smem:$0x3FA0]  }
0x1a: {  	s8 =	sadd.s32 $0xFFFFE003, lr  }
0x1b: {  	s9 =	sadd.s32 $0xFFFFFEF7, lr;
	s5 =	simm.s32 $0xFFFFFFFF;
	p2 =	slt.u32 s8, $0xFFFFF086  }
0x1c: {  	p1 =	slt.u32 s9, $0xF7A;
	s5 =	simm.s32 @!p2 $0x0  }
0x1d: {  	s5 =	simm.s32 @p1 $0x1;
	p0 =	seq.s32 s7, s2  }
0x1e: {  	s7 =	smul.u32 @!p0 $0xF7A, s2;
	p2 =	seq.s32 @!p0 s5, $0x0  }
0x1f: {  	s9 =	smul.u32 $0xF7A, s1;
	s8 =	simm.s32 @!p0 $0x1BF5;
	p2 =	por !p2, p0  }
0x20: {  	[sflag:s8] =	ssyncset.s32 @!p0 $0xFFFFF086;
	s6 =	sadd.s32 @!p0 s3, s7;
	s7 =	simm.s32 @!p0 $0x108  }
0x21: {  	s3 =	sadd.s32 s3, s9;
	s6 =	sadd.s32 @!p0 $0x88, s6;
	s7 =	simm.s32 @p2 $0x1082  }
0x22: {  	[simem:s7], [sflag:s8] =	dma.local @!p0 [hbm:s6], $0xF7A  }
0x23: {  	s9 =	sor.u32 $0xD0000000, s2;
	s6 =	simm.s32 $0x108;
	_ =	swait.ge @!p0 [sflag:s8], $0x0  }
0x24: {  	s3 =	sadd.s32 $0x88, s3;
	s6 =	simm.s32 @!p1 $0x1082;
	[sflag:s4] =	ssyncset.s32 $0xFFFFF086  }
0x25: {  	[simem:s6], [sflag:s4] =	dma.local [hbm:s3], $0xF7A  }
0x26: {  	[smem:$0x3FA0] =	sst s1;
	(tag) =	ssettag s2;
	_ =	strace s9  }
0x27: {  	s1 =	sld [smem:$0x3FB0]  }
0x28: {  	s2 =	sld [smem:$0x3FB1]  }
0x29: {  	s4 =	sld [smem:$0x3FB3]  }
0x2a: {  	p0 =	seq.s32 s5, $0x0;
	s5 =	sld [smem:$0x3FB4]  }
0x2b: {  	s6 =	sld [smem:$0x3FB5]  }
0x2c: {  	s7 =	sld [smem:$0x3FB6]  }
0x2d: {  	s3 =	simm.s32 $0x108;
	s8 =	sld [smem:$0x3FB7]  }
0x2e: {  	s3 =	simm.s32 @!p0 $0x1082;
	s9 =	sld [smem:$0x3FB8]  }
0x2f: {  	lr =	sadd.s32 s0, s3;
	s0 =	sld [smem:$0x3FAF]  }
0x30: {  	s3 =	sld [smem:$0x3FB2]  }
0x31: {  	[smem:$0x3FBB] =	sst s10  }
0x32: {  	s10 =	sld [smem:$0x3FB9];
	_ =	sdelay $0x3  }
0x33: {  	p0 =	seq.s32 s10, $0x1;
	s10 =	sld [smem:$0x3FBB];
	_ =	sdelay $0x3  }
0x34: {  	[smem:$0x3FBB] =	sst s10  }
0x35: {  	s10 =	sld [smem:$0x3FBA];
	_ =	sdelay $0x3  }
0x36: {  	p1 =	seq.s32 s10, $0x1;
	s10 =	sld [smem:$0x3FBB];
	_ =	sdelay $0x3  }
0x37: {  	[smem:$0x3FBB] =	sst s10  }
0x38: {  	s10 =	sld [smem:$0x3FBC]  }
0x39: {  	_ = 	snop;
	(pc) =	sbr.ind lr, $3  }
0x3a: {  	_ = 	snop  }
0x3b: {  	_ = 	snop  }
0x3c: {  	p2 =	seq.s32 s10, $0x1;
	s10 =	sld [smem:$0x3FBB]  }
0x3d: {  	_ =	shalt  }
0x3e: {  	_ =	shalt  }
0x3f: {  	_ =	shalt  }
0x40: {  	_ =	shalt  }
0x41: {  	_ =	shalt  }
0x42: {  	_ =	shalt  }
0x43: {  	_ =	shalt  }
0x44: {  	_ =	shalt  }
0x45: {  	_ =	shalt  }
0x46: {  	_ =	shalt  }
0x47: {  	_ =	shalt  }
0x48: {  	_ =	shalt  }
0x49: {  	_ =	shalt  }
0x4a: {  	_ =	shalt  }
0x4b: {  	_ =	shalt  }
0x4c: {  	_ =	shalt  }
0x4d: {  	_ =	shalt  }
0x4e: {  	_ =	shalt  }
0x4f: {  	_ =	shalt  }
0x50: {  	_ =	shalt  }
0x51: {  	_ =	shalt  }
0x52: {  	_ =	shalt  }
0x53: {  	_ =	shalt  }
0x54: {  	_ =	shalt  }
0x55: {  	_ =	shalt  }
0x56: {  	_ =	shalt  }
0x57: {  	_ =	shalt  }
0x58: {  	_ =	shalt  }
0x59: {  	_ =	shalt  }
0x5a: {  	_ =	shalt  }
0x5b: {  	_ =	shalt  }
0x5c: {  	_ =	shalt  }
0x5d: {  	_ =	shalt  }
0x5e: {  	_ =	shalt  }
0x5f: {  	_ =	shalt  }
0x60: {  	_ =	shalt  }
0x61: {  	_ =	shalt  }
0x62: {  	_ =	shalt  }
0x63: {  	_ =	shalt  }
0x64: {  	_ =	shalt  }
0x65: {  	_ =	shalt  }
0x66: {  	_ =	shalt  }
0x67: {  	_ =	shalt  }
0x68: {  	_ =	shalt  }
0x69: {  	_ =	shalt  }
0x6a: {  	_ =	shalt  }
0x6b: {  	_ =	shalt  }
0x6c: {  	_ =	shalt  }
0x6d: {  	_ =	shalt  }
0x6e: {  	_ =	shalt  }
0x6f: {  	_ =	shalt  }
0x70: {  	_ =	shalt  }
0x71: {  	_ =	shalt  }
0x72: {  	_ =	shalt  }
0x73: {  	_ =	shalt  }
0x74: {  	_ =	shalt  }
0x75: {  	_ =	shalt  }
0x76: {  	_ =	shalt  }
0x77: {  	_ =	shalt  }
0x78: {  	_ =	shalt  }
0x79: {  	_ =	shalt  }
0x7a: {  	_ =	shalt  }
0x7b: {  	_ =	shalt  }
0x7c: {  	_ =	shalt  }
0x7d: {  	_ =	shalt  }
0x7e: {  	_ =	shalt  }
0x7f: {  	_ =	shalt  }
0x80: {  	_ =	shalt  }
0x81: {  	_ =	shalt  }
0x82: {  	_ =	shalt  }
0x83: {  	_ =	shalt  }
0x84: {  	_ =	shalt  }
0x85: {  	_ =	shalt  }
0x86: {  	_ =	shalt  }
0x87: {  	_ =	shalt  }
.Lfunc_end0:
.L_simem_size_0:
called_computation_lowered:
.L_overlay_start_0:
0x88: {  	s2 =	sld [smem:$0x3FD9]  }
0x89: {  	s3 =	sld [smem:$0x3FFE];
	_ =	sdelay $0x1  }
0x8a: {  	s1 =	srdreg.scid  }
0x8b: {  	s0 =	sand.u32 $0x1, s1  }
0x8c: {  	s17 =	sshll.u32 s0, $0xA;
	s2 =	sadd.s32 s3, s2  }
0x8d: {  	s2 =	sadd.s32 s2, s17  }
0x8e: {  	[smem:$0x3FC7] =	sst s2  }
0x8f: {  	_ = 	snop  }
0x90: {  	s2 =	sld [smem:$0x3FD0];
	(tm) =	ssettm $0x1  }
0x91: {  	s18 =	sld [smem:$0x3FFB];
	_ =	sdelay $0x3  }
0x92: {  	_ =	strace s18  }
0x93: {  	s3 =	sld [smem:$0x3FFC];
	_ =	sdelay $0x3  }
0x94: {  	_ =	strace s3  }
0x95: {  	s3 =	sld [smem:$0x3FFD];
	_ =	sdelay $0x3  }
0x96: {  	_ =	strace s3  }
0x97: {  	_ =	strace $0x8FFFFFFF  }
0x98: {  	s19 =	sld [smem:$0x3FDB];
	_ =	sdelay $0x1  }
0x99: {  	s4 =	simm.s32 $_scs_section_size  }
0x9a: {  	s5 =	simm.s32 $_size__tile_overlayer_lowered;
	s6 =	simm.s32 $_tile_overlayer_lowered  }
0x9b: {  	s22 =	simm.s32 $0x1BFF;
	s21 =	sshll.u32 s6, $0x1;
	s3 =	sadd.s32 s4, s19  }
0x9c: {  	s7 =	simm.s32 $0x0;
	s20 =	sshll.u32 s5, $0x1;
	s5 =	sadd.s32 s21, s3  }
0x9d: {  	[timem:s7], [sflag:s22] =	dma.local [hbm:s5], s20  }
0x9e: {  	_ =	swait.ge [sflag:s22], s20  }
0x9f: {  	s4 =	ssub.s32 $0x0, s20;
	[sflag:s22] =	ssyncset.done $0x0  }
0xa0: {  	[sflag:s22] =	ssyncadd.s32 s4;
	_ =	sdelay $0x1  }
0xa1: {  	s23 =	simm.s32 $0x1B8B  }
0xa2: {  	_ =	swait.ge [sflag:s23], $0x1  }
0xa3: {  	[sflag:s23] =	ssyncset.done $0x0  }
0xa4: {  	s25 =	simm.s32 $0x1B8E;
	s24 =	sld [smem:$0x3FFE];
	[sflag:s23] =	ssyncadd.s32 $0xFFFFFFFF  }
0xa5: {  	s26 =	simm.s32 $execute0_lowered;
	[smem:$0x3FD2] =	sst s25  }
0xa6: {  	s5 =	sshll.u32 s26, $0x1;
	_ =	strace $0x80000046;
	[dreg:$0x1] =	wrdreg $0xFFFFFFFF  }
0xa7: {  	s28 =	simm.s32 $_size_execute0_lowered;
	s3 =	sadd.s32 s3, s5;
	[dreg:$0x0] =	wrdreg $0x0  }
0xa8: {  	s5 =	sshll.u32 s28, $0x1;
	[dreg:$0x2] =	wrdreg s3  }
0xa9: {  	[dreg:$0x3] =	wrdreg s5  }
0xaa: {  	[dreg:$0x4] =	wrdreg $0xC0  }
0xab: {  	_ =	task [dreg:s7], $0x5FFFF  }
0xac: {  	[dreg:$0x1] =	wrdreg $0xFFFFFFFF  }
0xad: {  	[dreg:$0x0] =	wrdreg $0x60  }
0xae: {  	[dreg:$0x2] =	wrdreg s24  }
0xaf: {  	[dreg:$0x3] =	wrdreg s2  }
0xb0: {  	[dreg:$0x4] =	wrdreg $0x9  }
0xb1: {  	_ =	task.clear_ibuf [dreg:s7], $0x5FFFF;
	_ =	strace $0x90000046  }
0xb2: {  	s29 =	simm.s32 $0x9;
	_ =	strace $0x80000048  }
0xb3: {  	_ =	swait.ge [sflag:s29], $0x1  }
0xb4: {  	[sflag:s29] =	ssyncadd.s32 $0xFFFFFFFF  }
0xb5: {  	_ =	strace $0x90000048  }
0xb6: {  	_ =	sfence  }
0xb7: {  	s30 =	sld [smem:$0x0];
	_ =	sdelay $0x2  }
0xb8: {  	s31 =	sshll.u32 s1, $0xD;
	s1 =	sshrl.u32 s1, $0x2  }
0xb9: {  	s3 =	sand.u32 $0x4000, s31;
	s1 =	sadd.s32 s1, s30  }
0xba: {  	s0 =	sor.u32 s3, s0;
	s1 =	sshll.u32 s1, $0x11  }
0xbb: {  	s0 =	sor.u32 s1, s0  }
0xbc: {  	s0 =	sadd.s32 $0x8F2B, s0  }
0xbd: {  	[sflag:s0] =	ssyncadd.remote.s32 $0x1  }
0xbe: {  	_ =	sfence.sel $0xFFFF  }
0xbf: {  	[dreg:$0x0] =	wrdreg $0xFFFFFFFF;
	(pc) =	sbr.abs _section_cstart, $3  }
0xc0: {  	[dreg:$0x1] =	wrdreg $0xFFFFFFFF  }
0xc1: {  	_ =	task.clear_ibuf [dreg:s7], $0x2FFFF;
	_ =	strace $0x9FFFFFFF  }
0xc2: {  	(tm) =	ssettm $0x7FFFFFFF  }
0xc3: {  	_ =	shalt  }
tec
execute0_lowered:
.L_overlay_start_1:
0x0: {  	(tag) =	ssettag $0x1  }
0x1: {  	s0 =	stileid.u32  }
0x2: {  	s1 =	srdreg.scid;
	s5 =	smul.u32 $0x49450, s0  }
0x3: {  	s3 =	rddreg [dreg:$0x0];
	s4 =	sand.u32 $0x1, s1;
	s8 =	smul.u32 $0x61A80, s0  }
0x4: {  	s6 =	rddreg [dreg:$0x1];
	s2 =	simm.s32 $0x0;
	s7 =	smul.u32 $0x24A28, s4  }
0x5: {  	[smem:$0x7FF] =	sst s2;
	s9 =	smul.u32 $0x30D40, s4;
	s4 =	ssub.s32 $0x2, s4  }
0x6: {  	s1 =	rddreg [dreg:$0x2];
	_ =	strace $0x80000047;
	s29 =	sshrl.u32 s4, $0x1  }
0x7: {  	s5 =	sadd.s32 s7, s5;
	s28 =	sadd.s32 s9, s8;
	s30 =	ssub.s32 s4, s29  }
0x8: {  	s7 =	simm.s32 $0x17A8;
	s8 =	simm.s32 $0x0;
	s5 =	sshrl.u32 s5, $0x3  }
0x9: {  	s31 =	sshrl.u32 s28, $0x3;
	s5 =	sadd.s32 s5, s3;
	s3 =	smax.u32 s30, $0x1  }
0xa: {  	s4 =	sadd.s32 s31, s6;
	s6 =	simm.s32 $0x1;
	s5 =	sadd.s32 $0x600, s5  }
.LBB2_1:
0xb: {  	s9 =	smov.u32 s4;
	s10 =	simm.s32 $0x0  }
.LBB2_2:
0xc: {  	s11 =	sadd.s32 s10, s5  }
0xd: {  	[tilespmem:s2], [sflag:$0x1] =	stream.linear.gather [hbm4b:s11+s2], $0x17A8, $0x38;
	[tilespmem:$0x36E8] =	vst v63  }
0xe: {  	_ =	swait.ge [sflag:s6], $0x17A8  }
0xf: {  	[sflag:s6] =	ssyncset.done $0x0  }
0x10: {  	[sflag:s6] =	ssyncadd.s32 $0xFFFFE858  }
0x11: {  	v0 =	vld [tilespmem:$0x0]  }
0x12: {  	v1 =	vld [tilespmem:$0x10]  }
0x13: {  	v2 =	vld [tilespmem:$0x20]  }
0x14: {  	v3 =	vld [tilespmem:$0x30]  }
0x15: {  	v4 =	vld [tilespmem:$0x40]  }
0x16: {  	v55 =	vld [tilespmem:$0x50];
	[tilespmem:$0x17A8] =	vst v0  }
0x17: {  	v56 =	vld [tilespmem:$0x60];
	[tilespmem:$0x17B8] =	vst v1  }
0x18: {  	v57 =	vld [tilespmem:$0x70];
	[tilespmem:$0x17C8] =	vst v2  }
0x19: {  	v58 =	vld [tilespmem:$0x80];
	[tilespmem:$0x17D8] =	vst v3  }
0x1a: {  	v59 =	vld [tilespmem:$0x90];
	[tilespmem:$0x17E8] =	vst v4  }
0x1b: {  	v60 =	vld [tilespmem:$0xA0];
	[tilespmem:$0x17F8] =	vst v55  }
0x1c: {  	v61 =	vld [tilespmem:$0xB0];
	[tilespmem:$0x1808] =	vst v56  }
0x1d: {  	v63 =	vld [tilespmem:$0x96];
	[tilespmem:$0x1818] =	vst v57  }
0x1e: {  	v8 =	vld [tilespmem:$0xA6];
	[tilespmem:$0x1828] =	vst v58  }
0x1f: {  	v9 =	vld [tilespmem:$0xB6];
	[tilespmem:$0x1838] =	vst v59  }
0x20: {  	v10 =	vld [tilespmem:$0xC6];
	[tilespmem:$0x1848] =	vst v60  }
0x21: {  	v11 =	vld [tilespmem:$0xD6];
	[tilespmem:$0x1858] =	vst v61  }
0x22: {  	v12 =	vld [tilespmem:$0xE6];
	[tilespmem:$0x1870] =	vst v63  }
0x23: {  	v13 =	vld [tilespmem:$0xF6];
	[tilespmem:$0x1880] =	vst v8  }
0x24: {  	v14 =	vld [tilespmem:$0x106];
	[tilespmem:$0x1890] =	vst v9  }
0x25: {  	v62 =	vld [tilespmem:$0xB8];
	[tilespmem:$0x18A0] =	vst v10  }
0x26: {  	v15 =	vld [tilespmem:$0x116];
	[tilespmem:$0x18B0] =	vst v11  }
0x27: {  	[tilespmem:$0x18C0] =	vst v12  }
0x28: {  	[tilespmem:$0x18D0] =	vst v13  }
0x29: {  	[tilespmem:$0x18E0] =	vst v14  }
0x2a: {  	[tilespmem:$0x1860] =	vst v62  }
0x2b: {  	[tilespmem:$0x18F0] =	vst v15  }
0x2c: {  	v16 =	vld [tilespmem:$0x126]  }
0x2d: {  	v1 =	vld [tilespmem:$0x136]  }
0x2e: {  	v17 =	vld [tilespmem:$0x146]  }
0x2f: {  	v19 =	vld [tilespmem:$0x12C]  }
0x30: {  	v20 =	vld [tilespmem:$0x13C]  }
0x31: {  	v21 =	vld [tilespmem:$0x14C];
	[tilespmem:$0x1900] =	vst v16  }
0x32: {  	v22 =	vld [tilespmem:$0x15C];
	[tilespmem:$0x1910] =	vst v1  }
0x33: {  	v23 =	vld [tilespmem:$0x16C];
	[tilespmem:$0x1920] =	vst v17  }
0x34: {  	v24 =	vld [tilespmem:$0x17C];
	[tilespmem:$0x1938] =	vst v19  }
0x35: {  	v25 =	vld [tilespmem:$0x18C];
	[tilespmem:$0x1948] =	vst v20  }
0x36: {  	v26 =	vld [tilespmem:$0x19C];
	[tilespmem:$0x1958] =	vst v21  }
0x37: {  	v27 =	vld [tilespmem:$0x1AC];
	[tilespmem:$0x1968] =	vst v22  }
0x38: {  	v28 =	vld [tilespmem:$0x1BC];
	[tilespmem:$0x1978] =	vst v23  }
0x39: {  	v29 =	vld [tilespmem:$0x1CC];
	[tilespmem:$0x1988] =	vst v24  }
0x3a: {  	v30 =	vld [tilespmem:$0x1DC];
	[tilespmem:$0x1998] =	vst v25  }
0x3b: {  	v32 =	vld [tilespmem:$0x1C2];
	[tilespmem:$0x19A8] =	vst v26  }
0x3c: {  	v33 =	vld [tilespmem:$0x1D2];
	[tilespmem:$0x19B8] =	vst v27  }
0x3d: {  	v34 =	vld [tilespmem:$0x1E2];
	[tilespmem:$0x19C8] =	vst v28  }
0x3e: {  	v35 =	vld [tilespmem:$0x1F2];
	[tilespmem:$0x19D8] =	vst v29  }
0x3f: {  	v36 =	vld [tilespmem:$0x202];
	[tilespmem:$0x19E8] =	vst v30  }
0x40: {  	v37 =	vld [tilespmem:$0x212];
	[tilespmem:$0x1A00] =	vst v32  }
0x41: {  	v38 =	vld [tilespmem:$0x222];
	[tilespmem:$0x1A10] =	vst v33  }
0x42: {  	v39 =	vld [tilespmem:$0x232];
	[tilespmem:$0x1A20] =	vst v34  }
0x43: {  	v40 =	vld [tilespmem:$0x242];
	[tilespmem:$0x1A30] =	vst v35  }
0x44: {  	v41 =	vld [tilespmem:$0x252];
	[tilespmem:$0x1A40] =	vst v36  }
0x45: {  	v42 =	vld [tilespmem:$0x262];
	[tilespmem:$0x1A50] =	vst v37  }
0x46: {  	v43 =	vld [tilespmem:$0x272];
	[tilespmem:$0x1A60] =	vst v38  }
0x47: {  	v45 =	vld [tilespmem:$0x258];
	[tilespmem:$0x1A70] =	vst v39  }
0x48: {  	v46 =	vld [tilespmem:$0x268];
	[tilespmem:$0x1A80] =	vst v40  }
0x49: {  	v47 =	vld [tilespmem:$0x278];
	[tilespmem:$0x1A90] =	vst v41  }
0x4a: {  	v48 =	vld [tilespmem:$0x288];
	[tilespmem:$0x1AA0] =	vst v42  }
0x4b: {  	v49 =	vld [tilespmem:$0x298];
	[tilespmem:$0x1AB0] =	vst v43  }
0x4c: {  	v50 =	vld [tilespmem:$0x2A8];
	[tilespmem:$0x1AC8] =	vst v45  }
0x4d: {  	v51 =	vld [tilespmem:$0x2B8];
	[tilespmem:$0x1AD8] =	vst v46  }
0x4e: {  	v52 =	vld [tilespmem:$0x2C8];
	[tilespmem:$0x1AE8] =	vst v47  }
0x4f: {  	v53 =	vld [tilespmem:$0x2D8];
	[tilespmem:$0x1AF8] =	vst v48  }
0x50: {  	v54 =	vld [tilespmem:$0x2E8];
	[tilespmem:$0x1B08] =	vst v49  }
0x51: {  	v55 =	vld [tilespmem:$0x2F8];
	[tilespmem:$0x1B18] =	vst v50  }
0x52: {  	v56 =	vld [tilespmem:$0x308];
	[tilespmem:$0x1B28] =	vst v51  }
0x53: {  	v58 =	vld [tilespmem:$0x2EE];
	[tilespmem:$0x1B38] =	vst v52  }
0x54: {  	v59 =	vld [tilespmem:$0x2FE];
	[tilespmem:$0x1B48] =	vst v53  }
0x55: {  	v60 =	vld [tilespmem:$0x30E];
	[tilespmem:$0x1B58] =	vst v54  }
0x56: {  	v61 =	vld [tilespmem:$0x31E];
	[tilespmem:$0x1B68] =	vst v55  }
0x57: {  	v62 =	vld [tilespmem:$0x32E];
	[tilespmem:$0x1B78] =	vst v56  }
0x58: {  	v63 =	vld [tilespmem:$0x33E];
	[tilespmem:$0x1B90] =	vst v58  }
0x59: {  	v8 =	vld [tilespmem:$0x34E];
	[tilespmem:$0x1BA0] =	vst v59  }
0x5a: {  	v9 =	vld [tilespmem:$0x35E];
	[tilespmem:$0x1BB0] =	vst v60  }
0x5b: {  	v10 =	vld [tilespmem:$0x36E];
	[tilespmem:$0x1BC0] =	vst v61  }
0x5c: {  	v11 =	vld [tilespmem:$0x37E];
	[tilespmem:$0x1BD0] =	vst v62  }
0x5d: {  	v12 =	vld [tilespmem:$0x38E];
	[tilespmem:$0x1BE0] =	vst v63  }
0x5e: {  	v13 =	vld [tilespmem:$0x39E];
	[tilespmem:$0x1BF0] =	vst v8  }
0x5f: {  	v15 =	vld [tilespmem:$0x384];
	[tilespmem:$0x1C00] =	vst v9  }
0x60: {  	v18 =	vld [tilespmem:$0x14E];
	[tilespmem:$0x1C10] =	vst v10  }
0x61: {  	v31 =	vld [tilespmem:$0x1E4];
	[tilespmem:$0x1C20] =	vst v11  }
0x62: {  	v44 =	vld [tilespmem:$0x27A];
	[tilespmem:$0x1C30] =	vst v12  }
0x63: {  	v57 =	vld [tilespmem:$0x310];
	[tilespmem:$0x1C40] =	vst v13  }
0x64: {  	v14 =	vld [tilespmem:$0x3A6];
	[tilespmem:$0x1C58] =	vst v15  }
0x65: {  	v16 =	vld [tilespmem:$0x394];
	[tilespmem:$0x1928] =	vst v18  }
0x66: {  	v17 =	vld [tilespmem:$0x3A4];
	[tilespmem:$0x19F0] =	vst v31  }
0x67: {  	v19 =	vld [tilespmem:$0x3C4];
	[tilespmem:$0x1AB8] =	vst v44  }
0x68: {  	v20 =	vld [tilespmem:$0x3D4];
	[tilespmem:$0x1B80] =	vst v57  }
0x69: {  	v21 =	vld [tilespmem:$0x3E4];
	[tilespmem:$0x1C48] =	vst v14  }
0x6a: {  	v22 =	vld [tilespmem:$0x3F4];
	[tilespmem:$0x1C68] =	vst v16  }
0x6b: {  	v23 =	vld [tilespmem:$0x404];
	[tilespmem:$0x1C78] =	vst v17  }
0x6c: {  	v24 =	vld [tilespmem:$0x414];
	[tilespmem:$0x1C98] =	vst v19  }
0x6d: {  	v25 =	vld [tilespmem:$0x424];
	[tilespmem:$0x1CA8] =	vst v20  }
0x6e: {  	v26 =	vld [tilespmem:$0x434];
	[tilespmem:$0x1CB8] =	vst v21  }
0x6f: {  	v28 =	vld [tilespmem:$0x41A];
	[tilespmem:$0x1CC8] =	vst v22  }
0x70: {  	v29 =	vld [tilespmem:$0x42A];
	[tilespmem:$0x1CD8] =	vst v23  }
0x71: {  	v30 =	vld [tilespmem:$0x43A];
	[tilespmem:$0x1CE8] =	vst v24  }
0x72: {  	v32 =	vld [tilespmem:$0x45A];
	[tilespmem:$0x1CF8] =	vst v25  }
0x73: {  	v33 =	vld [tilespmem:$0x46A];
	[tilespmem:$0x1D08] =	vst v26  }
0x74: {  	v34 =	vld [tilespmem:$0x47A];
	[tilespmem:$0x1D20] =	vst v28  }
0x75: {  	v35 =	vld [tilespmem:$0x48A];
	[tilespmem:$0x1D30] =	vst v29  }
0x76: {  	v36 =	vld [tilespmem:$0x49A];
	[tilespmem:$0x1D40] =	vst v30  }
0x77: {  	v37 =	vld [tilespmem:$0x4AA];
	[tilespmem:$0x1D60] =	vst v32  }
0x78: {  	v38 =	vld [tilespmem:$0x4BA];
	[tilespmem:$0x1D70] =	vst v33  }
0x79: {  	v39 =	vld [tilespmem:$0x4CA];
	[tilespmem:$0x1D80] =	vst v34  }
0x7a: {  	v41 =	vld [tilespmem:$0x4B0];
	[tilespmem:$0x1D90] =	vst v35  }
0x7b: {  	v42 =	vld [tilespmem:$0x4C0];
	[tilespmem:$0x1DA0] =	vst v36  }
0x7c: {  	v43 =	vld [tilespmem:$0x4D0];
	[tilespmem:$0x1DB0] =	vst v37  }
0x7d: {  	v45 =	vld [tilespmem:$0x4F0];
	[tilespmem:$0x1DC0] =	vst v38  }
0x7e: {  	v46 =	vld [tilespmem:$0x500];
	[tilespmem:$0x1DD0] =	vst v39  }
0x7f: {  	v47 =	vld [tilespmem:$0x510];
	[tilespmem:$0x1DE8] =	vst v41  }
0x80: {  	v48 =	vld [tilespmem:$0x520];
	[tilespmem:$0x1DF8] =	vst v42  }
0x81: {  	v49 =	vld [tilespmem:$0x530];
	[tilespmem:$0x1E08] =	vst v43  }
0x82: {  	v50 =	vld [tilespmem:$0x540];
	[tilespmem:$0x1E28] =	vst v45  }
0x83: {  	v51 =	vld [tilespmem:$0x550];
	[tilespmem:$0x1E38] =	vst v46  }
0x84: {  	v52 =	vld [tilespmem:$0x560];
	[tilespmem:$0x1E48] =	vst v47  }
0x85: {  	v54 =	vld [tilespmem:$0x546];
	[tilespmem:$0x1E58] =	vst v48  }
0x86: {  	v55 =	vld [tilespmem:$0x556];
	[tilespmem:$0x1E68] =	vst v49  }
0x87: {  	v56 =	vld [tilespmem:$0x566];
	[tilespmem:$0x1E78] =	vst v50  }
0x88: {  	v58 =	vld [tilespmem:$0x586];
	[tilespmem:$0x1E88] =	vst v51  }
0x89: {  	v59 =	vld [tilespmem:$0x596];
	[tilespmem:$0x1E98] =	vst v52  }
0x8a: {  	v60 =	vld [tilespmem:$0x5A6];
	[tilespmem:$0x1EB0] =	vst v54  }
0x8b: {  	v61 =	vld [tilespmem:$0x5B6];
	[tilespmem:$0x1EC0] =	vst v55  }
0x8c: {  	v62 =	vld [tilespmem:$0x5C6];
	[tilespmem:$0x1ED0] =	vst v56  }
0x8d: {  	v63 =	vld [tilespmem:$0x5D6];
	[tilespmem:$0x1EF0] =	vst v58  }
0x8e: {  	v8 =	vld [tilespmem:$0x5E6];
	[tilespmem:$0x1F00] =	vst v59  }
0x8f: {  	v9 =	vld [tilespmem:$0x5F6];
	[tilespmem:$0x1F10] =	vst v60  }
0x90: {  	v11 =	vld [tilespmem:$0x5DC];
	[tilespmem:$0x1F20] =	vst v61  }
0x91: {  	v12 =	vld [tilespmem:$0x5EC];
	[tilespmem:$0x1F30] =	vst v62  }
0x92: {  	v13 =	vld [tilespmem:$0x5FC];
	[tilespmem:$0x1F40] =	vst v63  }
0x93: {  	v15 =	vld [tilespmem:$0x61C];
	[tilespmem:$0x1F50] =	vst v8  }
0x94: {  	v18 =	vld [tilespmem:$0x3B4];
	[tilespmem:$0x1F60] =	vst v9  }
0x95: {  	v27 =	vld [tilespmem:$0x43C];
	[tilespmem:$0x1F78] =	vst v11  }
0x96: {  	v31 =	vld [tilespmem:$0x44A];
	[tilespmem:$0x1F88] =	vst v12  }
0x97: {  	v40 =	vld [tilespmem:$0x4D2];
	[tilespmem:$0x1F98] =	vst v13  }
0x98: {  	v44 =	vld [tilespmem:$0x4E0];
	[tilespmem:$0x1FB8] =	vst v15  }
0x99: {  	v53 =	vld [tilespmem:$0x568];
	[tilespmem:$0x1C88] =	vst v18  }
0x9a: {  	v57 =	vld [tilespmem:$0x576];
	[tilespmem:$0x1D10] =	vst v27  }
0x9b: {  	v10 =	vld [tilespmem:$0x5FE];
	[tilespmem:$0x1D50] =	vst v31  }
0x9c: {  	v14 =	vld [tilespmem:$0x60C];
	[tilespmem:$0x1DD8] =	vst v40  }
0x9d: {  	v16 =	vld [tilespmem:$0x62C];
	[tilespmem:$0x1E18] =	vst v44  }
0x9e: {  	v17 =	vld [tilespmem:$0x63C];
	[tilespmem:$0x1EA0] =	vst v53  }
0x9f: {  	v19 =	vld [tilespmem:$0x65C];
	[tilespmem:$0x1EE0] =	vst v57  }
0xa0: {  	v20 =	vld [tilespmem:$0x66C];
	[tilespmem:$0x1F68] =	vst v10  }
0xa1: {  	v21 =	vld [tilespmem:$0x67C];
	[tilespmem:$0x1FA8] =	vst v14  }
0xa2: {  	v22 =	vld [tilespmem:$0x68C];
	[tilespmem:$0x1FC8] =	vst v16  }
0xa3: {  	v24 =	vld [tilespmem:$0x672];
	[tilespmem:$0x1FD8] =	vst v17  }
0xa4: {  	v25 =	vld [tilespmem:$0x682];
	[tilespmem:$0x1FF8] =	vst v19  }
0xa5: {  	v26 =	vld [tilespmem:$0x692];
	[tilespmem:$0x2008] =	vst v20  }
0xa6: {  	v28 =	vld [tilespmem:$0x6B2];
	[tilespmem:$0x2018] =	vst v21  }
0xa7: {  	v29 =	vld [tilespmem:$0x6C2];
	[tilespmem:$0x2028] =	vst v22  }
0xa8: {  	v30 =	vld [tilespmem:$0x6D2];
	[tilespmem:$0x2040] =	vst v24  }
0xa9: {  	v32 =	vld [tilespmem:$0x6F2];
	[tilespmem:$0x2050] =	vst v25  }
0xaa: {  	v33 =	vld [tilespmem:$0x702];
	[tilespmem:$0x2060] =	vst v26  }
0xab: {  	v34 =	vld [tilespmem:$0x712];
	[tilespmem:$0x2080] =	vst v28  }
0xac: {  	v35 =	vld [tilespmem:$0x722];
	[tilespmem:$0x2090] =	vst v29  }
0xad: {  	v37 =	vld [tilespmem:$0x708];
	[tilespmem:$0x20A0] =	vst v30  }
0xae: {  	v38 =	vld [tilespmem:$0x718];
	[tilespmem:$0x20C0] =	vst v32  }
0xaf: {  	v39 =	vld [tilespmem:$0x728];
	[tilespmem:$0x20D0] =	vst v33  }
0xb0: {  	v41 =	vld [tilespmem:$0x748];
	[tilespmem:$0x20E0] =	vst v34  }
0xb1: {  	v42 =	vld [tilespmem:$0x758];
	[tilespmem:$0x20F0] =	vst v35  }
0xb2: {  	v43 =	vld [tilespmem:$0x768];
	[tilespmem:$0x2108] =	vst v37  }
0xb3: {  	v45 =	vld [tilespmem:$0x788];
	[tilespmem:$0x2118] =	vst v38  }
0xb4: {  	v46 =	vld [tilespmem:$0x798];
	[tilespmem:$0x2128] =	vst v39  }
0xb5: {  	v47 =	vld [tilespmem:$0x7A8];
	[tilespmem:$0x2148] =	vst v41  }
0xb6: {  	v48 =	vld [tilespmem:$0x7B8];
	[tilespmem:$0x2158] =	vst v42  }
0xb7: {  	v50 =	vld [tilespmem:$0x79E];
	[tilespmem:$0x2168] =	vst v43  }
0xb8: {  	v51 =	vld [tilespmem:$0x7AE];
	[tilespmem:$0x2188] =	vst v45  }
0xb9: {  	v52 =	vld [tilespmem:$0x7BE];
	[tilespmem:$0x2198] =	vst v46  }
0xba: {  	v54 =	vld [tilespmem:$0x7DE];
	[tilespmem:$0x21A8] =	vst v47  }
0xbb: {  	v55 =	vld [tilespmem:$0x7EE];
	[tilespmem:$0x21B8] =	vst v48  }
0xbc: {  	v56 =	vld [tilespmem:$0x7FE];
	[tilespmem:$0x21D0] =	vst v50  }
0xbd: {  	v58 =	vld [tilespmem:$0x81E];
	[tilespmem:$0x21E0] =	vst v51  }
0xbe: {  	v59 =	vld [tilespmem:$0x82E];
	[tilespmem:$0x21F0] =	vst v52  }
0xbf: {  	v60 =	vld [tilespmem:$0x83E];
	[tilespmem:$0x2210] =	vst v54  }
0xc0: {  	v61 =	vld [tilespmem:$0x84E];
	[tilespmem:$0x2220] =	vst v55  }
0xc1: {  	v63 =	vld [tilespmem:$0x834];
	[tilespmem:$0x2230] =	vst v56  }
0xc2: {  	v8 =	vld [tilespmem:$0x844];
	[tilespmem:$0x2250] =	vst v58  }
0xc3: {  	v9 =	vld [tilespmem:$0x854];
	[tilespmem:$0x2260] =	vst v59  }
0xc4: {  	v11 =	vld [tilespmem:$0x874];
	[tilespmem:$0x2270] =	vst v60  }
0xc5: {  	v12 =	vld [tilespmem:$0x884];
	[tilespmem:$0x2280] =	vst v61  }
0xc6: {  	v13 =	vld [tilespmem:$0x894];
	[tilespmem:$0x2298] =	vst v63  }
0xc7: {  	v15 =	vld [tilespmem:$0x8B4];
	[tilespmem:$0x22A8] =	vst v8  }
0xc8: {  	v18 =	vld [tilespmem:$0x64C];
	[tilespmem:$0x22B8] =	vst v9  }
0xc9: {  	v23 =	vld [tilespmem:$0x694];
	[tilespmem:$0x22D8] =	vst v11  }
0xca: {  	v27 =	vld [tilespmem:$0x6A2];
	[tilespmem:$0x22E8] =	vst v12  }
0xcb: {  	v31 =	vld [tilespmem:$0x6E2];
	[tilespmem:$0x22F8] =	vst v13  }
0xcc: {  	v36 =	vld [tilespmem:$0x72A];
	[tilespmem:$0x2318] =	vst v15  }
0xcd: {  	v40 =	vld [tilespmem:$0x738];
	[tilespmem:$0x1FE8] =	vst v18  }
0xce: {  	v44 =	vld [tilespmem:$0x778];
	[tilespmem:$0x2030] =	vst v23  }
0xcf: {  	v49 =	vld [tilespmem:$0x7C0];
	[tilespmem:$0x2070] =	vst v27  }
0xd0: {  	v53 =	vld [tilespmem:$0x7CE];
	[tilespmem:$0x20B0] =	vst v31  }
0xd1: {  	v57 =	vld [tilespmem:$0x80E];
	[tilespmem:$0x20F8] =	vst v36  }
0xd2: {  	v62 =	vld [tilespmem:$0x856];
	[tilespmem:$0x2138] =	vst v40  }
0xd3: {  	v10 =	vld [tilespmem:$0x864];
	[tilespmem:$0x2178] =	vst v44  }
0xd4: {  	v14 =	vld [tilespmem:$0x8A4];
	[tilespmem:$0x21C0] =	vst v49  }
0xd5: {  	v16 =	vld [tilespmem:$0x8C4];
	[tilespmem:$0x2200] =	vst v53  }
0xd6: {  	v17 =	vld [tilespmem:$0x8D4];
	[tilespmem:$0x2240] =	vst v57  }
0xd7: {  	v20 =	vld [tilespmem:$0x8CA];
	[tilespmem:$0x2288] =	vst v62  }
0xd8: {  	v21 =	vld [tilespmem:$0x8DA];
	[tilespmem:$0x22C8] =	vst v10  }
0xd9: {  	v22 =	vld [tilespmem:$0x8EA];
	[tilespmem:$0x2308] =	vst v14  }
0xda: {  	v24 =	vld [tilespmem:$0x90A];
	[tilespmem:$0x2328] =	vst v16  }
0xdb: {  	v25 =	vld [tilespmem:$0x91A];
	[tilespmem:$0x2338] =	vst v17  }
0xdc: {  	v26 =	vld [tilespmem:$0x92A];
	[tilespmem:$0x2360] =	vst v20  }
0xdd: {  	v28 =	vld [tilespmem:$0x94A];
	[tilespmem:$0x2370] =	vst v21  }
0xde: {  	v29 =	vld [tilespmem:$0x95A];
	[tilespmem:$0x2380] =	vst v22  }
0xdf: {  	v30 =	vld [tilespmem:$0x96A];
	[tilespmem:$0x23A0] =	vst v24  }
0xe0: {  	v33 =	vld [tilespmem:$0x960];
	[tilespmem:$0x23B0] =	vst v25  }
0xe1: {  	v34 =	vld [tilespmem:$0x970];
	[tilespmem:$0x23C0] =	vst v26  }
0xe2: {  	v35 =	vld [tilespmem:$0x980];
	[tilespmem:$0x23E0] =	vst v28  }
0xe3: {  	v37 =	vld [tilespmem:$0x9A0];
	[tilespmem:$0x23F0] =	vst v29  }
0xe4: {  	v38 =	vld [tilespmem:$0x9B0];
	[tilespmem:$0x2400] =	vst v30  }
0xe5: {  	v39 =	vld [tilespmem:$0x9C0];
	[tilespmem:$0x2428] =	vst v33  }
0xe6: {  	v41 =	vld [tilespmem:$0x9E0];
	[tilespmem:$0x2438] =	vst v34  }
0xe7: {  	v42 =	vld [tilespmem:$0x9F0];
	[tilespmem:$0x2448] =	vst v35  }
0xe8: {  	v43 =	vld [tilespmem:$0xA00];
	[tilespmem:$0x2468] =	vst v37  }
0xe9: {  	v46 =	vld [tilespmem:$0x9F6];
	[tilespmem:$0x2478] =	vst v38  }
0xea: {  	v47 =	vld [tilespmem:$0xA06];
	[tilespmem:$0x2488] =	vst v39  }
0xeb: {  	v48 =	vld [tilespmem:$0xA16];
	[tilespmem:$0x24A8] =	vst v41  }
0xec: {  	v50 =	vld [tilespmem:$0xA36];
	[tilespmem:$0x24B8] =	vst v42  }
0xed: {  	v51 =	vld [tilespmem:$0xA46];
	[tilespmem:$0x24C8] =	vst v43  }
0xee: {  	v52 =	vld [tilespmem:$0xA56];
	[tilespmem:$0x24F0] =	vst v46  }
0xef: {  	v54 =	vld [tilespmem:$0xA76];
	[tilespmem:$0x2500] =	vst v47  }
0xf0: {  	v55 =	vld [tilespmem:$0xA86];
	[tilespmem:$0x2510] =	vst v48  }
0xf1: {  	v56 =	vld [tilespmem:$0xA96];
	[tilespmem:$0x2530] =	vst v50  }
0xf2: {  	v59 =	vld [tilespmem:$0xA8C];
	[tilespmem:$0x2540] =	vst v51  }
0xf3: {  	v60 =	vld [tilespmem:$0xA9C];
	[tilespmem:$0x2550] =	vst v52  }
0xf4: {  	v61 =	vld [tilespmem:$0xAAC];
	[tilespmem:$0x2570] =	vst v54  }
0xf5: {  	v63 =	vld [tilespmem:$0xACC];
	[tilespmem:$0x2580] =	vst v55  }
0xf6: {  	v8 =	vld [tilespmem:$0xADC];
	[tilespmem:$0x2590] =	vst v56  }
0xf7: {  	v9 =	vld [tilespmem:$0xAEC];
	[tilespmem:$0x25B8] =	vst v59  }
0xf8: {  	v11 =	vld [tilespmem:$0xB0C];
	[tilespmem:$0x25C8] =	vst v60  }
0xf9: {  	v12 =	vld [tilespmem:$0xB1C];
	[tilespmem:$0x25D8] =	vst v61  }
0xfa: {  	v13 =	vld [tilespmem:$0xB2C];
	[tilespmem:$0x25F8] =	vst v63  }
0xfb: {  	v18 =	vld [tilespmem:$0x8E4];
	[tilespmem:$0x2608] =	vst v8  }
0xfc: {  	v23 =	vld [tilespmem:$0x8FA];
	[tilespmem:$0x2618] =	vst v9  }
0xfd: {  	v27 =	vld [tilespmem:$0x93A];
	[tilespmem:$0x2638] =	vst v11  }
0xfe: {  	v31 =	vld [tilespmem:$0x97A];
	[tilespmem:$0x2648] =	vst v12  }
0xff: {  	v36 =	vld [tilespmem:$0x990];
	[tilespmem:$0x2658] =	vst v13  }
0x100: {  	v40 =	vld [tilespmem:$0x9D0];
	[tilespmem:$0x2348] =	vst v18  }
0x101: {  	v44 =	vld [tilespmem:$0xA10];
	[tilespmem:$0x2390] =	vst v23  }
0x102: {  	v49 =	vld [tilespmem:$0xA26];
	[tilespmem:$0x23D0] =	vst v27  }
0x103: {  	v53 =	vld [tilespmem:$0xA66];
	[tilespmem:$0x2410] =	vst v31  }
0x104: {  	v57 =	vld [tilespmem:$0xAA6];
	[tilespmem:$0x2458] =	vst v36  }
0x105: {  	v62 =	vld [tilespmem:$0xABC];
	[tilespmem:$0x2498] =	vst v40  }
0x106: {  	v10 =	vld [tilespmem:$0xAFC];
	[tilespmem:$0x24D8] =	vst v44  }
0x107: {  	v14 =	vld [tilespmem:$0xB3C];
	[tilespmem:$0x2520] =	vst v49  }
0x108: {  	v19 =	vld [tilespmem:$0x8EC];
	[tilespmem:$0x2560] =	vst v53  }
0x109: {  	v32 =	vld [tilespmem:$0x982];
	[tilespmem:$0x25A0] =	vst v57  }
0x10a: {  	v45 =	vld [tilespmem:$0xA18];
	[tilespmem:$0x25E8] =	vst v62  }
0x10b: {  	v58 =	vld [tilespmem:$0xAAE];
	[tilespmem:$0x2628] =	vst v10  }
0x10c: {  	v15 =	vld [tilespmem:$0xB44];
	[tilespmem:$0x2668] =	vst v14  }
0x10d: {  	v16 =	vld [tilespmem:$0xB22];
	[tilespmem:$0x2350] =	vst v19  }
0x10e: {  	v17 =	vld [tilespmem:$0xB32];
	[tilespmem:$0x2418] =	vst v32  }
0x10f: {  	v20 =	vld [tilespmem:$0xB62];
	[tilespmem:$0x24E0] =	vst v45  }
0x110: {  	v21 =	vld [tilespmem:$0xB72];
	[tilespmem:$0x25A8] =	vst v58  }
0x111: {  	v22 =	vld [tilespmem:$0xB82];
	[tilespmem:$0x2670] =	vst v15  }
0x112: {  	v24 =	vld [tilespmem:$0xBA2];
	[tilespmem:$0x2680] =	vst v16  }
0x113: {  	v25 =	vld [tilespmem:$0xBB2];
	[tilespmem:$0x2690] =	vst v17  }
0x114: {  	v26 =	vld [tilespmem:$0xBC2];
	[tilespmem:$0x26C0] =	vst v20  }
0x115: {  	v29 =	vld [tilespmem:$0xBB8];
	[tilespmem:$0x26D0] =	vst v21  }
0x116: {  	v30 =	vld [tilespmem:$0xBC8];
	[tilespmem:$0x26E0] =	vst v22  }
0x117: {  	v33 =	vld [tilespmem:$0xBF8];
	[tilespmem:$0x2700] =	vst v24  }
0x118: {  	v34 =	vld [tilespmem:$0xC08];
	[tilespmem:$0x2710] =	vst v25  }
0x119: {  	v35 =	vld [tilespmem:$0xC18];
	[tilespmem:$0x2720] =	vst v26  }
0x11a: {  	v37 =	vld [tilespmem:$0xC38];
	[tilespmem:$0x2748] =	vst v29  }
0x11b: {  	v38 =	vld [tilespmem:$0xC48];
	[tilespmem:$0x2758] =	vst v30  }
0x11c: {  	v39 =	vld [tilespmem:$0xC58];
	[tilespmem:$0x2788] =	vst v33  }
0x11d: {  	v18 =	vld [tilespmem:$0xB42];
	[tilespmem:$0x2798] =	vst v34  }
0x11e: {  	v23 =	vld [tilespmem:$0xB92];
	[tilespmem:$0x27A8] =	vst v35  }
0x11f: {  	v27 =	vld [tilespmem:$0xBD2];
	[tilespmem:$0x27C8] =	vst v37  }
0x120: {  	v31 =	vld [tilespmem:$0xBD8];
	[tilespmem:$0x27D8] =	vst v38  }
0x121: {  	v36 =	vld [tilespmem:$0xC28];
	[tilespmem:$0x27E8] =	vst v39  }
0x122: {  	v19 =	vld [tilespmem:$0xB52];
	[tilespmem:$0x26A0] =	vst v18  }
0x123: {  	v28 =	vld [tilespmem:$0xBDA];
	[tilespmem:$0x26F0] =	vst v23  }
0x124: {  	v32 =	vld [tilespmem:$0xBE8];
	[tilespmem:$0x2730] =	vst v27  }
0x125: {  	v40 =	vld [tilespmem:$0xC68];
	[tilespmem:$0x2768] =	vst v31  }
0x126: {  	[tilespmem:$0x27B8] =	vst v36  }
0x127: {  	[tilespmem:$0x26B0] =	vst v19  }
0x128: {  	[tilespmem:$0x2738] =	vst v28  }
0x129: {  	[tilespmem:$0x2778] =	vst v32  }
0x12a: {  	[tilespmem:$0x27F8] =	vst v40  }
0x12b: {  	v41 =	vld [tilespmem:$0xC70]  }
0x12c: {  	v42 =	vld [tilespmem:$0xC4E]  }
0x12d: {  	v43 =	vld [tilespmem:$0xC5E]  }
0x12e: {  	v44 =	vld [tilespmem:$0xC6E]  }
0x12f: {  	v4 =	vld [tilespmem:$0xC7E]  }
0x130: {  	v45 =	vld [tilespmem:$0xC8E];
	[tilespmem:$0x2800] =	vst v41  }
0x131: {  	v46 =	vld [tilespmem:$0xC9E];
	[tilespmem:$0x2810] =	vst v42  }
0x132: {  	v47 =	vld [tilespmem:$0xCAE];
	[tilespmem:$0x2820] =	vst v43  }
0x133: {  	v48 =	vld [tilespmem:$0xCBE];
	[tilespmem:$0x2830] =	vst v44  }
0x134: {  	v49 =	vld [tilespmem:$0xCCE];
	[tilespmem:$0x2840] =	vst v4  }
0x135: {  	v50 =	vld [tilespmem:$0xCDE];
	[tilespmem:$0x2850] =	vst v45  }
0x136: {  	v51 =	vld [tilespmem:$0xCEE];
	[tilespmem:$0x2860] =	vst v46  }
0x137: {  	v52 =	vld [tilespmem:$0xCFE];
	[tilespmem:$0x2870] =	vst v47  }
0x138: {  	v54 =	vld [tilespmem:$0xCE4];
	[tilespmem:$0x2880] =	vst v48  }
0x139: {  	v55 =	vld [tilespmem:$0xCF4];
	[tilespmem:$0x2890] =	vst v49  }
0x13a: {  	v56 =	vld [tilespmem:$0xD04];
	[tilespmem:$0x28A0] =	vst v50  }
0x13b: {  	v57 =	vld [tilespmem:$0xD14];
	[tilespmem:$0x28B0] =	vst v51  }
0x13c: {  	v58 =	vld [tilespmem:$0xD24];
	[tilespmem:$0x28C0] =	vst v52  }
0x13d: {  	v59 =	vld [tilespmem:$0xD34];
	[tilespmem:$0x28D8] =	vst v54  }
0x13e: {  	v60 =	vld [tilespmem:$0xD44];
	[tilespmem:$0x28E8] =	vst v55  }
0x13f: {  	v61 =	vld [tilespmem:$0xD54];
	[tilespmem:$0x28F8] =	vst v56  }
0x140: {  	v62 =	vld [tilespmem:$0xD64];
	[tilespmem:$0x2908] =	vst v57  }
0x141: {  	v63 =	vld [tilespmem:$0xD74];
	[tilespmem:$0x2918] =	vst v58  }
0x142: {  	v8 =	vld [tilespmem:$0xD84];
	[tilespmem:$0x2928] =	vst v59  }
0x143: {  	v9 =	vld [tilespmem:$0xD94];
	[tilespmem:$0x2938] =	vst v60  }
0x144: {  	v11 =	vld [tilespmem:$0xD7A];
	[tilespmem:$0x2948] =	vst v61  }
0x145: {  	v12 =	vld [tilespmem:$0xD8A];
	[tilespmem:$0x2958] =	vst v62  }
0x146: {  	v13 =	vld [tilespmem:$0xD9A];
	[tilespmem:$0x2968] =	vst v63  }
0x147: {  	v14 =	vld [tilespmem:$0xDAA];
	[tilespmem:$0x2978] =	vst v8  }
0x148: {  	v15 =	vld [tilespmem:$0xDBA];
	[tilespmem:$0x2988] =	vst v9  }
0x149: {  	v16 =	vld [tilespmem:$0xDCA];
	[tilespmem:$0x29A0] =	vst v11  }
0x14a: {  	v17 =	vld [tilespmem:$0xDDA];
	[tilespmem:$0x29B0] =	vst v12  }
0x14b: {  	v18 =	vld [tilespmem:$0xDEA];
	[tilespmem:$0x29C0] =	vst v13  }
0x14c: {  	v19 =	vld [tilespmem:$0xDFA];
	[tilespmem:$0x29D0] =	vst v14  }
0x14d: {  	v20 =	vld [tilespmem:$0xE0A];
	[tilespmem:$0x29E0] =	vst v15  }
0x14e: {  	v21 =	vld [tilespmem:$0xE1A];
	[tilespmem:$0x29F0] =	vst v16  }
0x14f: {  	v22 =	vld [tilespmem:$0xE2A];
	[tilespmem:$0x2A00] =	vst v17  }
0x150: {  	v24 =	vld [tilespmem:$0xE10];
	[tilespmem:$0x2A10] =	vst v18  }
0x151: {  	v25 =	vld [tilespmem:$0xE20];
	[tilespmem:$0x2A20] =	vst v19  }
0x152: {  	v26 =	vld [tilespmem:$0xE30];
	[tilespmem:$0x2A30] =	vst v20  }
0x153: {  	v27 =	vld [tilespmem:$0xE40];
	[tilespmem:$0x2A40] =	vst v21  }
0x154: {  	v28 =	vld [tilespmem:$0xE50];
	[tilespmem:$0x2A50] =	vst v22  }
0x155: {  	v29 =	vld [tilespmem:$0xE60];
	[tilespmem:$0x2A68] =	vst v24  }
0x156: {  	v30 =	vld [tilespmem:$0xE70];
	[tilespmem:$0x2A78] =	vst v25  }
0x157: {  	v31 =	vld [tilespmem:$0xE80];
	[tilespmem:$0x2A88] =	vst v26  }
0x158: {  	v32 =	vld [tilespmem:$0xE90];
	[tilespmem:$0x2A98] =	vst v27  }
0x159: {  	v33 =	vld [tilespmem:$0xEA0];
	[tilespmem:$0x2AA8] =	vst v28  }
0x15a: {  	v34 =	vld [tilespmem:$0xEB0];
	[tilespmem:$0x2AB8] =	vst v29  }
0x15b: {  	v35 =	vld [tilespmem:$0xEC0];
	[tilespmem:$0x2AC8] =	vst v30  }
0x15c: {  	v37 =	vld [tilespmem:$0xEA6];
	[tilespmem:$0x2AD8] =	vst v31  }
0x15d: {  	v38 =	vld [tilespmem:$0xEB6];
	[tilespmem:$0x2AE8] =	vst v32  }
0x15e: {  	v39 =	vld [tilespmem:$0xEC6];
	[tilespmem:$0x2AF8] =	vst v33  }
0x15f: {  	v40 =	vld [tilespmem:$0xED6];
	[tilespmem:$0x2B08] =	vst v34  }
0x160: {  	v53 =	vld [tilespmem:$0xD06];
	[tilespmem:$0x2B18] =	vst v35  }
0x161: {  	v10 =	vld [tilespmem:$0xD9C];
	[tilespmem:$0x2B30] =	vst v37  }
0x162: {  	v23 =	vld [tilespmem:$0xE32];
	[tilespmem:$0x2B40] =	vst v38  }
0x163: {  	v36 =	vld [tilespmem:$0xEC8];
	[tilespmem:$0x2B50] =	vst v39  }
0x164: {  	v41 =	vld [tilespmem:$0xEE6];
	[tilespmem:$0x2B60] =	vst v40  }
0x165: {  	v42 =	vld [tilespmem:$0xEF6];
	[tilespmem:$0x28C8] =	vst v53  }
0x166: {  	v43 =	vld [tilespmem:$0xF06];
	[tilespmem:$0x2990] =	vst v10  }
0x167: {  	v44 =	vld [tilespmem:$0xF16];
	[tilespmem:$0x2A58] =	vst v23  }
0x168: {  	v45 =	vld [tilespmem:$0xF26];
	[tilespmem:$0x2B20] =	vst v36  }
0x169: {  	v46 =	vld [tilespmem:$0xF36];
	[tilespmem:$0x2B70] =	vst v41  }
0x16a: {  	v47 =	vld [tilespmem:$0xF46];
	[tilespmem:$0x2B80] =	vst v42  }
0x16b: {  	v48 =	vld [tilespmem:$0xF56];
	[tilespmem:$0x2B90] =	vst v43  }
0x16c: {  	v50 =	vld [tilespmem:$0xF3C];
	[tilespmem:$0x2BA0] =	vst v44  }
0x16d: {  	v51 =	vld [tilespmem:$0xF4C];
	[tilespmem:$0x2BB0] =	vst v45  }
0x16e: {  	v52 =	vld [tilespmem:$0xF5C];
	[tilespmem:$0x2BC0] =	vst v46  }
0x16f: {  	v54 =	vld [tilespmem:$0xF7C];
	[tilespmem:$0x2BD0] =	vst v47  }
0x170: {  	v55 =	vld [tilespmem:$0xF8C];
	[tilespmem:$0x2BE0] =	vst v48  }
0x171: {  	v56 =	vld [tilespmem:$0xF9C];
	[tilespmem:$0x2BF8] =	vst v50  }
0x172: {  	v57 =	vld [tilespmem:$0xFAC];
	[tilespmem:$0x2C08] =	vst v51  }
0x173: {  	v58 =	vld [tilespmem:$0xFBC];
	[tilespmem:$0x2C18] =	vst v52  }
0x174: {  	v59 =	vld [tilespmem:$0xFCC];
	[tilespmem:$0x2C38] =	vst v54  }
0x175: {  	v60 =	vld [tilespmem:$0xFDC];
	[tilespmem:$0x2C48] =	vst v55  }
0x176: {  	v61 =	vld [tilespmem:$0xFEC];
	[tilespmem:$0x2C58] =	vst v56  }
0x177: {  	v63 =	vld [tilespmem:$0xFD2];
	[tilespmem:$0x2C68] =	vst v57  }
0x178: {  	v8 =	vld [tilespmem:$0xFE2];
	[tilespmem:$0x2C78] =	vst v58  }
0x179: {  	v9 =	vld [tilespmem:$0xFF2];
	[tilespmem:$0x2C88] =	vst v59  }
0x17a: {  	v11 =	vld [tilespmem:$0x1012];
	[tilespmem:$0x2C98] =	vst v60  }
0x17b: {  	v12 =	vld [tilespmem:$0x1022];
	[tilespmem:$0x2CA8] =	vst v61  }
0x17c: {  	v13 =	vld [tilespmem:$0x1032];
	[tilespmem:$0x2CC0] =	vst v63  }
0x17d: {  	v14 =	vld [tilespmem:$0x1042];
	[tilespmem:$0x2CD0] =	vst v8  }
0x17e: {  	v15 =	vld [tilespmem:$0x1052];
	[tilespmem:$0x2CE0] =	vst v9  }
0x17f: {  	v16 =	vld [tilespmem:$0x1062];
	[tilespmem:$0x2D00] =	vst v11  }
0x180: {  	v17 =	vld [tilespmem:$0x1072];
	[tilespmem:$0x2D10] =	vst v12  }
0x181: {  	v18 =	vld [tilespmem:$0x1082];
	[tilespmem:$0x2D20] =	vst v13  }
0x182: {  	v20 =	vld [tilespmem:$0x1068];
	[tilespmem:$0x2D30] =	vst v14  }
0x183: {  	v21 =	vld [tilespmem:$0x1078];
	[tilespmem:$0x2D40] =	vst v15  }
0x184: {  	v22 =	vld [tilespmem:$0x1088];
	[tilespmem:$0x2D50] =	vst v16  }
0x185: {  	v24 =	vld [tilespmem:$0x10A8];
	[tilespmem:$0x2D60] =	vst v17  }
0x186: {  	v25 =	vld [tilespmem:$0x10B8];
	[tilespmem:$0x2D70] =	vst v18  }
0x187: {  	v26 =	vld [tilespmem:$0x10C8];
	[tilespmem:$0x2D88] =	vst v20  }
0x188: {  	v27 =	vld [tilespmem:$0x10D8];
	[tilespmem:$0x2D98] =	vst v21  }
0x189: {  	v28 =	vld [tilespmem:$0x10E8];
	[tilespmem:$0x2DA8] =	vst v22  }
0x18a: {  	v29 =	vld [tilespmem:$0x10F8];
	[tilespmem:$0x2DC8] =	vst v24  }
0x18b: {  	v30 =	vld [tilespmem:$0x1108];
	[tilespmem:$0x2DD8] =	vst v25  }
0x18c: {  	v31 =	vld [tilespmem:$0x1118];
	[tilespmem:$0x2DE8] =	vst v26  }
0x18d: {  	v33 =	vld [tilespmem:$0x10FE];
	[tilespmem:$0x2DF8] =	vst v27  }
0x18e: {  	v34 =	vld [tilespmem:$0x110E];
	[tilespmem:$0x2E08] =	vst v28  }
0x18f: {  	v35 =	vld [tilespmem:$0x111E];
	[tilespmem:$0x2E18] =	vst v29  }
0x190: {  	v37 =	vld [tilespmem:$0x113E];
	[tilespmem:$0x2E28] =	vst v30  }
0x191: {  	v38 =	vld [tilespmem:$0x114E];
	[tilespmem:$0x2E38] =	vst v31  }
0x192: {  	v39 =	vld [tilespmem:$0x115E];
	[tilespmem:$0x2E50] =	vst v33  }
0x193: {  	v40 =	vld [tilespmem:$0x116E];
	[tilespmem:$0x2E60] =	vst v34  }
0x194: {  	v49 =	vld [tilespmem:$0xF5E];
	[tilespmem:$0x2E70] =	vst v35  }
0x195: {  	v53 =	vld [tilespmem:$0xF6C];
	[tilespmem:$0x2E90] =	vst v37  }
0x196: {  	v62 =	vld [tilespmem:$0xFF4];
	[tilespmem:$0x2EA0] =	vst v38  }
0x197: {  	v10 =	vld [tilespmem:$0x1002];
	[tilespmem:$0x2EB0] =	vst v39  }
0x198: {  	v19 =	vld [tilespmem:$0x108A];
	[tilespmem:$0x2EC0] =	vst v40  }
0x199: {  	v23 =	vld [tilespmem:$0x1098];
	[tilespmem:$0x2BE8] =	vst v49  }
0x19a: {  	v32 =	vld [tilespmem:$0x1120];
	[tilespmem:$0x2C28] =	vst v53  }
0x19b: {  	v36 =	vld [tilespmem:$0x112E];
	[tilespmem:$0x2CB0] =	vst v62  }
0x19c: {  	v41 =	vld [tilespmem:$0x117E];
	[tilespmem:$0x2CF0] =	vst v10  }
0x19d: {  	v42 =	vld [tilespmem:$0x118E];
	[tilespmem:$0x2D78] =	vst v19  }
0x19e: {  	v43 =	vld [tilespmem:$0x119E];
	[tilespmem:$0x2DB8] =	vst v23  }
0x19f: {  	v44 =	vld [tilespmem:$0x11AE];
	[tilespmem:$0x2E40] =	vst v32  }
0x1a0: {  	v46 =	vld [tilespmem:$0x1194];
	[tilespmem:$0x2E80] =	vst v36  }
0x1a1: {  	v47 =	vld [tilespmem:$0x11A4];
	[tilespmem:$0x2ED0] =	vst v41  }
0x1a2: {  	v48 =	vld [tilespmem:$0x11B4];
	[tilespmem:$0x2EE0] =	vst v42  }
0x1a3: {  	v50 =	vld [tilespmem:$0x11D4];
	[tilespmem:$0x2EF0] =	vst v43  }
0x1a4: {  	v51 =	vld [tilespmem:$0x11E4];
	[tilespmem:$0x2F00] =	vst v44  }
0x1a5: {  	v52 =	vld [tilespmem:$0x11F4];
	[tilespmem:$0x2F18] =	vst v46  }
0x1a6: {  	v54 =	vld [tilespmem:$0x1214];
	[tilespmem:$0x2F28] =	vst v47  }
0x1a7: {  	v55 =	vld [tilespmem:$0x1224];
	[tilespmem:$0x2F38] =	vst v48  }
0x1a8: {  	v56 =	vld [tilespmem:$0x1234];
	[tilespmem:$0x2F58] =	vst v50  }
0x1a9: {  	v57 =	vld [tilespmem:$0x1244];
	[tilespmem:$0x2F68] =	vst v51  }
0x1aa: {  	v59 =	vld [tilespmem:$0x122A];
	[tilespmem:$0x2F78] =	vst v52  }
0x1ab: {  	v60 =	vld [tilespmem:$0x123A];
	[tilespmem:$0x2F98] =	vst v54  }
0x1ac: {  	v61 =	vld [tilespmem:$0x124A];
	[tilespmem:$0x2FA8] =	vst v55  }
0x1ad: {  	v63 =	vld [tilespmem:$0x126A];
	[tilespmem:$0x2FB8] =	vst v56  }
0x1ae: {  	v8 =	vld [tilespmem:$0x127A];
	[tilespmem:$0x2FC8] =	vst v57  }
0x1af: {  	v9 =	vld [tilespmem:$0x128A];
	[tilespmem:$0x2FE0] =	vst v59  }
0x1b0: {  	v11 =	vld [tilespmem:$0x12AA];
	[tilespmem:$0x2FF0] =	vst v60  }
0x1b1: {  	v12 =	vld [tilespmem:$0x12BA];
	[tilespmem:$0x3000] =	vst v61  }
0x1b2: {  	v13 =	vld [tilespmem:$0x12CA];
	[tilespmem:$0x3020] =	vst v63  }
0x1b3: {  	v14 =	vld [tilespmem:$0x12DA];
	[tilespmem:$0x3030] =	vst v8  }
0x1b4: {  	v16 =	vld [tilespmem:$0x12C0];
	[tilespmem:$0x3040] =	vst v9  }
0x1b5: {  	v17 =	vld [tilespmem:$0x12D0];
	[tilespmem:$0x3060] =	vst v11  }
0x1b6: {  	v18 =	vld [tilespmem:$0x12E0];
	[tilespmem:$0x3070] =	vst v12  }
0x1b7: {  	v20 =	vld [tilespmem:$0x1300];
	[tilespmem:$0x3080] =	vst v13  }
0x1b8: {  	v21 =	vld [tilespmem:$0x1310];
	[tilespmem:$0x3090] =	vst v14  }
0x1b9: {  	v22 =	vld [tilespmem:$0x1320];
	[tilespmem:$0x30A8] =	vst v16  }
0x1ba: {  	v24 =	vld [tilespmem:$0x1340];
	[tilespmem:$0x30B8] =	vst v17  }
0x1bb: {  	v25 =	vld [tilespmem:$0x1350];
	[tilespmem:$0x30C8] =	vst v18  }
0x1bc: {  	v26 =	vld [tilespmem:$0x1360];
	[tilespmem:$0x30E8] =	vst v20  }
0x1bd: {  	v27 =	vld [tilespmem:$0x1370];
	[tilespmem:$0x30F8] =	vst v21  }
0x1be: {  	v29 =	vld [tilespmem:$0x1356];
	[tilespmem:$0x3108] =	vst v22  }
0x1bf: {  	v30 =	vld [tilespmem:$0x1366];
	[tilespmem:$0x3128] =	vst v24  }
0x1c0: {  	v31 =	vld [tilespmem:$0x1376];
	[tilespmem:$0x3138] =	vst v25  }
0x1c1: {  	v33 =	vld [tilespmem:$0x1396];
	[tilespmem:$0x3148] =	vst v26  }
0x1c2: {  	v34 =	vld [tilespmem:$0x13A6];
	[tilespmem:$0x3158] =	vst v27  }
0x1c3: {  	v35 =	vld [tilespmem:$0x13B6];
	[tilespmem:$0x3170] =	vst v29  }
0x1c4: {  	v37 =	vld [tilespmem:$0x13D6];
	[tilespmem:$0x3180] =	vst v30  }
0x1c5: {  	v38 =	vld [tilespmem:$0x13E6];
	[tilespmem:$0x3190] =	vst v31  }
0x1c6: {  	v39 =	vld [tilespmem:$0x13F6];
	[tilespmem:$0x31B0] =	vst v33  }
0x1c7: {  	v40 =	vld [tilespmem:$0x1406];
	[tilespmem:$0x31C0] =	vst v34  }
0x1c8: {  	v45 =	vld [tilespmem:$0x11B6];
	[tilespmem:$0x31D0] =	vst v35  }
0x1c9: {  	v49 =	vld [tilespmem:$0x11C4];
	[tilespmem:$0x31F0] =	vst v37  }
0x1ca: {  	v53 =	vld [tilespmem:$0x1204];
	[tilespmem:$0x3200] =	vst v38  }
0x1cb: {  	v58 =	vld [tilespmem:$0x124C];
	[tilespmem:$0x3210] =	vst v39  }
0x1cc: {  	v62 =	vld [tilespmem:$0x125A];
	[tilespmem:$0x3220] =	vst v40  }
0x1cd: {  	v10 =	vld [tilespmem:$0x129A];
	[tilespmem:$0x2F08] =	vst v45  }
0x1ce: {  	v15 =	vld [tilespmem:$0x12E2];
	[tilespmem:$0x2F48] =	vst v49  }
0x1cf: {  	v19 =	vld [tilespmem:$0x12F0];
	[tilespmem:$0x2F88] =	vst v53  }
0x1d0: {  	v23 =	vld [tilespmem:$0x1330];
	[tilespmem:$0x2FD0] =	vst v58  }
0x1d1: {  	v28 =	vld [tilespmem:$0x1378];
	[tilespmem:$0x3010] =	vst v62  }
0x1d2: {  	v32 =	vld [tilespmem:$0x1386];
	[tilespmem:$0x3050] =	vst v10  }
0x1d3: {  	v36 =	vld [tilespmem:$0x13C6];
	[tilespmem:$0x3098] =	vst v15  }
0x1d4: {  	v41 =	vld [tilespmem:$0x140E];
	[tilespmem:$0x30D8] =	vst v19  }
0x1d5: {  	v42 =	vld [tilespmem:$0x13EC];
	[tilespmem:$0x3118] =	vst v23  }
0x1d6: {  	v43 =	vld [tilespmem:$0x13FC];
	[tilespmem:$0x3160] =	vst v28  }
0x1d7: {  	v44 =	vld [tilespmem:$0x140C];
	[tilespmem:$0x31A0] =	vst v32  }
0x1d8: {  	v46 =	vld [tilespmem:$0x142C];
	[tilespmem:$0x31E0] =	vst v36  }
0x1d9: {  	v47 =	vld [tilespmem:$0x143C];
	[tilespmem:$0x3228] =	vst v41  }
0x1da: {  	v48 =	vld [tilespmem:$0x144C];
	[tilespmem:$0x3238] =	vst v42  }
0x1db: {  	v50 =	vld [tilespmem:$0x146C];
	[tilespmem:$0x3248] =	vst v43  }
0x1dc: {  	v51 =	vld [tilespmem:$0x147C];
	[tilespmem:$0x3258] =	vst v44  }
0x1dd: {  	v52 =	vld [tilespmem:$0x148C];
	[tilespmem:$0x3278] =	vst v46  }
0x1de: {  	v55 =	vld [tilespmem:$0x1482];
	[tilespmem:$0x3288] =	vst v47  }
0x1df: {  	v56 =	vld [tilespmem:$0x1492];
	[tilespmem:$0x3298] =	vst v48  }
0x1e0: {  	v57 =	vld [tilespmem:$0x14A2];
	[tilespmem:$0x32B8] =	vst v50  }
0x1e1: {  	v59 =	vld [tilespmem:$0x14C2];
	[tilespmem:$0x32C8] =	vst v51  }
0x1e2: {  	v60 =	vld [tilespmem:$0x14D2];
	[tilespmem:$0x32D8] =	vst v52  }
0x1e3: {  	v61 =	vld [tilespmem:$0x14E2];
	[tilespmem:$0x3300] =	vst v55  }
0x1e4: {  	v63 =	vld [tilespmem:$0x1502];
	[tilespmem:$0x3310] =	vst v56  }
0x1e5: {  	v8 =	vld [tilespmem:$0x1512];
	[tilespmem:$0x3320] =	vst v57  }
0x1e6: {  	v9 =	vld [tilespmem:$0x1522];
	[tilespmem:$0x3340] =	vst v59  }
0x1e7: {  	v12 =	vld [tilespmem:$0x1518];
	[tilespmem:$0x3350] =	vst v60  }
0x1e8: {  	v13 =	vld [tilespmem:$0x1528];
	[tilespmem:$0x3360] =	vst v61  }
0x1e9: {  	v14 =	vld [tilespmem:$0x1538];
	[tilespmem:$0x3380] =	vst v63  }
0x1ea: {  	v16 =	vld [tilespmem:$0x1558];
	[tilespmem:$0x3390] =	vst v8  }
0x1eb: {  	v17 =	vld [tilespmem:$0x1568];
	[tilespmem:$0x33A0] =	vst v9  }
0x1ec: {  	v18 =	vld [tilespmem:$0x1578];
	[tilespmem:$0x33C8] =	vst v12  }
0x1ed: {  	v20 =	vld [tilespmem:$0x1598];
	[tilespmem:$0x33D8] =	vst v13  }
0x1ee: {  	v21 =	vld [tilespmem:$0x15A8];
	[tilespmem:$0x33E8] =	vst v14  }
0x1ef: {  	v22 =	vld [tilespmem:$0x15B8];
	[tilespmem:$0x3408] =	vst v16  }
0x1f0: {  	v25 =	vld [tilespmem:$0x15AE];
	[tilespmem:$0x3418] =	vst v17  }
0x1f1: {  	v26 =	vld [tilespmem:$0x15BE];
	[tilespmem:$0x3428] =	vst v18  }
0x1f2: {  	v27 =	vld [tilespmem:$0x15CE];
	[tilespmem:$0x3448] =	vst v20  }
0x1f3: {  	v29 =	vld [tilespmem:$0x15EE];
	[tilespmem:$0x3458] =	vst v21  }
0x1f4: {  	v30 =	vld [tilespmem:$0x15FE];
	[tilespmem:$0x3468] =	vst v22  }
0x1f5: {  	v31 =	vld [tilespmem:$0x160E];
	[tilespmem:$0x3490] =	vst v25  }
0x1f6: {  	v33 =	vld [tilespmem:$0x162E];
	[tilespmem:$0x34A0] =	vst v26  }
0x1f7: {  	v34 =	vld [tilespmem:$0x163E];
	[tilespmem:$0x34B0] =	vst v27  }
0x1f8: {  	v35 =	vld [tilespmem:$0x164E];
	[tilespmem:$0x34D0] =	vst v29  }
0x1f9: {  	v38 =	vld [tilespmem:$0x1644];
	[tilespmem:$0x34E0] =	vst v30  }
0x1fa: {  	v39 =	vld [tilespmem:$0x1654];
	[tilespmem:$0x34F0] =	vst v31  }
0x1fb: {  	v40 =	vld [tilespmem:$0x1664];
	[tilespmem:$0x3510] =	vst v33  }
0x1fc: {  	v45 =	vld [tilespmem:$0x141C];
	[tilespmem:$0x3520] =	vst v34  }
0x1fd: {  	v49 =	vld [tilespmem:$0x145C];
	[tilespmem:$0x3530] =	vst v35  }
0x1fe: {  	v53 =	vld [tilespmem:$0x149C];
	[tilespmem:$0x3558] =	vst v38  }
0x1ff: {  	v58 =	vld [tilespmem:$0x14B2];
	[tilespmem:$0x3568] =	vst v39  }
0x200: {  	v62 =	vld [tilespmem:$0x14F2];
	[tilespmem:$0x3578] =	vst v40  }
0x201: {  	v10 =	vld [tilespmem:$0x1532];
	[tilespmem:$0x3268] =	vst v45  }
0x202: {  	v15 =	vld [tilespmem:$0x1548];
	[tilespmem:$0x32A8] =	vst v49  }
0x203: {  	v19 =	vld [tilespmem:$0x1588];
	[tilespmem:$0x32E8] =	vst v53  }
0x204: {  	v23 =	vld [tilespmem:$0x15C8];
	[tilespmem:$0x3330] =	vst v58  }
0x205: {  	v28 =	vld [tilespmem:$0x15DE];
	[tilespmem:$0x3370] =	vst v62  }
0x206: {  	v32 =	vld [tilespmem:$0x161E];
	[tilespmem:$0x33B0] =	vst v10  }
0x207: {  	v36 =	vld [tilespmem:$0x165E];
	[tilespmem:$0x33F8] =	vst v15  }
0x208: {  	v54 =	vld [tilespmem:$0x14A4];
	[tilespmem:$0x3438] =	vst v19  }
0x209: {  	v11 =	vld [tilespmem:$0x153A];
	[tilespmem:$0x3478] =	vst v23  }
0x20a: {  	v24 =	vld [tilespmem:$0x15D0];
	[tilespmem:$0x34C0] =	vst v28  }
0x20b: {  	v37 =	vld [tilespmem:$0x1666];
	[tilespmem:$0x3500] =	vst v32  }
0x20c: {  	v41 =	vld [tilespmem:$0x1674];
	[tilespmem:$0x3540] =	vst v36  }
0x20d: {  	v42 =	vld [tilespmem:$0x1684];
	[tilespmem:$0x32F0] =	vst v54  }
0x20e: {  	v43 =	vld [tilespmem:$0x1694];
	[tilespmem:$0x33B8] =	vst v11  }
0x20f: {  	v44 =	vld [tilespmem:$0x16A4];
	[tilespmem:$0x3480] =	vst v24  }
0x210: {  	v46 =	vld [tilespmem:$0x16C4];
	[tilespmem:$0x3548] =	vst v37  }
0x211: {  	v47 =	vld [tilespmem:$0x16D4];
	[tilespmem:$0x3588] =	vst v41  }
0x212: {  	v48 =	vld [tilespmem:$0x16E4];
	[tilespmem:$0x3598] =	vst v42  }
0x213: {  	v51 =	vld [tilespmem:$0x16DA];
	[tilespmem:$0x35A8] =	vst v43  }
0x214: {  	v52 =	vld [tilespmem:$0x16EA];
	[tilespmem:$0x35B8] =	vst v44  }
0x215: {  	v55 =	vld [tilespmem:$0x171A];
	[tilespmem:$0x35D8] =	vst v46  }
0x216: {  	v56 =	vld [tilespmem:$0x172A];
	[tilespmem:$0x35E8] =	vst v47  }
0x217: {  	v57 =	vld [tilespmem:$0x173A];
	[tilespmem:$0x35F8] =	vst v48  }
0x218: {  	v59 =	vld [tilespmem:$0x175A];
	[tilespmem:$0x3620] =	vst v51  }
0x219: {  	v60 =	vld [tilespmem:$0x176A];
	[tilespmem:$0x3630] =	vst v52  }
0x21a: {  	v61 =	vld [tilespmem:$0x177A];
	[tilespmem:$0x3660] =	vst v55  }
0x21b: {  	v45 =	vld [tilespmem:$0x16B4];
	[tilespmem:$0x3670] =	vst v56  }
0x21c: {  	v49 =	vld [tilespmem:$0x16F4];
	[tilespmem:$0x3680] =	vst v57  }
0x21d: {  	v53 =	vld [tilespmem:$0x16FA];
	[tilespmem:$0x36A0] =	vst v59  }
0x21e: {  	v58 =	vld [tilespmem:$0x174A];
	[tilespmem:$0x36B0] =	vst v60  }
0x21f: {  	v62 =	vld [tilespmem:$0x178A];
	[tilespmem:$0x36C0] =	vst v61  }
0x220: {  	v50 =	vld [tilespmem:$0x16FC];
	[tilespmem:$0x35C8] =	vst v45  }
0x221: {  	v54 =	vld [tilespmem:$0x170A];
	[tilespmem:$0x3608] =	vst v49  }
0x222: {  	v63 =	vld [tilespmem:$0x1792];
	[tilespmem:$0x3640] =	vst v53  }
0x223: {  	[tilespmem:$0x3690] =	vst v58  }
0x224: {  	[tilespmem:$0x36D0] =	vst v62  }
0x225: {  	[tilespmem:$0x3610] =	vst v50  }
0x226: {  	p0 =	sne.s32 s10, $0x4650;
	[tilespmem:$0x3650] =	vst v54  }
.Ltmp0:
0x227: {  	[tilespmem:$0x36D8] =	vst v63;
	(pc) =	sbr.rel @p0 .LBB2_2-.Ltmp0, $4  }
0x228: {  	[hbm4b:s9+s2] =	stream.linear.scatter [tilespmem:s7], [sflag:$0x1], $0x1F40, $0x38;
	[tilespmem:$0x36E8] =	vst v63  }
0x229: {  	_ =	swait.ge [sflag:s6], $0x1F40  }
0x22a: {  	[sflag:s6] =	ssyncset.done $0x0  }
0x22b: {  	s10 =	sadd.s32 $0x2EE, s10;
	s9 =	sadd.s32 $0x3E8, s9;
	[sflag:s6] =	ssyncadd.s32 $0xFFFFE0C0  }
0x22c: {  	s8 =	sadd.s32 $0x1, s8  }
0x22d: {  	p0 =	sne.s32 s8, s3  }
.Ltmp1:
0x22e: {  	_ = 	snop;
	(pc) =	sbr.rel @p0 .LBB2_1-.Ltmp1, $1  }
0x22f: {  	_ =	sdelay $0x3  }
0x230: {  	_ =	sfence.sel $0x180000  }
0x231: {  	[bflag:$0x0] =	sbarrier.arrive $0xFFFF  }
0x232: {  	p0 =	sne.s32 s0, $0x0;
	_ =	strace $0x90000047  }
0x233: {  	s0 =	sadd.s32 @!p0 $0x100000, s1;
	[bflag:$0x2] =	sbarrier.arrive $0xFFFF  }
0x234: {  	[sflag:s0] =	ssyncadd.tile.s32 @!p0 $0x1;
	_ =	shalt  }
.Lfunc_end2:
_tile_overlayer_lowered:
.L_overlay_start_2:
0x235: {  	(tag) =	ssettag $0x2  }
0x236: {  	s0 =	rddreg [dreg:$0x0];
	s2 =	stileid.u32  }
0x237: {  	s1 =	rddreg [dreg:$0x1];
	p0 =	sne.s32 s2, $0x0  }
0x238: {  	s3 =	rddreg [dreg:$0x2];
	[bflag:$0x3] =	sbarrier.arrive $0xFFFF;
	s2 =	simm.s32 @!p0 $0x1C01  }
0x239: {  	[timem:s3], [sflag:s2] =	dma.local @!p0 [hbm:s0], s1  }
0x23a: {  	s0 =	simm.s32 @!p0 $0x1  }
0x23b: {  	_ =	swait.ge @!p0 [sflag:s0], s1  }
0x23c: {  	s1 =	ssub.s32 @!p0 $0x0, s1;
	[sflag:s0] =	ssyncset.done @!p0 $0x0  }
0x23d: {  	[sflag:s0] =	ssyncadd.s32 @!p0 s1  }
0x23e: {  	[bflag:$0x3] =	sbarrier.arrive $0xFFFF  }
0x23f: {  	_ =	shalt  }

</sc_bundles>
